<compile_context>
chip_gen: v7x
topology: tpu7x:2x2x1
jax: 0.10.2.dev20260603
libtpu: 0.0.44.dev20260713+nightly
codegen_flags: <defaults>
</compile_context>

<pallas_src>
import functools

import jax
import jax.numpy as jnp
from jax import lax
from jax.experimental import pallas as pl
from jax.experimental.pallas import tpu as pltpu
from jax.experimental.pallas import tpu_sc as plsc

D = 128
N = 10000
NPAD = 10240
E = 320000
G = 256
NPRED = 100
PPAD = 104
NC, NS = 2, 16
NW = NC * NS
EW = 10240
EPAD = EW * NW
K = 128
NCHUNK = EW // K
NPAIR = NCHUNK // 2
ROWS_PER_TILE = NPAD // NS
BN = 1024
NBLK = NPAD // BN

def _relu(v):
    return jnp.maximum(v, 0.0)


@functools.lru_cache(maxsize=None)
def _make_edge_pass(with_p, k, ew0=EW):
    ew1 = 2 * EW - ew0
    np0, np1 = ew0 // (2 * k), ew1 // (2 * k)
    scratch = [
        pltpu.VMEM_SHARED((NPAD, D), jnp.float32),
    ]
    for _ in range(2):
        scratch += [
            pltpu.VMEM((k,), jnp.int32),
            pltpu.VMEM((k,), jnp.int32),
            pltpu.VMEM((k, D), jnp.float32),
            pltpu.SemaphoreType.DMA,
            pltpu.SemaphoreType.DMA,
            pltpu.SemaphoreType.DMA,
        ]
        if with_p:
            scratch += [
                pltpu.VMEM((k,), jnp.int32),
                pltpu.VMEM((k, D), jnp.float32),
                pltpu.SemaphoreType.DMA,
            ]

    def body(*refs):
        nh = 5 if with_p else 3
        hbm = refs[:nh]
        out_h = refs[nh]
        sc = list(refs[nh + 1:])
        aggr_sh = sc.pop(0)
        nper = len(sc) // 2
        bufs = [sc[:nper], sc[nper:]]
        if with_p:
            attr_h, dst_h, t_h, src_h, p_h = hbm
        else:
            attr_h, dst_h, t_h = hbm
        c = lax.axis_index("c")
        s = lax.axis_index("s")
        npair = jnp.where(c == 0, np0, np1)
        ebase = jnp.where(c == 0, s * ew0, NS * ew0 + s * ew1)

        def unpack(b):
            if with_p:
                aidx, didx, rows, sem_i, sem_g, sem_s, sidx, prow, sem_p = \
                    bufs[b]
            else:
                aidx, didx, rows, sem_i, sem_g, sem_s = bufs[b]
                sidx = prow = sem_p = None
            return aidx, didx, rows, sem_i, sem_g, sem_s, sidx, prow, sem_p

        def start_idx(b, base):
            aidx, didx, _, sem_i, _, _, sidx, _, _ = unpack(b)
            pltpu.async_copy(attr_h.at[pl.ds(base, k)], aidx, sem_i)
            pltpu.async_copy(dst_h.at[pl.ds(base, k)], didx, sem_i)
            if with_p:
                pltpu.async_copy(src_h.at[pl.ds(base, k)], sidx, sem_i)

        def wait_idx_start_gathers(b, base):
            aidx, didx, rows, sem_i, sem_g, _, sidx, prow, sem_p = unpack(b)
            pltpu.make_async_copy(attr_h.at[pl.ds(base, k)], aidx,
                                  sem_i).wait()
            pltpu.make_async_copy(dst_h.at[pl.ds(base, k)], didx,
                                  sem_i).wait()
            if with_p:
                pltpu.make_async_copy(src_h.at[pl.ds(base, k)], sidx,
                                      sem_i).wait()
                pltpu.async_copy(p_h.at[sidx], prow, sem_p)
            pltpu.async_copy(t_h.at[aidx], rows, sem_g)

        def wait_gathers(b):
            aidx, _, rows, _, sem_g, _, sidx, prow, sem_p = unpack(b)
            pltpu.make_async_copy(t_h.at[aidx], rows, sem_g).wait()
            if with_p:
                pltpu.make_async_copy(p_h.at[sidx], prow, sem_p).wait()

        _, _, rows0, _, _, _, _, _, _ = unpack(0)

        def zrow(r, carry):
            for cc in range(D // 16):
                rows0[r, pl.ds(cc * 16, 16)] = jnp.zeros((16,), jnp.float32)
            return carry
        lax.fori_loop(0, k, zrow, 0)
        row0 = s * ROWS_PER_TILE
        for q in range(ROWS_PER_TILE // k):
            pltpu.sync_copy(rows0, aggr_sh.at[pl.ds(row0 + q * k, k)])
        plsc.subcore_barrier()
        start_idx(0, ebase)
        wait_idx_start_gathers(0, ebase)

        def pair(t, carry):
            for b in range(2):
                j2 = 2 * t + b
                nb = 1 - b
                (aidx, didx, rows, sem_i, sem_g, sem_s,
                 sidx, prow, sem_p) = unpack(b)
                n_bufs = unpack(nb)
                nbase = ebase + (j2 + 1) * k

                def wait_prev_scat():
                    pltpu.make_async_copy(
                        n_bufs[2], aggr_sh.at[n_bufs[1]], n_bufs[5]).wait()

                def launch():
                    wait_idx_start_gathers(nb, nbase)

                if b == 1:
                    wait_prev_scat()
                else:
                    pl.when(t > 0)(wait_prev_scat)
                if b == 0:
                    start_idx(nb, nbase)
                else:
                    pl.when(t < npair - 1)(lambda: start_idx(nb, nbase))
                wait_gathers(b)
                if with_p:
                    def rbody(r4, rc):
                        for u in range(4):
                            r = 4 * r4 + u
                            for cc in range(D // 16):
                                sl = pl.ds(cc * 16, 16)
                                rows[r, sl] = _relu(rows[r, sl]
                                                    + prow[r, sl])
                        return rc
                    lax.fori_loop(0, k // 4, rbody, 0)
                if b == 0:
                    launch()
                else:
                    pl.when(t < npair - 1)(launch)
                pltpu.async_copy(rows, aggr_sh.at[didx], sem_s, add=True)
            return carry
        lax.fori_loop(0, npair, pair, 0)
        b1 = unpack(1)
        pltpu.make_async_copy(b1[2], aggr_sh.at[b1[1]], b1[5]).wait()
        plsc.subcore_barrier()
        pltpu.sync_copy(aggr_sh.at[pl.ds(row0, ROWS_PER_TILE)],
                        out_h.at[c, pl.ds(row0, ROWS_PER_TILE)])

    mesh = plsc.VectorSubcoreMesh(
        core_axis_name="c", subcore_axis_name="s",
        num_cores=NC, num_subcores=NS)
    return pl.kernel(
        body,
        out_type=jax.ShapeDtypeStruct((NC, NPAD, D), jnp.float32),
        mesh=mesh,
        scratch_types=scratch,
    )


def _edge_pass_l0(*args):
    return _make_edge_pass(False, 128, 17408)(*args)


def _edge_pass_l1(*args):
    return _make_edge_pass(True, 80, 16000)(*args)


def _prep_tables(relp, w0b, b0, w1b, b1):
    def body(r_ref, w0_ref, b0_ref, w1_ref, b1_ref, t0_ref, t1_ref):
        r = r_ref[...]
        t0_ref[...] = _relu(
            jnp.dot(r, w0_ref[...], preferred_element_type=jnp.float32)
            + b0_ref[...])
        t1_ref[...] = (
            jnp.dot(r, w1_ref[...], preferred_element_type=jnp.float32)
            + b1_ref[...])
    return pl.pallas_call(
        body,
        out_shape=(jax.ShapeDtypeStruct((PPAD, D), jnp.float32),
                   jax.ShapeDtypeStruct((PPAD, D), jnp.float32)),
    )(relp, w0b, b0, w1b, b1)


def _node_update(parts, h, wa, wb, cb, gw, gb, batch_col):
    with_h = h is not None

    def body(*refs):
        if with_h:
            (parts_ref, h_ref, wa_ref, wb_ref, cb_ref, gw_ref, gb_ref,
             bi_ref, hn_ref, gate_ref, gmax_ref) = refs
        else:
            (parts_ref, wb_ref, cb_ref, gw_ref, gb_ref,
             bi_ref, hn_ref, gate_ref, gmax_ref) = refs
        i = pl.program_id(0)
        aggr = parts_ref[0] + parts_ref[1]
        z = jnp.dot(aggr, wb_ref[...], preferred_element_type=jnp.float32)
        z = z + cb_ref[...]
        if with_h:
            hb = h_ref[...]
            z = z + jnp.dot(hb, wa_ref[...],
                            preferred_element_type=jnp.float32)
            hn = hb + _relu(z)
        else:
            hn = _relu(z)
        hn_ref[...] = hn
        gate = (jnp.dot(hn, gw_ref[...], preferred_element_type=jnp.float32)
                + gb_ref[...])
        gate_ref[...] = gate
        mask = bi_ref[...] == lax.broadcasted_iota(jnp.int32, (BN, G), 1)
        bmax = jnp.max(jnp.where(mask, gate, -jnp.inf), axis=0, keepdims=True)

        @pl.when(i == 0)
        def _():
            gmax_ref[...] = jnp.full((1, G), -jnp.inf, jnp.float32)
        gmax_ref[...] = jnp.maximum(gmax_ref[...], bmax)

    full = lambda shape: pl.BlockSpec(shape, lambda i: (0,) * len(shape))
    in_specs = [pl.BlockSpec((NC, BN, D), lambda i: (0, i, 0))]
    args = [parts]
    if with_h:
        in_specs.append(pl.BlockSpec((BN, D), lambda i: (i, 0)))
        args.append(h)
        in_specs.append(full((D, D)))
        args.append(wa)
    in_specs += [full((D, D)), full((1, D)), full((D, 1)), full((1, 1)),
                 pl.BlockSpec((BN, 1), lambda i: (i, 0))]
    args += [wb, cb, gw, gb, batch_col]
    return pl.pallas_call(
        body,
        grid=(NBLK,),
        in_specs=in_specs,
        out_specs=(pl.BlockSpec((BN, D), lambda i: (i, 0)),
                   pl.BlockSpec((BN, 1), lambda i: (i, 0)),
                   pl.BlockSpec((1, G), lambda i: (0, 0))),
        out_shape=(jax.ShapeDtypeStruct((NPAD, D), jnp.float32),
                   jax.ShapeDtypeStruct((NPAD, 1), jnp.float32),
                   jax.ShapeDtypeStruct((1, G), jnp.float32)),
    )(*args)


def _pool(hn, gate, gmax, batch_col, aw, ab, pw, g, gwa, gwb, glb):
    with_p = pw is not None
    with_g = g is not None

    def body(*refs):
        refs = list(refs)
        h_ref, gate_ref, gmax_ref, bi_ref, aw_ref, ab_ref = refs[:6]
        rest = refs[6:]
        pw_ref = rest.pop(0) if with_p else None
        g_ref = rest.pop(0) if with_g else None
        gwa_ref, gwb_ref, glb_ref = rest[:3]
        outs = rest[3:]
        glnum_ref, denom_ref, gout_ref = outs[:3]
        p_ref = outs[3] if with_p else None
        i = pl.program_id(0)
        gm = gmax_ref[...]
        gmf = jnp.where(jnp.isfinite(gm), gm, 0.0)
        bi = bi_ref[...]
        mask = bi == lax.broadcasted_iota(jnp.int32, (BN, G), 1)
        ohf = mask.astype(jnp.float32)
        gnode = jnp.sum(jnp.where(mask, gmf, 0.0), axis=1, keepdims=True)
        egate = jnp.where(bi < G, jnp.exp(gate_ref[...] - gnode), 0.0)
        hb = h_ref[...]
        xt = (jnp.dot(hb, aw_ref[...], preferred_element_type=jnp.float32)
              + ab_ref[...])
        gn = lax.dot_general(ohf, egate * xt, (((0,), (0,)), ((), ())),
                             preferred_element_type=jnp.float32)
        dn = lax.dot_general(ohf, egate, (((0,), (0,)), ((), ())),
                             preferred_element_type=jnp.float32)

        @pl.when(i == 0)
        def _():
            glnum_ref[...] = jnp.zeros((G, D), jnp.float32)
            denom_ref[...] = jnp.zeros((G, 1), jnp.float32)
        glnum_ref[...] += gn
        denom_ref[...] += dn
        if with_p:
            p_ref[...] = jnp.dot(hb, pw_ref[...],
                                 preferred_element_type=jnp.float32)

        @pl.when(i == NBLK - 1)
        def _():
            gl = glnum_ref[...] / (denom_ref[...] + 1e-16)
            z = jnp.dot(gl, gwa_ref[...], preferred_element_type=jnp.float32)
            z = z + glb_ref[...]
            if with_g:
                gprev = g_ref[...]
                z = z + jnp.dot(gprev, gwb_ref[...],
                                preferred_element_type=jnp.float32)
                gout_ref[...] = gprev + _relu(z)
            else:
                gout_ref[...] = _relu(z)

    full = lambda shape: pl.BlockSpec(shape, lambda i: (0,) * len(shape))
    in_specs = [pl.BlockSpec((BN, D), lambda i: (i, 0)),
                pl.BlockSpec((BN, 1), lambda i: (i, 0)),
                full((1, G)),
                pl.BlockSpec((BN, 1), lambda i: (i, 0)),
                full((D, D)), full((1, D))]
    args = [hn, gate, gmax, batch_col, aw, ab]
    if with_p:
        in_specs.append(full((D, D)))
        args.append(pw)
    if with_g:
        in_specs.append(full((G, D)))
        args.append(g)
    in_specs += [full((D, D)), full((D, D)) if with_g else full((D, D)),
                 full((1, D))]
    args += [gwa, gwb if with_g else gwa, glb]
    out_specs = [pl.BlockSpec((G, D), lambda i: (0, 0)),
                 pl.BlockSpec((G, 1), lambda i: (0, 0)),
                 pl.BlockSpec((G, D), lambda i: (0, 0))]
    out_shape = [jax.ShapeDtypeStruct((G, D), jnp.float32),
                 jax.ShapeDtypeStruct((G, 1), jnp.float32),
                 jax.ShapeDtypeStruct((G, D), jnp.float32)]
    if with_p:
        out_specs.append(pl.BlockSpec((BN, D), lambda i: (i, 0)))
        out_shape.append(jax.ShapeDtypeStruct((NPAD, D), jnp.float32))
    res = pl.pallas_call(
        body,
        grid=(NBLK,),
        in_specs=in_specs,
        out_specs=tuple(out_specs),
        out_shape=tuple(out_shape),
    )(*args)
    return (res[2], res[3]) if with_p else (res[2],)


def kernel(params, x, edge_index, edge_attr, batch_idx):
    src = edge_index[0].astype(jnp.int32)
    dst = edge_index[1].astype(jnp.int32)
    attr = edge_attr.astype(jnp.int32)
    batch = batch_idx.astype(jnp.int32)

    pad_e = EPAD - E
    src_p = jnp.concatenate([src, jnp.zeros((pad_e,), jnp.int32)])
    dst_p = jnp.concatenate([dst, jnp.full((pad_e,), N, jnp.int32)])
    attr_p = jnp.concatenate([attr, jnp.zeros((pad_e,), jnp.int32)])
    batch_col = jnp.concatenate(
        [batch, jnp.full((NPAD - N,), G, jnp.int32)]).reshape(NPAD, 1)

    relp = jnp.pad(params['rel_table'], ((0, PPAD - NPRED), (0, 0)))
    row = lambda b: b.reshape(1, -1)

    msg_W0, msg_b0 = params['msg_W0'], params['msg_b0']
    msg_W1, msg_b1 = params['msg_W1'], params['msg_b1']
    t0r, t1 = _prep_tables(relp, msg_W0[D:], row(msg_b0),
                           msg_W1[D:], row(msg_b1))

    parts0 = _edge_pass_l0(attr_p, dst_p, t0r)
    h1, gate0, gmax0 = _node_update(
        parts0, None, None, params['comb_W0'][D:], row(params['comb_b0']),
        params['gate_W0'], row(params['gate_b0']), batch_col)
    g1, p1 = _pool(h1, gate0, gmax0, batch_col,
                   params['attn_W0'], row(params['attn_b0']), msg_W1[:D],
                   None, params['glob_W0'][:D], None,
                   row(params['glob_b0']))

    parts1 = _edge_pass_l1(attr_p, dst_p, t1, src_p, p1)
    h2, gate1, gmax1 = _node_update(
        parts1, h1, params['comb_W1'][:D], params['comb_W1'][D:],
        row(params['comb_b1']), params['gate_W1'], row(params['gate_b1']),
        batch_col)
    (g2,) = _pool(h2, gate1, gmax1, batch_col,
                  params['attn_W1'], row(params['attn_b1']), None,
                  g1, params['glob_W1'][:D], params['glob_W1'][D:],
                  row(params['glob_b1']))

    return h2[:N], g2

# --- scband reference (transcript-rebuilt; emitter-appended) ---
"""Pipeline reference for scband-kggnn-3418793967967 (READ-ONLY COPY).

The authoritative reference and input builder live on the scoring server;
editing this copy changes nothing except your own understanding.
"""

import jax, jax.numpy as jnp
import numpy as np

LAYERS = 2
EMB = 128
NUM_OBJ = 1000
NUM_PRED = 100
N_NODES = 10000
N_EDGES = 320000
N_GRAPHS = 256


def _linear_params(key, fan_in, fan_out, scale=0.02):
    kw, kb = jax.random.split(key)
    W = jax.random.normal(kw, (fan_in, fan_out), dtype=jnp.float32) * scale
    b = jnp.zeros((fan_out,), dtype=jnp.float32)
    return W, b


def _make_params(key):
    ks = jax.random.split(key, 2 + 5 * LAYERS)
    params = {}
    params['obj_table'] = jax.random.normal(ks[0], (NUM_OBJ, EMB), dtype=jnp.float32) * 0.02
    params['rel_table'] = jax.random.normal(ks[1], (NUM_PRED, EMB), dtype=jnp.float32) * 0.02
    for i in range(LAYERS):
        base = 2 + 5 * i
        params['msg_W%d' % i], params['msg_b%d' % i] = _linear_params(ks[base + 0], 2 * EMB, EMB)
        params['comb_W%d' % i], params['comb_b%d' % i] = _linear_params(ks[base + 1], 2 * EMB, EMB)
        params['gate_W%d' % i], params['gate_b%d' % i] = _linear_params(ks[base + 2], EMB, 1)
        params['attn_W%d' % i], params['attn_b%d' % i] = _linear_params(ks[base + 3], EMB, EMB)
        params['glob_W%d' % i], params['glob_b%d' % i] = _linear_params(ks[base + 4], 2 * EMB, EMB)
    return params


def setup_inputs(seed: int = 0):
    key = jax.random.key(seed)
    k1, k2, k3, k4, kp = jax.random.split(key, 5)
    x = jax.random.randint(k1, (N_NODES,), 0, NUM_OBJ)
    edge_index = jax.random.randint(k2, (2, N_EDGES), 0, N_NODES)
    edge_attr = jax.random.randint(k3, (N_EDGES,), 0, NUM_PRED)
    batch_idx = jnp.sort(jax.random.randint(k4, (N_NODES,), 0, N_GRAPHS))
    params = _make_params(kp)
    return {'params': params, 'x': x, 'edge_index': edge_index, 'edge_attr': edge_attr, 'batch_idx': batch_idx}


def _forward(params, x, edge_index, edge_attr, batch_idx):
    num_graphs = N_GRAPHS
    g = jnp.zeros((num_graphs, EMB), dtype=jnp.float32)
    h = params['obj_table'][x]
    h = jnp.zeros_like(h)
    h_r = params['rel_table'][edge_attr]
    src = edge_index[0]
    dst = edge_index[1]
    n = h.shape[0]
    for i in range(LAYERS):
        # GNNConv: message = relu(Linear(concat[x_j, edge_attr_emb])), aggr='sum' over dst
        msg = jax.nn.relu(jnp.concatenate([h[src], h_r], axis=-1) @ params['msg_W%d' % i] + params['msg_b%d' % i])
        aggr = jax.ops.segment_sum(msg, dst, num_segments=n)
        # update: x + relu(Linear(concat[x, aggr_out]))
        h = h + jax.nn.relu(jnp.concatenate([h, aggr], axis=-1) @ params['comb_W%d' % i] + params['comb_b%d' % i])
        # GlobalNode: attentional aggregation per graph segment
        gate = h @ params['gate_W%d' % i] + params['gate_b%d' % i]
        gate_max = jax.ops.segment_max(gate, batch_idx, num_segments=num_graphs)
        gate_max = jnp.where(jnp.isfinite(gate_max), gate_max, 0.0)
        egate = jnp.exp(gate - gate_max[batch_idx])
        denom = jax.ops.segment_sum(egate, batch_idx, num_segments=num_graphs)
        alpha = egate / (denom[batch_idx] + 1e-16)
        xt = h @ params['attn_W%d' % i] + params['attn_b%d' % i]
        gl = jax.ops.segment_sum(alpha * xt, batch_idx, num_segments=num_graphs)
        # g_prev + relu(Linear(concat[g, g_prev]))
        g = g + jax.nn.relu(jnp.concatenate([gl, g], axis=-1) @ params['glob_W%d' % i] + params['glob_b%d' % i])
    return h, g


def reference(params, x, edge_index, edge_attr, batch_idx):
    return _forward(params, x, edge_index, edge_attr, batch_idx)

if __name__ == "__main__":
    import jax
    _d = setup_inputs()
    print(jax.jit(kernel)(*tuple(_d.values())))

</pallas_src>

<mosaic_0001>
#map = affine_map<(d0, d1) -> (0)>
#map1 = affine_map<(d0, d1) -> (0, 0)>
#map2 = affine_map<(d0, d1) -> (0, 0, 0)>
module attributes {stable_mosaic.version = 14 : i64} {
  func.func @body(%arg0: i32, %arg1: i32, %arg2: memref<327680xi32, #tpu.memory_space<hbm>>, %arg3: memref<327680xi32, #tpu.memory_space<hbm>>, %arg4: memref<104x128xf32, #tpu.memory_space<hbm>>, %arg5: memref<2x10240x128xf32, #tpu.memory_space<hbm>>, %arg6: memref<10240x128xf32, #tpu.memory_space<vmem_shared>>, %arg7: memref<128xi32, #tpu.memory_space<vmem>>, %arg8: memref<128xi32, #tpu.memory_space<vmem>>, %arg9: memref<128x128xf32, #tpu.memory_space<vmem>>, %arg10: memref<!tpu.dma_semaphore, #tpu.memory_space<semaphore_mem>>, %arg11: memref<!tpu.dma_semaphore, #tpu.memory_space<semaphore_mem>>, %arg12: memref<!tpu.dma_semaphore, #tpu.memory_space<semaphore_mem>>, %arg13: memref<128xi32, #tpu.memory_space<vmem>>, %arg14: memref<128xi32, #tpu.memory_space<vmem>>, %arg15: memref<128x128xf32, #tpu.memory_space<vmem>>, %arg16: memref<!tpu.dma_semaphore, #tpu.memory_space<semaphore_mem>>, %arg17: memref<!tpu.dma_semaphore, #tpu.memory_space<semaphore_mem>>, %arg18: memref<!tpu.dma_semaphore, #tpu.memory_space<semaphore_mem>>) attributes {dimension_semantics = [#tpu.dimension_semantics<core_parallel>, #tpu.dimension_semantics<subcore_parallel>], iteration_bounds = array<i64: 2, 16>, scalar_prefetch = 0 : i64, scratch_operands = 13 : i64, tpu.core_type = #tpu.core_type<sc_vector_subcore>, window_params = [{transform_indices = #map}, {transform_indices = #map}, {transform_indices = #map1}, {transform_indices = #map2}]} {
    %eq3A = arith.constant 0 : i32
    %eq3A_0 = arith.cmpi eq, %arg0, %eq3A : i32
    %jit3A = arith.constant 68 : i32
    %jit3A_1 = arith.constant 12 : i32
    %select_n3A = arith.select %eq3A_0, %jit3A, %jit3A_1 : i32
    %eq3A_2 = arith.constant 0 : i32
    %eq3A_3 = arith.cmpi eq, %arg0, %eq3A_2 : i32
    %mul3A = arith.constant 17408 : i32
    %mul3A_4 = arith.muli %arg1, %mul3A : i32
    %mul3A_5 = arith.constant 3072 : i32
    %mul3A_6 = arith.muli %arg1, %mul3A_5 : i32
    %add3A = arith.constant 278528 : i32
    %add3A_7 = arith.addi %add3A, %mul3A_6 : i32
    %select_n3A_8 = arith.select %eq3A_3, %mul3A_4, %add3A_7 : i32
    %scan3A = arith.constant 0 : i32
    %scan3A_9 = arith.constant 0 : i32
    %scan3A_10 = arith.constant 128 : i32
    %scan3A_11 = arith.addi %scan3A_9, %scan3A_10 : i32
    %scan3A_12 = arith.constant 1 : i32
    scf.for %scan3A_48 = %scan3A_9 to %scan3A_11 step %scan3A_12  : i32 {
      %broadcast_in_dim3A = arith.constant 0.000000e+00 : f32
      %broadcast_in_dim3A_49 = vector.broadcast %broadcast_in_dim3A : f32 to vector<16xf32>
      %swap3A = arith.index_cast %scan3A_48 : i32 to index
      %swap3A_50 = arith.constant 0 : index
      %swap3A_51 = tpu.vector_load %arg9[%swap3A, %swap3A_50] {strides = array<i32>} : memref<128x128xf32, #tpu.memory_space<vmem>>, vector<1x16xf32>,
      %swap3A_52 = vector.shape_cast %swap3A_51 : vector<1x16xf32> to vector<16xf32>
      %swap3A_53 = vector.shape_cast %broadcast_in_dim3A_49 : vector<16xf32> to vector<1x16xf32>
      tpu.vector_store %arg9[%swap3A, %swap3A_50], %swap3A_53 {strides = array<i32>} : memref<128x128xf32, #tpu.memory_space<vmem>>, vector<1x16xf32>,
      %broadcast_in_dim3A_54 = arith.constant 0.000000e+00 : f32
      %broadcast_in_dim3A_55 = vector.broadcast %broadcast_in_dim3A_54 : f32 to vector<16xf32>
      %swap3A_56 = arith.index_cast %scan3A_48 : i32 to index
      %swap3A_57 = arith.constant 16 : index
      %swap3A_58 = tpu.vector_load %arg9[%swap3A_56, %swap3A_57] {strides = array<i32>} : memref<128x128xf32, #tpu.memory_space<vmem>>, vector<1x16xf32>,
      %swap3A_59 = vector.shape_cast %swap3A_58 : vector<1x16xf32> to vector<16xf32>
      %swap3A_60 = vector.shape_cast %broadcast_in_dim3A_55 : vector<16xf32> to vector<1x16xf32>
      tpu.vector_store %arg9[%swap3A_56, %swap3A_57], %swap3A_60 {strides = array<i32>} : memref<128x128xf32, #tpu.memory_space<vmem>>, vector<1x16xf32>,
      %broadcast_in_dim3A_61 = arith.constant 0.000000e+00 : f32
      %broadcast_in_dim3A_62 = vector.broadcast %broadcast_in_dim3A_61 : f32 to vector<16xf32>
      %swap3A_63 = arith.index_cast %scan3A_48 : i32 to index
      %swap3A_64 = arith.constant 32 : index
      %swap3A_65 = tpu.vector_load %arg9[%swap3A_63, %swap3A_64] {strides = array<i32>} : memref<128x128xf32, #tpu.memory_space<vmem>>, vector<1x16xf32>,
      %swap3A_66 = vector.shape_cast %swap3A_65 : vector<1x16xf32> to vector<16xf32>
      %swap3A_67 = vector.shape_cast %broadcast_in_dim3A_62 : vector<16xf32> to vector<1x16xf32>
      tpu.vector_store %arg9[%swap3A_63, %swap3A_64], %swap3A_67 {strides = array<i32>} : memref<128x128xf32, #tpu.memory_space<vmem>>, vector<1x16xf32>,
      %broadcast_in_dim3A_68 = arith.constant 0.000000e+00 : f32
      %broadcast_in_dim3A_69 = vector.broadcast %broadcast_in_dim3A_68 : f32 to vector<16xf32>
      %swap3A_70 = arith.index_cast %scan3A_48 : i32 to index
      %swap3A_71 = arith.constant 48 : index
      %swap3A_72 = tpu.vector_load %arg9[%swap3A_70, %swap3A_71] {strides = array<i32>} : memref<128x128xf32, #tpu.memory_space<vmem>>, vector<1x16xf32>,
      %swap3A_73 = vector.shape_cast %swap3A_72 : vector<1x16xf32> to vector<16xf32>
      %swap3A_74 = vector.shape_cast %broadcast_in_dim3A_69 : vector<16xf32> to vector<1x16xf32>
      tpu.vector_store %arg9[%swap3A_70, %swap3A_71], %swap3A_74 {strides = array<i32>} : memref<128x128xf32, #tpu.memory_space<vmem>>, vector<1x16xf32>,
      %broadcast_in_dim3A_75 = arith.constant 0.000000e+00 : f32
      %broadcast_in_dim3A_76 = vector.broadcast %broadcast_in_dim3A_75 : f32 to vector<16xf32>
      %swap3A_77 = arith.index_cast %scan3A_48 : i32 to index
      %swap3A_78 = arith.constant 64 : index
      %swap3A_79 = tpu.vector_load %arg9[%swap3A_77, %swap3A_78] {strides = array<i32>} : memref<128x128xf32, #tpu.memory_space<vmem>>, vector<1x16xf32>,
      %swap3A_80 = vector.shape_cast %swap3A_79 : vector<1x16xf32> to vector<16xf32>
      %swap3A_81 = vector.shape_cast %broadcast_in_dim3A_76 : vector<16xf32> to vector<1x16xf32>
      tpu.vector_store %arg9[%swap3A_77, %swap3A_78], %swap3A_81 {strides = array<i32>} : memref<128x128xf32, #tpu.memory_space<vmem>>, vector<1x16xf32>,
      %broadcast_in_dim3A_82 = arith.constant 0.000000e+00 : f32
      %broadcast_in_dim3A_83 = vector.broadcast %broadcast_in_dim3A_82 : f32 to vector<16xf32>
      %swap3A_84 = arith.index_cast %scan3A_48 : i32 to index
      %swap3A_85 = arith.constant 80 : index
      %swap3A_86 = tpu.vector_load %arg9[%swap3A_84, %swap3A_85] {strides = array<i32>} : memref<128x128xf32, #tpu.memory_space<vmem>>, vector<1x16xf32>,
      %swap3A_87 = vector.shape_cast %swap3A_86 : vector<1x16xf32> to vector<16xf32>
      %swap3A_88 = vector.shape_cast %broadcast_in_dim3A_83 : vector<16xf32> to vector<1x16xf32>
      tpu.vector_store %arg9[%swap3A_84, %swap3A_85], %swap3A_88 {strides = array<i32>} : memref<128x128xf32, #tpu.memory_space<vmem>>, vector<1x16xf32>,
      %broadcast_in_dim3A_89 = arith.constant 0.000000e+00 : f32
      %broadcast_in_dim3A_90 = vector.broadcast %broadcast_in_dim3A_89 : f32 to vector<16xf32>
      %swap3A_91 = arith.index_cast %scan3A_48 : i32 to index
      %swap3A_92 = arith.constant 96 : index
      %swap3A_93 = tpu.vector_load %arg9[%swap3A_91, %swap3A_92] {strides = array<i32>} : memref<128x128xf32, #tpu.memory_space<vmem>>, vector<1x16xf32>,
      %swap3A_94 = vector.shape_cast %swap3A_93 : vector<1x16xf32> to vector<16xf32>
      %swap3A_95 = vector.shape_cast %broadcast_in_dim3A_90 : vector<16xf32> to vector<1x16xf32>
      tpu.vector_store %arg9[%swap3A_91, %swap3A_92], %swap3A_95 {strides = array<i32>} : memref<128x128xf32, #tpu.memory_space<vmem>>, vector<1x16xf32>,
      %broadcast_in_dim3A_96 = arith.constant 0.000000e+00 : f32
      %broadcast_in_dim3A_97 = vector.broadcast %broadcast_in_dim3A_96 : f32 to vector<16xf32>
      %swap3A_98 = arith.index_cast %scan3A_48 : i32 to index
      %swap3A_99 = arith.constant 112 : index
      %swap3A_100 = tpu.vector_load %arg9[%swap3A_98, %swap3A_99] {strides = array<i32>} : memref<128x128xf32, #tpu.memory_space<vmem>>, vector<1x16xf32>,
      %swap3A_101 = vector.shape_cast %swap3A_100 : vector<1x16xf32> to vector<16xf32>
      %swap3A_102 = vector.shape_cast %broadcast_in_dim3A_97 : vector<16xf32> to vector<1x16xf32>
      tpu.vector_store %arg9[%swap3A_98, %swap3A_99], %swap3A_102 {strides = array<i32>} : memref<128x128xf32, #tpu.memory_space<vmem>>, vector<1x16xf32>,
    }
    %scan3A_13 = arith.constant 128 : i32
    %mul3A_14 = arith.constant 640 : i32
    %mul3A_15 = arith.muli %arg1, %mul3A_14 : i32
    %add3A_16 = arith.constant 0 : i32
    %add3A_17 = arith.addi %mul3A_15, %add3A_16 : i32
    "tpu.region"() ({
      %run_scoped3A = tpu.sem_alloc : memref<!tpu.dma_semaphore, #tpu.memory_space<semaphore_mem>>
      %dma_start3A_48 = arith.constant 0 : i32
      %dma_start3A_49 = tpu.memref_slice %arg6[%add3A_17, %dma_start3A_48] : memref<10240x128xf32, #tpu.memory_space<vmem_shared>> -> memref<128x128xf32, #tpu.memory_space<vmem_shared>>
      %dma_start3A_50 = arith.constant 0 : i32
      %dma_start3A_51 = tpu.memref_slice %arg6[%add3A_17, %dma_start3A_50] : memref<10240x128xf32, #tpu.memory_space<vmem_shared>> -> memref<128x128xf32, #tpu.memory_space<vmem_shared>>
      tpu.enqueue_dma source(%arg9 : memref<128x128xf32, #tpu.memory_space<vmem>>) target(%dma_start3A_51 : memref<128x128xf32, #tpu.memory_space<vmem_shared>>) target_semaphore(%run_scoped3A : memref<!tpu.dma_semaphore, #tpu.memory_space<semaphore_mem>>)
      %dma_wait3A_52 = arith.constant 0 : i32
      %dma_wait3A_53 = tpu.memref_slice %arg6[%add3A_17, %dma_wait3A_52] : memref<10240x128xf32, #tpu.memory_space<vmem_shared>> -> memref<128x128xf32, #tpu.memory_space<vmem_shared>>
      %dma_wait3A_54 = arith.constant 0 : i32
      %dma_wait3A_55 = tpu.memref_slice %arg6[%add3A_17, %dma_wait3A_54] : memref<10240x128xf32, #tpu.memory_space<vmem_shared>> -> memref<128x128xf32, #tpu.memory_space<vmem_shared>>
      tpu.wait_dma2 semaphore(%run_scoped3A : memref<!tpu.dma_semaphore, #tpu.memory_space<semaphore_mem>>) src(%arg9 : memref<128x128xf32, #tpu.memory_space<vmem>>) dst(%dma_wait3A_55 : memref<128x128xf32, #tpu.memory_space<vmem_shared>>)
      tpu.yield
    }) : () -> ()
    %add3A_18 = arith.constant 128 : i32
    %add3A_19 = arith.addi %mul3A_15, %add3A_18 : i32
    "tpu.region"() ({
      %run_scoped3A = tpu.sem_alloc : memref<!tpu.dma_semaphore, #tpu.memory_space<semaphore_mem>>
      %dma_start3A_48 = arith.constant 0 : i32
      %dma_start3A_49 = tpu.memref_slice %arg6[%add3A_19, %dma_start3A_48] : memref<10240x128xf32, #tpu.memory_space<vmem_shared>> -> memref<128x128xf32, #tpu.memory_space<vmem_shared>>
      %dma_start3A_50 = arith.constant 0 : i32
      %dma_start3A_51 = tpu.memref_slice %arg6[%add3A_19, %dma_start3A_50] : memref<10240x128xf32, #tpu.memory_space<vmem_shared>> -> memref<128x128xf32, #tpu.memory_space<vmem_shared>>
      tpu.enqueue_dma source(%arg9 : memref<128x128xf32, #tpu.memory_space<vmem>>) target(%dma_start3A_51 : memref<128x128xf32, #tpu.memory_space<vmem_shared>>) target_semaphore(%run_scoped3A : memref<!tpu.dma_semaphore, #tpu.memory_space<semaphore_mem>>)
      %dma_wait3A_52 = arith.constant 0 : i32
      %dma_wait3A_53 = tpu.memref_slice %arg6[%add3A_19, %dma_wait3A_52] : memref<10240x128xf32, #tpu.memory_space<vmem_shared>> -> memref<128x128xf32, #tpu.memory_space<vmem_shared>>
      %dma_wait3A_54 = arith.constant 0 : i32
      %dma_wait3A_55 = tpu.memref_slice %arg6[%add3A_19, %dma_wait3A_54] : memref<10240x128xf32, #tpu.memory_space<vmem_shared>> -> memref<128x128xf32, #tpu.memory_space<vmem_shared>>
      tpu.wait_dma2 semaphore(%run_scoped3A : memref<!tpu.dma_semaphore, #tpu.memory_space<semaphore_mem>>) src(%arg9 : memref<128x128xf32, #tpu.memory_space<vmem>>) dst(%dma_wait3A_55 : memref<128x128xf32, #tpu.memory_space<vmem_shared>>)
      tpu.yield
    }) : () -> ()
    %add3A_20 = arith.constant 256 : i32
    %add3A_21 = arith.addi %mul3A_15, %add3A_20 : i32
    "tpu.region"() ({
      %run_scoped3A = tpu.sem_alloc : memref<!tpu.dma_semaphore, #tpu.memory_space<semaphore_mem>>
      %dma_start3A_48 = arith.constant 0 : i32
      %dma_start3A_49 = tpu.memref_slice %arg6[%add3A_21, %dma_start3A_48] : memref<10240x128xf32, #tpu.memory_space<vmem_shared>> -> memref<128x128xf32, #tpu.memory_space<vmem_shared>>
      %dma_start3A_50 = arith.constant 0 : i32
      %dma_start3A_51 = tpu.memref_slice %arg6[%add3A_21, %dma_start3A_50] : memref<10240x128xf32, #tpu.memory_space<vmem_shared>> -> memref<128x128xf32, #tpu.memory_space<vmem_shared>>
      tpu.enqueue_dma source(%arg9 : memref<128x128xf32, #tpu.memory_space<vmem>>) target(%dma_start3A_51 : memref<128x128xf32, #tpu.memory_space<vmem_shared>>) target_semaphore(%run_scoped3A : memref<!tpu.dma_semaphore, #tpu.memory_space<semaphore_mem>>)
      %dma_wait3A_52 = arith.constant 0 : i32
      %dma_wait3A_53 = tpu.memref_slice %arg6[%add3A_21, %dma_wait3A_52] : memref<10240x128xf32, #tpu.memory_space<vmem_shared>> -> memref<128x128xf32, #tpu.memory_space<vmem_shared>>
      %dma_wait3A_54 = arith.constant 0 : i32
      %dma_wait3A_55 = tpu.memref_slice %arg6[%add3A_21, %dma_wait3A_54] : memref<10240x128xf32, #tpu.memory_space<vmem_shared>> -> memref<128x128xf32, #tpu.memory_space<vmem_shared>>
      tpu.wait_dma2 semaphore(%run_scoped3A : memref<!tpu.dma_semaphore, #tpu.memory_space<semaphore_mem>>) src(%arg9 : memref<128x128xf32, #tpu.memory_space<vmem>>) dst(%dma_wait3A_55 : memref<128x128xf32, #tpu.memory_space<vmem_shared>>)
      tpu.yield
    }) : () -> ()
    %add3A_22 = arith.constant 384 : i32
    %add3A_23 = arith.addi %mul3A_15, %add3A_22 : i32
    "tpu.region"() ({
      %run_scoped3A = tpu.sem_alloc : memref<!tpu.dma_semaphore, #tpu.memory_space<semaphore_mem>>
      %dma_start3A_48 = arith.constant 0 : i32
      %dma_start3A_49 = tpu.memref_slice %arg6[%add3A_23, %dma_start3A_48] : memref<10240x128xf32, #tpu.memory_space<vmem_shared>> -> memref<128x128xf32, #tpu.memory_space<vmem_shared>>
      %dma_start3A_50 = arith.constant 0 : i32
      %dma_start3A_51 = tpu.memref_slice %arg6[%add3A_23, %dma_start3A_50] : memref<10240x128xf32, #tpu.memory_space<vmem_shared>> -> memref<128x128xf32, #tpu.memory_space<vmem_shared>>
      tpu.enqueue_dma source(%arg9 : memref<128x128xf32, #tpu.memory_space<vmem>>) target(%dma_start3A_51 : memref<128x128xf32, #tpu.memory_space<vmem_shared>>) target_semaphore(%run_scoped3A : memref<!tpu.dma_semaphore, #tpu.memory_space<semaphore_mem>>)
      %dma_wait3A_52 = arith.constant 0 : i32
      %dma_wait3A_53 = tpu.memref_slice %arg6[%add3A_23, %dma_wait3A_52] : memref<10240x128xf32, #tpu.memory_space<vmem_shared>> -> memref<128x128xf32, #tpu.memory_space<vmem_shared>>
      %dma_wait3A_54 = arith.constant 0 : i32
      %dma_wait3A_55 = tpu.memref_slice %arg6[%add3A_23, %dma_wait3A_54] : memref<10240x128xf32, #tpu.memory_space<vmem_shared>> -> memref<128x128xf32, #tpu.memory_space<vmem_shared>>
      tpu.wait_dma2 semaphore(%run_scoped3A : memref<!tpu.dma_semaphore, #tpu.memory_space<semaphore_mem>>) src(%arg9 : memref<128x128xf32, #tpu.memory_space<vmem>>) dst(%dma_wait3A_55 : memref<128x128xf32, #tpu.memory_space<vmem_shared>>)
      tpu.yield
    }) : () -> ()
    %add3A_24 = arith.constant 512 : i32
    %add3A_25 = arith.addi %mul3A_15, %add3A_24 : i32
    "tpu.region"() ({
      %run_scoped3A = tpu.sem_alloc : memref<!tpu.dma_semaphore, #tpu.memory_space<semaphore_mem>>
      %dma_start3A_48 = arith.constant 0 : i32
      %dma_start3A_49 = tpu.memref_slice %arg6[%add3A_25, %dma_start3A_48] : memref<10240x128xf32, #tpu.memory_space<vmem_shared>> -> memref<128x128xf32, #tpu.memory_space<vmem_shared>>
      %dma_start3A_50 = arith.constant 0 : i32
      %dma_start3A_51 = tpu.memref_slice %arg6[%add3A_25, %dma_start3A_50] : memref<10240x128xf32, #tpu.memory_space<vmem_shared>> -> memref<128x128xf32, #tpu.memory_space<vmem_shared>>
      tpu.enqueue_dma source(%arg9 : memref<128x128xf32, #tpu.memory_space<vmem>>) target(%dma_start3A_51 : memref<128x128xf32, #tpu.memory_space<vmem_shared>>) target_semaphore(%run_scoped3A : memref<!tpu.dma_semaphore, #tpu.memory_space<semaphore_mem>>)
      %dma_wait3A_52 = arith.constant 0 : i32
      %dma_wait3A_53 = tpu.memref_slice %arg6[%add3A_25, %dma_wait3A_52] : memref<10240x128xf32, #tpu.memory_space<vmem_shared>> -> memref<128x128xf32, #tpu.memory_space<vmem_shared>>
      %dma_wait3A_54 = arith.constant 0 : i32
      %dma_wait3A_55 = tpu.memref_slice %arg6[%add3A_25, %dma_wait3A_54] : memref<10240x128xf32, #tpu.memory_space<vmem_shared>> -> memref<128x128xf32, #tpu.memory_space<vmem_shared>>
      tpu.wait_dma2 semaphore(%run_scoped3A : memref<!tpu.dma_semaphore, #tpu.memory_space<semaphore_mem>>) src(%arg9 : memref<128x128xf32, #tpu.memory_space<vmem>>) dst(%dma_wait3A_55 : memref<128x128xf32, #tpu.memory_space<vmem_shared>>)
      tpu.yield
    }) : () -> ()
    %barrier3A = arith.constant 0 : index
    tpu.barrier barrier_id(%barrier3A)
    %dma_start3A = tpu.memref_slice %arg2[%select_n3A_8] : memref<327680xi32, #tpu.memory_space<hbm>> -> memref<128xi32, #tpu.memory_space<hbm>>
    %dma_start3A_26 = tpu.memref_slice %arg2[%select_n3A_8] : memref<327680xi32, #tpu.memory_space<hbm>> -> memref<128xi32, #tpu.memory_space<hbm>>
    tpu.enqueue_dma source(%dma_start3A_26 : memref<128xi32, #tpu.memory_space<hbm>>) target(%arg7 : memref<128xi32, #tpu.memory_space<vmem>>) target_semaphore(%arg10 : memref<!tpu.dma_semaphore, #tpu.memory_space<semaphore_mem>>)
    %dma_start3A_27 = tpu.memref_slice %arg3[%select_n3A_8] : memref<327680xi32, #tpu.memory_space<hbm>> -> memref<128xi32, #tpu.memory_space<hbm>>
    %dma_start3A_28 = tpu.memref_slice %arg3[%select_n3A_8] : memref<327680xi32, #tpu.memory_space<hbm>> -> memref<128xi32, #tpu.memory_space<hbm>>
    tpu.enqueue_dma source(%dma_start3A_28 : memref<128xi32, #tpu.memory_space<hbm>>) target(%arg8 : memref<128xi32, #tpu.memory_space<vmem>>) target_semaphore(%arg10 : memref<!tpu.dma_semaphore, #tpu.memory_space<semaphore_mem>>)
    %dma_wait3A = tpu.memref_slice %arg2[%select_n3A_8] : memref<327680xi32, #tpu.memory_space<hbm>> -> memref<128xi32, #tpu.memory_space<hbm>>
    %dma_wait3A_29 = tpu.memref_slice %arg2[%select_n3A_8] : memref<327680xi32, #tpu.memory_space<hbm>> -> memref<128xi32, #tpu.memory_space<hbm>>
    tpu.wait_dma2 semaphore(%arg10 : memref<!tpu.dma_semaphore, #tpu.memory_space<semaphore_mem>>) src(%dma_wait3A_29 : memref<128xi32, #tpu.memory_space<hbm>>) dst(%arg7 : memref<128xi32, #tpu.memory_space<vmem>>)
    %dma_wait3A_30 = tpu.memref_slice %arg3[%select_n3A_8] : memref<327680xi32, #tpu.memory_space<hbm>> -> memref<128xi32, #tpu.memory_space<hbm>>
    %dma_wait3A_31 = tpu.memref_slice %arg3[%select_n3A_8] : memref<327680xi32, #tpu.memory_space<hbm>> -> memref<128xi32, #tpu.memory_space<hbm>>
    tpu.wait_dma2 semaphore(%arg10 : memref<!tpu.dma_semaphore, #tpu.memory_space<semaphore_mem>>) src(%dma_wait3A_31 : memref<128xi32, #tpu.memory_space<hbm>>) dst(%arg8 : memref<128xi32, #tpu.memory_space<vmem>>)
    %dma_start3A_32 = arith.constant 0 : i32
    %dma_start3A_33 = arith.constant 0 : i32
    %dma_start3A_34 = tpu.memref_slice %arg4[%dma_start3A_32, %dma_start3A_33] : memref<104x128xf32, #tpu.memory_space<hbm>> -> memref<104x128xf32, #tpu.memory_space<hbm>>
    tpu.enqueue_indirect_dma source(%dma_start3A_34 : memref<104x128xf32, #tpu.memory_space<hbm>>) target(%arg9 : memref<128x128xf32, #tpu.memory_space<vmem>>) offsets(%arg7 : memref<128xi32, #tpu.memory_space<vmem>>) semaphore(%arg11 : memref<!tpu.dma_semaphore, #tpu.memory_space<semaphore_mem>>)
    %while3A = arith.constant 0 : i32
    %while3A_35 = arith.constant 0 : i32
    %while3A_36 = arith.subi %select_n3A, %while3A_35 : i32
    %while3A_37 = arith.addi %while3A_35, %while3A_36 : i32
    %while3A_38 = arith.constant 1 : i32
    %while3A_39 = arith.divsi %while3A_36, %while3A_38 : i32
    %while3A_40 = arith.muli %while3A_39, %while3A_38 : i32
    %while3A_41 = arith.addi %while3A_35, %while3A_40 : i32
    %while3A_42 = arith.constant 1 : i32
    scf.for %while3A_48 = %while3A_35 to %while3A_41 step %while3A_42  : i32 {
      %mul3A_49 = arith.constant 2 : i32
      %mul3A_50 = arith.muli %mul3A_49, %while3A_48 : i32
      %add3A_51 = arith.constant 0 : i32
      %add3A_52 = arith.addi %mul3A_50, %add3A_51 : i32
      %add3A_53 = arith.constant 1 : i32
      %add3A_54 = arith.addi %add3A_52, %add3A_53 : i32
      %mul3A_55 = arith.constant 128 : i32
      %mul3A_56 = arith.muli %add3A_54, %mul3A_55 : i32
      %add3A_57 = arith.addi %select_n3A_8, %mul3A_56 : i32
      %gt3A = arith.constant 0 : i32
      %gt3A_58 = arith.cmpi sgt, %while3A_48, %gt3A : i32
      %convert_element_type3A = arith.extui %gt3A_58 : i1 to i32
      %cond3A = arith.constant 0 : i32
      %cond3A_59 = arith.cmpi ne, %convert_element_type3A, %cond3A : i32
      scf.if %cond3A_59 {
        %dma_wait3A_105 = arith.constant 0 : i32
        %dma_wait3A_106 = arith.constant 0 : i32
        %dma_wait3A_107 = tpu.memref_slice %arg6[%dma_wait3A_105, %dma_wait3A_106] : memref<10240x128xf32, #tpu.memory_space<vmem_shared>> -> memref<10240x128xf32, #tpu.memory_space<vmem_shared>>
        tpu.wait_indirect_dma semaphore(%arg18 : memref<!tpu.dma_semaphore, #tpu.memory_space<semaphore_mem>>) src(%arg15 : memref<128x128xf32, #tpu.memory_space<vmem>>) dst(%dma_wait3A_107 : memref<10240x128xf32, #tpu.memory_space<vmem_shared>>)
      } else {
      }
      %dma_start3A_60 = tpu.memref_slice %arg2[%add3A_57] : memref<327680xi32, #tpu.memory_space<hbm>> -> memref<128xi32, #tpu.memory_space<hbm>>
      %dma_start3A_61 = tpu.memref_slice %arg2[%add3A_57] : memref<327680xi32, #tpu.memory_space<hbm>> -> memref<128xi32, #tpu.memory_space<hbm>>
      tpu.enqueue_dma source(%dma_start3A_61 : memref<128xi32, #tpu.memory_space<hbm>>) target(%arg13 : memref<128xi32, #tpu.memory_space<vmem>>) target_semaphore(%arg16 : memref<!tpu.dma_semaphore, #tpu.memory_space<semaphore_mem>>)
      %dma_start3A_62 = tpu.memref_slice %arg3[%add3A_57] : memref<327680xi32, #tpu.memory_space<hbm>> -> memref<128xi32, #tpu.memory_space<hbm>>
      %dma_start3A_63 = tpu.memref_slice %arg3[%add3A_57] : memref<327680xi32, #tpu.memory_space<hbm>> -> memref<128xi32, #tpu.memory_space<hbm>>
      tpu.enqueue_dma source(%dma_start3A_63 : memref<128xi32, #tpu.memory_space<hbm>>) target(%arg14 : memref<128xi32, #tpu.memory_space<vmem>>) target_semaphore(%arg16 : memref<!tpu.dma_semaphore, #tpu.memory_space<semaphore_mem>>)
      %dma_wait3A_64 = arith.constant 0 : i32
      %dma_wait3A_65 = arith.constant 0 : i32
      %dma_wait3A_66 = tpu.memref_slice %arg4[%dma_wait3A_64, %dma_wait3A_65] : memref<104x128xf32, #tpu.memory_space<hbm>> -> memref<104x128xf32, #tpu.memory_space<hbm>>
      tpu.wait_indirect_dma semaphore(%arg11 : memref<!tpu.dma_semaphore, #tpu.memory_space<semaphore_mem>>) src(%dma_wait3A_66 : memref<104x128xf32, #tpu.memory_space<hbm>>) dst(%arg9 : memref<128x128xf32, #tpu.memory_space<vmem>>)
      %dma_wait3A_67 = tpu.memref_slice %arg2[%add3A_57] : memref<327680xi32, #tpu.memory_space<hbm>> -> memref<128xi32, #tpu.memory_space<hbm>>
      %dma_wait3A_68 = tpu.memref_slice %arg2[%add3A_57] : memref<327680xi32, #tpu.memory_space<hbm>> -> memref<128xi32, #tpu.memory_space<hbm>>
      tpu.wait_dma2 semaphore(%arg16 : memref<!tpu.dma_semaphore, #tpu.memory_space<semaphore_mem>>) src(%dma_wait3A_68 : memref<128xi32, #tpu.memory_space<hbm>>) dst(%arg13 : memref<128xi32, #tpu.memory_space<vmem>>)
      %dma_wait3A_69 = tpu.memref_slice %arg3[%add3A_57] : memref<327680xi32, #tpu.memory_space<hbm>> -> memref<128xi32, #tpu.memory_space<hbm>>
      %dma_wait3A_70 = tpu.memref_slice %arg3[%add3A_57] : memref<327680xi32, #tpu.memory_space<hbm>> -> memref<128xi32, #tpu.memory_space<hbm>>
      tpu.wait_dma2 semaphore(%arg16 : memref<!tpu.dma_semaphore, #tpu.memory_space<semaphore_mem>>) src(%dma_wait3A_70 : memref<128xi32, #tpu.memory_space<hbm>>) dst(%arg14 : memref<128xi32, #tpu.memory_space<vmem>>)
      %dma_start3A_71 = arith.constant 0 : i32
      %dma_start3A_72 = arith.constant 0 : i32
      %dma_start3A_73 = tpu.memref_slice %arg4[%dma_start3A_71, %dma_start3A_72] : memref<104x128xf32, #tpu.memory_space<hbm>> -> memref<104x128xf32, #tpu.memory_space<hbm>>
      tpu.enqueue_indirect_dma source(%dma_start3A_73 : memref<104x128xf32, #tpu.memory_space<hbm>>) target(%arg15 : memref<128x128xf32, #tpu.memory_space<vmem>>) offsets(%arg13 : memref<128xi32, #tpu.memory_space<vmem>>) semaphore(%arg17 : memref<!tpu.dma_semaphore, #tpu.memory_space<semaphore_mem>>)
      %dma_start3A_74 = arith.constant 0 : i32
      %dma_start3A_75 = arith.constant 0 : i32
      %dma_start3A_76 = tpu.memref_slice %arg6[%dma_start3A_74, %dma_start3A_75] : memref<10240x128xf32, #tpu.memory_space<vmem_shared>> -> memref<10240x128xf32, #tpu.memory_space<vmem_shared>>
      tpu.enqueue_indirect_dma source(%arg9 : memref<128x128xf32, #tpu.memory_space<vmem>>) target(%dma_start3A_76 : memref<10240x128xf32, #tpu.memory_space<vmem_shared>>) offsets(%arg8 : memref<128xi32, #tpu.memory_space<vmem>>) semaphore(%arg12 : memref<!tpu.dma_semaphore, #tpu.memory_space<semaphore_mem>>) {add = true}
      %mul3A_77 = arith.constant 2 : i32
      %mul3A_78 = arith.muli %mul3A_77, %while3A_48 : i32
      %add3A_79 = arith.constant 1 : i32
      %add3A_80 = arith.addi %mul3A_78, %add3A_79 : i32
      %add3A_81 = arith.constant 1 : i32
      %add3A_82 = arith.addi %add3A_80, %add3A_81 : i32
      %mul3A_83 = arith.constant 128 : i32
      %mul3A_84 = arith.muli %add3A_82, %mul3A_83 : i32
      %add3A_85 = arith.addi %select_n3A_8, %mul3A_84 : i32
      %dma_wait3A_86 = arith.constant 0 : i32
      %dma_wait3A_87 = arith.constant 0 : i32
      %dma_wait3A_88 = tpu.memref_slice %arg6[%dma_wait3A_86, %dma_wait3A_87] : memref<10240x128xf32, #tpu.memory_space<vmem_shared>> -> memref<10240x128xf32, #tpu.memory_space<vmem_shared>>
      tpu.wait_indirect_dma semaphore(%arg12 : memref<!tpu.dma_semaphore, #tpu.memory_space<semaphore_mem>>) src(%arg9 : memref<128x128xf32, #tpu.memory_space<vmem>>) dst(%dma_wait3A_88 : memref<10240x128xf32, #tpu.memory_space<vmem_shared>>)
      %sub3A = arith.constant 1 : i32
      %sub3A_89 = arith.subi %select_n3A, %sub3A : i32
      %lt3A = arith.cmpi slt, %while3A_48, %sub3A_89 : i32
      %convert_element_type3A_90 = arith.extui %lt3A : i1 to i32
      %cond3A_91 = arith.constant 0 : i32
      %cond3A_92 = arith.cmpi ne, %convert_element_type3A_90, %cond3A_91 : i32
      scf.if %cond3A_92 {
        %dma_start3A_105 = tpu.memref_slice %arg2[%add3A_85] : memref<327680xi32, #tpu.memory_space<hbm>> -> memref<128xi32, #tpu.memory_space<hbm>>
        %dma_start3A_106 = tpu.memref_slice %arg2[%add3A_85] : memref<327680xi32, #tpu.memory_space<hbm>> -> memref<128xi32, #tpu.memory_space<hbm>>
        tpu.enqueue_dma source(%dma_start3A_106 : memref<128xi32, #tpu.memory_space<hbm>>) target(%arg7 : memref<128xi32, #tpu.memory_space<vmem>>) target_semaphore(%arg10 : memref<!tpu.dma_semaphore, #tpu.memory_space<semaphore_mem>>)
        %dma_start3A_107 = tpu.memref_slice %arg3[%add3A_85] : memref<327680xi32, #tpu.memory_space<hbm>> -> memref<128xi32, #tpu.memory_space<hbm>>
        %dma_start3A_108 = tpu.memref_slice %arg3[%add3A_85] : memref<327680xi32, #tpu.memory_space<hbm>> -> memref<128xi32, #tpu.memory_space<hbm>>
        tpu.enqueue_dma source(%dma_start3A_108 : memref<128xi32, #tpu.memory_space<hbm>>) target(%arg8 : memref<128xi32, #tpu.memory_space<vmem>>) target_semaphore(%arg10 : memref<!tpu.dma_semaphore, #tpu.memory_space<semaphore_mem>>)
      } else {
      }
      %dma_wait3A_93 = arith.constant 0 : i32
      %dma_wait3A_94 = arith.constant 0 : i32
      %dma_wait3A_95 = tpu.memref_slice %arg4[%dma_wait3A_93, %dma_wait3A_94] : memref<104x128xf32, #tpu.memory_space<hbm>> -> memref<104x128xf32, #tpu.memory_space<hbm>>
      tpu.wait_indirect_dma semaphore(%arg17 : memref<!tpu.dma_semaphore, #tpu.memory_space<semaphore_mem>>) src(%dma_wait3A_95 : memref<104x128xf32, #tpu.memory_space<hbm>>) dst(%arg15 : memref<128x128xf32, #tpu.memory_space<vmem>>)
      %sub3A_96 = arith.constant 1 : i32
      %sub3A_97 = arith.subi %select_n3A, %sub3A_96 : i32
      %lt3A_98 = arith.cmpi slt, %while3A_48, %sub3A_97 : i32
      %convert_element_type3A_99 = arith.extui %lt3A_98 : i1 to i32
      %cond3A_100 = arith.constant 0 : i32
      %cond3A_101 = arith.cmpi ne, %convert_element_type3A_99, %cond3A_100 : i32
      scf.if %cond3A_101 {
        %dma_wait3A_105 = tpu.memref_slice %arg2[%add3A_85] : memref<327680xi32, #tpu.memory_space<hbm>> -> memref<128xi32, #tpu.memory_space<hbm>>
        %dma_wait3A_106 = tpu.memref_slice %arg2[%add3A_85] : memref<327680xi32, #tpu.memory_space<hbm>> -> memref<128xi32, #tpu.memory_space<hbm>>
        tpu.wait_dma2 semaphore(%arg10 : memref<!tpu.dma_semaphore, #tpu.memory_space<semaphore_mem>>) src(%dma_wait3A_106 : memref<128xi32, #tpu.memory_space<hbm>>) dst(%arg7 : memref<128xi32, #tpu.memory_space<vmem>>)
        %dma_wait3A_107 = tpu.memref_slice %arg3[%add3A_85] : memref<327680xi32, #tpu.memory_space<hbm>> -> memref<128xi32, #tpu.memory_space<hbm>>
        %dma_wait3A_108 = tpu.memref_slice %arg3[%add3A_85] : memref<327680xi32, #tpu.memory_space<hbm>> -> memref<128xi32, #tpu.memory_space<hbm>>
        tpu.wait_dma2 semaphore(%arg10 : memref<!tpu.dma_semaphore, #tpu.memory_space<semaphore_mem>>) src(%dma_wait3A_108 : memref<128xi32, #tpu.memory_space<hbm>>) dst(%arg8 : memref<128xi32, #tpu.memory_space<vmem>>)
        %dma_start3A_109 = arith.constant 0 : i32
        %dma_start3A_110 = arith.constant 0 : i32
        %dma_start3A_111 = tpu.memref_slice %arg4[%dma_start3A_109, %dma_start3A_110] : memref<104x128xf32, #tpu.memory_space<hbm>> -> memref<104x128xf32, #tpu.memory_space<hbm>>
        tpu.enqueue_indirect_dma source(%dma_start3A_111 : memref<104x128xf32, #tpu.memory_space<hbm>>) target(%arg9 : memref<128x128xf32, #tpu.memory_space<vmem>>) offsets(%arg7 : memref<128xi32, #tpu.memory_space<vmem>>) semaphore(%arg11 : memref<!tpu.dma_semaphore, #tpu.memory_space<semaphore_mem>>)
      } else {
      }
      %dma_start3A_102 = arith.constant 0 : i32
      %dma_start3A_103 = arith.constant 0 : i32
      %dma_start3A_104 = tpu.memref_slice %arg6[%dma_start3A_102, %dma_start3A_103] : memref<10240x128xf32, #tpu.memory_space<vmem_shared>> -> memref<10240x128xf32, #tpu.memory_space<vmem_shared>>
      tpu.enqueue_indirect_dma source(%arg15 : memref<128x128xf32, #tpu.memory_space<vmem>>) target(%dma_start3A_104 : memref<10240x128xf32, #tpu.memory_space<vmem_shared>>) offsets(%arg14 : memref<128xi32, #tpu.memory_space<vmem>>) semaphore(%arg18 : memref<!tpu.dma_semaphore, #tpu.memory_space<semaphore_mem>>) {add = true}
    }
    %while3A_43 = arith.constant 1 : i32
    scf.for %while3A_48 = %while3A_41 to %while3A_37 step %while3A_43  : i32 {
      %mul3A_49 = arith.constant 2 : i32
      %mul3A_50 = arith.muli %mul3A_49, %while3A_48 : i32
      %add3A_51 = arith.constant 0 : i32
      %add3A_52 = arith.addi %mul3A_50, %add3A_51 : i32
      %add3A_53 = arith.constant 1 : i32
      %add3A_54 = arith.addi %add3A_52, %add3A_53 : i32
      %mul3A_55 = arith.constant 128 : i32
      %mul3A_56 = arith.muli %add3A_54, %mul3A_55 : i32
      %add3A_57 = arith.addi %select_n3A_8, %mul3A_56 : i32
      %gt3A = arith.constant 0 : i32
      %gt3A_58 = arith.cmpi sgt, %while3A_48, %gt3A : i32
      %convert_element_type3A = arith.extui %gt3A_58 : i1 to i32
      %cond3A = arith.constant 0 : i32
      %cond3A_59 = arith.cmpi ne, %convert_element_type3A, %cond3A : i32
      scf.if %cond3A_59 {
        %dma_wait3A_105 = arith.constant 0 : i32
        %dma_wait3A_106 = arith.constant 0 : i32
        %dma_wait3A_107 = tpu.memref_slice %arg6[%dma_wait3A_105, %dma_wait3A_106] : memref<10240x128xf32, #tpu.memory_space<vmem_shared>> -> memref<10240x128xf32, #tpu.memory_space<vmem_shared>>
        tpu.wait_indirect_dma semaphore(%arg18 : memref<!tpu.dma_semaphore, #tpu.memory_space<semaphore_mem>>) src(%arg15 : memref<128x128xf32, #tpu.memory_space<vmem>>) dst(%dma_wait3A_107 : memref<10240x128xf32, #tpu.memory_space<vmem_shared>>)
      } else {
      }
      %dma_start3A_60 = tpu.memref_slice %arg2[%add3A_57] : memref<327680xi32, #tpu.memory_space<hbm>> -> memref<128xi32, #tpu.memory_space<hbm>>
      %dma_start3A_61 = tpu.memref_slice %arg2[%add3A_57] : memref<327680xi32, #tpu.memory_space<hbm>> -> memref<128xi32, #tpu.memory_space<hbm>>
      tpu.enqueue_dma source(%dma_start3A_61 : memref<128xi32, #tpu.memory_space<hbm>>) target(%arg13 : memref<128xi32, #tpu.memory_space<vmem>>) target_semaphore(%arg16 : memref<!tpu.dma_semaphore, #tpu.memory_space<semaphore_mem>>)
      %dma_start3A_62 = tpu.memref_slice %arg3[%add3A_57] : memref<327680xi32, #tpu.memory_space<hbm>> -> memref<128xi32, #tpu.memory_space<hbm>>
      %dma_start3A_63 = tpu.memref_slice %arg3[%add3A_57] : memref<327680xi32, #tpu.memory_space<hbm>> -> memref<128xi32, #tpu.memory_space<hbm>>
      tpu.enqueue_dma source(%dma_start3A_63 : memref<128xi32, #tpu.memory_space<hbm>>) target(%arg14 : memref<128xi32, #tpu.memory_space<vmem>>) target_semaphore(%arg16 : memref<!tpu.dma_semaphore, #tpu.memory_space<semaphore_mem>>)
      %dma_wait3A_64 = arith.constant 0 : i32
      %dma_wait3A_65 = arith.constant 0 : i32
      %dma_wait3A_66 = tpu.memref_slice %arg4[%dma_wait3A_64, %dma_wait3A_65] : memref<104x128xf32, #tpu.memory_space<hbm>> -> memref<104x128xf32, #tpu.memory_space<hbm>>
      tpu.wait_indirect_dma semaphore(%arg11 : memref<!tpu.dma_semaphore, #tpu.memory_space<semaphore_mem>>) src(%dma_wait3A_66 : memref<104x128xf32, #tpu.memory_space<hbm>>) dst(%arg9 : memref<128x128xf32, #tpu.memory_space<vmem>>)
      %dma_wait3A_67 = tpu.memref_slice %arg2[%add3A_57] : memref<327680xi32, #tpu.memory_space<hbm>> -> memref<128xi32, #tpu.memory_space<hbm>>
      %dma_wait3A_68 = tpu.memref_slice %arg2[%add3A_57] : memref<327680xi32, #tpu.memory_space<hbm>> -> memref<128xi32, #tpu.memory_space<hbm>>
      tpu.wait_dma2 semaphore(%arg16 : memref<!tpu.dma_semaphore, #tpu.memory_space<semaphore_mem>>) src(%dma_wait3A_68 : memref<128xi32, #tpu.memory_space<hbm>>) dst(%arg13 : memref<128xi32, #tpu.memory_space<vmem>>)
      %dma_wait3A_69 = tpu.memref_slice %arg3[%add3A_57] : memref<327680xi32, #tpu.memory_space<hbm>> -> memref<128xi32, #tpu.memory_space<hbm>>
      %dma_wait3A_70 = tpu.memref_slice %arg3[%add3A_57] : memref<327680xi32, #tpu.memory_space<hbm>> -> memref<128xi32, #tpu.memory_space<hbm>>
      tpu.wait_dma2 semaphore(%arg16 : memref<!tpu.dma_semaphore, #tpu.memory_space<semaphore_mem>>) src(%dma_wait3A_70 : memref<128xi32, #tpu.memory_space<hbm>>) dst(%arg14 : memref<128xi32, #tpu.memory_space<vmem>>)
      %dma_start3A_71 = arith.constant 0 : i32
      %dma_start3A_72 = arith.constant 0 : i32
      %dma_start3A_73 = tpu.memref_slice %arg4[%dma_start3A_71, %dma_start3A_72] : memref<104x128xf32, #tpu.memory_space<hbm>> -> memref<104x128xf32, #tpu.memory_space<hbm>>
      tpu.enqueue_indirect_dma source(%dma_start3A_73 : memref<104x128xf32, #tpu.memory_space<hbm>>) target(%arg15 : memref<128x128xf32, #tpu.memory_space<vmem>>) offsets(%arg13 : memref<128xi32, #tpu.memory_space<vmem>>) semaphore(%arg17 : memref<!tpu.dma_semaphore, #tpu.memory_space<semaphore_mem>>)
      %dma_start3A_74 = arith.constant 0 : i32
      %dma_start3A_75 = arith.constant 0 : i32
      %dma_start3A_76 = tpu.memref_slice %arg6[%dma_start3A_74, %dma_start3A_75] : memref<10240x128xf32, #tpu.memory_space<vmem_shared>> -> memref<10240x128xf32, #tpu.memory_space<vmem_shared>>
      tpu.enqueue_indirect_dma source(%arg9 : memref<128x128xf32, #tpu.memory_space<vmem>>) target(%dma_start3A_76 : memref<10240x128xf32, #tpu.memory_space<vmem_shared>>) offsets(%arg8 : memref<128xi32, #tpu.memory_space<vmem>>) semaphore(%arg12 : memref<!tpu.dma_semaphore, #tpu.memory_space<semaphore_mem>>) {add = true}
      %mul3A_77 = arith.constant 2 : i32
      %mul3A_78 = arith.muli %mul3A_77, %while3A_48 : i32
      %add3A_79 = arith.constant 1 : i32
      %add3A_80 = arith.addi %mul3A_78, %add3A_79 : i32
      %add3A_81 = arith.constant 1 : i32
      %add3A_82 = arith.addi %add3A_80, %add3A_81 : i32
      %mul3A_83 = arith.constant 128 : i32
      %mul3A_84 = arith.muli %add3A_82, %mul3A_83 : i32
      %add3A_85 = arith.addi %select_n3A_8, %mul3A_84 : i32
      %dma_wait3A_86 = arith.constant 0 : i32
      %dma_wait3A_87 = arith.constant 0 : i32
      %dma_wait3A_88 = tpu.memref_slice %arg6[%dma_wait3A_86, %dma_wait3A_87] : memref<10240x128xf32, #tpu.memory_space<vmem_shared>> -> memref<10240x128xf32, #tpu.memory_space<vmem_shared>>
      tpu.wait_indirect_dma semaphore(%arg12 : memref<!tpu.dma_semaphore, #tpu.memory_space<semaphore_mem>>) src(%arg9 : memref<128x128xf32, #tpu.memory_space<vmem>>) dst(%dma_wait3A_88 : memref<10240x128xf32, #tpu.memory_space<vmem_shared>>)
      %sub3A = arith.constant 1 : i32
      %sub3A_89 = arith.subi %select_n3A, %sub3A : i32
      %lt3A = arith.cmpi slt, %while3A_48, %sub3A_89 : i32
      %convert_element_type3A_90 = arith.extui %lt3A : i1 to i32
      %cond3A_91 = arith.constant 0 : i32
      %cond3A_92 = arith.cmpi ne, %convert_element_type3A_90, %cond3A_91 : i32
      scf.if %cond3A_92 {
        %dma_start3A_105 = tpu.memref_slice %arg2[%add3A_85] : memref<327680xi32, #tpu.memory_space<hbm>> -> memref<128xi32, #tpu.memory_space<hbm>>
        %dma_start3A_106 = tpu.memref_slice %arg2[%add3A_85] : memref<327680xi32, #tpu.memory_space<hbm>> -> memref<128xi32, #tpu.memory_space<hbm>>
        tpu.enqueue_dma source(%dma_start3A_106 : memref<128xi32, #tpu.memory_space<hbm>>) target(%arg7 : memref<128xi32, #tpu.memory_space<vmem>>) target_semaphore(%arg10 : memref<!tpu.dma_semaphore, #tpu.memory_space<semaphore_mem>>)
        %dma_start3A_107 = tpu.memref_slice %arg3[%add3A_85] : memref<327680xi32, #tpu.memory_space<hbm>> -> memref<128xi32, #tpu.memory_space<hbm>>
        %dma_start3A_108 = tpu.memref_slice %arg3[%add3A_85] : memref<327680xi32, #tpu.memory_space<hbm>> -> memref<128xi32, #tpu.memory_space<hbm>>
        tpu.enqueue_dma source(%dma_start3A_108 : memref<128xi32, #tpu.memory_space<hbm>>) target(%arg8 : memref<128xi32, #tpu.memory_space<vmem>>) target_semaphore(%arg10 : memref<!tpu.dma_semaphore, #tpu.memory_space<semaphore_mem>>)
      } else {
      }
      %dma_wait3A_93 = arith.constant 0 : i32
      %dma_wait3A_94 = arith.constant 0 : i32
      %dma_wait3A_95 = tpu.memref_slice %arg4[%dma_wait3A_93, %dma_wait3A_94] : memref<104x128xf32, #tpu.memory_space<hbm>> -> memref<104x128xf32, #tpu.memory_space<hbm>>
      tpu.wait_indirect_dma semaphore(%arg17 : memref<!tpu.dma_semaphore, #tpu.memory_space<semaphore_mem>>) src(%dma_wait3A_95 : memref<104x128xf32, #tpu.memory_space<hbm>>) dst(%arg15 : memref<128x128xf32, #tpu.memory_space<vmem>>)
      %sub3A_96 = arith.constant 1 : i32
      %sub3A_97 = arith.subi %select_n3A, %sub3A_96 : i32
      %lt3A_98 = arith.cmpi slt, %while3A_48, %sub3A_97 : i32
      %convert_element_type3A_99 = arith.extui %lt3A_98 : i1 to i32
      %cond3A_100 = arith.constant 0 : i32
      %cond3A_101 = arith.cmpi ne, %convert_element_type3A_99, %cond3A_100 : i32
      scf.if %cond3A_101 {
        %dma_wait3A_105 = tpu.memref_slice %arg2[%add3A_85] : memref<327680xi32, #tpu.memory_space<hbm>> -> memref<128xi32, #tpu.memory_space<hbm>>
        %dma_wait3A_106 = tpu.memref_slice %arg2[%add3A_85] : memref<327680xi32, #tpu.memory_space<hbm>> -> memref<128xi32, #tpu.memory_space<hbm>>
        tpu.wait_dma2 semaphore(%arg10 : memref<!tpu.dma_semaphore, #tpu.memory_space<semaphore_mem>>) src(%dma_wait3A_106 : memref<128xi32, #tpu.memory_space<hbm>>) dst(%arg7 : memref<128xi32, #tpu.memory_space<vmem>>)
        %dma_wait3A_107 = tpu.memref_slice %arg3[%add3A_85] : memref<327680xi32, #tpu.memory_space<hbm>> -> memref<128xi32, #tpu.memory_space<hbm>>
        %dma_wait3A_108 = tpu.memref_slice %arg3[%add3A_85] : memref<327680xi32, #tpu.memory_space<hbm>> -> memref<128xi32, #tpu.memory_space<hbm>>
        tpu.wait_dma2 semaphore(%arg10 : memref<!tpu.dma_semaphore, #tpu.memory_space<semaphore_mem>>) src(%dma_wait3A_108 : memref<128xi32, #tpu.memory_space<hbm>>) dst(%arg8 : memref<128xi32, #tpu.memory_space<vmem>>)
        %dma_start3A_109 = arith.constant 0 : i32
        %dma_start3A_110 = arith.constant 0 : i32
        %dma_start3A_111 = tpu.memref_slice %arg4[%dma_start3A_109, %dma_start3A_110] : memref<104x128xf32, #tpu.memory_space<hbm>> -> memref<104x128xf32, #tpu.memory_space<hbm>>
        tpu.enqueue_indirect_dma source(%dma_start3A_111 : memref<104x128xf32, #tpu.memory_space<hbm>>) target(%arg9 : memref<128x128xf32, #tpu.memory_space<vmem>>) offsets(%arg7 : memref<128xi32, #tpu.memory_space<vmem>>) semaphore(%arg11 : memref<!tpu.dma_semaphore, #tpu.memory_space<semaphore_mem>>)
      } else {
      }
      %dma_start3A_102 = arith.constant 0 : i32
      %dma_start3A_103 = arith.constant 0 : i32
      %dma_start3A_104 = tpu.memref_slice %arg6[%dma_start3A_102, %dma_start3A_103] : memref<10240x128xf32, #tpu.memory_space<vmem_shared>> -> memref<10240x128xf32, #tpu.memory_space<vmem_shared>>
      tpu.enqueue_indirect_dma source(%arg15 : memref<128x128xf32, #tpu.memory_space<vmem>>) target(%dma_start3A_104 : memref<10240x128xf32, #tpu.memory_space<vmem_shared>>) offsets(%arg14 : memref<128xi32, #tpu.memory_space<vmem>>) semaphore(%arg18 : memref<!tpu.dma_semaphore, #tpu.memory_space<semaphore_mem>>) {add = true}
    }
    %dma_wait3A_44 = arith.constant 0 : i32
    %dma_wait3A_45 = arith.constant 0 : i32
    %dma_wait3A_46 = tpu.memref_slice %arg6[%dma_wait3A_44, %dma_wait3A_45] : memref<10240x128xf32, #tpu.memory_space<vmem_shared>> -> memref<10240x128xf32, #tpu.memory_space<vmem_shared>>
    tpu.wait_indirect_dma semaphore(%arg18 : memref<!tpu.dma_semaphore, #tpu.memory_space<semaphore_mem>>) src(%arg15 : memref<128x128xf32, #tpu.memory_space<vmem>>) dst(%dma_wait3A_46 : memref<10240x128xf32, #tpu.memory_space<vmem_shared>>)
    %barrier3A_47 = arith.constant 0 : index
    tpu.barrier barrier_id(%barrier3A_47)
    "tpu.region"() ({
      %run_scoped3A = tpu.sem_alloc : memref<!tpu.dma_semaphore, #tpu.memory_space<semaphore_mem>>
      %dma_start3A_48 = arith.constant 0 : i32
      %dma_start3A_49 = tpu.memref_slice %arg5[%arg0, %mul3A_15, %dma_start3A_48] : memref<2x10240x128xf32, #tpu.memory_space<hbm>> -> memref<1x640x128xf32, #tpu.memory_space<hbm>>
      %dma_start3A_50 = tpu.memref_squeeze %dma_start3A_49 : memref<1x640x128xf32, #tpu.memory_space<hbm>> -> memref<640x128xf32, #tpu.memory_space<hbm>>
      %dma_start3A_51 = arith.constant 0 : i32
      %dma_start3A_52 = tpu.memref_slice %arg6[%mul3A_15, %dma_start3A_51] : memref<10240x128xf32, #tpu.memory_space<vmem_shared>> -> memref<640x128xf32, #tpu.memory_space<vmem_shared>>
      tpu.enqueue_dma source(%dma_start3A_52 : memref<640x128xf32, #tpu.memory_space<vmem_shared>>) target(%dma_start3A_50 : memref<640x128xf32, #tpu.memory_space<hbm>>) target_semaphore(%run_scoped3A : memref<!tpu.dma_semaphore, #tpu.memory_space<semaphore_mem>>)
      %dma_wait3A_53 = arith.constant 0 : i32
      %dma_wait3A_54 = tpu.memref_slice %arg5[%arg0, %mul3A_15, %dma_wait3A_53] : memref<2x10240x128xf32, #tpu.memory_space<hbm>> -> memref<1x640x128xf32, #tpu.memory_space<hbm>>
      %dma_wait3A_55 = tpu.memref_squeeze %dma_wait3A_54 : memref<1x640x128xf32, #tpu.memory_space<hbm>> -> memref<640x128xf32, #tpu.memory_space<hbm>>
      %dma_wait3A_56 = arith.constant 0 : i32
      %dma_wait3A_57 = tpu.memref_slice %arg6[%mul3A_15, %dma_wait3A_56] : memref<10240x128xf32, #tpu.memory_space<vmem_shared>> -> memref<640x128xf32, #tpu.memory_space<vmem_shared>>
      tpu.wait_dma2 semaphore(%run_scoped3A : memref<!tpu.dma_semaphore, #tpu.memory_space<semaphore_mem>>) src(%dma_wait3A_57 : memref<640x128xf32, #tpu.memory_space<vmem_shared>>) dst(%dma_wait3A_55 : memref<640x128xf32, #tpu.memory_space<hbm>>)
      tpu.yield
    }) : () -> ()
    return
  }
}

#map = affine_map<(d0, d1) -> (0)>
#map1 = affine_map<(d0, d1) -> (0, 0)>
#map2 = affine_map<(d0, d1) -> (0, 0, 0)>
module attributes {stable_mosaic.version = 14 : i64} {
  func.func @body(%arg0: i32, %arg1: i32, %arg2: memref<327680xi32, #tpu.memory_space<hbm>>, %arg3: memref<327680xi32, #tpu.memory_space<hbm>>, %arg4: memref<104x128xf32, #tpu.memory_space<hbm>>, %arg5: memref<327680xi32, #tpu.memory_space<hbm>>, %arg6: memref<10240x128xf32, #tpu.memory_space<hbm>>, %arg7: memref<2x10240x128xf32, #tpu.memory_space<hbm>>, %arg8: memref<10240x128xf32, #tpu.memory_space<vmem_shared>>, %arg9: memref<80xi32, #tpu.memory_space<vmem>>, %arg10: memref<80xi32, #tpu.memory_space<vmem>>, %arg11: memref<80x128xf32, #tpu.memory_space<vmem>>, %arg12: memref<!tpu.dma_semaphore, #tpu.memory_space<semaphore_mem>>, %arg13: memref<!tpu.dma_semaphore, #tpu.memory_space<semaphore_mem>>, %arg14: memref<!tpu.dma_semaphore, #tpu.memory_space<semaphore_mem>>, %arg15: memref<80xi32, #tpu.memory_space<vmem>>, %arg16: memref<80x128xf32, #tpu.memory_space<vmem>>, %arg17: memref<!tpu.dma_semaphore, #tpu.memory_space<semaphore_mem>>, %arg18: memref<80xi32, #tpu.memory_space<vmem>>, %arg19: memref<80xi32, #tpu.memory_space<vmem>>, %arg20: memref<80x128xf32, #tpu.memory_space<vmem>>, %arg21: memref<!tpu.dma_semaphore, #tpu.memory_space<semaphore_mem>>, %arg22: memref<!tpu.dma_semaphore, #tpu.memory_space<semaphore_mem>>, %arg23: memref<!tpu.dma_semaphore, #tpu.memory_space<semaphore_mem>>, %arg24: memref<80xi32, #tpu.memory_space<vmem>>, %arg25: memref<80x128xf32, #tpu.memory_space<vmem>>, %arg26: memref<!tpu.dma_semaphore, #tpu.memory_space<semaphore_mem>>) attributes {dimension_semantics = [#tpu.dimension_semantics<core_parallel>, #tpu.dimension_semantics<subcore_parallel>], iteration_bounds = array<i64: 2, 16>, scalar_prefetch = 0 : i64, scratch_operands = 19 : i64, tpu.core_type = #tpu.core_type<sc_vector_subcore>, window_params = [{transform_indices = #map}, {transform_indices = #map}, {transform_indices = #map1}, {transform_indices = #map}, {transform_indices = #map1}, {transform_indices = #map2}]} {
    %eq3A = arith.constant 0 : i32
    %eq3A_0 = arith.cmpi eq, %arg0, %eq3A : i32
    %jit3A = arith.constant 100 : i32
    %jit3A_1 = arith.constant 28 : i32
    %select_n3A = arith.select %eq3A_0, %jit3A, %jit3A_1 : i32
    %eq3A_2 = arith.constant 0 : i32
    %eq3A_3 = arith.cmpi eq, %arg0, %eq3A_2 : i32
    %mul3A = arith.constant 16000 : i32
    %mul3A_4 = arith.muli %arg1, %mul3A : i32
    %mul3A_5 = arith.constant 4480 : i32
    %mul3A_6 = arith.muli %arg1, %mul3A_5 : i32
    %add3A = arith.constant 256000 : i32
    %add3A_7 = arith.addi %add3A, %mul3A_6 : i32
    %select_n3A_8 = arith.select %eq3A_3, %mul3A_4, %add3A_7 : i32
    %scan3A = arith.constant 0 : i32
    %scan3A_9 = arith.constant 0 : i32
    %scan3A_10 = arith.constant 80 : i32
    %scan3A_11 = arith.addi %scan3A_9, %scan3A_10 : i32
    %scan3A_12 = arith.constant 1 : i32
    scf.for %scan3A_61 = %scan3A_9 to %scan3A_11 step %scan3A_12  : i32 {
      %broadcast_in_dim3A = arith.constant 0.000000e+00 : f32
      %broadcast_in_dim3A_62 = vector.broadcast %broadcast_in_dim3A : f32 to vector<16xf32>
      %swap3A = arith.index_cast %scan3A_61 : i32 to index
      %swap3A_63 = arith.constant 0 : index
      %swap3A_64 = tpu.vector_load %arg11[%swap3A, %swap3A_63] {strides = array<i32>} : memref<80x128xf32, #tpu.memory_space<vmem>>, vector<1x16xf32>,
      %swap3A_65 = vector.shape_cast %swap3A_64 : vector<1x16xf32> to vector<16xf32>
      %swap3A_66 = vector.shape_cast %broadcast_in_dim3A_62 : vector<16xf32> to vector<1x16xf32>
      tpu.vector_store %arg11[%swap3A, %swap3A_63], %swap3A_66 {strides = array<i32>} : memref<80x128xf32, #tpu.memory_space<vmem>>, vector<1x16xf32>,
      %broadcast_in_dim3A_67 = arith.constant 0.000000e+00 : f32
      %broadcast_in_dim3A_68 = vector.broadcast %broadcast_in_dim3A_67 : f32 to vector<16xf32>
      %swap3A_69 = arith.index_cast %scan3A_61 : i32 to index
      %swap3A_70 = arith.constant 16 : index
      %swap3A_71 = tpu.vector_load %arg11[%swap3A_69, %swap3A_70] {strides = array<i32>} : memref<80x128xf32, #tpu.memory_space<vmem>>, vector<1x16xf32>,
      %swap3A_72 = vector.shape_cast %swap3A_71 : vector<1x16xf32> to vector<16xf32>
      %swap3A_73 = vector.shape_cast %broadcast_in_dim3A_68 : vector<16xf32> to vector<1x16xf32>
      tpu.vector_store %arg11[%swap3A_69, %swap3A_70], %swap3A_73 {strides = array<i32>} : memref<80x128xf32, #tpu.memory_space<vmem>>, vector<1x16xf32>,
      %broadcast_in_dim3A_74 = arith.constant 0.000000e+00 : f32
      %broadcast_in_dim3A_75 = vector.broadcast %broadcast_in_dim3A_74 : f32 to vector<16xf32>
      %swap3A_76 = arith.index_cast %scan3A_61 : i32 to index
      %swap3A_77 = arith.constant 32 : index
      %swap3A_78 = tpu.vector_load %arg11[%swap3A_76, %swap3A_77] {strides = array<i32>} : memref<80x128xf32, #tpu.memory_space<vmem>>, vector<1x16xf32>,
      %swap3A_79 = vector.shape_cast %swap3A_78 : vector<1x16xf32> to vector<16xf32>
      %swap3A_80 = vector.shape_cast %broadcast_in_dim3A_75 : vector<16xf32> to vector<1x16xf32>
      tpu.vector_store %arg11[%swap3A_76, %swap3A_77], %swap3A_80 {strides = array<i32>} : memref<80x128xf32, #tpu.memory_space<vmem>>, vector<1x16xf32>,
      %broadcast_in_dim3A_81 = arith.constant 0.000000e+00 : f32
      %broadcast_in_dim3A_82 = vector.broadcast %broadcast_in_dim3A_81 : f32 to vector<16xf32>
      %swap3A_83 = arith.index_cast %scan3A_61 : i32 to index
      %swap3A_84 = arith.constant 48 : index
      %swap3A_85 = tpu.vector_load %arg11[%swap3A_83, %swap3A_84] {strides = array<i32>} : memref<80x128xf32, #tpu.memory_space<vmem>>, vector<1x16xf32>,
      %swap3A_86 = vector.shape_cast %swap3A_85 : vector<1x16xf32> to vector<16xf32>
      %swap3A_87 = vector.shape_cast %broadcast_in_dim3A_82 : vector<16xf32> to vector<1x16xf32>
      tpu.vector_store %arg11[%swap3A_83, %swap3A_84], %swap3A_87 {strides = array<i32>} : memref<80x128xf32, #tpu.memory_space<vmem>>, vector<1x16xf32>,
      %broadcast_in_dim3A_88 = arith.constant 0.000000e+00 : f32
      %broadcast_in_dim3A_89 = vector.broadcast %broadcast_in_dim3A_88 : f32 to vector<16xf32>
      %swap3A_90 = arith.index_cast %scan3A_61 : i32 to index
      %swap3A_91 = arith.constant 64 : index
      %swap3A_92 = tpu.vector_load %arg11[%swap3A_90, %swap3A_91] {strides = array<i32>} : memref<80x128xf32, #tpu.memory_space<vmem>>, vector<1x16xf32>,
      %swap3A_93 = vector.shape_cast %swap3A_92 : vector<1x16xf32> to vector<16xf32>
      %swap3A_94 = vector.shape_cast %broadcast_in_dim3A_89 : vector<16xf32> to vector<1x16xf32>
      tpu.vector_store %arg11[%swap3A_90, %swap3A_91], %swap3A_94 {strides = array<i32>} : memref<80x128xf32, #tpu.memory_space<vmem>>, vector<1x16xf32>,
      %broadcast_in_dim3A_95 = arith.constant 0.000000e+00 : f32
      %broadcast_in_dim3A_96 = vector.broadcast %broadcast_in_dim3A_95 : f32 to vector<16xf32>
      %swap3A_97 = arith.index_cast %scan3A_61 : i32 to index
      %swap3A_98 = arith.constant 80 : index
      %swap3A_99 = tpu.vector_load %arg11[%swap3A_97, %swap3A_98] {strides = array<i32>} : memref<80x128xf32, #tpu.memory_space<vmem>>, vector<1x16xf32>,
      %swap3A_100 = vector.shape_cast %swap3A_99 : vector<1x16xf32> to vector<16xf32>
      %swap3A_101 = vector.shape_cast %broadcast_in_dim3A_96 : vector<16xf32> to vector<1x16xf32>
      tpu.vector_store %arg11[%swap3A_97, %swap3A_98], %swap3A_101 {strides = array<i32>} : memref<80x128xf32, #tpu.memory_space<vmem>>, vector<1x16xf32>,
      %broadcast_in_dim3A_102 = arith.constant 0.000000e+00 : f32
      %broadcast_in_dim3A_103 = vector.broadcast %broadcast_in_dim3A_102 : f32 to vector<16xf32>
      %swap3A_104 = arith.index_cast %scan3A_61 : i32 to index
      %swap3A_105 = arith.constant 96 : index
      %swap3A_106 = tpu.vector_load %arg11[%swap3A_104, %swap3A_105] {strides = array<i32>} : memref<80x128xf32, #tpu.memory_space<vmem>>, vector<1x16xf32>,
      %swap3A_107 = vector.shape_cast %swap3A_106 : vector<1x16xf32> to vector<16xf32>
      %swap3A_108 = vector.shape_cast %broadcast_in_dim3A_103 : vector<16xf32> to vector<1x16xf32>
      tpu.vector_store %arg11[%swap3A_104, %swap3A_105], %swap3A_108 {strides = array<i32>} : memref<80x128xf32, #tpu.memory_space<vmem>>, vector<1x16xf32>,
      %broadcast_in_dim3A_109 = arith.constant 0.000000e+00 : f32
      %broadcast_in_dim3A_110 = vector.broadcast %broadcast_in_dim3A_109 : f32 to vector<16xf32>
      %swap3A_111 = arith.index_cast %scan3A_61 : i32 to index
      %swap3A_112 = arith.constant 112 : index
      %swap3A_113 = tpu.vector_load %arg11[%swap3A_111, %swap3A_112] {strides = array<i32>} : memref<80x128xf32, #tpu.memory_space<vmem>>, vector<1x16xf32>,
      %swap3A_114 = vector.shape_cast %swap3A_113 : vector<1x16xf32> to vector<16xf32>
      %swap3A_115 = vector.shape_cast %broadcast_in_dim3A_110 : vector<16xf32> to vector<1x16xf32>
      tpu.vector_store %arg11[%swap3A_111, %swap3A_112], %swap3A_115 {strides = array<i32>} : memref<80x128xf32, #tpu.memory_space<vmem>>, vector<1x16xf32>,
    }
    %scan3A_13 = arith.constant 80 : i32
    %mul3A_14 = arith.constant 640 : i32
    %mul3A_15 = arith.muli %arg1, %mul3A_14 : i32
    %add3A_16 = arith.constant 0 : i32
    %add3A_17 = arith.addi %mul3A_15, %add3A_16 : i32
    "tpu.region"() ({
      %run_scoped3A = tpu.sem_alloc : memref<!tpu.dma_semaphore, #tpu.memory_space<semaphore_mem>>
      %dma_start3A_61 = arith.constant 0 : i32
      %dma_start3A_62 = tpu.memref_slice %arg8[%add3A_17, %dma_start3A_61] : memref<10240x128xf32, #tpu.memory_space<vmem_shared>> -> memref<80x128xf32, #tpu.memory_space<vmem_shared>>
      %dma_start3A_63 = arith.constant 0 : i32
      %dma_start3A_64 = tpu.memref_slice %arg8[%add3A_17, %dma_start3A_63] : memref<10240x128xf32, #tpu.memory_space<vmem_shared>> -> memref<80x128xf32, #tpu.memory_space<vmem_shared>>
      tpu.enqueue_dma source(%arg11 : memref<80x128xf32, #tpu.memory_space<vmem>>) target(%dma_start3A_64 : memref<80x128xf32, #tpu.memory_space<vmem_shared>>) target_semaphore(%run_scoped3A : memref<!tpu.dma_semaphore, #tpu.memory_space<semaphore_mem>>)
      %dma_wait3A_65 = arith.constant 0 : i32
      %dma_wait3A_66 = tpu.memref_slice %arg8[%add3A_17, %dma_wait3A_65] : memref<10240x128xf32, #tpu.memory_space<vmem_shared>> -> memref<80x128xf32, #tpu.memory_space<vmem_shared>>
      %dma_wait3A_67 = arith.constant 0 : i32
      %dma_wait3A_68 = tpu.memref_slice %arg8[%add3A_17, %dma_wait3A_67] : memref<10240x128xf32, #tpu.memory_space<vmem_shared>> -> memref<80x128xf32, #tpu.memory_space<vmem_shared>>
      tpu.wait_dma2 semaphore(%run_scoped3A : memref<!tpu.dma_semaphore, #tpu.memory_space<semaphore_mem>>) src(%arg11 : memref<80x128xf32, #tpu.memory_space<vmem>>) dst(%dma_wait3A_68 : memref<80x128xf32, #tpu.memory_space<vmem_shared>>)
      tpu.yield
    }) : () -> ()
    %add3A_18 = arith.constant 80 : i32
    %add3A_19 = arith.addi %mul3A_15, %add3A_18 : i32
    "tpu.region"() ({
      %run_scoped3A = tpu.sem_alloc : memref<!tpu.dma_semaphore, #tpu.memory_space<semaphore_mem>>
      %dma_start3A_61 = arith.constant 0 : i32
      %dma_start3A_62 = tpu.memref_slice %arg8[%add3A_19, %dma_start3A_61] : memref<10240x128xf32, #tpu.memory_space<vmem_shared>> -> memref<80x128xf32, #tpu.memory_space<vmem_shared>>
      %dma_start3A_63 = arith.constant 0 : i32
      %dma_start3A_64 = tpu.memref_slice %arg8[%add3A_19, %dma_start3A_63] : memref<10240x128xf32, #tpu.memory_space<vmem_shared>> -> memref<80x128xf32, #tpu.memory_space<vmem_shared>>
      tpu.enqueue_dma source(%arg11 : memref<80x128xf32, #tpu.memory_space<vmem>>) target(%dma_start3A_64 : memref<80x128xf32, #tpu.memory_space<vmem_shared>>) target_semaphore(%run_scoped3A : memref<!tpu.dma_semaphore, #tpu.memory_space<semaphore_mem>>)
      %dma_wait3A_65 = arith.constant 0 : i32
      %dma_wait3A_66 = tpu.memref_slice %arg8[%add3A_19, %dma_wait3A_65] : memref<10240x128xf32, #tpu.memory_space<vmem_shared>> -> memref<80x128xf32, #tpu.memory_space<vmem_shared>>
      %dma_wait3A_67 = arith.constant 0 : i32
      %dma_wait3A_68 = tpu.memref_slice %arg8[%add3A_19, %dma_wait3A_67] : memref<10240x128xf32, #tpu.memory_space<vmem_shared>> -> memref<80x128xf32, #tpu.memory_space<vmem_shared>>
      tpu.wait_dma2 semaphore(%run_scoped3A : memref<!tpu.dma_semaphore, #tpu.memory_space<semaphore_mem>>) src(%arg11 : memref<80x128xf32, #tpu.memory_space<vmem>>) dst(%dma_wait3A_68 : memref<80x128xf32, #tpu.memory_space<vmem_shared>>)
      tpu.yield
    }) : () -> ()
    %add3A_20 = arith.constant 160 : i32
    %add3A_21 = arith.addi %mul3A_15, %add3A_20 : i32
    "tpu.region"() ({
      %run_scoped3A = tpu.sem_alloc : memref<!tpu.dma_semaphore, #tpu.memory_space<semaphore_mem>>
      %dma_start3A_61 = arith.constant 0 : i32
      %dma_start3A_62 = tpu.memref_slice %arg8[%add3A_21, %dma_start3A_61] : memref<10240x128xf32, #tpu.memory_space<vmem_shared>> -> memref<80x128xf32, #tpu.memory_space<vmem_shared>>
      %dma_start3A_63 = arith.constant 0 : i32
      %dma_start3A_64 = tpu.memref_slice %arg8[%add3A_21, %dma_start3A_63] : memref<10240x128xf32, #tpu.memory_space<vmem_shared>> -> memref<80x128xf32, #tpu.memory_space<vmem_shared>>
      tpu.enqueue_dma source(%arg11 : memref<80x128xf32, #tpu.memory_space<vmem>>) target(%dma_start3A_64 : memref<80x128xf32, #tpu.memory_space<vmem_shared>>) target_semaphore(%run_scoped3A : memref<!tpu.dma_semaphore, #tpu.memory_space<semaphore_mem>>)
      %dma_wait3A_65 = arith.constant 0 : i32
      %dma_wait3A_66 = tpu.memref_slice %arg8[%add3A_21, %dma_wait3A_65] : memref<10240x128xf32, #tpu.memory_space<vmem_shared>> -> memref<80x128xf32, #tpu.memory_space<vmem_shared>>
      %dma_wait3A_67 = arith.constant 0 : i32
      %dma_wait3A_68 = tpu.memref_slice %arg8[%add3A_21, %dma_wait3A_67] : memref<10240x128xf32, #tpu.memory_space<vmem_shared>> -> memref<80x128xf32, #tpu.memory_space<vmem_shared>>
      tpu.wait_dma2 semaphore(%run_scoped3A : memref<!tpu.dma_semaphore, #tpu.memory_space<semaphore_mem>>) src(%arg11 : memref<80x128xf32, #tpu.memory_space<vmem>>) dst(%dma_wait3A_68 : memref<80x128xf32, #tpu.memory_space<vmem_shared>>)
      tpu.yield
    }) : () -> ()
    %add3A_22 = arith.constant 240 : i32
    %add3A_23 = arith.addi %mul3A_15, %add3A_22 : i32
    "tpu.region"() ({
      %run_scoped3A = tpu.sem_alloc : memref<!tpu.dma_semaphore, #tpu.memory_space<semaphore_mem>>
      %dma_start3A_61 = arith.constant 0 : i32
      %dma_start3A_62 = tpu.memref_slice %arg8[%add3A_23, %dma_start3A_61] : memref<10240x128xf32, #tpu.memory_space<vmem_shared>> -> memref<80x128xf32, #tpu.memory_space<vmem_shared>>
      %dma_start3A_63 = arith.constant 0 : i32
      %dma_start3A_64 = tpu.memref_slice %arg8[%add3A_23, %dma_start3A_63] : memref<10240x128xf32, #tpu.memory_space<vmem_shared>> -> memref<80x128xf32, #tpu.memory_space<vmem_shared>>
      tpu.enqueue_dma source(%arg11 : memref<80x128xf32, #tpu.memory_space<vmem>>) target(%dma_start3A_64 : memref<80x128xf32, #tpu.memory_space<vmem_shared>>) target_semaphore(%run_scoped3A : memref<!tpu.dma_semaphore, #tpu.memory_space<semaphore_mem>>)
      %dma_wait3A_65 = arith.constant 0 : i32
      %dma_wait3A_66 = tpu.memref_slice %arg8[%add3A_23, %dma_wait3A_65] : memref<10240x128xf32, #tpu.memory_space<vmem_shared>> -> memref<80x128xf32, #tpu.memory_space<vmem_shared>>
      %dma_wait3A_67 = arith.constant 0 : i32
      %dma_wait3A_68 = tpu.memref_slice %arg8[%add3A_23, %dma_wait3A_67] : memref<10240x128xf32, #tpu.memory_space<vmem_shared>> -> memref<80x128xf32, #tpu.memory_space<vmem_shared>>
      tpu.wait_dma2 semaphore(%run_scoped3A : memref<!tpu.dma_semaphore, #tpu.memory_space<semaphore_mem>>) src(%arg11 : memref<80x128xf32, #tpu.memory_space<vmem>>) dst(%dma_wait3A_68 : memref<80x128xf32, #tpu.memory_space<vmem_shared>>)
      tpu.yield
    }) : () -> ()
    %add3A_24 = arith.constant 320 : i32
    %add3A_25 = arith.addi %mul3A_15, %add3A_24 : i32
    "tpu.region"() ({
      %run_scoped3A = tpu.sem_alloc : memref<!tpu.dma_semaphore, #tpu.memory_space<semaphore_mem>>
      %dma_start3A_61 = arith.constant 0 : i32
      %dma_start3A_62 = tpu.memref_slice %arg8[%add3A_25, %dma_start3A_61] : memref<10240x128xf32, #tpu.memory_space<vmem_shared>> -> memref<80x128xf32, #tpu.memory_space<vmem_shared>>
      %dma_start3A_63 = arith.constant 0 : i32
      %dma_start3A_64 = tpu.memref_slice %arg8[%add3A_25, %dma_start3A_63] : memref<10240x128xf32, #tpu.memory_space<vmem_shared>> -> memref<80x128xf32, #tpu.memory_space<vmem_shared>>
      tpu.enqueue_dma source(%arg11 : memref<80x128xf32, #tpu.memory_space<vmem>>) target(%dma_start3A_64 : memref<80x128xf32, #tpu.memory_space<vmem_shared>>) target_semaphore(%run_scoped3A : memref<!tpu.dma_semaphore, #tpu.memory_space<semaphore_mem>>)
      %dma_wait3A_65 = arith.constant 0 : i32
      %dma_wait3A_66 = tpu.memref_slice %arg8[%add3A_25, %dma_wait3A_65] : memref<10240x128xf32, #tpu.memory_space<vmem_shared>> -> memref<80x128xf32, #tpu.memory_space<vmem_shared>>
      %dma_wait3A_67 = arith.constant 0 : i32
      %dma_wait3A_68 = tpu.memref_slice %arg8[%add3A_25, %dma_wait3A_67] : memref<10240x128xf32, #tpu.memory_space<vmem_shared>> -> memref<80x128xf32, #tpu.memory_space<vmem_shared>>
      tpu.wait_dma2 semaphore(%run_scoped3A : memref<!tpu.dma_semaphore, #tpu.memory_space<semaphore_mem>>) src(%arg11 : memref<80x128xf32, #tpu.memory_space<vmem>>) dst(%dma_wait3A_68 : memref<80x128xf32, #tpu.memory_space<vmem_shared>>)
      tpu.yield
    }) : () -> ()
    %add3A_26 = arith.constant 400 : i32
    %add3A_27 = arith.addi %mul3A_15, %add3A_26 : i32
    "tpu.region"() ({
      %run_scoped3A = tpu.sem_alloc : memref<!tpu.dma_semaphore, #tpu.memory_space<semaphore_mem>>
      %dma_start3A_61 = arith.constant 0 : i32
      %dma_start3A_62 = tpu.memref_slice %arg8[%add3A_27, %dma_start3A_61] : memref<10240x128xf32, #tpu.memory_space<vmem_shared>> -> memref<80x128xf32, #tpu.memory_space<vmem_shared>>
      %dma_start3A_63 = arith.constant 0 : i32
      %dma_start3A_64 = tpu.memref_slice %arg8[%add3A_27, %dma_start3A_63] : memref<10240x128xf32, #tpu.memory_space<vmem_shared>> -> memref<80x128xf32, #tpu.memory_space<vmem_shared>>
      tpu.enqueue_dma source(%arg11 : memref<80x128xf32, #tpu.memory_space<vmem>>) target(%dma_start3A_64 : memref<80x128xf32, #tpu.memory_space<vmem_shared>>) target_semaphore(%run_scoped3A : memref<!tpu.dma_semaphore, #tpu.memory_space<semaphore_mem>>)
      %dma_wait3A_65 = arith.constant 0 : i32
      %dma_wait3A_66 = tpu.memref_slice %arg8[%add3A_27, %dma_wait3A_65] : memref<10240x128xf32, #tpu.memory_space<vmem_shared>> -> memref<80x128xf32, #tpu.memory_space<vmem_shared>>
      %dma_wait3A_67 = arith.constant 0 : i32
      %dma_wait3A_68 = tpu.memref_slice %arg8[%add3A_27, %dma_wait3A_67] : memref<10240x128xf32, #tpu.memory_space<vmem_shared>> -> memref<80x128xf32, #tpu.memory_space<vmem_shared>>
      tpu.wait_dma2 semaphore(%run_scoped3A : memref<!tpu.dma_semaphore, #tpu.memory_space<semaphore_mem>>) src(%arg11 : memref<80x128xf32, #tpu.memory_space<vmem>>) dst(%dma_wait3A_68 : memref<80x128xf32, #tpu.memory_space<vmem_shared>>)
      tpu.yield
    }) : () -> ()
    %add3A_28 = arith.constant 480 : i32
    %add3A_29 = arith.addi %mul3A_15, %add3A_28 : i32
    "tpu.region"() ({
      %run_scoped3A = tpu.sem_alloc : memref<!tpu.dma_semaphore, #tpu.memory_space<semaphore_mem>>
      %dma_start3A_61 = arith.constant 0 : i32
      %dma_start3A_62 = tpu.memref_slice %arg8[%add3A_29, %dma_start3A_61] : memref<10240x128xf32, #tpu.memory_space<vmem_shared>> -> memref<80x128xf32, #tpu.memory_space<vmem_shared>>
      %dma_start3A_63 = arith.constant 0 : i32
      %dma_start3A_64 = tpu.memref_slice %arg8[%add3A_29, %dma_start3A_63] : memref<10240x128xf32, #tpu.memory_space<vmem_shared>> -> memref<80x128xf32, #tpu.memory_space<vmem_shared>>
      tpu.enqueue_dma source(%arg11 : memref<80x128xf32, #tpu.memory_space<vmem>>) target(%dma_start3A_64 : memref<80x128xf32, #tpu.memory_space<vmem_shared>>) target_semaphore(%run_scoped3A : memref<!tpu.dma_semaphore, #tpu.memory_space<semaphore_mem>>)
      %dma_wait3A_65 = arith.constant 0 : i32
      %dma_wait3A_66 = tpu.memref_slice %arg8[%add3A_29, %dma_wait3A_65] : memref<10240x128xf32, #tpu.memory_space<vmem_shared>> -> memref<80x128xf32, #tpu.memory_space<vmem_shared>>
      %dma_wait3A_67 = arith.constant 0 : i32
      %dma_wait3A_68 = tpu.memref_slice %arg8[%add3A_29, %dma_wait3A_67] : memref<10240x128xf32, #tpu.memory_space<vmem_shared>> -> memref<80x128xf32, #tpu.memory_space<vmem_shared>>
      tpu.wait_dma2 semaphore(%run_scoped3A : memref<!tpu.dma_semaphore, #tpu.memory_space<semaphore_mem>>) src(%arg11 : memref<80x128xf32, #tpu.memory_space<vmem>>) dst(%dma_wait3A_68 : memref<80x128xf32, #tpu.memory_space<vmem_shared>>)
      tpu.yield
    }) : () -> ()
    %add3A_30 = arith.constant 560 : i32
    %add3A_31 = arith.addi %mul3A_15, %add3A_30 : i32
    "tpu.region"() ({
      %run_scoped3A = tpu.sem_alloc : memref<!tpu.dma_semaphore, #tpu.memory_space<semaphore_mem>>
      %dma_start3A_61 = arith.constant 0 : i32
      %dma_start3A_62 = tpu.memref_slice %arg8[%add3A_31, %dma_start3A_61] : memref<10240x128xf32, #tpu.memory_space<vmem_shared>> -> memref<80x128xf32, #tpu.memory_space<vmem_shared>>
      %dma_start3A_63 = arith.constant 0 : i32
      %dma_start3A_64 = tpu.memref_slice %arg8[%add3A_31, %dma_start3A_63] : memref<10240x128xf32, #tpu.memory_space<vmem_shared>> -> memref<80x128xf32, #tpu.memory_space<vmem_shared>>
      tpu.enqueue_dma source(%arg11 : memref<80x128xf32, #tpu.memory_space<vmem>>) target(%dma_start3A_64 : memref<80x128xf32, #tpu.memory_space<vmem_shared>>) target_semaphore(%run_scoped3A : memref<!tpu.dma_semaphore, #tpu.memory_space<semaphore_mem>>)
      %dma_wait3A_65 = arith.constant 0 : i32
      %dma_wait3A_66 = tpu.memref_slice %arg8[%add3A_31, %dma_wait3A_65] : memref<10240x128xf32, #tpu.memory_space<vmem_shared>> -> memref<80x128xf32, #tpu.memory_space<vmem_shared>>
      %dma_wait3A_67 = arith.constant 0 : i32
      %dma_wait3A_68 = tpu.memref_slice %arg8[%add3A_31, %dma_wait3A_67] : memref<10240x128xf32, #tpu.memory_space<vmem_shared>> -> memref<80x128xf32, #tpu.memory_space<vmem_shared>>
      tpu.wait_dma2 semaphore(%run_scoped3A : memref<!tpu.dma_semaphore, #tpu.memory_space<semaphore_mem>>) src(%arg11 : memref<80x128xf32, #tpu.memory_space<vmem>>) dst(%dma_wait3A_68 : memref<80x128xf32, #tpu.memory_space<vmem_shared>>)
      tpu.yield
    }) : () -> ()
    %barrier3A = arith.constant 0 : index
    tpu.barrier barrier_id(%barrier3A)
    %dma_start3A = tpu.memref_slice %arg2[%select_n3A_8] : memref<327680xi32, #tpu.memory_space<hbm>> -> memref<80xi32, #tpu.memory_space<hbm>>
    %dma_start3A_32 = tpu.memref_slice %arg2[%select_n3A_8] : memref<327680xi32, #tpu.memory_space<hbm>> -> memref<80xi32, #tpu.memory_space<hbm>>
    tpu.enqueue_dma source(%dma_start3A_32 : memref<80xi32, #tpu.memory_space<hbm>>) target(%arg9 : memref<80xi32, #tpu.memory_space<vmem>>) target_semaphore(%arg12 : memref<!tpu.dma_semaphore, #tpu.memory_space<semaphore_mem>>)
    %dma_start3A_33 = tpu.memref_slice %arg3[%select_n3A_8] : memref<327680xi32, #tpu.memory_space<hbm>> -> memref<80xi32, #tpu.memory_space<hbm>>
    %dma_start3A_34 = tpu.memref_slice %arg3[%select_n3A_8] : memref<327680xi32, #tpu.memory_space<hbm>> -> memref<80xi32, #tpu.memory_space<hbm>>
    tpu.enqueue_dma source(%dma_start3A_34 : memref<80xi32, #tpu.memory_space<hbm>>) target(%arg10 : memref<80xi32, #tpu.memory_space<vmem>>) target_semaphore(%arg12 : memref<!tpu.dma_semaphore, #tpu.memory_space<semaphore_mem>>)
    %dma_start3A_35 = tpu.memref_slice %arg5[%select_n3A_8] : memref<327680xi32, #tpu.memory_space<hbm>> -> memref<80xi32, #tpu.memory_space<hbm>>
    %dma_start3A_36 = tpu.memref_slice %arg5[%select_n3A_8] : memref<327680xi32, #tpu.memory_space<hbm>> -> memref<80xi32, #tpu.memory_space<hbm>>
    tpu.enqueue_dma source(%dma_start3A_36 : memref<80xi32, #tpu.memory_space<hbm>>) target(%arg15 : memref<80xi32, #tpu.memory_space<vmem>>) target_semaphore(%arg12 : memref<!tpu.dma_semaphore, #tpu.memory_space<semaphore_mem>>)
    %dma_wait3A = tpu.memref_slice %arg2[%select_n3A_8] : memref<327680xi32, #tpu.memory_space<hbm>> -> memref<80xi32, #tpu.memory_space<hbm>>
    %dma_wait3A_37 = tpu.memref_slice %arg2[%select_n3A_8] : memref<327680xi32, #tpu.memory_space<hbm>> -> memref<80xi32, #tpu.memory_space<hbm>>
    tpu.wait_dma2 semaphore(%arg12 : memref<!tpu.dma_semaphore, #tpu.memory_space<semaphore_mem>>) src(%dma_wait3A_37 : memref<80xi32, #tpu.memory_space<hbm>>) dst(%arg9 : memref<80xi32, #tpu.memory_space<vmem>>)
    %dma_wait3A_38 = tpu.memref_slice %arg3[%select_n3A_8] : memref<327680xi32, #tpu.memory_space<hbm>> -> memref<80xi32, #tpu.memory_space<hbm>>
    %dma_wait3A_39 = tpu.memref_slice %arg3[%select_n3A_8] : memref<327680xi32, #tpu.memory_space<hbm>> -> memref<80xi32, #tpu.memory_space<hbm>>
    tpu.wait_dma2 semaphore(%arg12 : memref<!tpu.dma_semaphore, #tpu.memory_space<semaphore_mem>>) src(%dma_wait3A_39 : memref<80xi32, #tpu.memory_space<hbm>>) dst(%arg10 : memref<80xi32, #tpu.memory_space<vmem>>)
    %dma_wait3A_40 = tpu.memref_slice %arg5[%select_n3A_8] : memref<327680xi32, #tpu.memory_space<hbm>> -> memref<80xi32, #tpu.memory_space<hbm>>
    %dma_wait3A_41 = tpu.memref_slice %arg5[%select_n3A_8] : memref<327680xi32, #tpu.memory_space<hbm>> -> memref<80xi32, #tpu.memory_space<hbm>>
    tpu.wait_dma2 semaphore(%arg12 : memref<!tpu.dma_semaphore, #tpu.memory_space<semaphore_mem>>) src(%dma_wait3A_41 : memref<80xi32, #tpu.memory_space<hbm>>) dst(%arg15 : memref<80xi32, #tpu.memory_space<vmem>>)
    %dma_start3A_42 = arith.constant 0 : i32
    %dma_start3A_43 = arith.constant 0 : i32
    %dma_start3A_44 = tpu.memref_slice %arg6[%dma_start3A_42, %dma_start3A_43] : memref<10240x128xf32, #tpu.memory_space<hbm>> -> memref<10240x128xf32, #tpu.memory_space<hbm>>
    tpu.enqueue_indirect_dma source(%dma_start3A_44 : memref<10240x128xf32, #tpu.memory_space<hbm>>) target(%arg16 : memref<80x128xf32, #tpu.memory_space<vmem>>) offsets(%arg15 : memref<80xi32, #tpu.memory_space<vmem>>) semaphore(%arg17 : memref<!tpu.dma_semaphore, #tpu.memory_space<semaphore_mem>>)
    %dma_start3A_45 = arith.constant 0 : i32
    %dma_start3A_46 = arith.constant 0 : i32
    %dma_start3A_47 = tpu.memref_slice %arg4[%dma_start3A_45, %dma_start3A_46] : memref<104x128xf32, #tpu.memory_space<hbm>> -> memref<104x128xf32, #tpu.memory_space<hbm>>
    tpu.enqueue_indirect_dma source(%dma_start3A_47 : memref<104x128xf32, #tpu.memory_space<hbm>>) target(%arg11 : memref<80x128xf32, #tpu.memory_space<vmem>>) offsets(%arg9 : memref<80xi32, #tpu.memory_space<vmem>>) semaphore(%arg13 : memref<!tpu.dma_semaphore, #tpu.memory_space<semaphore_mem>>)
    %while3A = arith.constant 0 : i32
    %while3A_48 = arith.constant 0 : i32
    %while3A_49 = arith.subi %select_n3A, %while3A_48 : i32
    %while3A_50 = arith.addi %while3A_48, %while3A_49 : i32
    %while3A_51 = arith.constant 1 : i32
    %while3A_52 = arith.divsi %while3A_49, %while3A_51 : i32
    %while3A_53 = arith.muli %while3A_52, %while3A_51 : i32
    %while3A_54 = arith.addi %while3A_48, %while3A_53 : i32
    %while3A_55 = arith.constant 1 : i32
    scf.for %while3A_61 = %while3A_48 to %while3A_54 step %while3A_55  : i32 {
      %mul3A_62 = arith.constant 2 : i32
      %mul3A_63 = arith.muli %mul3A_62, %while3A_61 : i32
      %add3A_64 = arith.constant 0 : i32
      %add3A_65 = arith.addi %mul3A_63, %add3A_64 : i32
      %add3A_66 = arith.constant 1 : i32
      %add3A_67 = arith.addi %add3A_65, %add3A_66 : i32
      %mul3A_68 = arith.constant 80 : i32
      %mul3A_69 = arith.muli %add3A_67, %mul3A_68 : i32
      %add3A_70 = arith.addi %select_n3A_8, %mul3A_69 : i32
      %gt3A = arith.constant 0 : i32
      %gt3A_71 = arith.cmpi sgt, %while3A_61, %gt3A : i32
      %convert_element_type3A = arith.extui %gt3A_71 : i1 to i32
      %cond3A = arith.constant 0 : i32
      %cond3A_72 = arith.cmpi ne, %convert_element_type3A, %cond3A : i32
      scf.if %cond3A_72 {
        %dma_wait3A_143 = arith.constant 0 : i32
        %dma_wait3A_144 = arith.constant 0 : i32
        %dma_wait3A_145 = tpu.memref_slice %arg8[%dma_wait3A_143, %dma_wait3A_144] : memref<10240x128xf32, #tpu.memory_space<vmem_shared>> -> memref<10240x128xf32, #tpu.memory_space<vmem_shared>>
        tpu.wait_indirect_dma semaphore(%arg23 : memref<!tpu.dma_semaphore, #tpu.memory_space<semaphore_mem>>) src(%arg20 : memref<80x128xf32, #tpu.memory_space<vmem>>) dst(%dma_wait3A_145 : memref<10240x128xf32, #tpu.memory_space<vmem_shared>>)
      } else {
      }
      %dma_start3A_73 = tpu.memref_slice %arg2[%add3A_70] : memref<327680xi32, #tpu.memory_space<hbm>> -> memref<80xi32, #tpu.memory_space<hbm>>
      %dma_start3A_74 = tpu.memref_slice %arg2[%add3A_70] : memref<327680xi32, #tpu.memory_space<hbm>> -> memref<80xi32, #tpu.memory_space<hbm>>
      tpu.enqueue_dma source(%dma_start3A_74 : memref<80xi32, #tpu.memory_space<hbm>>) target(%arg18 : memref<80xi32, #tpu.memory_space<vmem>>) target_semaphore(%arg21 : memref<!tpu.dma_semaphore, #tpu.memory_space<semaphore_mem>>)
      %dma_start3A_75 = tpu.memref_slice %arg3[%add3A_70] : memref<327680xi32, #tpu.memory_space<hbm>> -> memref<80xi32, #tpu.memory_space<hbm>>
      %dma_start3A_76 = tpu.memref_slice %arg3[%add3A_70] : memref<327680xi32, #tpu.memory_space<hbm>> -> memref<80xi32, #tpu.memory_space<hbm>>
      tpu.enqueue_dma source(%dma_start3A_76 : memref<80xi32, #tpu.memory_space<hbm>>) target(%arg19 : memref<80xi32, #tpu.memory_space<vmem>>) target_semaphore(%arg21 : memref<!tpu.dma_semaphore, #tpu.memory_space<semaphore_mem>>)
      %dma_start3A_77 = tpu.memref_slice %arg5[%add3A_70] : memref<327680xi32, #tpu.memory_space<hbm>> -> memref<80xi32, #tpu.memory_space<hbm>>
      %dma_start3A_78 = tpu.memref_slice %arg5[%add3A_70] : memref<327680xi32, #tpu.memory_space<hbm>> -> memref<80xi32, #tpu.memory_space<hbm>>
      tpu.enqueue_dma source(%dma_start3A_78 : memref<80xi32, #tpu.memory_space<hbm>>) target(%arg24 : memref<80xi32, #tpu.memory_space<vmem>>) target_semaphore(%arg21 : memref<!tpu.dma_semaphore, #tpu.memory_space<semaphore_mem>>)
      %dma_wait3A_79 = arith.constant 0 : i32
      %dma_wait3A_80 = arith.constant 0 : i32
      %dma_wait3A_81 = tpu.memref_slice %arg4[%dma_wait3A_79, %dma_wait3A_80] : memref<104x128xf32, #tpu.memory_space<hbm>> -> memref<104x128xf32, #tpu.memory_space<hbm>>
      tpu.wait_indirect_dma semaphore(%arg13 : memref<!tpu.dma_semaphore, #tpu.memory_space<semaphore_mem>>) src(%dma_wait3A_81 : memref<104x128xf32, #tpu.memory_space<hbm>>) dst(%arg11 : memref<80x128xf32, #tpu.memory_space<vmem>>)
      %dma_wait3A_82 = arith.constant 0 : i32
      %dma_wait3A_83 = arith.constant 0 : i32
      %dma_wait3A_84 = tpu.memref_slice %arg6[%dma_wait3A_82, %dma_wait3A_83] : memref<10240x128xf32, #tpu.memory_space<hbm>> -> memref<10240x128xf32, #tpu.memory_space<hbm>>
      tpu.wait_indirect_dma semaphore(%arg17 : memref<!tpu.dma_semaphore, #tpu.memory_space<semaphore_mem>>) src(%dma_wait3A_84 : memref<10240x128xf32, #tpu.memory_space<hbm>>) dst(%arg16 : memref<80x128xf32, #tpu.memory_space<vmem>>)
      %scan3A_85 = arith.constant 0 : i32
      %scan3A_86 = arith.constant 0 : i32
      %scan3A_87 = arith.constant 20 : i32
      %scan3A_88 = arith.addi %scan3A_86, %scan3A_87 : i32
      %scan3A_89 = arith.constant 1 : i32
      scf.for %scan3A_143 = %scan3A_86 to %scan3A_88 step %scan3A_89  : i32 {
        %mul3A_144 = arith.constant 4 : i32
        %mul3A_145 = arith.muli %mul3A_144, %scan3A_143 : i32
        %add3A_146 = arith.constant 0 : i32
        %add3A_147 = arith.addi %mul3A_145, %add3A_146 : i32
        %get3A = arith.index_cast %add3A_147 : i32 to index
        %get3A_148 = arith.constant 0 : index
        %get3A_149 = tpu.vector_load %arg11[%get3A, %get3A_148] {strides = array<i32>} : memref<80x128xf32, #tpu.memory_space<vmem>>, vector<1x16xf32>,
        %get3A_150 = vector.shape_cast %get3A_149 : vector<1x16xf32> to vector<16xf32>
        %get3A_151 = arith.index_cast %add3A_147 : i32 to index
        %get3A_152 = arith.constant 0 : index
        %get3A_153 = tpu.vector_load %arg16[%get3A_151, %get3A_152] {strides = array<i32>} : memref<80x128xf32, #tpu.memory_space<vmem>>, vector<1x16xf32>,
        %get3A_154 = vector.shape_cast %get3A_153 : vector<1x16xf32> to vector<16xf32>
        %add3A_155 = arith.addf %get3A_150, %get3A_154 : vector<16xf32>
        %max3A = arith.constant 0.000000e+00 : f32
        %max3A_156 = vector.broadcast %max3A : f32 to vector<16xf32>
        %max3A_157 = arith.maximumf %add3A_155, %max3A_156 : vector<16xf32>
        %swap3A = arith.index_cast %add3A_147 : i32 to index
        %swap3A_158 = arith.constant 0 : index
        %swap3A_159 = tpu.vector_load %arg11[%swap3A, %swap3A_158] {strides = array<i32>} : memref<80x128xf32, #tpu.memory_space<vmem>>, vector<1x16xf32>,
        %swap3A_160 = vector.shape_cast %swap3A_159 : vector<1x16xf32> to vector<16xf32>
        %swap3A_161 = vector.shape_cast %max3A_157 : vector<16xf32> to vector<1x16xf32>
        tpu.vector_store %arg11[%swap3A, %swap3A_158], %swap3A_161 {strides = array<i32>} : memref<80x128xf32, #tpu.memory_space<vmem>>, vector<1x16xf32>,
        %get3A_162 = arith.index_cast %add3A_147 : i32 to index
        %get3A_163 = arith.constant 16 : index
        %get3A_164 = tpu.vector_load %arg11[%get3A_162, %get3A_163] {strides = array<i32>} : memref<80x128xf32, #tpu.memory_space<vmem>>, vector<1x16xf32>,
        %get3A_165 = vector.shape_cast %get3A_164 : vector<1x16xf32> to vector<16xf32>
        %get3A_166 = arith.index_cast %add3A_147 : i32 to index
        %get3A_167 = arith.constant 16 : index
        %get3A_168 = tpu.vector_load %arg16[%get3A_166, %get3A_167] {strides = array<i32>} : memref<80x128xf32, #tpu.memory_space<vmem>>, vector<1x16xf32>,
        %get3A_169 = vector.shape_cast %get3A_168 : vector<1x16xf32> to vector<16xf32>
        %add3A_170 = arith.addf %get3A_165, %get3A_169 : vector<16xf32>
        %max3A_171 = arith.constant 0.000000e+00 : f32
        %max3A_172 = vector.broadcast %max3A_171 : f32 to vector<16xf32>
        %max3A_173 = arith.maximumf %add3A_170, %max3A_172 : vector<16xf32>
        %swap3A_174 = arith.index_cast %add3A_147 : i32 to index
        %swap3A_175 = arith.constant 16 : index
        %swap3A_176 = tpu.vector_load %arg11[%swap3A_174, %swap3A_175] {strides = array<i32>} : memref<80x128xf32, #tpu.memory_space<vmem>>, vector<1x16xf32>,
        %swap3A_177 = vector.shape_cast %swap3A_176 : vector<1x16xf32> to vector<16xf32>
        %swap3A_178 = vector.shape_cast %max3A_173 : vector<16xf32> to vector<1x16xf32>
        tpu.vector_store %arg11[%swap3A_174, %swap3A_175], %swap3A_178 {strides = array<i32>} : memref<80x128xf32, #tpu.memory_space<vmem>>, vector<1x16xf32>,
        %get3A_179 = arith.index_cast %add3A_147 : i32 to index
        %get3A_180 = arith.constant 32 : index
        %get3A_181 = tpu.vector_load %arg11[%get3A_179, %get3A_180] {strides = array<i32>} : memref<80x128xf32, #tpu.memory_space<vmem>>, vector<1x16xf32>,
        %get3A_182 = vector.shape_cast %get3A_181 : vector<1x16xf32> to vector<16xf32>
        %get3A_183 = arith.index_cast %add3A_147 : i32 to index
        %get3A_184 = arith.constant 32 : index
        %get3A_185 = tpu.vector_load %arg16[%get3A_183, %get3A_184] {strides = array<i32>} : memref<80x128xf32, #tpu.memory_space<vmem>>, vector<1x16xf32>,
        %get3A_186 = vector.shape_cast %get3A_185 : vector<1x16xf32> to vector<16xf32>
        %add3A_187 = arith.addf %get3A_182, %get3A_186 : vector<16xf32>
        %max3A_188 = arith.constant 0.000000e+00 : f32
        %max3A_189 = vector.broadcast %max3A_188 : f32 to vector<16xf32>
        %max3A_190 = arith.maximumf %add3A_187, %max3A_189 : vector<16xf32>
        %swap3A_191 = arith.index_cast %add3A_147 : i32 to index
        %swap3A_192 = arith.constant 32 : index
        %swap3A_193 = tpu.vector_load %arg11[%swap3A_191, %swap3A_192] {strides = array<i32>} : memref<80x128xf32, #tpu.memory_space<vmem>>, vector<1x16xf32>,
        %swap3A_194 = vector.shape_cast %swap3A_193 : vector<1x16xf32> to vector<16xf32>
        %swap3A_195 = vector.shape_cast %max3A_190 : vector<16xf32> to vector<1x16xf32>
        tpu.vector_store %arg11[%swap3A_191, %swap3A_192], %swap3A_195 {strides = array<i32>} : memref<80x128xf32, #tpu.memory_space<vmem>>, vector<1x16xf32>,
        %get3A_196 = arith.index_cast %add3A_147 : i32 to index
        %get3A_197 = arith.constant 48 : index
        %get3A_198 = tpu.vector_load %arg11[%get3A_196, %get3A_197] {strides = array<i32>} : memref<80x128xf32, #tpu.memory_space<vmem>>, vector<1x16xf32>,
        %get3A_199 = vector.shape_cast %get3A_198 : vector<1x16xf32> to vector<16xf32>
        %get3A_200 = arith.index_cast %add3A_147 : i32 to index
        %get3A_201 = arith.constant 48 : index
        %get3A_202 = tpu.vector_load %arg16[%get3A_200, %get3A_201] {strides = array<i32>} : memref<80x128xf32, #tpu.memory_space<vmem>>, vector<1x16xf32>,
        %get3A_203 = vector.shape_cast %get3A_202 : vector<1x16xf32> to vector<16xf32>
        %add3A_204 = arith.addf %get3A_199, %get3A_203 : vector<16xf32>
        %max3A_205 = arith.constant 0.000000e+00 : f32
        %max3A_206 = vector.broadcast %max3A_205 : f32 to vector<16xf32>
        %max3A_207 = arith.maximumf %add3A_204, %max3A_206 : vector<16xf32>
        %swap3A_208 = arith.index_cast %add3A_147 : i32 to index
        %swap3A_209 = arith.constant 48 : index
        %swap3A_210 = tpu.vector_load %arg11[%swap3A_208, %swap3A_209] {strides = array<i32>} : memref<80x128xf32, #tpu.memory_space<vmem>>, vector<1x16xf32>,
        %swap3A_211 = vector.shape_cast %swap3A_210 : vector<1x16xf32> to vector<16xf32>
        %swap3A_212 = vector.shape_cast %max3A_207 : vector<16xf32> to vector<1x16xf32>
        tpu.vector_store %arg11[%swap3A_208, %swap3A_209], %swap3A_212 {strides = array<i32>} : memref<80x128xf32, #tpu.memory_space<vmem>>, vector<1x16xf32>,
        %get3A_213 = arith.index_cast %add3A_147 : i32 to index
        %get3A_214 = arith.constant 64 : index
        %get3A_215 = tpu.vector_load %arg11[%get3A_213, %get3A_214] {strides = array<i32>} : memref<80x128xf32, #tpu.memory_space<vmem>>, vector<1x16xf32>,
        %get3A_216 = vector.shape_cast %get3A_215 : vector<1x16xf32> to vector<16xf32>
        %get3A_217 = arith.index_cast %add3A_147 : i32 to index
        %get3A_218 = arith.constant 64 : index
        %get3A_219 = tpu.vector_load %arg16[%get3A_217, %get3A_218] {strides = array<i32>} : memref<80x128xf32, #tpu.memory_space<vmem>>, vector<1x16xf32>,
        %get3A_220 = vector.shape_cast %get3A_219 : vector<1x16xf32> to vector<16xf32>
        %add3A_221 = arith.addf %get3A_216, %get3A_220 : vector<16xf32>
        %max3A_222 = arith.constant 0.000000e+00 : f32
        %max3A_223 = vector.broadcast %max3A_222 : f32 to vector<16xf32>
        %max3A_224 = arith.maximumf %add3A_221, %max3A_223 : vector<16xf32>
        %swap3A_225 = arith.index_cast %add3A_147 : i32 to index
        %swap3A_226 = arith.constant 64 : index
        %swap3A_227 = tpu.vector_load %arg11[%swap3A_225, %swap3A_226] {strides = array<i32>} : memref<80x128xf32, #tpu.memory_space<vmem>>, vector<1x16xf32>,
        %swap3A_228 = vector.shape_cast %swap3A_227 : vector<1x16xf32> to vector<16xf32>
        %swap3A_229 = vector.shape_cast %max3A_224 : vector<16xf32> to vector<1x16xf32>
        tpu.vector_store %arg11[%swap3A_225, %swap3A_226], %swap3A_229 {strides = array<i32>} : memref<80x128xf32, #tpu.memory_space<vmem>>, vector<1x16xf32>,
        %get3A_230 = arith.index_cast %add3A_147 : i32 to index
        %get3A_231 = arith.constant 80 : index
        %get3A_232 = tpu.vector_load %arg11[%get3A_230, %get3A_231] {strides = array<i32>} : memref<80x128xf32, #tpu.memory_space<vmem>>, vector<1x16xf32>,
        %get3A_233 = vector.shape_cast %get3A_232 : vector<1x16xf32> to vector<16xf32>
        %get3A_234 = arith.index_cast %add3A_147 : i32 to index
        %get3A_235 = arith.constant 80 : index
        %get3A_236 = tpu.vector_load %arg16[%get3A_234, %get3A_235] {strides = array<i32>} : memref<80x128xf32, #tpu.memory_space<vmem>>, vector<1x16xf32>,
        %get3A_237 = vector.shape_cast %get3A_236 : vector<1x16xf32> to vector<16xf32>
        %add3A_238 = arith.addf %get3A_233, %get3A_237 : vector<16xf32>
        %max3A_239 = arith.constant 0.000000e+00 : f32
        %max3A_240 = vector.broadcast %max3A_239 : f32 to vector<16xf32>
        %max3A_241 = arith.maximumf %add3A_238, %max3A_240 : vector<16xf32>
        %swap3A_242 = arith.index_cast %add3A_147 : i32 to index
        %swap3A_243 = arith.constant 80 : index
        %swap3A_244 = tpu.vector_load %arg11[%swap3A_242, %swap3A_243] {strides = array<i32>} : memref<80x128xf32, #tpu.memory_space<vmem>>, vector<1x16xf32>,
        %swap3A_245 = vector.shape_cast %swap3A_244 : vector<1x16xf32> to vector<16xf32>
        %swap3A_246 = vector.shape_cast %max3A_241 : vector<16xf32> to vector<1x16xf32>
        tpu.vector_store %arg11[%swap3A_242, %swap3A_243], %swap3A_246 {strides = array<i32>} : memref<80x128xf32, #tpu.memory_space<vmem>>, vector<1x16xf32>,
        %get3A_247 = arith.index_cast %add3A_147 : i32 to index
        %get3A_248 = arith.constant 96 : index
        %get3A_249 = tpu.vector_load %arg11[%get3A_247, %get3A_248] {strides = array<i32>} : memref<80x128xf32, #tpu.memory_space<vmem>>, vector<1x16xf32>,
        %get3A_250 = vector.shape_cast %get3A_249 : vector<1x16xf32> to vector<16xf32>
        %get3A_251 = arith.index_cast %add3A_147 : i32 to index
        %get3A_252 = arith.constant 96 : index
        %get3A_253 = tpu.vector_load %arg16[%get3A_251, %get3A_252] {strides = array<i32>} : memref<80x128xf32, #tpu.memory_space<vmem>>, vector<1x16xf32>,
        %get3A_254 = vector.shape_cast %get3A_253 : vector<1x16xf32> to vector<16xf32>
        %add3A_255 = arith.addf %get3A_250, %get3A_254 : vector<16xf32>
        %max3A_256 = arith.constant 0.000000e+00 : f32
        %max3A_257 = vector.broadcast %max3A_256 : f32 to vector<16xf32>
        %max3A_258 = arith.maximumf %add3A_255, %max3A_257 : vector<16xf32>
        %swap3A_259 = arith.index_cast %add3A_147 : i32 to index
        %swap3A_260 = arith.constant 96 : index
        %swap3A_261 = tpu.vector_load %arg11[%swap3A_259, %swap3A_260] {strides = array<i32>} : memref<80x128xf32, #tpu.memory_space<vmem>>, vector<1x16xf32>,
        %swap3A_262 = vector.shape_cast %swap3A_261 : vector<1x16xf32> to vector<16xf32>
        %swap3A_263 = vector.shape_cast %max3A_258 : vector<16xf32> to vector<1x16xf32>
        tpu.vector_store %arg11[%swap3A_259, %swap3A_260], %swap3A_263 {strides = array<i32>} : memref<80x128xf32, #tpu.memory_space<vmem>>, vector<1x16xf32>,
        %get3A_264 = arith.index_cast %add3A_147 : i32 to index
        %get3A_265 = arith.constant 112 : index
        %get3A_266 = tpu.vector_load %arg11[%get3A_264, %get3A_265] {strides = array<i32>} : memref<80x128xf32, #tpu.memory_space<vmem>>, vector<1x16xf32>,
        %get3A_267 = vector.shape_cast %get3A_266 : vector<1x16xf32> to vector<16xf32>
        %get3A_268 = arith.index_cast %add3A_147 : i32 to index
        %get3A_269 = arith.constant 112 : index
        %get3A_270 = tpu.vector_load %arg16[%get3A_268, %get3A_269] {strides = array<i32>} : memref<80x128xf32, #tpu.memory_space<vmem>>, vector<1x16xf32>,
        %get3A_271 = vector.shape_cast %get3A_270 : vector<1x16xf32> to vector<16xf32>
        %add3A_272 = arith.addf %get3A_267, %get3A_271 : vector<16xf32>
        %max3A_273 = arith.constant 0.000000e+00 : f32
        %max3A_274 = vector.broadcast %max3A_273 : f32 to vector<16xf32>
        %max3A_275 = arith.maximumf %add3A_272, %max3A_274 : vector<16xf32>
        %swap3A_276 = arith.index_cast %add3A_147 : i32 to index
        %swap3A_277 = arith.constant 112 : index
        %swap3A_278 = tpu.vector_load %arg11[%swap3A_276, %swap3A_277] {strides = array<i32>} : memref<80x128xf32, #tpu.memory_space<vmem>>, vector<1x16xf32>,
        %swap3A_279 = vector.shape_cast %swap3A_278 : vector<1x16xf32> to vector<16xf32>
        %swap3A_280 = vector.shape_cast %max3A_275 : vector<16xf32> to vector<1x16xf32>
        tpu.vector_store %arg11[%swap3A_276, %swap3A_277], %swap3A_280 {strides = array<i32>} : memref<80x128xf32, #tpu.memory_space<vmem>>, vector<1x16xf32>,
        %mul3A_281 = arith.constant 4 : i32
        %mul3A_282 = arith.muli %mul3A_281, %scan3A_143 : i32
        %add3A_283 = arith.constant 1 : i32
        %add3A_284 = arith.addi %mul3A_282, %add3A_283 : i32
        %get3A_285 = arith.index_cast %add3A_284 : i32 to index
        %get3A_286 = arith.constant 0 : index
        %get3A_287 = tpu.vector_load %arg11[%get3A_285, %get3A_286] {strides = array<i32>} : memref<80x128xf32, #tpu.memory_space<vmem>>, vector<1x16xf32>,
        %get3A_288 = vector.shape_cast %get3A_287 : vector<1x16xf32> to vector<16xf32>
        %get3A_289 = arith.index_cast %add3A_284 : i32 to index
        %get3A_290 = arith.constant 0 : index
        %get3A_291 = tpu.vector_load %arg16[%get3A_289, %get3A_290] {strides = array<i32>} : memref<80x128xf32, #tpu.memory_space<vmem>>, vector<1x16xf32>,
        %get3A_292 = vector.shape_cast %get3A_291 : vector<1x16xf32> to vector<16xf32>
        %add3A_293 = arith.addf %get3A_288, %get3A_292 : vector<16xf32>
        %max3A_294 = arith.constant 0.000000e+00 : f32
        %max3A_295 = vector.broadcast %max3A_294 : f32 to vector<16xf32>
        %max3A_296 = arith.maximumf %add3A_293, %max3A_295 : vector<16xf32>
        %swap3A_297 = arith.index_cast %add3A_284 : i32 to index
        %swap3A_298 = arith.constant 0 : index
        %swap3A_299 = tpu.vector_load %arg11[%swap3A_297, %swap3A_298] {strides = array<i32>} : memref<80x128xf32, #tpu.memory_space<vmem>>, vector<1x16xf32>,
        %swap3A_300 = vector.shape_cast %swap3A_299 : vector<1x16xf32> to vector<16xf32>
        %swap3A_301 = vector.shape_cast %max3A_296 : vector<16xf32> to vector<1x16xf32>
        tpu.vector_store %arg11[%swap3A_297, %swap3A_298], %swap3A_301 {strides = array<i32>} : memref<80x128xf32, #tpu.memory_space<vmem>>, vector<1x16xf32>,
        %get3A_302 = arith.index_cast %add3A_284 : i32 to index
        %get3A_303 = arith.constant 16 : index
        %get3A_304 = tpu.vector_load %arg11[%get3A_302, %get3A_303] {strides = array<i32>} : memref<80x128xf32, #tpu.memory_space<vmem>>, vector<1x16xf32>,
        %get3A_305 = vector.shape_cast %get3A_304 : vector<1x16xf32> to vector<16xf32>
        %get3A_306 = arith.index_cast %add3A_284 : i32 to index
        %get3A_307 = arith.constant 16 : index
        %get3A_308 = tpu.vector_load %arg16[%get3A_306, %get3A_307] {strides = array<i32>} : memref<80x128xf32, #tpu.memory_space<vmem>>, vector<1x16xf32>,
        %get3A_309 = vector.shape_cast %get3A_308 : vector<1x16xf32> to vector<16xf32>
        %add3A_310 = arith.addf %get3A_305, %get3A_309 : vector<16xf32>
        %max3A_311 = arith.constant 0.000000e+00 : f32
        %max3A_312 = vector.broadcast %max3A_311 : f32 to vector<16xf32>
        %max3A_313 = arith.maximumf %add3A_310, %max3A_312 : vector<16xf32>
        %swap3A_314 = arith.index_cast %add3A_284 : i32 to index
        %swap3A_315 = arith.constant 16 : index
        %swap3A_316 = tpu.vector_load %arg11[%swap3A_314, %swap3A_315] {strides = array<i32>} : memref<80x128xf32, #tpu.memory_space<vmem>>, vector<1x16xf32>,
        %swap3A_317 = vector.shape_cast %swap3A_316 : vector<1x16xf32> to vector<16xf32>
        %swap3A_318 = vector.shape_cast %max3A_313 : vector<16xf32> to vector<1x16xf32>
        tpu.vector_store %arg11[%swap3A_314, %swap3A_315], %swap3A_318 {strides = array<i32>} : memref<80x128xf32, #tpu.memory_space<vmem>>, vector<1x16xf32>,
        %get3A_319 = arith.index_cast %add3A_284 : i32 to index
        %get3A_320 = arith.constant 32 : index
        %get3A_321 = tpu.vector_load %arg11[%get3A_319, %get3A_320] {strides = array<i32>} : memref<80x128xf32, #tpu.memory_space<vmem>>, vector<1x16xf32>,
        %get3A_322 = vector.shape_cast %get3A_321 : vector<1x16xf32> to vector<16xf32>
        %get3A_323 = arith.index_cast %add3A_284 : i32 to index
        %get3A_324 = arith.constant 32 : index
        %get3A_325 = tpu.vector_load %arg16[%get3A_323, %get3A_324] {strides = array<i32>} : memref<80x128xf32, #tpu.memory_space<vmem>>, vector<1x16xf32>,
        %get3A_326 = vector.shape_cast %get3A_325 : vector<1x16xf32> to vector<16xf32>
        %add3A_327 = arith.addf %get3A_322, %get3A_326 : vector<16xf32>
        %max3A_328 = arith.constant 0.000000e+00 : f32
        %max3A_329 = vector.broadcast %max3A_328 : f32 to vector<16xf32>
        %max3A_330 = arith.maximumf %add3A_327, %max3A_329 : vector<16xf32>
        %swap3A_331 = arith.index_cast %add3A_284 : i32 to index
        %swap3A_332 = arith.constant 32 : index
        %swap3A_333 = tpu.vector_load %arg11[%swap3A_331, %swap3A_332] {strides = array<i32>} : memref<80x128xf32, #tpu.memory_space<vmem>>, vector<1x16xf32>,
        %swap3A_334 = vector.shape_cast %swap3A_333 : vector<1x16xf32> to vector<16xf32>
        %swap3A_335 = vector.shape_cast %max3A_330 : vector<16xf32> to vector<1x16xf32>
        tpu.vector_store %arg11[%swap3A_331, %swap3A_332], %swap3A_335 {strides = array<i32>} : memref<80x128xf32, #tpu.memory_space<vmem>>, vector<1x16xf32>,
        %get3A_336 = arith.index_cast %add3A_284 : i32 to index
        %get3A_337 = arith.constant 48 : index
        %get3A_338 = tpu.vector_load %arg11[%get3A_336, %get3A_337] {strides = array<i32>} : memref<80x128xf32, #tpu.memory_space<vmem>>, vector<1x16xf32>,
        %get3A_339 = vector.shape_cast %get3A_338 : vector<1x16xf32> to vector<16xf32>
        %get3A_340 = arith.index_cast %add3A_284 : i32 to index
        %get3A_341 = arith.constant 48 : index
        %get3A_342 = tpu.vector_load %arg16[%get3A_340, %get3A_341] {strides = array<i32>} : memref<80x128xf32, #tpu.memory_space<vmem>>, vector<1x16xf32>,
        %get3A_343 = vector.shape_cast %get3A_342 : vector<1x16xf32> to vector<16xf32>
        %add3A_344 = arith.addf %get3A_339, %get3A_343 : vector<16xf32>
        %max3A_345 = arith.constant 0.000000e+00 : f32
        %max3A_346 = vector.broadcast %max3A_345 : f32 to vector<16xf32>
        %max3A_347 = arith.maximumf %add3A_344, %max3A_346 : vector<16xf32>
        %swap3A_348 = arith.index_cast %add3A_284 : i32 to index
        %swap3A_349 = arith.constant 48 : index
        %swap3A_350 = tpu.vector_load %arg11[%swap3A_348, %swap3A_349] {strides = array<i32>} : memref<80x128xf32, #tpu.memory_space<vmem>>, vector<1x16xf32>,
        %swap3A_351 = vector.shape_cast %swap3A_350 : vector<1x16xf32> to vector<16xf32>
        %swap3A_352 = vector.shape_cast %max3A_347 : vector<16xf32> to vector<1x16xf32>
        tpu.vector_store %arg11[%swap3A_348, %swap3A_349], %swap3A_352 {strides = array<i32>} : memref<80x128xf32, #tpu.memory_space<vmem>>, vector<1x16xf32>,
        %get3A_353 = arith.index_cast %add3A_284 : i32 to index
        %get3A_354 = arith.constant 64 : index
        %get3A_355 = tpu.vector_load %arg11[%get3A_353, %get3A_354] {strides = array<i32>} : memref<80x128xf32, #tpu.memory_space<vmem>>, vector<1x16xf32>,
        %get3A_356 = vector.shape_cast %get3A_355 : vector<1x16xf32> to vector<16xf32>
        %get3A_357 = arith.index_cast %add3A_284 : i32 to index
        %get3A_358 = arith.constant 64 : index
        %get3A_359 = tpu.vector_load %arg16[%get3A_357, %get3A_358] {strides = array<i32>} : memref<80x128xf32, #tpu.memory_space<vmem>>, vector<1x16xf32>,
        %get3A_360 = vector.shape_cast %get3A_359 : vector<1x16xf32> to vector<16xf32>
        %add3A_361 = arith.addf %get3A_356, %get3A_360 : vector<16xf32>
        %max3A_362 = arith.constant 0.000000e+00 : f32
        %max3A_363 = vector.broadcast %max3A_362 : f32 to vector<16xf32>
        %max3A_364 = arith.maximumf %add3A_361, %max3A_363 : vector<16xf32>
        %swap3A_365 = arith.index_cast %add3A_284 : i32 to index
        %swap3A_366 = arith.constant 64 : index
        %swap3A_367 = tpu.vector_load %arg11[%swap3A_365, %swap3A_366] {strides = array<i32>} : memref<80x128xf32, #tpu.memory_space<vmem>>, vector<1x16xf32>,
        %swap3A_368 = vector.shape_cast %swap3A_367 : vector<1x16xf32> to vector<16xf32>
        %swap3A_369 = vector.shape_cast %max3A_364 : vector<16xf32> to vector<1x16xf32>
        tpu.vector_store %arg11[%swap3A_365, %swap3A_366], %swap3A_369 {strides = array<i32>} : memref<80x128xf32, #tpu.memory_space<vmem>>, vector<1x16xf32>,
        %get3A_370 = arith.index_cast %add3A_284 : i32 to index
        %get3A_371 = arith.constant 80 : index
        %get3A_372 = tpu.vector_load %arg11[%get3A_370, %get3A_371] {strides = array<i32>} : memref<80x128xf32, #tpu.memory_space<vmem>>, vector<1x16xf32>,
        %get3A_373 = vector.shape_cast %get3A_372 : vector<1x16xf32> to vector<16xf32>
        %get3A_374 = arith.index_cast %add3A_284 : i32 to index
        %get3A_375 = arith.constant 80 : index
        %get3A_376 = tpu.vector_load %arg16[%get3A_374, %get3A_375] {strides = array<i32>} : memref<80x128xf32, #tpu.memory_space<vmem>>, vector<1x16xf32>,
        %get3A_377 = vector.shape_cast %get3A_376 : vector<1x16xf32> to vector<16xf32>
        %add3A_378 = arith.addf %get3A_373, %get3A_377 : vector<16xf32>
        %max3A_379 = arith.constant 0.000000e+00 : f32
        %max3A_380 = vector.broadcast %max3A_379 : f32 to vector<16xf32>
        %max3A_381 = arith.maximumf %add3A_378, %max3A_380 : vector<16xf32>
        %swap3A_382 = arith.index_cast %add3A_284 : i32 to index
        %swap3A_383 = arith.constant 80 : index
        %swap3A_384 = tpu.vector_load %arg11[%swap3A_382, %swap3A_383] {strides = array<i32>} : memref<80x128xf32, #tpu.memory_space<vmem>>, vector<1x16xf32>,
        %swap3A_385 = vector.shape_cast %swap3A_384 : vector<1x16xf32> to vector<16xf32>
        %swap3A_386 = vector.shape_cast %max3A_381 : vector<16xf32> to vector<1x16xf32>
        tpu.vector_store %arg11[%swap3A_382, %swap3A_383], %swap3A_386 {strides = array<i32>} : memref<80x128xf32, #tpu.memory_space<vmem>>, vector<1x16xf32>,
        %get3A_387 = arith.index_cast %add3A_284 : i32 to index
        %get3A_388 = arith.constant 96 : index
        %get3A_389 = tpu.vector_load %arg11[%get3A_387, %get3A_388] {strides = array<i32>} : memref<80x128xf32, #tpu.memory_space<vmem>>, vector<1x16xf32>,
        %get3A_390 = vector.shape_cast %get3A_389 : vector<1x16xf32> to vector<16xf32>
        %get3A_391 = arith.index_cast %add3A_284 : i32 to index
        %get3A_392 = arith.constant 96 : index
        %get3A_393 = tpu.vector_load %arg16[%get3A_391, %get3A_392] {strides = array<i32>} : memref<80x128xf32, #tpu.memory_space<vmem>>, vector<1x16xf32>,
        %get3A_394 = vector.shape_cast %get3A_393 : vector<1x16xf32> to vector<16xf32>
        %add3A_395 = arith.addf %get3A_390, %get3A_394 : vector<16xf32>
        %max3A_396 = arith.constant 0.000000e+00 : f32
        %max3A_397 = vector.broadcast %max3A_396 : f32 to vector<16xf32>
        %max3A_398 = arith.maximumf %add3A_395, %max3A_397 : vector<16xf32>
        %swap3A_399 = arith.index_cast %add3A_284 : i32 to index
        %swap3A_400 = arith.constant 96 : index
        %swap3A_401 = tpu.vector_load %arg11[%swap3A_399, %swap3A_400] {strides = array<i32>} : memref<80x128xf32, #tpu.memory_space<vmem>>, vector<1x16xf32>,
        %swap3A_402 = vector.shape_cast %swap3A_401 : vector<1x16xf32> to vector<16xf32>
        %swap3A_403 = vector.shape_cast %max3A_398 : vector<16xf32> to vector<1x16xf32>
        tpu.vector_store %arg11[%swap3A_399, %swap3A_400], %swap3A_403 {strides = array<i32>} : memref<80x128xf32, #tpu.memory_space<vmem>>, vector<1x16xf32>,
        %get3A_404 = arith.index_cast %add3A_284 : i32 to index
        %get3A_405 = arith.constant 112 : index
        %get3A_406 = tpu.vector_load %arg11[%get3A_404, %get3A_405] {strides = array<i32>} : memref<80x128xf32, #tpu.memory_space<vmem>>, vector<1x16xf32>,
        %get3A_407 = vector.shape_cast %get3A_406 : vector<1x16xf32> to vector<16xf32>
        %get3A_408 = arith.index_cast %add3A_284 : i32 to index
        %get3A_409 = arith.constant 112 : index
        %get3A_410 = tpu.vector_load %arg16[%get3A_408, %get3A_409] {strides = array<i32>} : memref<80x128xf32, #tpu.memory_space<vmem>>, vector<1x16xf32>,
        %get3A_411 = vector.shape_cast %get3A_410 : vector<1x16xf32> to vector<16xf32>
        %add3A_412 = arith.addf %get3A_407, %get3A_411 : vector<16xf32>
        %max3A_413 = arith.constant 0.000000e+00 : f32
        %max3A_414 = vector.broadcast %max3A_413 : f32 to vector<16xf32>
        %max3A_415 = arith.maximumf %add3A_412, %max3A_414 : vector<16xf32>
        %swap3A_416 = arith.index_cast %add3A_284 : i32 to index
        %swap3A_417 = arith.constant 112 : index
        %swap3A_418 = tpu.vector_load %arg11[%swap3A_416, %swap3A_417] {strides = array<i32>} : memref<80x128xf32, #tpu.memory_space<vmem>>, vector<1x16xf32>,
        %swap3A_419 = vector.shape_cast %swap3A_418 : vector<1x16xf32> to vector<16xf32>
        %swap3A_420 = vector.shape_cast %max3A_415 : vector<16xf32> to vector<1x16xf32>
        tpu.vector_store %arg11[%swap3A_416, %swap3A_417], %swap3A_420 {strides = array<i32>} : memref<80x128xf32, #tpu.memory_space<vmem>>, vector<1x16xf32>,
        %mul3A_421 = arith.constant 4 : i32
        %mul3A_422 = arith.muli %mul3A_421, %scan3A_143 : i32
        %add3A_423 = arith.constant 2 : i32
        %add3A_424 = arith.addi %mul3A_422, %add3A_423 : i32
        %get3A_425 = arith.index_cast %add3A_424 : i32 to index
        %get3A_426 = arith.constant 0 : index
        %get3A_427 = tpu.vector_load %arg11[%get3A_425, %get3A_426] {strides = array<i32>} : memref<80x128xf32, #tpu.memory_space<vmem>>, vector<1x16xf32>,
        %get3A_428 = vector.shape_cast %get3A_427 : vector<1x16xf32> to vector<16xf32>
        %get3A_429 = arith.index_cast %add3A_424 : i32 to index
        %get3A_430 = arith.constant 0 : index
        %get3A_431 = tpu.vector_load %arg16[%get3A_429, %get3A_430] {strides = array<i32>} : memref<80x128xf32, #tpu.memory_space<vmem>>, vector<1x16xf32>,
        %get3A_432 = vector.shape_cast %get3A_431 : vector<1x16xf32> to vector<16xf32>
        %add3A_433 = arith.addf %get3A_428, %get3A_432 : vector<16xf32>
        %max3A_434 = arith.constant 0.000000e+00 : f32
        %max3A_435 = vector.broadcast %max3A_434 : f32 to vector<16xf32>
        %max3A_436 = arith.maximumf %add3A_433, %max3A_435 : vector<16xf32>
        %swap3A_437 = arith.index_cast %add3A_424 : i32 to index
        %swap3A_438 = arith.constant 0 : index
        %swap3A_439 = tpu.vector_load %arg11[%swap3A_437, %swap3A_438] {strides = array<i32>} : memref<80x128xf32, #tpu.memory_space<vmem>>, vector<1x16xf32>,
        %swap3A_440 = vector.shape_cast %swap3A_439 : vector<1x16xf32> to vector<16xf32>
        %swap3A_441 = vector.shape_cast %max3A_436 : vector<16xf32> to vector<1x16xf32>
        tpu.vector_store %arg11[%swap3A_437, %swap3A_438], %swap3A_441 {strides = array<i32>} : memref<80x128xf32, #tpu.memory_space<vmem>>, vector<1x16xf32>,
        %get3A_442 = arith.index_cast %add3A_424 : i32 to index
        %get3A_443 = arith.constant 16 : index
        %get3A_444 = tpu.vector_load %arg11[%get3A_442, %get3A_443] {strides = array<i32>} : memref<80x128xf32, #tpu.memory_space<vmem>>, vector<1x16xf32>,
        %get3A_445 = vector.shape_cast %get3A_444 : vector<1x16xf32> to vector<16xf32>
        %get3A_446 = arith.index_cast %add3A_424 : i32 to index
        %get3A_447 = arith.constant 16 : index
        %get3A_448 = tpu.vector_load %arg16[%get3A_446, %get3A_447] {strides = array<i32>} : memref<80x128xf32, #tpu.memory_space<vmem>>, vector<1x16xf32>,
        %get3A_449 = vector.shape_cast %get3A_448 : vector<1x16xf32> to vector<16xf32>
        %add3A_450 = arith.addf %get3A_445, %get3A_449 : vector<16xf32>
        %max3A_451 = arith.constant 0.000000e+00 : f32
        %max3A_452 = vector.broadcast %max3A_451 : f32 to vector<16xf32>
        %max3A_453 = arith.maximumf %add3A_450, %max3A_452 : vector<16xf32>
        %swap3A_454 = arith.index_cast %add3A_424 : i32 to index
        %swap3A_455 = arith.constant 16 : index
        %swap3A_456 = tpu.vector_load %arg11[%swap3A_454, %swap3A_455] {strides = array<i32>} : memref<80x128xf32, #tpu.memory_space<vmem>>, vector<1x16xf32>,
        %swap3A_457 = vector.shape_cast %swap3A_456 : vector<1x16xf32> to vector<16xf32>
        %swap3A_458 = vector.shape_cast %max3A_453 : vector<16xf32> to vector<1x16xf32>
        tpu.vector_store %arg11[%swap3A_454, %swap3A_455], %swap3A_458 {strides = array<i32>} : memref<80x128xf32, #tpu.memory_space<vmem>>, vector<1x16xf32>,
        %get3A_459 = arith.index_cast %add3A_424 : i32 to index
        %get3A_460 = arith.constant 32 : index
        %get3A_461 = tpu.vector_load %arg11[%get3A_459, %get3A_460] {strides = array<i32>} : memref<80x128xf32, #tpu.memory_space<vmem>>, vector<1x16xf32>,
        %get3A_462 = vector.shape_cast %get3A_461 : vector<1x16xf32> to vector<16xf32>
        %get3A_463 = arith.index_cast %add3A_424 : i32 to index
        %get3A_464 = arith.constant 32 : index
        %get3A_465 = tpu.vector_load %arg16[%get3A_463, %get3A_464] {strides = array<i32>} : memref<80x128xf32, #tpu.memory_space<vmem>>, vector<1x16xf32>,
        %get3A_466 = vector.shape_cast %get3A_465 : vector<1x16xf32> to vector<16xf32>
        %add3A_467 = arith.addf %get3A_462, %get3A_466 : vector<16xf32>
        %max3A_468 = arith.constant 0.000000e+00 : f32
        %max3A_469 = vector.broadcast %max3A_468 : f32 to vector<16xf32>
        %max3A_470 = arith.maximumf %add3A_467, %max3A_469 : vector<16xf32>
        %swap3A_471 = arith.index_cast %add3A_424 : i32 to index
        %swap3A_472 = arith.constant 32 : index
        %swap3A_473 = tpu.vector_load %arg11[%swap3A_471, %swap3A_472] {strides = array<i32>} : memref<80x128xf32, #tpu.memory_space<vmem>>, vector<1x16xf32>,
        %swap3A_474 = vector.shape_cast %swap3A_473 : vector<1x16xf32> to vector<16xf32>
        %swap3A_475 = vector.shape_cast %max3A_470 : vector<16xf32> to vector<1x16xf32>
        tpu.vector_store %arg11[%swap3A_471, %swap3A_472], %swap3A_475 {strides = array<i32>} : memref<80x128xf32, #tpu.memory_space<vmem>>, vector<1x16xf32>,
        %get3A_476 = arith.index_cast %add3A_424 : i32 to index
        %get3A_477 = arith.constant 48 : index
        %get3A_478 = tpu.vector_load %arg11[%get3A_476, %get3A_477] {strides = array<i32>} : memref<80x128xf32, #tpu.memory_space<vmem>>, vector<1x16xf32>,
        %get3A_479 = vector.shape_cast %get3A_478 : vector<1x16xf32> to vector<16xf32>
        %get3A_480 = arith.index_cast %add3A_424 : i32 to index
        %get3A_481 = arith.constant 48 : index
        %get3A_482 = tpu.vector_load %arg16[%get3A_480, %get3A_481] {strides = array<i32>} : memref<80x128xf32, #tpu.memory_space<vmem>>, vector<1x16xf32>,
        %get3A_483 = vector.shape_cast %get3A_482 : vector<1x16xf32> to vector<16xf32>
        %add3A_484 = arith.addf %get3A_479, %get3A_483 : vector<16xf32>
        %max3A_485 = arith.constant 0.000000e+00 : f32
        %max3A_486 = vector.broadcast %max3A_485 : f32 to vector<16xf32>
        %max3A_487 = arith.maximumf %add3A_484, %max3A_486 : vector<16xf32>
        %swap3A_488 = arith.index_cast %add3A_424 : i32 to index
        %swap3A_489 = arith.constant 48 : index
        %swap3A_490 = tpu.vector_load %arg11[%swap3A_488, %swap3A_489] {strides = array<i32>} : memref<80x128xf32, #tpu.memory_space<vmem>>, vector<1x16xf32>,
        %swap3A_491 = vector.shape_cast %swap3A_490 : vector<1x16xf32> to vector<16xf32>
        %swap3A_492 = vector.shape_cast %max3A_487 : vector<16xf32> to vector<1x16xf32>
        tpu.vector_store %arg11[%swap3A_488, %swap3A_489], %swap3A_492 {strides = array<i32>} : memref<80x128xf32, #tpu.memory_space<vmem>>, vector<1x16xf32>,
        %get3A_493 = arith.index_cast %add3A_424 : i32 to index
        %get3A_494 = arith.constant 64 : index
        %get3A_495 = tpu.vector_load %arg11[%get3A_493, %get3A_494] {strides = array<i32>} : memref<80x128xf32, #tpu.memory_space<vmem>>, vector<1x16xf32>,
        %get3A_496 = vector.shape_cast %get3A_495 : vector<1x16xf32> to vector<16xf32>
        %get3A_497 = arith.index_cast %add3A_424 : i32 to index
        %get3A_498 = arith.constant 64 : index
        %get3A_499 = tpu.vector_load %arg16[%get3A_497, %get3A_498] {strides = array<i32>} : memref<80x128xf32, #tpu.memory_space<vmem>>, vector<1x16xf32>,
        %get3A_500 = vector.shape_cast %get3A_499 : vector<1x16xf32> to vector<16xf32>
        %add3A_501 = arith.addf %get3A_496, %get3A_500 : vector<16xf32>
        %max3A_502 = arith.constant 0.000000e+00 : f32
        %max3A_503 = vector.broadcast %max3A_502 : f32 to vector<16xf32>
        %max3A_504 = arith.maximumf %add3A_501, %max3A_503 : vector<16xf32>
        %swap3A_505 = arith.index_cast %add3A_424 : i32 to index
        %swap3A_506 = arith.constant 64 : index
        %swap3A_507 = tpu.vector_load %arg11[%swap3A_505, %swap3A_506] {strides = array<i32>} : memref<80x128xf32, #tpu.memory_space<vmem>>, vector<1x16xf32>,
        %swap3A_508 = vector.shape_cast %swap3A_507 : vector<1x16xf32> to vector<16xf32>
        %swap3A_509 = vector.shape_cast %max3A_504 : vector<16xf32> to vector<1x16xf32>
        tpu.vector_store %arg11[%swap3A_505, %swap3A_506], %swap3A_509 {strides = array<i32>} : memref<80x128xf32, #tpu.memory_space<vmem>>, vector<1x16xf32>,
        %get3A_510 = arith.index_cast %add3A_424 : i32 to index
        %get3A_511 = arith.constant 80 : index
        %get3A_512 = tpu.vector_load %arg11[%get3A_510, %get3A_511] {strides = array<i32>} : memref<80x128xf32, #tpu.memory_space<vmem>>, vector<1x16xf32>,
        %get3A_513 = vector.shape_cast %get3A_512 : vector<1x16xf32> to vector<16xf32>
        %get3A_514 = arith.index_cast %add3A_424 : i32 to index
        %get3A_515 = arith.constant 80 : index
        %get3A_516 = tpu.vector_load %arg16[%get3A_514, %get3A_515] {strides = array<i32>} : memref<80x128xf32, #tpu.memory_space<vmem>>, vector<1x16xf32>,
        %get3A_517 = vector.shape_cast %get3A_516 : vector<1x16xf32> to vector<16xf32>
        %add3A_518 = arith.addf %get3A_513, %get3A_517 : vector<16xf32>
        %max3A_519 = arith.constant 0.000000e+00 : f32
        %max3A_520 = vector.broadcast %max3A_519 : f32 to vector<16xf32>
        %max3A_521 = arith.maximumf %add3A_518, %max3A_520 : vector<16xf32>
        %swap3A_522 = arith.index_cast %add3A_424 : i32 to index
        %swap3A_523 = arith.constant 80 : index
        %swap3A_524 = tpu.vector_load %arg11[%swap3A_522, %swap3A_523] {strides = array<i32>} : memref<80x128xf32, #tpu.memory_space<vmem>>, vector<1x16xf32>,
        %swap3A_525 = vector.shape_cast %swap3A_524 : vector<1x16xf32> to vector<16xf32>
        %swap3A_526 = vector.shape_cast %max3A_521 : vector<16xf32> to vector<1x16xf32>
        tpu.vector_store %arg11[%swap3A_522, %swap3A_523], %swap3A_526 {strides = array<i32>} : memref<80x128xf32, #tpu.memory_space<vmem>>, vector<1x16xf32>,
        %get3A_527 = arith.index_cast %add3A_424 : i32 to index
        %get3A_528 = arith.constant 96 : index
        %get3A_529 = tpu.vector_load %arg11[%get3A_527, %get3A_528] {strides = array<i32>} : memref<80x128xf32, #tpu.memory_space<vmem>>, vector<1x16xf32>,
        %get3A_530 = vector.shape_cast %get3A_529 : vector<1x16xf32> to vector<16xf32>
        %get3A_531 = arith.index_cast %add3A_424 : i32 to index
        %get3A_532 = arith.constant 96 : index
        %get3A_533 = tpu.vector_load %arg16[%get3A_531, %get3A_532] {strides = array<i32>} : memref<80x128xf32, #tpu.memory_space<vmem>>, vector<1x16xf32>,
        %get3A_534 = vector.shape_cast %get3A_533 : vector<1x16xf32> to vector<16xf32>
        %add3A_535 = arith.addf %get3A_530, %get3A_534 : vector<16xf32>
        %max3A_536 = arith.constant 0.000000e+00 : f32
        %max3A_537 = vector.broadcast %max3A_536 : f32 to vector<16xf32>
        %max3A_538 = arith.maximumf %add3A_535, %max3A_537 : vector<16xf32>
        %swap3A_539 = arith.index_cast %add3A_424 : i32 to index
        %swap3A_540 = arith.constant 96 : index
        %swap3A_541 = tpu.vector_load %arg11[%swap3A_539, %swap3A_540] {strides = array<i32>} : memref<80x128xf32, #tpu.memory_space<vmem>>, vector<1x16xf32>,
        %swap3A_542 = vector.shape_cast %swap3A_541 : vector<1x16xf32> to vector<16xf32>
        %swap3A_543 = vector.shape_cast %max3A_538 : vector<16xf32> to vector<1x16xf32>
        tpu.vector_store %arg11[%swap3A_539, %swap3A_540], %swap3A_543 {strides = array<i32>} : memref<80x128xf32, #tpu.memory_space<vmem>>, vector<1x16xf32>,
        %get3A_544 = arith.index_cast %add3A_424 : i32 to index
        %get3A_545 = arith.constant 112 : index
        %get3A_546 = tpu.vector_load %arg11[%get3A_544, %get3A_545] {strides = array<i32>} : memref<80x128xf32, #tpu.memory_space<vmem>>, vector<1x16xf32>,
        %get3A_547 = vector.shape_cast %get3A_546 : vector<1x16xf32> to vector<16xf32>
        %get3A_548 = arith.index_cast %add3A_424 : i32 to index
        %get3A_549 = arith.constant 112 : index
        %get3A_550 = tpu.vector_load %arg16[%get3A_548, %get3A_549] {strides = array<i32>} : memref<80x128xf32, #tpu.memory_space<vmem>>, vector<1x16xf32>,
        %get3A_551 = vector.shape_cast %get3A_550 : vector<1x16xf32> to vector<16xf32>
        %add3A_552 = arith.addf %get3A_547, %get3A_551 : vector<16xf32>
        %max3A_553 = arith.constant 0.000000e+00 : f32
        %max3A_554 = vector.broadcast %max3A_553 : f32 to vector<16xf32>
        %max3A_555 = arith.maximumf %add3A_552, %max3A_554 : vector<16xf32>
        %swap3A_556 = arith.index_cast %add3A_424 : i32 to index
        %swap3A_557 = arith.constant 112 : index
        %swap3A_558 = tpu.vector_load %arg11[%swap3A_556, %swap3A_557] {strides = array<i32>} : memref<80x128xf32, #tpu.memory_space<vmem>>, vector<1x16xf32>,
        %swap3A_559 = vector.shape_cast %swap3A_558 : vector<1x16xf32> to vector<16xf32>
        %swap3A_560 = vector.shape_cast %max3A_555 : vector<16xf32> to vector<1x16xf32>
        tpu.vector_store %arg11[%swap3A_556, %swap3A_557], %swap3A_560 {strides = array<i32>} : memref<80x128xf32, #tpu.memory_space<vmem>>, vector<1x16xf32>,
        %mul3A_561 = arith.constant 4 : i32
        %mul3A_562 = arith.muli %mul3A_561, %scan3A_143 : i32
        %add3A_563 = arith.constant 3 : i32
        %add3A_564 = arith.addi %mul3A_562, %add3A_563 : i32
        %get3A_565 = arith.index_cast %add3A_564 : i32 to index
        %get3A_566 = arith.constant 0 : index
        %get3A_567 = tpu.vector_load %arg11[%get3A_565, %get3A_566] {strides = array<i32>} : memref<80x128xf32, #tpu.memory_space<vmem>>, vector<1x16xf32>,
        %get3A_568 = vector.shape_cast %get3A_567 : vector<1x16xf32> to vector<16xf32>
        %get3A_569 = arith.index_cast %add3A_564 : i32 to index
        %get3A_570 = arith.constant 0 : index
        %get3A_571 = tpu.vector_load %arg16[%get3A_569, %get3A_570] {strides = array<i32>} : memref<80x128xf32, #tpu.memory_space<vmem>>, vector<1x16xf32>,
        %get3A_572 = vector.shape_cast %get3A_571 : vector<1x16xf32> to vector<16xf32>
        %add3A_573 = arith.addf %get3A_568, %get3A_572 : vector<16xf32>
        %max3A_574 = arith.constant 0.000000e+00 : f32
        %max3A_575 = vector.broadcast %max3A_574 : f32 to vector<16xf32>
        %max3A_576 = arith.maximumf %add3A_573, %max3A_575 : vector<16xf32>
        %swap3A_577 = arith.index_cast %add3A_564 : i32 to index
        %swap3A_578 = arith.constant 0 : index
        %swap3A_579 = tpu.vector_load %arg11[%swap3A_577, %swap3A_578] {strides = array<i32>} : memref<80x128xf32, #tpu.memory_space<vmem>>, vector<1x16xf32>,
        %swap3A_580 = vector.shape_cast %swap3A_579 : vector<1x16xf32> to vector<16xf32>
        %swap3A_581 = vector.shape_cast %max3A_576 : vector<16xf32> to vector<1x16xf32>
        tpu.vector_store %arg11[%swap3A_577, %swap3A_578], %swap3A_581 {strides = array<i32>} : memref<80x128xf32, #tpu.memory_space<vmem>>, vector<1x16xf32>,
        %get3A_582 = arith.index_cast %add3A_564 : i32 to index
        %get3A_583 = arith.constant 16 : index
        %get3A_584 = tpu.vector_load %arg11[%get3A_582, %get3A_583] {strides = array<i32>} : memref<80x128xf32, #tpu.memory_space<vmem>>, vector<1x16xf32>,
        %get3A_585 = vector.shape_cast %get3A_584 : vector<1x16xf32> to vector<16xf32>
        %get3A_586 = arith.index_cast %add3A_564 : i32 to index
        %get3A_587 = arith.constant 16 : index
        %get3A_588 = tpu.vector_load %arg16[%get3A_586, %get3A_587] {strides = array<i32>} : memref<80x128xf32, #tpu.memory_space<vmem>>, vector<1x16xf32>,
        %get3A_589 = vector.shape_cast %get3A_588 : vector<1x16xf32> to vector<16xf32>
        %add3A_590 = arith.addf %get3A_585, %get3A_589 : vector<16xf32>
        %max3A_591 = arith.constant 0.000000e+00 : f32
        %max3A_592 = vector.broadcast %max3A_591 : f32 to vector<16xf32>
        %max3A_593 = arith.maximumf %add3A_590, %max3A_592 : vector<16xf32>
        %swap3A_594 = arith.index_cast %add3A_564 : i32 to index
        %swap3A_595 = arith.constant 16 : index
        %swap3A_596 = tpu.vector_load %arg11[%swap3A_594, %swap3A_595] {strides = array<i32>} : memref<80x128xf32, #tpu.memory_space<vmem>>, vector<1x16xf32>,
        %swap3A_597 = vector.shape_cast %swap3A_596 : vector<1x16xf32> to vector<16xf32>
        %swap3A_598 = vector.shape_cast %max3A_593 : vector<16xf32> to vector<1x16xf32>
        tpu.vector_store %arg11[%swap3A_594, %swap3A_595], %swap3A_598 {strides = array<i32>} : memref<80x128xf32, #tpu.memory_space<vmem>>, vector<1x16xf32>,
        %get3A_599 = arith.index_cast %add3A_564 : i32 to index
        %get3A_600 = arith.constant 32 : index
        %get3A_601 = tpu.vector_load %arg11[%get3A_599, %get3A_600] {strides = array<i32>} : memref<80x128xf32, #tpu.memory_space<vmem>>, vector<1x16xf32>,
        %get3A_602 = vector.shape_cast %get3A_601 : vector<1x16xf32> to vector<16xf32>
        %get3A_603 = arith.index_cast %add3A_564 : i32 to index
        %get3A_604 = arith.constant 32 : index
        %get3A_605 = tpu.vector_load %arg16[%get3A_603, %get3A_604] {strides = array<i32>} : memref<80x128xf32, #tpu.memory_space<vmem>>, vector<1x16xf32>,
        %get3A_606 = vector.shape_cast %get3A_605 : vector<1x16xf32> to vector<16xf32>
        %add3A_607 = arith.addf %get3A_602, %get3A_606 : vector<16xf32>
        %max3A_608 = arith.constant 0.000000e+00 : f32
        %max3A_609 = vector.broadcast %max3A_608 : f32 to vector<16xf32>
        %max3A_610 = arith.maximumf %add3A_607, %max3A_609 : vector<16xf32>
        %swap3A_611 = arith.index_cast %add3A_564 : i32 to index
        %swap3A_612 = arith.constant 32 : index
        %swap3A_613 = tpu.vector_load %arg11[%swap3A_611, %swap3A_612] {strides = array<i32>} : memref<80x128xf32, #tpu.memory_space<vmem>>, vector<1x16xf32>,
        %swap3A_614 = vector.shape_cast %swap3A_613 : vector<1x16xf32> to vector<16xf32>
        %swap3A_615 = vector.shape_cast %max3A_610 : vector<16xf32> to vector<1x16xf32>
        tpu.vector_store %arg11[%swap3A_611, %swap3A_612], %swap3A_615 {strides = array<i32>} : memref<80x128xf32, #tpu.memory_space<vmem>>, vector<1x16xf32>,
        %get3A_616 = arith.index_cast %add3A_564 : i32 to index
        %get3A_617 = arith.constant 48 : index
        %get3A_618 = tpu.vector_load %arg11[%get3A_616, %get3A_617] {strides = array<i32>} : memref<80x128xf32, #tpu.memory_space<vmem>>, vector<1x16xf32>,
        %get3A_619 = vector.shape_cast %get3A_618 : vector<1x16xf32> to vector<16xf32>
        %get3A_620 = arith.index_cast %add3A_564 : i32 to index
        %get3A_621 = arith.constant 48 : index
        %get3A_622 = tpu.vector_load %arg16[%get3A_620, %get3A_621] {strides = array<i32>} : memref<80x128xf32, #tpu.memory_space<vmem>>, vector<1x16xf32>,
        %get3A_623 = vector.shape_cast %get3A_622 : vector<1x16xf32> to vector<16xf32>
        %add3A_624 = arith.addf %get3A_619, %get3A_623 : vector<16xf32>
        %max3A_625 = arith.constant 0.000000e+00 : f32
        %max3A_626 = vector.broadcast %max3A_625 : f32 to vector<16xf32>
        %max3A_627 = arith.maximumf %add3A_624, %max3A_626 : vector<16xf32>
        %swap3A_628 = arith.index_cast %add3A_564 : i32 to index
        %swap3A_629 = arith.constant 48 : index
        %swap3A_630 = tpu.vector_load %arg11[%swap3A_628, %swap3A_629] {strides = array<i32>} : memref<80x128xf32, #tpu.memory_space<vmem>>, vector<1x16xf32>,
        %swap3A_631 = vector.shape_cast %swap3A_630 : vector<1x16xf32> to vector<16xf32>
        %swap3A_632 = vector.shape_cast %max3A_627 : vector<16xf32> to vector<1x16xf32>
        tpu.vector_store %arg11[%swap3A_628, %swap3A_629], %swap3A_632 {strides = array<i32>} : memref<80x128xf32, #tpu.memory_space<vmem>>, vector<1x16xf32>,
        %get3A_633 = arith.index_cast %add3A_564 : i32 to index
        %get3A_634 = arith.constant 64 : index
        %get3A_635 = tpu.vector_load %arg11[%get3A_633, %get3A_634] {strides = array<i32>} : memref<80x128xf32, #tpu.memory_space<vmem>>, vector<1x16xf32>,
        %get3A_636 = vector.shape_cast %get3A_635 : vector<1x16xf32> to vector<16xf32>
        %get3A_637 = arith.index_cast %add3A_564 : i32 to index
        %get3A_638 = arith.constant 64 : index
        %get3A_639 = tpu.vector_load %arg16[%get3A_637, %get3A_638] {strides = array<i32>} : memref<80x128xf32, #tpu.memory_space<vmem>>, vector<1x16xf32>,
        %get3A_640 = vector.shape_cast %get3A_639 : vector<1x16xf32> to vector<16xf32>
        %add3A_641 = arith.addf %get3A_636, %get3A_640 : vector<16xf32>
        %max3A_642 = arith.constant 0.000000e+00 : f32
        %max3A_643 = vector.broadcast %max3A_642 : f32 to vector<16xf32>
        %max3A_644 = arith.maximumf %add3A_641, %max3A_643 : vector<16xf32>
        %swap3A_645 = arith.index_cast %add3A_564 : i32 to index
        %swap3A_646 = arith.constant 64 : index
        %swap3A_647 = tpu.vector_load %arg11[%swap3A_645, %swap3A_646] {strides = array<i32>} : memref<80x128xf32, #tpu.memory_space<vmem>>, vector<1x16xf32>,
        %swap3A_648 = vector.shape_cast %swap3A_647 : vector<1x16xf32> to vector<16xf32>
        %swap3A_649 = vector.shape_cast %max3A_644 : vector<16xf32> to vector<1x16xf32>
        tpu.vector_store %arg11[%swap3A_645, %swap3A_646], %swap3A_649 {strides = array<i32>} : memref<80x128xf32, #tpu.memory_space<vmem>>, vector<1x16xf32>,
        %get3A_650 = arith.index_cast %add3A_564 : i32 to index
        %get3A_651 = arith.constant 80 : index
        %get3A_652 = tpu.vector_load %arg11[%get3A_650, %get3A_651] {strides = array<i32>} : memref<80x128xf32, #tpu.memory_space<vmem>>, vector<1x16xf32>,
        %get3A_653 = vector.shape_cast %get3A_652 : vector<1x16xf32> to vector<16xf32>
        %get3A_654 = arith.index_cast %add3A_564 : i32 to index
        %get3A_655 = arith.constant 80 : index
        %get3A_656 = tpu.vector_load %arg16[%get3A_654, %get3A_655] {strides = array<i32>} : memref<80x128xf32, #tpu.memory_space<vmem>>, vector<1x16xf32>,
        %get3A_657 = vector.shape_cast %get3A_656 : vector<1x16xf32> to vector<16xf32>
        %add3A_658 = arith.addf %get3A_653, %get3A_657 : vector<16xf32>
        %max3A_659 = arith.constant 0.000000e+00 : f32
        %max3A_660 = vector.broadcast %max3A_659 : f32 to vector<16xf32>
        %max3A_661 = arith.maximumf %add3A_658, %max3A_660 : vector<16xf32>
        %swap3A_662 = arith.index_cast %add3A_564 : i32 to index
        %swap3A_663 = arith.constant 80 : index
        %swap3A_664 = tpu.vector_load %arg11[%swap3A_662, %swap3A_663] {strides = array<i32>} : memref<80x128xf32, #tpu.memory_space<vmem>>, vector<1x16xf32>,
        %swap3A_665 = vector.shape_cast %swap3A_664 : vector<1x16xf32> to vector<16xf32>
        %swap3A_666 = vector.shape_cast %max3A_661 : vector<16xf32> to vector<1x16xf32>
        tpu.vector_store %arg11[%swap3A_662, %swap3A_663], %swap3A_666 {strides = array<i32>} : memref<80x128xf32, #tpu.memory_space<vmem>>, vector<1x16xf32>,
        %get3A_667 = arith.index_cast %add3A_564 : i32 to index
        %get3A_668 = arith.constant 96 : index
        %get3A_669 = tpu.vector_load %arg11[%get3A_667, %get3A_668] {strides = array<i32>} : memref<80x128xf32, #tpu.memory_space<vmem>>, vector<1x16xf32>,
        %get3A_670 = vector.shape_cast %get3A_669 : vector<1x16xf32> to vector<16xf32>
        %get3A_671 = arith.index_cast %add3A_564 : i32 to index
        %get3A_672 = arith.constant 96 : index
        %get3A_673 = tpu.vector_load %arg16[%get3A_671, %get3A_672] {strides = array<i32>} : memref<80x128xf32, #tpu.memory_space<vmem>>, vector<1x16xf32>,
        %get3A_674 = vector.shape_cast %get3A_673 : vector<1x16xf32> to vector<16xf32>
        %add3A_675 = arith.addf %get3A_670, %get3A_674 : vector<16xf32>
        %max3A_676 = arith.constant 0.000000e+00 : f32
        %max3A_677 = vector.broadcast %max3A_676 : f32 to vector<16xf32>
        %max3A_678 = arith.maximumf %add3A_675, %max3A_677 : vector<16xf32>
        %swap3A_679 = arith.index_cast %add3A_564 : i32 to index
        %swap3A_680 = arith.constant 96 : index
        %swap3A_681 = tpu.vector_load %arg11[%swap3A_679, %swap3A_680] {strides = array<i32>} : memref<80x128xf32, #tpu.memory_space<vmem>>, vector<1x16xf32>,
        %swap3A_682 = vector.shape_cast %swap3A_681 : vector<1x16xf32> to vector<16xf32>
        %swap3A_683 = vector.shape_cast %max3A_678 : vector<16xf32> to vector<1x16xf32>
        tpu.vector_store %arg11[%swap3A_679, %swap3A_680], %swap3A_683 {strides = array<i32>} : memref<80x128xf32, #tpu.memory_space<vmem>>, vector<1x16xf32>,
        %get3A_684 = arith.index_cast %add3A_564 : i32 to index
        %get3A_685 = arith.constant 112 : index
        %get3A_686 = tpu.vector_load %arg11[%get3A_684, %get3A_685] {strides = array<i32>} : memref<80x128xf32, #tpu.memory_space<vmem>>, vector<1x16xf32>,
        %get3A_687 = vector.shape_cast %get3A_686 : vector<1x16xf32> to vector<16xf32>
        %get3A_688 = arith.index_cast %add3A_564 : i32 to index
        %get3A_689 = arith.constant 112 : index
        %get3A_690 = tpu.vector_load %arg16[%get3A_688, %get3A_689] {strides = array<i32>} : memref<80x128xf32, #tpu.memory_space<vmem>>, vector<1x16xf32>,
        %get3A_691 = vector.shape_cast %get3A_690 : vector<1x16xf32> to vector<16xf32>
        %add3A_692 = arith.addf %get3A_687, %get3A_691 : vector<16xf32>
        %max3A_693 = arith.constant 0.000000e+00 : f32
        %max3A_694 = vector.broadcast %max3A_693 : f32 to vector<16xf32>
        %max3A_695 = arith.maximumf %add3A_692, %max3A_694 : vector<16xf32>
        %swap3A_696 = arith.index_cast %add3A_564 : i32 to index
        %swap3A_697 = arith.constant 112 : index
        %swap3A_698 = tpu.vector_load %arg11[%swap3A_696, %swap3A_697] {strides = array<i32>} : memref<80x128xf32, #tpu.memory_space<vmem>>, vector<1x16xf32>,
        %swap3A_699 = vector.shape_cast %swap3A_698 : vector<1x16xf32> to vector<16xf32>
        %swap3A_700 = vector.shape_cast %max3A_695 : vector<16xf32> to vector<1x16xf32>
        tpu.vector_store %arg11[%swap3A_696, %swap3A_697], %swap3A_700 {strides = array<i32>} : memref<80x128xf32, #tpu.memory_space<vmem>>, vector<1x16xf32>,
      }
      %scan3A_90 = arith.constant 20 : i32
      %dma_wait3A_91 = tpu.memref_slice %arg2[%add3A_70] : memref<327680xi32, #tpu.memory_space<hbm>> -> memref<80xi32, #tpu.memory_space<hbm>>
      %dma_wait3A_92 = tpu.memref_slice %arg2[%add3A_70] : memref<327680xi32, #tpu.memory_space<hbm>> -> memref<80xi32, #tpu.memory_space<hbm>>
      tpu.wait_dma2 semaphore(%arg21 : memref<!tpu.dma_semaphore, #tpu.memory_space<semaphore_mem>>) src(%dma_wait3A_92 : memref<80xi32, #tpu.memory_space<hbm>>) dst(%arg18 : memref<80xi32, #tpu.memory_space<vmem>>)
      %dma_wait3A_93 = tpu.memref_slice %arg3[%add3A_70] : memref<327680xi32, #tpu.memory_space<hbm>> -> memref<80xi32, #tpu.memory_space<hbm>>
      %dma_wait3A_94 = tpu.memref_slice %arg3[%add3A_70] : memref<327680xi32, #tpu.memory_space<hbm>> -> memref<80xi32, #tpu.memory_space<hbm>>
      tpu.wait_dma2 semaphore(%arg21 : memref<!tpu.dma_semaphore, #tpu.memory_space<semaphore_mem>>) src(%dma_wait3A_94 : memref<80xi32, #tpu.memory_space<hbm>>) dst(%arg19 : memref<80xi32, #tpu.memory_space<vmem>>)
      %dma_wait3A_95 = tpu.memref_slice %arg5[%add3A_70] : memref<327680xi32, #tpu.memory_space<hbm>> -> memref<80xi32, #tpu.memory_space<hbm>>
      %dma_wait3A_96 = tpu.memref_slice %arg5[%add3A_70] : memref<327680xi32, #tpu.memory_space<hbm>> -> memref<80xi32, #tpu.memory_space<hbm>>
      tpu.wait_dma2 semaphore(%arg21 : memref<!tpu.dma_semaphore, #tpu.memory_space<semaphore_mem>>) src(%dma_wait3A_96 : memref<80xi32, #tpu.memory_space<hbm>>) dst(%arg24 : memref<80xi32, #tpu.memory_space<vmem>>)
      %dma_start3A_97 = arith.constant 0 : i32
      %dma_start3A_98 = arith.constant 0 : i32
      %dma_start3A_99 = tpu.memref_slice %arg6[%dma_start3A_97, %dma_start3A_98] : memref<10240x128xf32, #tpu.memory_space<hbm>> -> memref<10240x128xf32, #tpu.memory_space<hbm>>
      tpu.enqueue_indirect_dma source(%dma_start3A_99 : memref<10240x128xf32, #tpu.memory_space<hbm>>) target(%arg25 : memref<80x128xf32, #tpu.memory_space<vmem>>) offsets(%arg24 : memref<80xi32, #tpu.memory_space<vmem>>) semaphore(%arg26 : memref<!tpu.dma_semaphore, #tpu.memory_space<semaphore_mem>>)
      %dma_start3A_100 = arith.constant 0 : i32
      %dma_start3A_101 = arith.constant 0 : i32
      %dma_start3A_102 = tpu.memref_slice %arg4[%dma_start3A_100, %dma_start3A_101] : memref<104x128xf32, #tpu.memory_space<hbm>> -> memref<104x128xf32, #tpu.memory_space<hbm>>
      tpu.enqueue_indirect_dma source(%dma_start3A_102 : memref<104x128xf32, #tpu.memory_space<hbm>>) target(%arg20 : memref<80x128xf32, #tpu.memory_space<vmem>>) offsets(%arg18 : memref<80xi32, #tpu.memory_space<vmem>>) semaphore(%arg22 : memref<!tpu.dma_semaphore, #tpu.memory_space<semaphore_mem>>)
      %dma_start3A_103 = arith.constant 0 : i32
      %dma_start3A_104 = arith.constant 0 : i32
      %dma_start3A_105 = tpu.memref_slice %arg8[%dma_start3A_103, %dma_start3A_104] : memref<10240x128xf32, #tpu.memory_space<vmem_shared>> -> memref<10240x128xf32, #tpu.memory_space<vmem_shared>>
      tpu.enqueue_indirect_dma source(%arg11 : memref<80x128xf32, #tpu.memory_space<vmem>>) target(%dma_start3A_105 : memref<10240x128xf32, #tpu.memory_space<vmem_shared>>) offsets(%arg10 : memref<80xi32, #tpu.memory_space<vmem>>) semaphore(%arg14 : memref<!tpu.dma_semaphore, #tpu.memory_space<semaphore_mem>>) {add = true}
      %mul3A_106 = arith.constant 2 : i32
      %mul3A_107 = arith.muli %mul3A_106, %while3A_61 : i32
      %add3A_108 = arith.constant 1 : i32
      %add3A_109 = arith.addi %mul3A_107, %add3A_108 : i32
      %add3A_110 = arith.constant 1 : i32
      %add3A_111 = arith.addi %add3A_109, %add3A_110 : i32
      %mul3A_112 = arith.constant 80 : i32
      %mul3A_113 = arith.muli %add3A_111, %mul3A_112 : i32
      %add3A_114 = arith.addi %select_n3A_8, %mul3A_113 : i32
      %dma_wait3A_115 = arith.constant 0 : i32
      %dma_wait3A_116 = arith.constant 0 : i32
      %dma_wait3A_117 = tpu.memref_slice %arg8[%dma_wait3A_115, %dma_wait3A_116] : memref<10240x128xf32, #tpu.memory_space<vmem_shared>> -> memref<10240x128xf32, #tpu.memory_space<vmem_shared>>
      tpu.wait_indirect_dma semaphore(%arg14 : memref<!tpu.dma_semaphore, #tpu.memory_space<semaphore_mem>>) src(%arg11 : memref<80x128xf32, #tpu.memory_space<vmem>>) dst(%dma_wait3A_117 : memref<10240x128xf32, #tpu.memory_space<vmem_shared>>)
      %sub3A = arith.constant 1 : i32
      %sub3A_118 = arith.subi %select_n3A, %sub3A : i32
      %lt3A = arith.cmpi slt, %while3A_61, %sub3A_118 : i32
      %convert_element_type3A_119 = arith.extui %lt3A : i1 to i32
      %cond3A_120 = arith.constant 0 : i32
      %cond3A_121 = arith.cmpi ne, %convert_element_type3A_119, %cond3A_120 : i32
      scf.if %cond3A_121 {
        %dma_start3A_143 = tpu.memref_slice %arg2[%add3A_114] : memref<327680xi32, #tpu.memory_space<hbm>> -> memref<80xi32, #tpu.memory_space<hbm>>
        %dma_start3A_144 = tpu.memref_slice %arg2[%add3A_114] : memref<327680xi32, #tpu.memory_space<hbm>> -> memref<80xi32, #tpu.memory_space<hbm>>
        tpu.enqueue_dma source(%dma_start3A_144 : memref<80xi32, #tpu.memory_space<hbm>>) target(%arg9 : memref<80xi32, #tpu.memory_space<vmem>>) target_semaphore(%arg12 : memref<!tpu.dma_semaphore, #tpu.memory_space<semaphore_mem>>)
        %dma_start3A_145 = tpu.memref_slice %arg3[%add3A_114] : memref<327680xi32, #tpu.memory_space<hbm>> -> memref<80xi32, #tpu.memory_space<hbm>>
        %dma_start3A_146 = tpu.memref_slice %arg3[%add3A_114] : memref<327680xi32, #tpu.memory_space<hbm>> -> memref<80xi32, #tpu.memory_space<hbm>>
        tpu.enqueue_dma source(%dma_start3A_146 : memref<80xi32, #tpu.memory_space<hbm>>) target(%arg10 : memref<80xi32, #tpu.memory_space<vmem>>) target_semaphore(%arg12 : memref<!tpu.dma_semaphore, #tpu.memory_space<semaphore_mem>>)
        %dma_start3A_147 = tpu.memref_slice %arg5[%add3A_114] : memref<327680xi32, #tpu.memory_space<hbm>> -> memref<80xi32, #tpu.memory_space<hbm>>
        %dma_start3A_148 = tpu.memref_slice %arg5[%add3A_114] : memref<327680xi32, #tpu.memory_space<hbm>> -> memref<80xi32, #tpu.memory_space<hbm>>
        tpu.enqueue_dma source(%dma_start3A_148 : memref<80xi32, #tpu.memory_space<hbm>>) target(%arg15 : memref<80xi32, #tpu.memory_space<vmem>>) target_semaphore(%arg12 : memref<!tpu.dma_semaphore, #tpu.memory_space<semaphore_mem>>)
      } else {
      }
      %dma_wait3A_122 = arith.constant 0 : i32
      %dma_wait3A_123 = arith.constant 0 : i32
      %dma_wait3A_124 = tpu.memref_slice %arg4[%dma_wait3A_122, %dma_wait3A_123] : memref<104x128xf32, #tpu.memory_space<hbm>> -> memref<104x128xf32, #tpu.memory_space<hbm>>
      tpu.wait_indirect_dma semaphore(%arg22 : memref<!tpu.dma_semaphore, #tpu.memory_space<semaphore_mem>>) src(%dma_wait3A_124 : memref<104x128xf32, #tpu.memory_space<hbm>>) dst(%arg20 : memref<80x128xf32, #tpu.memory_space<vmem>>)
      %dma_wait3A_125 = arith.constant 0 : i32
      %dma_wait3A_126 = arith.constant 0 : i32
      %dma_wait3A_127 = tpu.memref_slice %arg6[%dma_wait3A_125, %dma_wait3A_126] : memref<10240x128xf32, #tpu.memory_space<hbm>> -> memref<10240x128xf32, #tpu.memory_space<hbm>>
      tpu.wait_indirect_dma semaphore(%arg26 : memref<!tpu.dma_semaphore, #tpu.memory_space<semaphore_mem>>) src(%dma_wait3A_127 : memref<10240x128xf32, #tpu.memory_space<hbm>>) dst(%arg25 : memref<80x128xf32, #tpu.memory_space<vmem>>)
      %scan3A_128 = arith.constant 0 : i32
      %scan3A_129 = arith.constant 0 : i32
      %scan3A_130 = arith.constant 20 : i32
      %scan3A_131 = arith.addi %scan3A_129, %scan3A_130 : i32
      %scan3A_132 = arith.constant 1 : i32
      scf.for %scan3A_143 = %scan3A_129 to %scan3A_131 step %scan3A_132  : i32 {
        %mul3A_144 = arith.constant 4 : i32
        %mul3A_145 = arith.muli %mul3A_144, %scan3A_143 : i32
        %add3A_146 = arith.constant 0 : i32
        %add3A_147 = arith.addi %mul3A_145, %add3A_146 : i32
        %get3A = arith.index_cast %add3A_147 : i32 to index
        %get3A_148 = arith.constant 0 : index
        %get3A_149 = tpu.vector_load %arg20[%get3A, %get3A_148] {strides = array<i32>} : memref<80x128xf32, #tpu.memory_space<vmem>>, vector<1x16xf32>,
        %get3A_150 = vector.shape_cast %get3A_149 : vector<1x16xf32> to vector<16xf32>
        %get3A_151 = arith.index_cast %add3A_147 : i32 to index
        %get3A_152 = arith.constant 0 : index
        %get3A_153 = tpu.vector_load %arg25[%get3A_151, %get3A_152] {strides = array<i32>} : memref<80x128xf32, #tpu.memory_space<vmem>>, vector<1x16xf32>,
        %get3A_154 = vector.shape_cast %get3A_153 : vector<1x16xf32> to vector<16xf32>
        %add3A_155 = arith.addf %get3A_150, %get3A_154 : vector<16xf32>
        %max3A = arith.constant 0.000000e+00 : f32
        %max3A_156 = vector.broadcast %max3A : f32 to vector<16xf32>
        %max3A_157 = arith.maximumf %add3A_155, %max3A_156 : vector<16xf32>
        %swap3A = arith.index_cast %add3A_147 : i32 to index
        %swap3A_158 = arith.constant 0 : index
        %swap3A_159 = tpu.vector_load %arg20[%swap3A, %swap3A_158] {strides = array<i32>} : memref<80x128xf32, #tpu.memory_space<vmem>>, vector<1x16xf32>,
        %swap3A_160 = vector.shape_cast %swap3A_159 : vector<1x16xf32> to vector<16xf32>
        %swap3A_161 = vector.shape_cast %max3A_157 : vector<16xf32> to vector<1x16xf32>
        tpu.vector_store %arg20[%swap3A, %swap3A_158], %swap3A_161 {strides = array<i32>} : memref<80x128xf32, #tpu.memory_space<vmem>>, vector<1x16xf32>,
        %get3A_162 = arith.index_cast %add3A_147 : i32 to index
        %get3A_163 = arith.constant 16 : index
        %get3A_164 = tpu.vector_load %arg20[%get3A_162, %get3A_163] {strides = array<i32>} : memref<80x128xf32, #tpu.memory_space<vmem>>, vector<1x16xf32>,
        %get3A_165 = vector.shape_cast %get3A_164 : vector<1x16xf32> to vector<16xf32>
        %get3A_166 = arith.index_cast %add3A_147 : i32 to index
        %get3A_167 = arith.constant 16 : index
        %get3A_168 = tpu.vector_load %arg25[%get3A_166, %get3A_167] {strides = array<i32>} : memref<80x128xf32, #tpu.memory_space<vmem>>, vector<1x16xf32>,
        %get3A_169 = vector.shape_cast %get3A_168 : vector<1x16xf32> to vector<16xf32>
        %add3A_170 = arith.addf %get3A_165, %get3A_169 : vector<16xf32>
        %max3A_171 = arith.constant 0.000000e+00 : f32
        %max3A_172 = vector.broadcast %max3A_171 : f32 to vector<16xf32>
        %max3A_173 = arith.maximumf %add3A_170, %max3A_172 : vector<16xf32>
        %swap3A_174 = arith.index_cast %add3A_147 : i32 to index
        %swap3A_175 = arith.constant 16 : index
        %swap3A_176 = tpu.vector_load %arg20[%swap3A_174, %swap3A_175] {strides = array<i32>} : memref<80x128xf32, #tpu.memory_space<vmem>>, vector<1x16xf32>,
        %swap3A_177 = vector.shape_cast %swap3A_176 : vector<1x16xf32> to vector<16xf32>
        %swap3A_178 = vector.shape_cast %max3A_173 : vector<16xf32> to vector<1x16xf32>
        tpu.vector_store %arg20[%swap3A_174, %swap3A_175], %swap3A_178 {strides = array<i32>} : memref<80x128xf32, #tpu.memory_space<vmem>>, vector<1x16xf32>,
        %get3A_179 = arith.index_cast %add3A_147 : i32 to index
        %get3A_180 = arith.constant 32 : index
        %get3A_181 = tpu.vector_load %arg20[%get3A_179, %get3A_180] {strides = array<i32>} : memref<80x128xf32, #tpu.memory_space<vmem>>, vector<1x16xf32>,
        %get3A_182 = vector.shape_cast %get3A_181 : vector<1x16xf32> to vector<16xf32>
        %get3A_183 = arith.index_cast %add3A_147 : i32 to index
        %get3A_184 = arith.constant 32 : index
        %get3A_185 = tpu.vector_load %arg25[%get3A_183, %get3A_184] {strides = array<i32>} : memref<80x128xf32, #tpu.memory_space<vmem>>, vector<1x16xf32>,
        %get3A_186 = vector.shape_cast %get3A_185 : vector<1x16xf32> to vector<16xf32>
        %add3A_187 = arith.addf %get3A_182, %get3A_186 : vector<16xf32>
        %max3A_188 = arith.constant 0.000000e+00 : f32
        %max3A_189 = vector.broadcast %max3A_188 : f32 to vector<16xf32>
        %max3A_190 = arith.maximumf %add3A_187, %max3A_189 : vector<16xf32>
        %swap3A_191 = arith.index_cast %add3A_147 : i32 to index
        %swap3A_192 = arith.constant 32 : index
        %swap3A_193 = tpu.vector_load %arg20[%swap3A_191, %swap3A_192] {strides = array<i32>} : memref<80x128xf32, #tpu.memory_space<vmem>>, vector<1x16xf32>,
        %swap3A_194 = vector.shape_cast %swap3A_193 : vector<1x16xf32> to vector<16xf32>
        %swap3A_195 = vector.shape_cast %max3A_190 : vector<16xf32> to vector<1x16xf32>
        tpu.vector_store %arg20[%swap3A_191, %swap3A_192], %swap3A_195 {strides = array<i32>} : memref<80x128xf32, #tpu.memory_space<vmem>>, vector<1x16xf32>,
        %get3A_196 = arith.index_cast %add3A_147 : i32 to index
        %get3A_197 = arith.constant 48 : index
        %get3A_198 = tpu.vector_load %arg20[%get3A_196, %get3A_197] {strides = array<i32>} : memref<80x128xf32, #tpu.memory_space<vmem>>, vector<1x16xf32>,
        %get3A_199 = vector.shape_cast %get3A_198 : vector<1x16xf32> to vector<16xf32>
        %get3A_200 = arith.index_cast %add3A_147 : i32 to index
        %get3A_201 = arith.constant 48 : index
        %get3A_202 = tpu.vector_load %arg25[%get3A_200, %get3A_201] {strides = array<i32>} : memref<80x128xf32, #tpu.memory_space<vmem>>, vector<1x16xf32>,
        %get3A_203 = vector.shape_cast %get3A_202 : vector<1x16xf32> to vector<16xf32>
        %add3A_204 = arith.addf %get3A_199, %get3A_203 : vector<16xf32>
        %max3A_205 = arith.constant 0.000000e+00 : f32
        %max3A_206 = vector.broadcast %max3A_205 : f32 to vector<16xf32>
        %max3A_207 = arith.maximumf %add3A_204, %max3A_206 : vector<16xf32>
        %swap3A_208 = arith.index_cast %add3A_147 : i32 to index
        %swap3A_209 = arith.constant 48 : index
        %swap3A_210 = tpu.vector_load %arg20[%swap3A_208, %swap3A_209] {strides = array<i32>} : memref<80x128xf32, #tpu.memory_space<vmem>>, vector<1x16xf32>,
        %swap3A_211 = vector.shape_cast %swap3A_210 : vector<1x16xf32> to vector<16xf32>
        %swap3A_212 = vector.shape_cast %max3A_207 : vector<16xf32> to vector<1x16xf32>
        tpu.vector_store %arg20[%swap3A_208, %swap3A_209], %swap3A_212 {strides = array<i32>} : memref<80x128xf32, #tpu.memory_space<vmem>>, vector<1x16xf32>,
        %get3A_213 = arith.index_cast %add3A_147 : i32 to index
        %get3A_214 = arith.constant 64 : index
        %get3A_215 = tpu.vector_load %arg20[%get3A_213, %get3A_214] {strides = array<i32>} : memref<80x128xf32, #tpu.memory_space<vmem>>, vector<1x16xf32>,
        %get3A_216 = vector.shape_cast %get3A_215 : vector<1x16xf32> to vector<16xf32>
        %get3A_217 = arith.index_cast %add3A_147 : i32 to index
        %get3A_218 = arith.constant 64 : index
        %get3A_219 = tpu.vector_load %arg25[%get3A_217, %get3A_218] {strides = array<i32>} : memref<80x128xf32, #tpu.memory_space<vmem>>, vector<1x16xf32>,
        %get3A_220 = vector.shape_cast %get3A_219 : vector<1x16xf32> to vector<16xf32>
        %add3A_221 = arith.addf %get3A_216, %get3A_220 : vector<16xf32>
        %max3A_222 = arith.constant 0.000000e+00 : f32
        %max3A_223 = vector.broadcast %max3A_222 : f32 to vector<16xf32>
        %max3A_224 = arith.maximumf %add3A_221, %max3A_223 : vector<16xf32>
        %swap3A_225 = arith.index_cast %add3A_147 : i32 to index
        %swap3A_226 = arith.constant 64 : index
        %swap3A_227 = tpu.vector_load %arg20[%swap3A_225, %swap3A_226] {strides = array<i32>} : memref<80x128xf32, #tpu.memory_space<vmem>>, vector<1x16xf32>,
        %swap3A_228 = vector.shape_cast %swap3A_227 : vector<1x16xf32> to vector<16xf32>
        %swap3A_229 = vector.shape_cast %max3A_224 : vector<16xf32> to vector<1x16xf32>
        tpu.vector_store %arg20[%swap3A_225, %swap3A_226], %swap3A_229 {strides = array<i32>} : memref<80x128xf32, #tpu.memory_space<vmem>>, vector<1x16xf32>,
        %get3A_230 = arith.index_cast %add3A_147 : i32 to index
        %get3A_231 = arith.constant 80 : index
        %get3A_232 = tpu.vector_load %arg20[%get3A_230, %get3A_231] {strides = array<i32>} : memref<80x128xf32, #tpu.memory_space<vmem>>, vector<1x16xf32>,
        %get3A_233 = vector.shape_cast %get3A_232 : vector<1x16xf32> to vector<16xf32>
        %get3A_234 = arith.index_cast %add3A_147 : i32 to index
        %get3A_235 = arith.constant 80 : index
        %get3A_236 = tpu.vector_load %arg25[%get3A_234, %get3A_235] {strides = array<i32>} : memref<80x128xf32, #tpu.memory_space<vmem>>, vector<1x16xf32>,
        %get3A_237 = vector.shape_cast %get3A_236 : vector<1x16xf32> to vector<16xf32>
        %add3A_238 = arith.addf %get3A_233, %get3A_237 : vector<16xf32>
        %max3A_239 = arith.constant 0.000000e+00 : f32
        %max3A_240 = vector.broadcast %max3A_239 : f32 to vector<16xf32>
        %max3A_241 = arith.maximumf %add3A_238, %max3A_240 : vector<16xf32>
        %swap3A_242 = arith.index_cast %add3A_147 : i32 to index
        %swap3A_243 = arith.constant 80 : index
        %swap3A_244 = tpu.vector_load %arg20[%swap3A_242, %swap3A_243] {strides = array<i32>} : memref<80x128xf32, #tpu.memory_space<vmem>>, vector<1x16xf32>,
        %swap3A_245 = vector.shape_cast %swap3A_244 : vector<1x16xf32> to vector<16xf32>
        %swap3A_246 = vector.shape_cast %max3A_241 : vector<16xf32> to vector<1x16xf32>
        tpu.vector_store %arg20[%swap3A_242, %swap3A_243], %swap3A_246 {strides = array<i32>} : memref<80x128xf32, #tpu.memory_space<vmem>>, vector<1x16xf32>,
        %get3A_247 = arith.index_cast %add3A_147 : i32 to index
        %get3A_248 = arith.constant 96 : index
        %get3A_249 = tpu.vector_load %arg20[%get3A_247, %get3A_248] {strides = array<i32>} : memref<80x128xf32, #tpu.memory_space<vmem>>, vector<1x16xf32>,
        %get3A_250 = vector.shape_cast %get3A_249 : vector<1x16xf32> to vector<16xf32>
        %get3A_251 = arith.index_cast %add3A_147 : i32 to index
        %get3A_252 = arith.constant 96 : index
        %get3A_253 = tpu.vector_load %arg25[%get3A_251, %get3A_252] {strides = array<i32>} : memref<80x128xf32, #tpu.memory_space<vmem>>, vector<1x16xf32>,
        %get3A_254 = vector.shape_cast %get3A_253 : vector<1x16xf32> to vector<16xf32>
        %add3A_255 = arith.addf %get3A_250, %get3A_254 : vector<16xf32>
        %max3A_256 = arith.constant 0.000000e+00 : f32
        %max3A_257 = vector.broadcast %max3A_256 : f32 to vector<16xf32>
        %max3A_258 = arith.maximumf %add3A_255, %max3A_257 : vector<16xf32>
        %swap3A_259 = arith.index_cast %add3A_147 : i32 to index
        %swap3A_260 = arith.constant 96 : index
        %swap3A_261 = tpu.vector_load %arg20[%swap3A_259, %swap3A_260] {strides = array<i32>} : memref<80x128xf32, #tpu.memory_space<vmem>>, vector<1x16xf32>,
        %swap3A_262 = vector.shape_cast %swap3A_261 : vector<1x16xf32> to vector<16xf32>
        %swap3A_263 = vector.shape_cast %max3A_258 : vector<16xf32> to vector<1x16xf32>
        tpu.vector_store %arg20[%swap3A_259, %swap3A_260], %swap3A_263 {strides = array<i32>} : memref<80x128xf32, #tpu.memory_space<vmem>>, vector<1x16xf32>,
        %get3A_264 = arith.index_cast %add3A_147 : i32 to index
        %get3A_265 = arith.constant 112 : index
        %get3A_266 = tpu.vector_load %arg20[%get3A_264, %get3A_265] {strides = array<i32>} : memref<80x128xf32, #tpu.memory_space<vmem>>, vector<1x16xf32>,
        %get3A_267 = vector.shape_cast %get3A_266 : vector<1x16xf32> to vector<16xf32>
        %get3A_268 = arith.index_cast %add3A_147 : i32 to index
        %get3A_269 = arith.constant 112 : index
        %get3A_270 = tpu.vector_load %arg25[%get3A_268, %get3A_269] {strides = array<i32>} : memref<80x128xf32, #tpu.memory_space<vmem>>, vector<1x16xf32>,
        %get3A_271 = vector.shape_cast %get3A_270 : vector<1x16xf32> to vector<16xf32>
        %add3A_272 = arith.addf %get3A_267, %get3A_271 : vector<16xf32>
        %max3A_273 = arith.constant 0.000000e+00 : f32
        %max3A_274 = vector.broadcast %max3A_273 : f32 to vector<16xf32>
        %max3A_275 = arith.maximumf %add3A_272, %max3A_274 : vector<16xf32>
        %swap3A_276 = arith.index_cast %add3A_147 : i32 to index
        %swap3A_277 = arith.constant 112 : index
        %swap3A_278 = tpu.vector_load %arg20[%swap3A_276, %swap3A_277] {strides = array<i32>} : memref<80x128xf32, #tpu.memory_space<vmem>>, vector<1x16xf32>,
        %swap3A_279 = vector.shape_cast %swap3A_278 : vector<1x16xf32> to vector<16xf32>
        %swap3A_280 = vector.shape_cast %max3A_275 : vector<16xf32> to vector<1x16xf32>
        tpu.vector_store %arg20[%swap3A_276, %swap3A_277], %swap3A_280 {strides = array<i32>} : memref<80x128xf32, #tpu.memory_space<vmem>>, vector<1x16xf32>,
        %mul3A_281 = arith.constant 4 : i32
        %mul3A_282 = arith.muli %mul3A_281, %scan3A_143 : i32
        %add3A_283 = arith.constant 1 : i32
        %add3A_284 = arith.addi %mul3A_282, %add3A_283 : i32
        %get3A_285 = arith.index_cast %add3A_284 : i32 to index
        %get3A_286 = arith.constant 0 : index
        %get3A_287 = tpu.vector_load %arg20[%get3A_285, %get3A_286] {strides = array<i32>} : memref<80x128xf32, #tpu.memory_space<vmem>>, vector<1x16xf32>,
        %get3A_288 = vector.shape_cast %get3A_287 : vector<1x16xf32> to vector<16xf32>
        %get3A_289 = arith.index_cast %add3A_284 : i32 to index
        %get3A_290 = arith.constant 0 : index
        %get3A_291 = tpu.vector_load %arg25[%get3A_289, %get3A_290] {strides = array<i32>} : memref<80x128xf32, #tpu.memory_space<vmem>>, vector<1x16xf32>,
        %get3A_292 = vector.shape_cast %get3A_291 : vector<1x16xf32> to vector<16xf32>
        %add3A_293 = arith.addf %get3A_288, %get3A_292 : vector<16xf32>
        %max3A_294 = arith.constant 0.000000e+00 : f32
        %max3A_295 = vector.broadcast %max3A_294 : f32 to vector<16xf32>
        %max3A_296 = arith.maximumf %add3A_293, %max3A_295 : vector<16xf32>
        %swap3A_297 = arith.index_cast %add3A_284 : i32 to index
        %swap3A_298 = arith.constant 0 : index
        %swap3A_299 = tpu.vector_load %arg20[%swap3A_297, %swap3A_298] {strides = array<i32>} : memref<80x128xf32, #tpu.memory_space<vmem>>, vector<1x16xf32>,
        %swap3A_300 = vector.shape_cast %swap3A_299 : vector<1x16xf32> to vector<16xf32>
        %swap3A_301 = vector.shape_cast %max3A_296 : vector<16xf32> to vector<1x16xf32>
        tpu.vector_store %arg20[%swap3A_297, %swap3A_298], %swap3A_301 {strides = array<i32>} : memref<80x128xf32, #tpu.memory_space<vmem>>, vector<1x16xf32>,
        %get3A_302 = arith.index_cast %add3A_284 : i32 to index
        %get3A_303 = arith.constant 16 : index
        %get3A_304 = tpu.vector_load %arg20[%get3A_302, %get3A_303] {strides = array<i32>} : memref<80x128xf32, #tpu.memory_space<vmem>>, vector<1x16xf32>,
        %get3A_305 = vector.shape_cast %get3A_304 : vector<1x16xf32> to vector<16xf32>
        %get3A_306 = arith.index_cast %add3A_284 : i32 to index
        %get3A_307 = arith.constant 16 : index
        %get3A_308 = tpu.vector_load %arg25[%get3A_306, %get3A_307] {strides = array<i32>} : memref<80x128xf32, #tpu.memory_space<vmem>>, vector<1x16xf32>,
        %get3A_309 = vector.shape_cast %get3A_308 : vector<1x16xf32> to vector<16xf32>
        %add3A_310 = arith.addf %get3A_305, %get3A_309 : vector<16xf32>
        %max3A_311 = arith.constant 0.000000e+00 : f32
        %max3A_312 = vector.broadcast %max3A_311 : f32 to vector<16xf32>
        %max3A_313 = arith.maximumf %add3A_310, %max3A_312 : vector<16xf32>
        %swap3A_314 = arith.index_cast %add3A_284 : i32 to index
        %swap3A_315 = arith.constant 16 : index
        %swap3A_316 = tpu.vector_load %arg20[%swap3A_314, %swap3A_315] {strides = array<i32>} : memref<80x128xf32, #tpu.memory_space<vmem>>, vector<1x16xf32>,
        %swap3A_317 = vector.shape_cast %swap3A_316 : vector<1x16xf32> to vector<16xf32>
        %swap3A_318 = vector.shape_cast %max3A_313 : vector<16xf32> to vector<1x16xf32>
        tpu.vector_store %arg20[%swap3A_314, %swap3A_315], %swap3A_318 {strides = array<i32>} : memref<80x128xf32, #tpu.memory_space<vmem>>, vector<1x16xf32>,
        %get3A_319 = arith.index_cast %add3A_284 : i32 to index
        %get3A_320 = arith.constant 32 : index
        %get3A_321 = tpu.vector_load %arg20[%get3A_319, %get3A_320] {strides = array<i32>} : memref<80x128xf32, #tpu.memory_space<vmem>>, vector<1x16xf32>,
        %get3A_322 = vector.shape_cast %get3A_321 : vector<1x16xf32> to vector<16xf32>
        %get3A_323 = arith.index_cast %add3A_284 : i32 to index
        %get3A_324 = arith.constant 32 : index
        %get3A_325 = tpu.vector_load %arg25[%get3A_323, %get3A_324] {strides = array<i32>} : memref<80x128xf32, #tpu.memory_space<vmem>>, vector<1x16xf32>,
        %get3A_326 = vector.shape_cast %get3A_325 : vector<1x16xf32> to vector<16xf32>
        %add3A_327 = arith.addf %get3A_322, %get3A_326 : vector<16xf32>
        %max3A_328 = arith.constant 0.000000e+00 : f32
        %max3A_329 = vector.broadcast %max3A_328 : f32 to vector<16xf32>
        %max3A_330 = arith.maximumf %add3A_327, %max3A_329 : vector<16xf32>
        %swap3A_331 = arith.index_cast %add3A_284 : i32 to index
        %swap3A_332 = arith.constant 32 : index
        %swap3A_333 = tpu.vector_load %arg20[%swap3A_331, %swap3A_332] {strides = array<i32>} : memref<80x128xf32, #tpu.memory_space<vmem>>, vector<1x16xf32>,
        %swap3A_334 = vector.shape_cast %swap3A_333 : vector<1x16xf32> to vector<16xf32>
        %swap3A_335 = vector.shape_cast %max3A_330 : vector<16xf32> to vector<1x16xf32>
        tpu.vector_store %arg20[%swap3A_331, %swap3A_332], %swap3A_335 {strides = array<i32>} : memref<80x128xf32, #tpu.memory_space<vmem>>, vector<1x16xf32>,
        %get3A_336 = arith.index_cast %add3A_284 : i32 to index
        %get3A_337 = arith.constant 48 : index
        %get3A_338 = tpu.vector_load %arg20[%get3A_336, %get3A_337] {strides = array<i32>} : memref<80x128xf32, #tpu.memory_space<vmem>>, vector<1x16xf32>,
        %get3A_339 = vector.shape_cast %get3A_338 : vector<1x16xf32> to vector<16xf32>
        %get3A_340 = arith.index_cast %add3A_284 : i32 to index
        %get3A_341 = arith.constant 48 : index
        %get3A_342 = tpu.vector_load %arg25[%get3A_340, %get3A_341] {strides = array<i32>} : memref<80x128xf32, #tpu.memory_space<vmem>>, vector<1x16xf32>,
        %get3A_343 = vector.shape_cast %get3A_342 : vector<1x16xf32> to vector<16xf32>
        %add3A_344 = arith.addf %get3A_339, %get3A_343 : vector<16xf32>
        %max3A_345 = arith.constant 0.000000e+00 : f32
        %max3A_346 = vector.broadcast %max3A_345 : f32 to vector<16xf32>
        %max3A_347 = arith.maximumf %add3A_344, %max3A_346 : vector<16xf32>
        %swap3A_348 = arith.index_cast %add3A_284 : i32 to index
        %swap3A_349 = arith.constant 48 : index
        %swap3A_350 = tpu.vector_load %arg20[%swap3A_348, %swap3A_349] {strides = array<i32>} : memref<80x128xf32, #tpu.memory_space<vmem>>, vector<1x16xf32>,
        %swap3A_351 = vector.shape_cast %swap3A_350 : vector<1x16xf32> to vector<16xf32>
        %swap3A_352 = vector.shape_cast %max3A_347 : vector<16xf32> to vector<1x16xf32>
        tpu.vector_store %arg20[%swap3A_348, %swap3A_349], %swap3A_352 {strides = array<i32>} : memref<80x128xf32, #tpu.memory_space<vmem>>, vector<1x16xf32>,
        %get3A_353 = arith.index_cast %add3A_284 : i32 to index
        %get3A_354 = arith.constant 64 : index
        %get3A_355 = tpu.vector_load %arg20[%get3A_353, %get3A_354] {strides = array<i32>} : memref<80x128xf32, #tpu.memory_space<vmem>>, vector<1x16xf32>,
        %get3A_356 = vector.shape_cast %get3A_355 : vector<1x16xf32> to vector<16xf32>
        %get3A_357 = arith.index_cast %add3A_284 : i32 to index
        %get3A_358 = arith.constant 64 : index
        %get3A_359 = tpu.vector_load %arg25[%get3A_357, %get3A_358] {strides = array<i32>} : memref<80x128xf32, #tpu.memory_space<vmem>>, vector<1x16xf32>,
        %get3A_360 = vector.shape_cast %get3A_359 : vector<1x16xf32> to vector<16xf32>
        %add3A_361 = arith.addf %get3A_356, %get3A_360 : vector<16xf32>
        %max3A_362 = arith.constant 0.000000e+00 : f32
        %max3A_363 = vector.broadcast %max3A_362 : f32 to vector<16xf32>
        %max3A_364 = arith.maximumf %add3A_361, %max3A_363 : vector<16xf32>
        %swap3A_365 = arith.index_cast %add3A_284 : i32 to index
        %swap3A_366 = arith.constant 64 : index
        %swap3A_367 = tpu.vector_load %arg20[%swap3A_365, %swap3A_366] {strides = array<i32>} : memref<80x128xf32, #tpu.memory_space<vmem>>, vector<1x16xf32>,
        %swap3A_368 = vector.shape_cast %swap3A_367 : vector<1x16xf32> to vector<16xf32>
        %swap3A_369 = vector.shape_cast %max3A_364 : vector<16xf32> to vector<1x16xf32>
        tpu.vector_store %arg20[%swap3A_365, %swap3A_366], %swap3A_369 {strides = array<i32>} : memref<80x128xf32, #tpu.memory_space<vmem>>, vector<1x16xf32>,
        %get3A_370 = arith.index_cast %add3A_284 : i32 to index
        %get3A_371 = arith.constant 80 : index
        %get3A_372 = tpu.vector_load %arg20[%get3A_370, %get3A_371] {strides = array<i32>} : memref<80x128xf32, #tpu.memory_space<vmem>>, vector<1x16xf32>,
        %get3A_373 = vector.shape_cast %get3A_372 : vector<1x16xf32> to vector<16xf32>
        %get3A_374 = arith.index_cast %add3A_284 : i32 to index
        %get3A_375 = arith.constant 80 : index
        %get3A_376 = tpu.vector_load %arg25[%get3A_374, %get3A_375] {strides = array<i32>} : memref<80x128xf32, #tpu.memory_space<vmem>>, vector<1x16xf32>,
        %get3A_377 = vector.shape_cast %get3A_376 : vector<1x16xf32> to vector<16xf32>
        %add3A_378 = arith.addf %get3A_373, %get3A_377 : vector<16xf32>
        %max3A_379 = arith.constant 0.000000e+00 : f32
        %max3A_380 = vector.broadcast %max3A_379 : f32 to vector<16xf32>
        %max3A_381 = arith.maximumf %add3A_378, %max3A_380 : vector<16xf32>
        %swap3A_382 = arith.index_cast %add3A_284 : i32 to index
        %swap3A_383 = arith.constant 80 : index
        %swap3A_384 = tpu.vector_load %arg20[%swap3A_382, %swap3A_383] {strides = array<i32>} : memref<80x128xf32, #tpu.memory_space<vmem>>, vector<1x16xf32>,
        %swap3A_385 = vector.shape_cast %swap3A_384 : vector<1x16xf32> to vector<16xf32>
        %swap3A_386 = vector.shape_cast %max3A_381 : vector<16xf32> to vector<1x16xf32>
        tpu.vector_store %arg20[%swap3A_382, %swap3A_383], %swap3A_386 {strides = array<i32>} : memref<80x128xf32, #tpu.memory_space<vmem>>, vector<1x16xf32>,
        %get3A_387 = arith.index_cast %add3A_284 : i32 to index
        %get3A_388 = arith.constant 96 : index
        %get3A_389 = tpu.vector_load %arg20[%get3A_387, %get3A_388] {strides = array<i32>} : memref<80x128xf32, #tpu.memory_space<vmem>>, vector<1x16xf32>,
        %get3A_390 = vector.shape_cast %get3A_389 : vector<1x16xf32> to vector<16xf32>
        %get3A_391 = arith.index_cast %add3A_284 : i32 to index
        %get3A_392 = arith.constant 96 : index
        %get3A_393 = tpu.vector_load %arg25[%get3A_391, %get3A_392] {strides = array<i32>} : memref<80x128xf32, #tpu.memory_space<vmem>>, vector<1x16xf32>,
        %get3A_394 = vector.shape_cast %get3A_393 : vector<1x16xf32> to vector<16xf32>
        %add3A_395 = arith.addf %get3A_390, %get3A_394 : vector<16xf32>
        %max3A_396 = arith.constant 0.000000e+00 : f32
        %max3A_397 = vector.broadcast %max3A_396 : f32 to vector<16xf32>
        %max3A_398 = arith.maximumf %add3A_395, %max3A_397 : vector<16xf32>
        %swap3A_399 = arith.index_cast %add3A_284 : i32 to index
        %swap3A_400 = arith.constant 96 : index
        %swap3A_401 = tpu.vector_load %arg20[%swap3A_399, %swap3A_400] {strides = array<i32>} : memref<80x128xf32, #tpu.memory_space<vmem>>, vector<1x16xf32>,
        %swap3A_402 = vector.shape_cast %swap3A_401 : vector<1x16xf32> to vector<16xf32>
        %swap3A_403 = vector.shape_cast %max3A_398 : vector<16xf32> to vector<1x16xf32>
        tpu.vector_store %arg20[%swap3A_399, %swap3A_400], %swap3A_403 {strides = array<i32>} : memref<80x128xf32, #tpu.memory_space<vmem>>, vector<1x16xf32>,
        %get3A_404 = arith.index_cast %add3A_284 : i32 to index
        %get3A_405 = arith.constant 112 : index
        %get3A_406 = tpu.vector_load %arg20[%get3A_404, %get3A_405] {strides = array<i32>} : memref<80x128xf32, #tpu.memory_space<vmem>>, vector<1x16xf32>,
        %get3A_407 = vector.shape_cast %get3A_406 : vector<1x16xf32> to vector<16xf32>
        %get3A_408 = arith.index_cast %add3A_284 : i32 to index
        %get3A_409 = arith.constant 112 : index
        %get3A_410 = tpu.vector_load %arg25[%get3A_408, %get3A_409] {strides = array<i32>} : memref<80x128xf32, #tpu.memory_space<vmem>>, vector<1x16xf32>,
        %get3A_411 = vector.shape_cast %get3A_410 : vector<1x16xf32> to vector<16xf32>
        %add3A_412 = arith.addf %get3A_407, %get3A_411 : vector<16xf32>
        %max3A_413 = arith.constant 0.000000e+00 : f32
        %max3A_414 = vector.broadcast %max3A_413 : f32 to vector<16xf32>
        %max3A_415 = arith.maximumf %add3A_412, %max3A_414 : vector<16xf32>
        %swap3A_416 = arith.index_cast %add3A_284 : i32 to index
        %swap3A_417 = arith.constant 112 : index
        %swap3A_418 = tpu.vector_load %arg20[%swap3A_416, %swap3A_417] {strides = array<i32>} : memref<80x128xf32, #tpu.memory_space<vmem>>, vector<1x16xf32>,
        %swap3A_419 = vector.shape_cast %swap3A_418 : vector<1x16xf32> to vector<16xf32>
        %swap3A_420 = vector.shape_cast %max3A_415 : vector<16xf32> to vector<1x16xf32>
        tpu.vector_store %arg20[%swap3A_416, %swap3A_417], %swap3A_420 {strides = array<i32>} : memref<80x128xf32, #tpu.memory_space<vmem>>, vector<1x16xf32>,
        %mul3A_421 = arith.constant 4 : i32
        %mul3A_422 = arith.muli %mul3A_421, %scan3A_143 : i32
        %add3A_423 = arith.constant 2 : i32
        %add3A_424 = arith.addi %mul3A_422, %add3A_423 : i32
        %get3A_425 = arith.index_cast %add3A_424 : i32 to index
        %get3A_426 = arith.constant 0 : index
        %get3A_427 = tpu.vector_load %arg20[%get3A_425, %get3A_426] {strides = array<i32>} : memref<80x128xf32, #tpu.memory_space<vmem>>, vector<1x16xf32>,
        %get3A_428 = vector.shape_cast %get3A_427 : vector<1x16xf32> to vector<16xf32>
        %get3A_429 = arith.index_cast %add3A_424 : i32 to index
        %get3A_430 = arith.constant 0 : index
        %get3A_431 = tpu.vector_load %arg25[%get3A_429, %get3A_430] {strides = array<i32>} : memref<80x128xf32, #tpu.memory_space<vmem>>, vector<1x16xf32>,
        %get3A_432 = vector.shape_cast %get3A_431 : vector<1x16xf32> to vector<16xf32>
        %add3A_433 = arith.addf %get3A_428, %get3A_432 : vector<16xf32>
        %max3A_434 = arith.constant 0.000000e+00 : f32
        %max3A_435 = vector.broadcast %max3A_434 : f32 to vector<16xf32>
        %max3A_436 = arith.maximumf %add3A_433, %max3A_435 : vector<16xf32>
        %swap3A_437 = arith.index_cast %add3A_424 : i32 to index
        %swap3A_438 = arith.constant 0 : index
        %swap3A_439 = tpu.vector_load %arg20[%swap3A_437, %swap3A_438] {strides = array<i32>} : memref<80x128xf32, #tpu.memory_space<vmem>>, vector<1x16xf32>,
        %swap3A_440 = vector.shape_cast %swap3A_439 : vector<1x16xf32> to vector<16xf32>
        %swap3A_441 = vector.shape_cast %max3A_436 : vector<16xf32> to vector<1x16xf32>
        tpu.vector_store %arg20[%swap3A_437, %swap3A_438], %swap3A_441 {strides = array<i32>} : memref<80x128xf32, #tpu.memory_space<vmem>>, vector<1x16xf32>,
        %get3A_442 = arith.index_cast %add3A_424 : i32 to index
        %get3A_443 = arith.constant 16 : index
        %get3A_444 = tpu.vector_load %arg20[%get3A_442, %get3A_443] {strides = array<i32>} : memref<80x128xf32, #tpu.memory_space<vmem>>, vector<1x16xf32>,
        %get3A_445 = vector.shape_cast %get3A_444 : vector<1x16xf32> to vector<16xf32>
        %get3A_446 = arith.index_cast %add3A_424 : i32 to index
        %get3A_447 = arith.constant 16 : index
        %get3A_448 = tpu.vector_load %arg25[%get3A_446, %get3A_447] {strides = array<i32>} : memref<80x128xf32, #tpu.memory_space<vmem>>, vector<1x16xf32>,
        %get3A_449 = vector.shape_cast %get3A_448 : vector<1x16xf32> to vector<16xf32>
        %add3A_450 = arith.addf %get3A_445, %get3A_449 : vector<16xf32>
        %max3A_451 = arith.constant 0.000000e+00 : f32
        %max3A_452 = vector.broadcast %max3A_451 : f32 to vector<16xf32>
        %max3A_453 = arith.maximumf %add3A_450, %max3A_452 : vector<16xf32>
        %swap3A_454 = arith.index_cast %add3A_424 : i32 to index
        %swap3A_455 = arith.constant 16 : index
        %swap3A_456 = tpu.vector_load %arg20[%swap3A_454, %swap3A_455] {strides = array<i32>} : memref<80x128xf32, #tpu.memory_space<vmem>>, vector<1x16xf32>,
        %swap3A_457 = vector.shape_cast %swap3A_456 : vector<1x16xf32> to vector<16xf32>
        %swap3A_458 = vector.shape_cast %max3A_453 : vector<16xf32> to vector<1x16xf32>
        tpu.vector_store %arg20[%swap3A_454, %swap3A_455], %swap3A_458 {strides = array<i32>} : memref<80x128xf32, #tpu.memory_space<vmem>>, vector<1x16xf32>,
        %get3A_459 = arith.index_cast %add3A_424 : i32 to index
        %get3A_460 = arith.constant 32 : index
        %get3A_461 = tpu.vector_load %arg20[%get3A_459, %get3A_460] {strides = array<i32>} : memref<80x128xf32, #tpu.memory_space<vmem>>, vector<1x16xf32>,
        %get3A_462 = vector.shape_cast %get3A_461 : vector<1x16xf32> to vector<16xf32>
        %get3A_463 = arith.index_cast %add3A_424 : i32 to index
        %get3A_464 = arith.constant 32 : index
        %get3A_465 = tpu.vector_load %arg25[%get3A_463, %get3A_464] {strides = array<i32>} : memref<80x128xf32, #tpu.memory_space<vmem>>, vector<1x16xf32>,
        %get3A_466 = vector.shape_cast %get3A_465 : vector<1x16xf32> to vector<16xf32>
        %add3A_467 = arith.addf %get3A_462, %get3A_466 : vector<16xf32>
        %max3A_468 = arith.constant 0.000000e+00 : f32
        %max3A_469 = vector.broadcast %max3A_468 : f32 to vector<16xf32>
        %max3A_470 = arith.maximumf %add3A_467, %max3A_469 : vector<16xf32>
        %swap3A_471 = arith.index_cast %add3A_424 : i32 to index
        %swap3A_472 = arith.constant 32 : index
        %swap3A_473 = tpu.vector_load %arg20[%swap3A_471, %swap3A_472] {strides = array<i32>} : memref<80x128xf32, #tpu.memory_space<vmem>>, vector<1x16xf32>,
        %swap3A_474 = vector.shape_cast %swap3A_473 : vector<1x16xf32> to vector<16xf32>
        %swap3A_475 = vector.shape_cast %max3A_470 : vector<16xf32> to vector<1x16xf32>
        tpu.vector_store %arg20[%swap3A_471, %swap3A_472], %swap3A_475 {strides = array<i32>} : memref<80x128xf32, #tpu.memory_space<vmem>>, vector<1x16xf32>,
        %get3A_476 = arith.index_cast %add3A_424 : i32 to index
        %get3A_477 = arith.constant 48 : index
        %get3A_478 = tpu.vector_load %arg20[%get3A_476, %get3A_477] {strides = array<i32>} : memref<80x128xf32, #tpu.memory_space<vmem>>, vector<1x16xf32>,
        %get3A_479 = vector.shape_cast %get3A_478 : vector<1x16xf32> to vector<16xf32>
        %get3A_480 = arith.index_cast %add3A_424 : i32 to index
        %get3A_481 = arith.constant 48 : index
        %get3A_482 = tpu.vector_load %arg25[%get3A_480, %get3A_481] {strides = array<i32>} : memref<80x128xf32, #tpu.memory_space<vmem>>, vector<1x16xf32>,
        %get3A_483 = vector.shape_cast %get3A_482 : vector<1x16xf32> to vector<16xf32>
        %add3A_484 = arith.addf %get3A_479, %get3A_483 : vector<16xf32>
        %max3A_485 = arith.constant 0.000000e+00 : f32
        %max3A_486 = vector.broadcast %max3A_485 : f32 to vector<16xf32>
        %max3A_487 = arith.maximumf %add3A_484, %max3A_486 : vector<16xf32>
        %swap3A_488 = arith.index_cast %add3A_424 : i32 to index
        %swap3A_489 = arith.constant 48 : index
        %swap3A_490 = tpu.vector_load %arg20[%swap3A_488, %swap3A_489] {strides = array<i32>} : memref<80x128xf32, #tpu.memory_space<vmem>>, vector<1x16xf32>,
        %swap3A_491 = vector.shape_cast %swap3A_490 : vector<1x16xf32> to vector<16xf32>
        %swap3A_492 = vector.shape_cast %max3A_487 : vector<16xf32> to vector<1x16xf32>
        tpu.vector_store %arg20[%swap3A_488, %swap3A_489], %swap3A_492 {strides = array<i32>} : memref<80x128xf32, #tpu.memory_space<vmem>>, vector<1x16xf32>,
        %get3A_493 = arith.index_cast %add3A_424 : i32 to index
        %get3A_494 = arith.constant 64 : index
        %get3A_495 = tpu.vector_load %arg20[%get3A_493, %get3A_494] {strides = array<i32>} : memref<80x128xf32, #tpu.memory_space<vmem>>, vector<1x16xf32>,
        %get3A_496 = vector.shape_cast %get3A_495 : vector<1x16xf32> to vector<16xf32>
        %get3A_497 = arith.index_cast %add3A_424 : i32 to index
        %get3A_498 = arith.constant 64 : index
        %get3A_499 = tpu.vector_load %arg25[%get3A_497, %get3A_498] {strides = array<i32>} : memref<80x128xf32, #tpu.memory_space<vmem>>, vector<1x16xf32>,
        %get3A_500 = vector.shape_cast %get3A_499 : vector<1x16xf32> to vector<16xf32>
        %add3A_501 = arith.addf %get3A_496, %get3A_500 : vector<16xf32>
        %max3A_502 = arith.constant 0.000000e+00 : f32
        %max3A_503 = vector.broadcast %max3A_502 : f32 to vector<16xf32>
        %max3A_504 = arith.maximumf %add3A_501, %max3A_503 : vector<16xf32>
        %swap3A_505 = arith.index_cast %add3A_424 : i32 to index
        %swap3A_506 = arith.constant 64 : index
        %swap3A_507 = tpu.vector_load %arg20[%swap3A_505, %swap3A_506] {strides = array<i32>} : memref<80x128xf32, #tpu.memory_space<vmem>>, vector<1x16xf32>,
        %swap3A_508 = vector.shape_cast %swap3A_507 : vector<1x16xf32> to vector<16xf32>
        %swap3A_509 = vector.shape_cast %max3A_504 : vector<16xf32> to vector<1x16xf32>
        tpu.vector_store %arg20[%swap3A_505, %swap3A_506], %swap3A_509 {strides = array<i32>} : memref<80x128xf32, #tpu.memory_space<vmem>>, vector<1x16xf32>,
        %get3A_510 = arith.index_cast %add3A_424 : i32 to index
        %get3A_511 = arith.constant 80 : index
        %get3A_512 = tpu.vector_load %arg20[%get3A_510, %get3A_511] {strides = array<i32>} : memref<80x128xf32, #tpu.memory_space<vmem>>, vector<1x16xf32>,
        %get3A_513 = vector.shape_cast %get3A_512 : vector<1x16xf32> to vector<16xf32>
        %get3A_514 = arith.index_cast %add3A_424 : i32 to index
        %get3A_515 = arith.constant 80 : index
        %get3A_516 = tpu.vector_load %arg25[%get3A_514, %get3A_515] {strides = array<i32>} : memref<80x128xf32, #tpu.memory_space<vmem>>, vector<1x16xf32>,
        %get3A_517 = vector.shape_cast %get3A_516 : vector<1x16xf32> to vector<16xf32>
        %add3A_518 = arith.addf %get3A_513, %get3A_517 : vector<16xf32>
        %max3A_519 = arith.constant 0.000000e+00 : f32
        %max3A_520 = vector.broadcast %max3A_519 : f32 to vector<16xf32>
        %max3A_521 = arith.maximumf %add3A_518, %max3A_520 : vector<16xf32>
        %swap3A_522 = arith.index_cast %add3A_424 : i32 to index
        %swap3A_523 = arith.constant 80 : index
        %swap3A_524 = tpu.vector_load %arg20[%swap3A_522, %swap3A_523] {strides = array<i32>} : memref<80x128xf32, #tpu.memory_space<vmem>>, vector<1x16xf32>,
        %swap3A_525 = vector.shape_cast %swap3A_524 : vector<1x16xf32> to vector<16xf32>
        %swap3A_526 = vector.shape_cast %max3A_521 : vector<16xf32> to vector<1x16xf32>
        tpu.vector_store %arg20[%swap3A_522, %swap3A_523], %swap3A_526 {strides = array<i32>} : memref<80x128xf32, #tpu.memory_space<vmem>>, vector<1x16xf32>,
        %get3A_527 = arith.index_cast %add3A_424 : i32 to index
        %get3A_528 = arith.constant 96 : index
        %get3A_529 = tpu.vector_load %arg20[%get3A_527, %get3A_528] {strides = array<i32>} : memref<80x128xf32, #tpu.memory_space<vmem>>, vector<1x16xf32>,
        %get3A_530 = vector.shape_cast %get3A_529 : vector<1x16xf32> to vector<16xf32>
        %get3A_531 = arith.index_cast %add3A_424 : i32 to index
        %get3A_532 = arith.constant 96 : index
        %get3A_533 = tpu.vector_load %arg25[%get3A_531, %get3A_532] {strides = array<i32>} : memref<80x128xf32, #tpu.memory_space<vmem>>, vector<1x16xf32>,
        %get3A_534 = vector.shape_cast %get3A_533 : vector<1x16xf32> to vector<16xf32>
        %add3A_535 = arith.addf %get3A_530, %get3A_534 : vector<16xf32>
        %max3A_536 = arith.constant 0.000000e+00 : f32
        %max3A_537 = vector.broadcast %max3A_536 : f32 to vector<16xf32>
        %max3A_538 = arith.maximumf %add3A_535, %max3A_537 : vector<16xf32>
        %swap3A_539 = arith.index_cast %add3A_424 : i32 to index
        %swap3A_540 = arith.constant 96 : index
        %swap3A_541 = tpu.vector_load %arg20[%swap3A_539, %swap3A_540] {strides = array<i32>} : memref<80x128xf32, #tpu.memory_space<vmem>>, vector<1x16xf32>,
        %swap3A_542 = vector.shape_cast %swap3A_541 : vector<1x16xf32> to vector<16xf32>
        %swap3A_543 = vector.shape_cast %max3A_538 : vector<16xf32> to vector<1x16xf32>
        tpu.vector_store %arg20[%swap3A_539, %swap3A_540], %swap3A_543 {strides = array<i32>} : memref<80x128xf32, #tpu.memory_space<vmem>>, vector<1x16xf32>,
        %get3A_544 = arith.index_cast %add3A_424 : i32 to index
        %get3A_545 = arith.constant 112 : index
        %get3A_546 = tpu.vector_load %arg20[%get3A_544, %get3A_545] {strides = array<i32>} : memref<80x128xf32, #tpu.memory_space<vmem>>, vector<1x16xf32>,
        %get3A_547 = vector.shape_cast %get3A_546 : vector<1x16xf32> to vector<16xf32>
        %get3A_548 = arith.index_cast %add3A_424 : i32 to index
        %get3A_549 = arith.constant 112 : index
        %get3A_550 = tpu.vector_load %arg25[%get3A_548, %get3A_549] {strides = array<i32>} : memref<80x128xf32, #tpu.memory_space<vmem>>, vector<1x16xf32>,
        %get3A_551 = vector.shape_cast %get3A_550 : vector<1x16xf32> to vector<16xf32>
        %add3A_552 = arith.addf %get3A_547, %get3A_551 : vector<16xf32>
        %max3A_553 = arith.constant 0.000000e+00 : f32
        %max3A_554 = vector.broadcast %max3A_553 : f32 to vector<16xf32>
        %max3A_555 = arith.maximumf %add3A_552, %max3A_554 : vector<16xf32>
        %swap3A_556 = arith.index_cast %add3A_424 : i32 to index
        %swap3A_557 = arith.constant 112 : index
        %swap3A_558 = tpu.vector_load %arg20[%swap3A_556, %swap3A_557] {strides = array<i32>} : memref<80x128xf32, #tpu.memory_space<vmem>>, vector<1x16xf32>,
        %swap3A_559 = vector.shape_cast %swap3A_558 : vector<1x16xf32> to vector<16xf32>
        %swap3A_560 = vector.shape_cast %max3A_555 : vector<16xf32> to vector<1x16xf32>
        tpu.vector_store %arg20[%swap3A_556, %swap3A_557], %swap3A_560 {strides = array<i32>} : memref<80x128xf32, #tpu.memory_space<vmem>>, vector<1x16xf32>,
        %mul3A_561 = arith.constant 4 : i32
        %mul3A_562 = arith.muli %mul3A_561, %scan3A_143 : i32
        %add3A_563 = arith.constant 3 : i32
        %add3A_564 = arith.addi %mul3A_562, %add3A_563 : i32
        %get3A_565 = arith.index_cast %add3A_564 : i32 to index
        %get3A_566 = arith.constant 0 : index
        %get3A_567 = tpu.vector_load %arg20[%get3A_565, %get3A_566] {strides = array<i32>} : memref<80x128xf32, #tpu.memory_space<vmem>>, vector<1x16xf32>,
        %get3A_568 = vector.shape_cast %get3A_567 : vector<1x16xf32> to vector<16xf32>
        %get3A_569 = arith.index_cast %add3A_564 : i32 to index
        %get3A_570 = arith.constant 0 : index
        %get3A_571 = tpu.vector_load %arg25[%get3A_569, %get3A_570] {strides = array<i32>} : memref<80x128xf32, #tpu.memory_space<vmem>>, vector<1x16xf32>,
        %get3A_572 = vector.shape_cast %get3A_571 : vector<1x16xf32> to vector<16xf32>
        %add3A_573 = arith.addf %get3A_568, %get3A_572 : vector<16xf32>
        %max3A_574 = arith.constant 0.000000e+00 : f32
        %max3A_575 = vector.broadcast %max3A_574 : f32 to vector<16xf32>
        %max3A_576 = arith.maximumf %add3A_573, %max3A_575 : vector<16xf32>
        %swap3A_577 = arith.index_cast %add3A_564 : i32 to index
        %swap3A_578 = arith.constant 0 : index
        %swap3A_579 = tpu.vector_load %arg20[%swap3A_577, %swap3A_578] {strides = array<i32>} : memref<80x128xf32, #tpu.memory_space<vmem>>, vector<1x16xf32>,
        %swap3A_580 = vector.shape_cast %swap3A_579 : vector<1x16xf32> to vector<16xf32>
        %swap3A_581 = vector.shape_cast %max3A_576 : vector<16xf32> to vector<1x16xf32>
        tpu.vector_store %arg20[%swap3A_577, %swap3A_578], %swap3A_581 {strides = array<i32>} : memref<80x128xf32, #tpu.memory_space<vmem>>, vector<1x16xf32>,
        %get3A_582 = arith.index_cast %add3A_564 : i32 to index
        %get3A_583 = arith.constant 16 : index
        %get3A_584 = tpu.vector_load %arg20[%get3A_582, %get3A_583] {strides = array<i32>} : memref<80x128xf32, #tpu.memory_space<vmem>>, vector<1x16xf32>,
        %get3A_585 = vector.shape_cast %get3A_584 : vector<1x16xf32> to vector<16xf32>
        %get3A_586 = arith.index_cast %add3A_564 : i32 to index
        %get3A_587 = arith.constant 16 : index
        %get3A_588 = tpu.vector_load %arg25[%get3A_586, %get3A_587] {strides = array<i32>} : memref<80x128xf32, #tpu.memory_space<vmem>>, vector<1x16xf32>,
        %get3A_589 = vector.shape_cast %get3A_588 : vector<1x16xf32> to vector<16xf32>
        %add3A_590 = arith.addf %get3A_585, %get3A_589 : vector<16xf32>
        %max3A_591 = arith.constant 0.000000e+00 : f32
        %max3A_592 = vector.broadcast %max3A_591 : f32 to vector<16xf32>
        %max3A_593 = arith.maximumf %add3A_590, %max3A_592 : vector<16xf32>
        %swap3A_594 = arith.index_cast %add3A_564 : i32 to index
        %swap3A_595 = arith.constant 16 : index
        %swap3A_596 = tpu.vector_load %arg20[%swap3A_594, %swap3A_595] {strides = array<i32>} : memref<80x128xf32, #tpu.memory_space<vmem>>, vector<1x16xf32>,
        %swap3A_597 = vector.shape_cast %swap3A_596 : vector<1x16xf32> to vector<16xf32>
        %swap3A_598 = vector.shape_cast %max3A_593 : vector<16xf32> to vector<1x16xf32>
        tpu.vector_store %arg20[%swap3A_594, %swap3A_595], %swap3A_598 {strides = array<i32>} : memref<80x128xf32, #tpu.memory_space<vmem>>, vector<1x16xf32>,
        %get3A_599 = arith.index_cast %add3A_564 : i32 to index
        %get3A_600 = arith.constant 32 : index
        %get3A_601 = tpu.vector_load %arg20[%get3A_599, %get3A_600] {strides = array<i32>} : memref<80x128xf32, #tpu.memory_space<vmem>>, vector<1x16xf32>,
        %get3A_602 = vector.shape_cast %get3A_601 : vector<1x16xf32> to vector<16xf32>
        %get3A_603 = arith.index_cast %add3A_564 : i32 to index
        %get3A_604 = arith.constant 32 : index
        %get3A_605 = tpu.vector_load %arg25[%get3A_603, %get3A_604] {strides = array<i32>} : memref<80x128xf32, #tpu.memory_space<vmem>>, vector<1x16xf32>,
        %get3A_606 = vector.shape_cast %get3A_605 : vector<1x16xf32> to vector<16xf32>
        %add3A_607 = arith.addf %get3A_602, %get3A_606 : vector<16xf32>
        %max3A_608 = arith.constant 0.000000e+00 : f32
        %max3A_609 = vector.broadcast %max3A_608 : f32 to vector<16xf32>
        %max3A_610 = arith.maximumf %add3A_607, %max3A_609 : vector<16xf32>
        %swap3A_611 = arith.index_cast %add3A_564 : i32 to index
        %swap3A_612 = arith.constant 32 : index
        %swap3A_613 = tpu.vector_load %arg20[%swap3A_611, %swap3A_612] {strides = array<i32>} : memref<80x128xf32, #tpu.memory_space<vmem>>, vector<1x16xf32>,
        %swap3A_614 = vector.shape_cast %swap3A_613 : vector<1x16xf32> to vector<16xf32>
        %swap3A_615 = vector.shape_cast %max3A_610 : vector<16xf32> to vector<1x16xf32>
        tpu.vector_store %arg20[%swap3A_611, %swap3A_612], %swap3A_615 {strides = array<i32>} : memref<80x128xf32, #tpu.memory_space<vmem>>, vector<1x16xf32>,
        %get3A_616 = arith.index_cast %add3A_564 : i32 to index
        %get3A_617 = arith.constant 48 : index
        %get3A_618 = tpu.vector_load %arg20[%get3A_616, %get3A_617] {strides = array<i32>} : memref<80x128xf32, #tpu.memory_space<vmem>>, vector<1x16xf32>,
        %get3A_619 = vector.shape_cast %get3A_618 : vector<1x16xf32> to vector<16xf32>
        %get3A_620 = arith.index_cast %add3A_564 : i32 to index
        %get3A_621 = arith.constant 48 : index
        %get3A_622 = tpu.vector_load %arg25[%get3A_620, %get3A_621] {strides = array<i32>} : memref<80x128xf32, #tpu.memory_space<vmem>>, vector<1x16xf32>,
        %get3A_623 = vector.shape_cast %get3A_622 : vector<1x16xf32> to vector<16xf32>
        %add3A_624 = arith.addf %get3A_619, %get3A_623 : vector<16xf32>
        %max3A_625 = arith.constant 0.000000e+00 : f32
        %max3A_626 = vector.broadcast %max3A_625 : f32 to vector<16xf32>
        %max3A_627 = arith.maximumf %add3A_624, %max3A_626 : vector<16xf32>
        %swap3A_628 = arith.index_cast %add3A_564 : i32 to index
        %swap3A_629 = arith.constant 48 : index
        %swap3A_630 = tpu.vector_load %arg20[%swap3A_628, %swap3A_629] {strides = array<i32>} : memref<80x128xf32, #tpu.memory_space<vmem>>, vector<1x16xf32>,
        %swap3A_631 = vector.shape_cast %swap3A_630 : vector<1x16xf32> to vector<16xf32>
        %swap3A_632 = vector.shape_cast %max3A_627 : vector<16xf32> to vector<1x16xf32>
        tpu.vector_store %arg20[%swap3A_628, %swap3A_629], %swap3A_632 {strides = array<i32>} : memref<80x128xf32, #tpu.memory_space<vmem>>, vector<1x16xf32>,
        %get3A_633 = arith.index_cast %add3A_564 : i32 to index
        %get3A_634 = arith.constant 64 : index
        %get3A_635 = tpu.vector_load %arg20[%get3A_633, %get3A_634] {strides = array<i32>} : memref<80x128xf32, #tpu.memory_space<vmem>>, vector<1x16xf32>,
        %get3A_636 = vector.shape_cast %get3A_635 : vector<1x16xf32> to vector<16xf32>
        %get3A_637 = arith.index_cast %add3A_564 : i32 to index
        %get3A_638 = arith.constant 64 : index
        %get3A_639 = tpu.vector_load %arg25[%get3A_637, %get3A_638] {strides = array<i32>} : memref<80x128xf32, #tpu.memory_space<vmem>>, vector<1x16xf32>,
        %get3A_640 = vector.shape_cast %get3A_639 : vector<1x16xf32> to vector<16xf32>
        %add3A_641 = arith.addf %get3A_636, %get3A_640 : vector<16xf32>
        %max3A_642 = arith.constant 0.000000e+00 : f32
        %max3A_643 = vector.broadcast %max3A_642 : f32 to vector<16xf32>
        %max3A_644 = arith.maximumf %add3A_641, %max3A_643 : vector<16xf32>
        %swap3A_645 = arith.index_cast %add3A_564 : i32 to index
        %swap3A_646 = arith.constant 64 : index
        %swap3A_647 = tpu.vector_load %arg20[%swap3A_645, %swap3A_646] {strides = array<i32>} : memref<80x128xf32, #tpu.memory_space<vmem>>, vector<1x16xf32>,
        %swap3A_648 = vector.shape_cast %swap3A_647 : vector<1x16xf32> to vector<16xf32>
        %swap3A_649 = vector.shape_cast %max3A_644 : vector<16xf32> to vector<1x16xf32>
        tpu.vector_store %arg20[%swap3A_645, %swap3A_646], %swap3A_649 {strides = array<i32>} : memref<80x128xf32, #tpu.memory_space<vmem>>, vector<1x16xf32>,
        %get3A_650 = arith.index_cast %add3A_564 : i32 to index
        %get3A_651 = arith.constant 80 : index
        %get3A_652 = tpu.vector_load %arg20[%get3A_650, %get3A_651] {strides = array<i32>} : memref<80x128xf32, #tpu.memory_space<vmem>>, vector<1x16xf32>,
        %get3A_653 = vector.shape_cast %get3A_652 : vector<1x16xf32> to vector<16xf32>
        %get3A_654 = arith.index_cast %add3A_564 : i32 to index
        %get3A_655 = arith.constant 80 : index
        %get3A_656 = tpu.vector_load %arg25[%get3A_654, %get3A_655] {strides = array<i32>} : memref<80x128xf32, #tpu.memory_space<vmem>>, vector<1x16xf32>,
        %get3A_657 = vector.shape_cast %get3A_656 : vector<1x16xf32> to vector<16xf32>
        %add3A_658 = arith.addf %get3A_653, %get3A_657 : vector<16xf32>
        %max3A_659 = arith.constant 0.000000e+00 : f32
        %max3A_660 = vector.broadcast %max3A_659 : f32 to vector<16xf32>
        %max3A_661 = arith.maximumf %add3A_658, %max3A_660 : vector<16xf32>
        %swap3A_662 = arith.index_cast %add3A_564 : i32 to index
        %swap3A_663 = arith.constant 80 : index
        %swap3A_664 = tpu.vector_load %arg20[%swap3A_662, %swap3A_663] {strides = array<i32>} : memref<80x128xf32, #tpu.memory_space<vmem>>, vector<1x16xf32>,
        %swap3A_665 = vector.shape_cast %swap3A_664 : vector<1x16xf32> to vector<16xf32>
        %swap3A_666 = vector.shape_cast %max3A_661 : vector<16xf32> to vector<1x16xf32>
        tpu.vector_store %arg20[%swap3A_662, %swap3A_663], %swap3A_666 {strides = array<i32>} : memref<80x128xf32, #tpu.memory_space<vmem>>, vector<1x16xf32>,
        %get3A_667 = arith.index_cast %add3A_564 : i32 to index
        %get3A_668 = arith.constant 96 : index
        %get3A_669 = tpu.vector_load %arg20[%get3A_667, %get3A_668] {strides = array<i32>} : memref<80x128xf32, #tpu.memory_space<vmem>>, vector<1x16xf32>,
        %get3A_670 = vector.shape_cast %get3A_669 : vector<1x16xf32> to vector<16xf32>
        %get3A_671 = arith.index_cast %add3A_564 : i32 to index
        %get3A_672 = arith.constant 96 : index
        %get3A_673 = tpu.vector_load %arg25[%get3A_671, %get3A_672] {strides = array<i32>} : memref<80x128xf32, #tpu.memory_space<vmem>>, vector<1x16xf32>,
        %get3A_674 = vector.shape_cast %get3A_673 : vector<1x16xf32> to vector<16xf32>
        %add3A_675 = arith.addf %get3A_670, %get3A_674 : vector<16xf32>
        %max3A_676 = arith.constant 0.000000e+00 : f32
        %max3A_677 = vector.broadcast %max3A_676 : f32 to vector<16xf32>
        %max3A_678 = arith.maximumf %add3A_675, %max3A_677 : vector<16xf32>
        %swap3A_679 = arith.index_cast %add3A_564 : i32 to index
        %swap3A_680 = arith.constant 96 : index
        %swap3A_681 = tpu.vector_load %arg20[%swap3A_679, %swap3A_680] {strides = array<i32>} : memref<80x128xf32, #tpu.memory_space<vmem>>, vector<1x16xf32>,
        %swap3A_682 = vector.shape_cast %swap3A_681 : vector<1x16xf32> to vector<16xf32>
        %swap3A_683 = vector.shape_cast %max3A_678 : vector<16xf32> to vector<1x16xf32>
        tpu.vector_store %arg20[%swap3A_679, %swap3A_680], %swap3A_683 {strides = array<i32>} : memref<80x128xf32, #tpu.memory_space<vmem>>, vector<1x16xf32>,
        %get3A_684 = arith.index_cast %add3A_564 : i32 to index
        %get3A_685 = arith.constant 112 : index
        %get3A_686 = tpu.vector_load %arg20[%get3A_684, %get3A_685] {strides = array<i32>} : memref<80x128xf32, #tpu.memory_space<vmem>>, vector<1x16xf32>,
        %get3A_687 = vector.shape_cast %get3A_686 : vector<1x16xf32> to vector<16xf32>
        %get3A_688 = arith.index_cast %add3A_564 : i32 to index
        %get3A_689 = arith.constant 112 : index
        %get3A_690 = tpu.vector_load %arg25[%get3A_688, %get3A_689] {strides = array<i32>} : memref<80x128xf32, #tpu.memory_space<vmem>>, vector<1x16xf32>,
        %get3A_691 = vector.shape_cast %get3A_690 : vector<1x16xf32> to vector<16xf32>
        %add3A_692 = arith.addf %get3A_687, %get3A_691 : vector<16xf32>
        %max3A_693 = arith.constant 0.000000e+00 : f32
        %max3A_694 = vector.broadcast %max3A_693 : f32 to vector<16xf32>
        %max3A_695 = arith.maximumf %add3A_692, %max3A_694 : vector<16xf32>
        %swap3A_696 = arith.index_cast %add3A_564 : i32 to index
        %swap3A_697 = arith.constant 112 : index
        %swap3A_698 = tpu.vector_load %arg20[%swap3A_696, %swap3A_697] {strides = array<i32>} : memref<80x128xf32, #tpu.memory_space<vmem>>, vector<1x16xf32>,
        %swap3A_699 = vector.shape_cast %swap3A_698 : vector<1x16xf32> to vector<16xf32>
        %swap3A_700 = vector.shape_cast %max3A_695 : vector<16xf32> to vector<1x16xf32>
        tpu.vector_store %arg20[%swap3A_696, %swap3A_697], %swap3A_700 {strides = array<i32>} : memref<80x128xf32, #tpu.memory_space<vmem>>, vector<1x16xf32>,
      }
      %scan3A_133 = arith.constant 20 : i32
      %sub3A_134 = arith.constant 1 : i32
      %sub3A_135 = arith.subi %select_n3A, %sub3A_134 : i32
      %lt3A_136 = arith.cmpi slt, %while3A_61, %sub3A_135 : i32
      %convert_element_type3A_137 = arith.extui %lt3A_136 : i1 to i32
      %cond3A_138 = arith.constant 0 : i32
      %cond3A_139 = arith.cmpi ne, %convert_element_type3A_137, %cond3A_138 : i32
      scf.if %cond3A_139 {
        %dma_wait3A_143 = tpu.memref_slice %arg2[%add3A_114] : memref<327680xi32, #tpu.memory_space<hbm>> -> memref<80xi32, #tpu.memory_space<hbm>>
        %dma_wait3A_144 = tpu.memref_slice %arg2[%add3A_114] : memref<327680xi32, #tpu.memory_space<hbm>> -> memref<80xi32, #tpu.memory_space<hbm>>
        tpu.wait_dma2 semaphore(%arg12 : memref<!tpu.dma_semaphore, #tpu.memory_space<semaphore_mem>>) src(%dma_wait3A_144 : memref<80xi32, #tpu.memory_space<hbm>>) dst(%arg9 : memref<80xi32, #tpu.memory_space<vmem>>)
        %dma_wait3A_145 = tpu.memref_slice %arg3[%add3A_114] : memref<327680xi32, #tpu.memory_space<hbm>> -> memref<80xi32, #tpu.memory_space<hbm>>
        %dma_wait3A_146 = tpu.memref_slice %arg3[%add3A_114] : memref<327680xi32, #tpu.memory_space<hbm>> -> memref<80xi32, #tpu.memory_space<hbm>>
        tpu.wait_dma2 semaphore(%arg12 : memref<!tpu.dma_semaphore, #tpu.memory_space<semaphore_mem>>) src(%dma_wait3A_146 : memref<80xi32, #tpu.memory_space<hbm>>) dst(%arg10 : memref<80xi32, #tpu.memory_space<vmem>>)
        %dma_wait3A_147 = tpu.memref_slice %arg5[%add3A_114] : memref<327680xi32, #tpu.memory_space<hbm>> -> memref<80xi32, #tpu.memory_space<hbm>>
        %dma_wait3A_148 = tpu.memref_slice %arg5[%add3A_114] : memref<327680xi32, #tpu.memory_space<hbm>> -> memref<80xi32, #tpu.memory_space<hbm>>
        tpu.wait_dma2 semaphore(%arg12 : memref<!tpu.dma_semaphore, #tpu.memory_space<semaphore_mem>>) src(%dma_wait3A_148 : memref<80xi32, #tpu.memory_space<hbm>>) dst(%arg15 : memref<80xi32, #tpu.memory_space<vmem>>)
        %dma_start3A_149 = arith.constant 0 : i32
        %dma_start3A_150 = arith.constant 0 : i32
        %dma_start3A_151 = tpu.memref_slice %arg6[%dma_start3A_149, %dma_start3A_150] : memref<10240x128xf32, #tpu.memory_space<hbm>> -> memref<10240x128xf32, #tpu.memory_space<hbm>>
        tpu.enqueue_indirect_dma source(%dma_start3A_151 : memref<10240x128xf32, #tpu.memory_space<hbm>>) target(%arg16 : memref<80x128xf32, #tpu.memory_space<vmem>>) offsets(%arg15 : memref<80xi32, #tpu.memory_space<vmem>>) semaphore(%arg17 : memref<!tpu.dma_semaphore, #tpu.memory_space<semaphore_mem>>)
        %dma_start3A_152 = arith.constant 0 : i32
        %dma_start3A_153 = arith.constant 0 : i32
        %dma_start3A_154 = tpu.memref_slice %arg4[%dma_start3A_152, %dma_start3A_153] : memref<104x128xf32, #tpu.memory_space<hbm>> -> memref<104x128xf32, #tpu.memory_space<hbm>>
        tpu.enqueue_indirect_dma source(%dma_start3A_154 : memref<104x128xf32, #tpu.memory_space<hbm>>) target(%arg11 : memref<80x128xf32, #tpu.memory_space<vmem>>) offsets(%arg9 : memref<80xi32, #tpu.memory_space<vmem>>) semaphore(%arg13 : memref<!tpu.dma_semaphore, #tpu.memory_space<semaphore_mem>>)
      } else {
      }
      %dma_start3A_140 = arith.constant 0 : i32
      %dma_start3A_141 = arith.constant 0 : i32
      %dma_start3A_142 = tpu.memref_slice %arg8[%dma_start3A_140, %dma_start3A_141] : memref<10240x128xf32, #tpu.memory_space<vmem_shared>> -> memref<10240x128xf32, #tpu.memory_space<vmem_shared>>
      tpu.enqueue_indirect_dma source(%arg20 : memref<80x128xf32, #tpu.memory_space<vmem>>) target(%dma_start3A_142 : memref<10240x128xf32, #tpu.memory_space<vmem_shared>>) offsets(%arg19 : memref<80xi32, #tpu.memory_space<vmem>>) semaphore(%arg23 : memref<!tpu.dma_semaphore, #tpu.memory_space<semaphore_mem>>) {add = true}
    }
    %while3A_56 = arith.constant 1 : i32
    scf.for %while3A_61 = %while3A_54 to %while3A_50 step %while3A_56  : i32 {
      %mul3A_62 = arith.constant 2 : i32
      %mul3A_63 = arith.muli %mul3A_62, %while3A_61 : i32
      %add3A_64 = arith.constant 0 : i32
      %add3A_65 = arith.addi %mul3A_63, %add3A_64 : i32
      %add3A_66 = arith.constant 1 : i32
      %add3A_67 = arith.addi %add3A_65, %add3A_66 : i32
      %mul3A_68 = arith.constant 80 : i32
      %mul3A_69 = arith.muli %add3A_67, %mul3A_68 : i32
      %add3A_70 = arith.addi %select_n3A_8, %mul3A_69 : i32
      %gt3A = arith.constant 0 : i32
      %gt3A_71 = arith.cmpi sgt, %while3A_61, %gt3A : i32
      %convert_element_type3A = arith.extui %gt3A_71 : i1 to i32
      %cond3A = arith.constant 0 : i32
      %cond3A_72 = arith.cmpi ne, %convert_element_type3A, %cond3A : i32
      scf.if %cond3A_72 {
        %dma_wait3A_143 = arith.constant 0 : i32
        %dma_wait3A_144 = arith.constant 0 : i32
        %dma_wait3A_145 = tpu.memref_slice %arg8[%dma_wait3A_143, %dma_wait3A_144] : memref<10240x128xf32, #tpu.memory_space<vmem_shared>> -> memref<10240x128xf32, #tpu.memory_space<vmem_shared>>
        tpu.wait_indirect_dma semaphore(%arg23 : memref<!tpu.dma_semaphore, #tpu.memory_space<semaphore_mem>>) src(%arg20 : memref<80x128xf32, #tpu.memory_space<vmem>>) dst(%dma_wait3A_145 : memref<10240x128xf32, #tpu.memory_space<vmem_shared>>)
      } else {
      }
      %dma_start3A_73 = tpu.memref_slice %arg2[%add3A_70] : memref<327680xi32, #tpu.memory_space<hbm>> -> memref<80xi32, #tpu.memory_space<hbm>>
      %dma_start3A_74 = tpu.memref_slice %arg2[%add3A_70] : memref<327680xi32, #tpu.memory_space<hbm>> -> memref<80xi32, #tpu.memory_space<hbm>>
      tpu.enqueue_dma source(%dma_start3A_74 : memref<80xi32, #tpu.memory_space<hbm>>) target(%arg18 : memref<80xi32, #tpu.memory_space<vmem>>) target_semaphore(%arg21 : memref<!tpu.dma_semaphore, #tpu.memory_space<semaphore_mem>>)
      %dma_start3A_75 = tpu.memref_slice %arg3[%add3A_70] : memref<327680xi32, #tpu.memory_space<hbm>> -> memref<80xi32, #tpu.memory_space<hbm>>
      %dma_start3A_76 = tpu.memref_slice %arg3[%add3A_70] : memref<327680xi32, #tpu.memory_space<hbm>> -> memref<80xi32, #tpu.memory_space<hbm>>
      tpu.enqueue_dma source(%dma_start3A_76 : memref<80xi32, #tpu.memory_space<hbm>>) target(%arg19 : memref<80xi32, #tpu.memory_space<vmem>>) target_semaphore(%arg21 : memref<!tpu.dma_semaphore, #tpu.memory_space<semaphore_mem>>)
      %dma_start3A_77 = tpu.memref_slice %arg5[%add3A_70] : memref<327680xi32, #tpu.memory_space<hbm>> -> memref<80xi32, #tpu.memory_space<hbm>>
      %dma_start3A_78 = tpu.memref_slice %arg5[%add3A_70] : memref<327680xi32, #tpu.memory_space<hbm>> -> memref<80xi32, #tpu.memory_space<hbm>>
      tpu.enqueue_dma source(%dma_start3A_78 : memref<80xi32, #tpu.memory_space<hbm>>) target(%arg24 : memref<80xi32, #tpu.memory_space<vmem>>) target_semaphore(%arg21 : memref<!tpu.dma_semaphore, #tpu.memory_space<semaphore_mem>>)
      %dma_wait3A_79 = arith.constant 0 : i32
      %dma_wait3A_80 = arith.constant 0 : i32
      %dma_wait3A_81 = tpu.memref_slice %arg4[%dma_wait3A_79, %dma_wait3A_80] : memref<104x128xf32, #tpu.memory_space<hbm>> -> memref<104x128xf32, #tpu.memory_space<hbm>>
      tpu.wait_indirect_dma semaphore(%arg13 : memref<!tpu.dma_semaphore, #tpu.memory_space<semaphore_mem>>) src(%dma_wait3A_81 : memref<104x128xf32, #tpu.memory_space<hbm>>) dst(%arg11 : memref<80x128xf32, #tpu.memory_space<vmem>>)
      %dma_wait3A_82 = arith.constant 0 : i32
      %dma_wait3A_83 = arith.constant 0 : i32
      %dma_wait3A_84 = tpu.memref_slice %arg6[%dma_wait3A_82, %dma_wait3A_83] : memref<10240x128xf32, #tpu.memory_space<hbm>> -> memref<10240x128xf32, #tpu.memory_space<hbm>>
      tpu.wait_indirect_dma semaphore(%arg17 : memref<!tpu.dma_semaphore, #tpu.memory_space<semaphore_mem>>) src(%dma_wait3A_84 : memref<10240x128xf32, #tpu.memory_space<hbm>>) dst(%arg16 : memref<80x128xf32, #tpu.memory_space<vmem>>)
      %scan3A_85 = arith.constant 0 : i32
      %scan3A_86 = arith.constant 0 : i32
      %scan3A_87 = arith.constant 20 : i32
      %scan3A_88 = arith.addi %scan3A_86, %scan3A_87 : i32
      %scan3A_89 = arith.constant 1 : i32
      scf.for %scan3A_143 = %scan3A_86 to %scan3A_88 step %scan3A_89  : i32 {
        %mul3A_144 = arith.constant 4 : i32
        %mul3A_145 = arith.muli %mul3A_144, %scan3A_143 : i32
        %add3A_146 = arith.constant 0 : i32
        %add3A_147 = arith.addi %mul3A_145, %add3A_146 : i32
        %get3A = arith.index_cast %add3A_147 : i32 to index
        %get3A_148 = arith.constant 0 : index
        %get3A_149 = tpu.vector_load %arg11[%get3A, %get3A_148] {strides = array<i32>} : memref<80x128xf32, #tpu.memory_space<vmem>>, vector<1x16xf32>,
        %get3A_150 = vector.shape_cast %get3A_149 : vector<1x16xf32> to vector<16xf32>
        %get3A_151 = arith.index_cast %add3A_147 : i32 to index
        %get3A_152 = arith.constant 0 : index
        %get3A_153 = tpu.vector_load %arg16[%get3A_151, %get3A_152] {strides = array<i32>} : memref<80x128xf32, #tpu.memory_space<vmem>>, vector<1x16xf32>,
        %get3A_154 = vector.shape_cast %get3A_153 : vector<1x16xf32> to vector<16xf32>
        %add3A_155 = arith.addf %get3A_150, %get3A_154 : vector<16xf32>
        %max3A = arith.constant 0.000000e+00 : f32
        %max3A_156 = vector.broadcast %max3A : f32 to vector<16xf32>
        %max3A_157 = arith.maximumf %add3A_155, %max3A_156 : vector<16xf32>
        %swap3A = arith.index_cast %add3A_147 : i32 to index
        %swap3A_158 = arith.constant 0 : index
        %swap3A_159 = tpu.vector_load %arg11[%swap3A, %swap3A_158] {strides = array<i32>} : memref<80x128xf32, #tpu.memory_space<vmem>>, vector<1x16xf32>,
        %swap3A_160 = vector.shape_cast %swap3A_159 : vector<1x16xf32> to vector<16xf32>
        %swap3A_161 = vector.shape_cast %max3A_157 : vector<16xf32> to vector<1x16xf32>
        tpu.vector_store %arg11[%swap3A, %swap3A_158], %swap3A_161 {strides = array<i32>} : memref<80x128xf32, #tpu.memory_space<vmem>>, vector<1x16xf32>,
        %get3A_162 = arith.index_cast %add3A_147 : i32 to index
        %get3A_163 = arith.constant 16 : index
        %get3A_164 = tpu.vector_load %arg11[%get3A_162, %get3A_163] {strides = array<i32>} : memref<80x128xf32, #tpu.memory_space<vmem>>, vector<1x16xf32>,
        %get3A_165 = vector.shape_cast %get3A_164 : vector<1x16xf32> to vector<16xf32>
        %get3A_166 = arith.index_cast %add3A_147 : i32 to index
        %get3A_167 = arith.constant 16 : index
        %get3A_168 = tpu.vector_load %arg16[%get3A_166, %get3A_167] {strides = array<i32>} : memref<80x128xf32, #tpu.memory_space<vmem>>, vector<1x16xf32>,
        %get3A_169 = vector.shape_cast %get3A_168 : vector<1x16xf32> to vector<16xf32>
        %add3A_170 = arith.addf %get3A_165, %get3A_169 : vector<16xf32>
        %max3A_171 = arith.constant 0.000000e+00 : f32
        %max3A_172 = vector.broadcast %max3A_171 : f32 to vector<16xf32>
        %max3A_173 = arith.maximumf %add3A_170, %max3A_172 : vector<16xf32>
        %swap3A_174 = arith.index_cast %add3A_147 : i32 to index
        %swap3A_175 = arith.constant 16 : index
        %swap3A_176 = tpu.vector_load %arg11[%swap3A_174, %swap3A_175] {strides = array<i32>} : memref<80x128xf32, #tpu.memory_space<vmem>>, vector<1x16xf32>,
        %swap3A_177 = vector.shape_cast %swap3A_176 : vector<1x16xf32> to vector<16xf32>
        %swap3A_178 = vector.shape_cast %max3A_173 : vector<16xf32> to vector<1x16xf32>
        tpu.vector_store %arg11[%swap3A_174, %swap3A_175], %swap3A_178 {strides = array<i32>} : memref<80x128xf32, #tpu.memory_space<vmem>>, vector<1x16xf32>,
        %get3A_179 = arith.index_cast %add3A_147 : i32 to index
        %get3A_180 = arith.constant 32 : index
        %get3A_181 = tpu.vector_load %arg11[%get3A_179, %get3A_180] {strides = array<i32>} : memref<80x128xf32, #tpu.memory_space<vmem>>, vector<1x16xf32>,
        %get3A_182 = vector.shape_cast %get3A_181 : vector<1x16xf32> to vector<16xf32>
        %get3A_183 = arith.index_cast %add3A_147 : i32 to index
        %get3A_184 = arith.constant 32 : index
        %get3A_185 = tpu.vector_load %arg16[%get3A_183, %get3A_184] {strides = array<i32>} : memref<80x128xf32, #tpu.memory_space<vmem>>, vector<1x16xf32>,
        %get3A_186 = vector.shape_cast %get3A_185 : vector<1x16xf32> to vector<16xf32>
        %add3A_187 = arith.addf %get3A_182, %get3A_186 : vector<16xf32>
        %max3A_188 = arith.constant 0.000000e+00 : f32
        %max3A_189 = vector.broadcast %max3A_188 : f32 to vector<16xf32>
        %max3A_190 = arith.maximumf %add3A_187, %max3A_189 : vector<16xf32>
        %swap3A_191 = arith.index_cast %add3A_147 : i32 to index
        %swap3A_192 = arith.constant 32 : index
        %swap3A_193 = tpu.vector_load %arg11[%swap3A_191, %swap3A_192] {strides = array<i32>} : memref<80x128xf32, #tpu.memory_space<vmem>>, vector<1x16xf32>,
        %swap3A_194 = vector.shape_cast %swap3A_193 : vector<1x16xf32> to vector<16xf32>
        %swap3A_195 = vector.shape_cast %max3A_190 : vector<16xf32> to vector<1x16xf32>
        tpu.vector_store %arg11[%swap3A_191, %swap3A_192], %swap3A_195 {strides = array<i32>} : memref<80x128xf32, #tpu.memory_space<vmem>>, vector<1x16xf32>,
        %get3A_196 = arith.index_cast %add3A_147 : i32 to index
        %get3A_197 = arith.constant 48 : index
        %get3A_198 = tpu.vector_load %arg11[%get3A_196, %get3A_197] {strides = array<i32>} : memref<80x128xf32, #tpu.memory_space<vmem>>, vector<1x16xf32>,
        %get3A_199 = vector.shape_cast %get3A_198 : vector<1x16xf32> to vector<16xf32>
        %get3A_200 = arith.index_cast %add3A_147 : i32 to index
        %get3A_201 = arith.constant 48 : index
        %get3A_202 = tpu.vector_load %arg16[%get3A_200, %get3A_201] {strides = array<i32>} : memref<80x128xf32, #tpu.memory_space<vmem>>, vector<1x16xf32>,
        %get3A_203 = vector.shape_cast %get3A_202 : vector<1x16xf32> to vector<16xf32>
        %add3A_204 = arith.addf %get3A_199, %get3A_203 : vector<16xf32>
        %max3A_205 = arith.constant 0.000000e+00 : f32
        %max3A_206 = vector.broadcast %max3A_205 : f32 to vector<16xf32>
        %max3A_207 = arith.maximumf %add3A_204, %max3A_206 : vector<16xf32>
        %swap3A_208 = arith.index_cast %add3A_147 : i32 to index
        %swap3A_209 = arith.constant 48 : index
        %swap3A_210 = tpu.vector_load %arg11[%swap3A_208, %swap3A_209] {strides = array<i32>} : memref<80x128xf32, #tpu.memory_space<vmem>>, vector<1x16xf32>,
        %swap3A_211 = vector.shape_cast %swap3A_210 : vector<1x16xf32> to vector<16xf32>
        %swap3A_212 = vector.shape_cast %max3A_207 : vector<16xf32> to vector<1x16xf32>
        tpu.vector_store %arg11[%swap3A_208, %swap3A_209], %swap3A_212 {strides = array<i32>} : memref<80x128xf32, #tpu.memory_space<vmem>>, vector<1x16xf32>,
        %get3A_213 = arith.index_cast %add3A_147 : i32 to index
        %get3A_214 = arith.constant 64 : index
        %get3A_215 = tpu.vector_load %arg11[%get3A_213, %get3A_214] {strides = array<i32>} : memref<80x128xf32, #tpu.memory_space<vmem>>, vector<1x16xf32>,
        %get3A_216 = vector.shape_cast %get3A_215 : vector<1x16xf32> to vector<16xf32>
        %get3A_217 = arith.index_cast %add3A_147 : i32 to index
        %get3A_218 = arith.constant 64 : index
        %get3A_219 = tpu.vector_load %arg16[%get3A_217, %get3A_218] {strides = array<i32>} : memref<80x128xf32, #tpu.memory_space<vmem>>, vector<1x16xf32>,
        %get3A_220 = vector.shape_cast %get3A_219 : vector<1x16xf32> to vector<16xf32>
        %add3A_221 = arith.addf %get3A_216, %get3A_220 : vector<16xf32>
        %max3A_222 = arith.constant 0.000000e+00 : f32
        %max3A_223 = vector.broadcast %max3A_222 : f32 to vector<16xf32>
        %max3A_224 = arith.maximumf %add3A_221, %max3A_223 : vector<16xf32>
        %swap3A_225 = arith.index_cast %add3A_147 : i32 to index
        %swap3A_226 = arith.constant 64 : index
        %swap3A_227 = tpu.vector_load %arg11[%swap3A_225, %swap3A_226] {strides = array<i32>} : memref<80x128xf32, #tpu.memory_space<vmem>>, vector<1x16xf32>,
        %swap3A_228 = vector.shape_cast %swap3A_227 : vector<1x16xf32> to vector<16xf32>
        %swap3A_229 = vector.shape_cast %max3A_224 : vector<16xf32> to vector<1x16xf32>
        tpu.vector_store %arg11[%swap3A_225, %swap3A_226], %swap3A_229 {strides = array<i32>} : memref<80x128xf32, #tpu.memory_space<vmem>>, vector<1x16xf32>,
        %get3A_230 = arith.index_cast %add3A_147 : i32 to index
        %get3A_231 = arith.constant 80 : index
        %get3A_232 = tpu.vector_load %arg11[%get3A_230, %get3A_231] {strides = array<i32>} : memref<80x128xf32, #tpu.memory_space<vmem>>, vector<1x16xf32>,
        %get3A_233 = vector.shape_cast %get3A_232 : vector<1x16xf32> to vector<16xf32>
        %get3A_234 = arith.index_cast %add3A_147 : i32 to index
        %get3A_235 = arith.constant 80 : index
        %get3A_236 = tpu.vector_load %arg16[%get3A_234, %get3A_235] {strides = array<i32>} : memref<80x128xf32, #tpu.memory_space<vmem>>, vector<1x16xf32>,
        %get3A_237 = vector.shape_cast %get3A_236 : vector<1x16xf32> to vector<16xf32>
        %add3A_238 = arith.addf %get3A_233, %get3A_237 : vector<16xf32>
        %max3A_239 = arith.constant 0.000000e+00 : f32
        %max3A_240 = vector.broadcast %max3A_239 : f32 to vector<16xf32>
        %max3A_241 = arith.maximumf %add3A_238, %max3A_240 : vector<16xf32>
        %swap3A_242 = arith.index_cast %add3A_147 : i32 to index
        %swap3A_243 = arith.constant 80 : index
        %swap3A_244 = tpu.vector_load %arg11[%swap3A_242, %swap3A_243] {strides = array<i32>} : memref<80x128xf32, #tpu.memory_space<vmem>>, vector<1x16xf32>,
        %swap3A_245 = vector.shape_cast %swap3A_244 : vector<1x16xf32> to vector<16xf32>
        %swap3A_246 = vector.shape_cast %max3A_241 : vector<16xf32> to vector<1x16xf32>
        tpu.vector_store %arg11[%swap3A_242, %swap3A_243], %swap3A_246 {strides = array<i32>} : memref<80x128xf32, #tpu.memory_space<vmem>>, vector<1x16xf32>,
        %get3A_247 = arith.index_cast %add3A_147 : i32 to index
        %get3A_248 = arith.constant 96 : index
        %get3A_249 = tpu.vector_load %arg11[%get3A_247, %get3A_248] {strides = array<i32>} : memref<80x128xf32, #tpu.memory_space<vmem>>, vector<1x16xf32>,
        %get3A_250 = vector.shape_cast %get3A_249 : vector<1x16xf32> to vector<16xf32>
        %get3A_251 = arith.index_cast %add3A_147 : i32 to index
        %get3A_252 = arith.constant 96 : index
        %get3A_253 = tpu.vector_load %arg16[%get3A_251, %get3A_252] {strides = array<i32>} : memref<80x128xf32, #tpu.memory_space<vmem>>, vector<1x16xf32>,
        %get3A_254 = vector.shape_cast %get3A_253 : vector<1x16xf32> to vector<16xf32>
        %add3A_255 = arith.addf %get3A_250, %get3A_254 : vector<16xf32>
        %max3A_256 = arith.constant 0.000000e+00 : f32
        %max3A_257 = vector.broadcast %max3A_256 : f32 to vector<16xf32>
        %max3A_258 = arith.maximumf %add3A_255, %max3A_257 : vector<16xf32>
        %swap3A_259 = arith.index_cast %add3A_147 : i32 to index
        %swap3A_260 = arith.constant 96 : index
        %swap3A_261 = tpu.vector_load %arg11[%swap3A_259, %swap3A_260] {strides = array<i32>} : memref<80x128xf32, #tpu.memory_space<vmem>>, vector<1x16xf32>,
        %swap3A_262 = vector.shape_cast %swap3A_261 : vector<1x16xf32> to vector<16xf32>
        %swap3A_263 = vector.shape_cast %max3A_258 : vector<16xf32> to vector<1x16xf32>
        tpu.vector_store %arg11[%swap3A_259, %swap3A_260], %swap3A_263 {strides = array<i32>} : memref<80x128xf32, #tpu.memory_space<vmem>>, vector<1x16xf32>,
        %get3A_264 = arith.index_cast %add3A_147 : i32 to index
        %get3A_265 = arith.constant 112 : index
        %get3A_266 = tpu.vector_load %arg11[%get3A_264, %get3A_265] {strides = array<i32>} : memref<80x128xf32, #tpu.memory_space<vmem>>, vector<1x16xf32>,
        %get3A_267 = vector.shape_cast %get3A_266 : vector<1x16xf32> to vector<16xf32>
        %get3A_268 = arith.index_cast %add3A_147 : i32 to index
        %get3A_269 = arith.constant 112 : index
        %get3A_270 = tpu.vector_load %arg16[%get3A_268, %get3A_269] {strides = array<i32>} : memref<80x128xf32, #tpu.memory_space<vmem>>, vector<1x16xf32>,
        %get3A_271 = vector.shape_cast %get3A_270 : vector<1x16xf32> to vector<16xf32>
        %add3A_272 = arith.addf %get3A_267, %get3A_271 : vector<16xf32>
        %max3A_273 = arith.constant 0.000000e+00 : f32
        %max3A_274 = vector.broadcast %max3A_273 : f32 to vector<16xf32>
        %max3A_275 = arith.maximumf %add3A_272, %max3A_274 : vector<16xf32>
        %swap3A_276 = arith.index_cast %add3A_147 : i32 to index
        %swap3A_277 = arith.constant 112 : index
        %swap3A_278 = tpu.vector_load %arg11[%swap3A_276, %swap3A_277] {strides = array<i32>} : memref<80x128xf32, #tpu.memory_space<vmem>>, vector<1x16xf32>,
        %swap3A_279 = vector.shape_cast %swap3A_278 : vector<1x16xf32> to vector<16xf32>
        %swap3A_280 = vector.shape_cast %max3A_275 : vector<16xf32> to vector<1x16xf32>
        tpu.vector_store %arg11[%swap3A_276, %swap3A_277], %swap3A_280 {strides = array<i32>} : memref<80x128xf32, #tpu.memory_space<vmem>>, vector<1x16xf32>,
        %mul3A_281 = arith.constant 4 : i32
        %mul3A_282 = arith.muli %mul3A_281, %scan3A_143 : i32
        %add3A_283 = arith.constant 1 : i32
        %add3A_284 = arith.addi %mul3A_282, %add3A_283 : i32
        %get3A_285 = arith.index_cast %add3A_284 : i32 to index
        %get3A_286 = arith.constant 0 : index
        %get3A_287 = tpu.vector_load %arg11[%get3A_285, %get3A_286] {strides = array<i32>} : memref<80x128xf32, #tpu.memory_space<vmem>>, vector<1x16xf32>,
        %get3A_288 = vector.shape_cast %get3A_287 : vector<1x16xf32> to vector<16xf32>
        %get3A_289 = arith.index_cast %add3A_284 : i32 to index
        %get3A_290 = arith.constant 0 : index
        %get3A_291 = tpu.vector_load %arg16[%get3A_289, %get3A_290] {strides = array<i32>} : memref<80x128xf32, #tpu.memory_space<vmem>>, vector<1x16xf32>,
        %get3A_292 = vector.shape_cast %get3A_291 : vector<1x16xf32> to vector<16xf32>
        %add3A_293 = arith.addf %get3A_288, %get3A_292 : vector<16xf32>
        %max3A_294 = arith.constant 0.000000e+00 : f32
        %max3A_295 = vector.broadcast %max3A_294 : f32 to vector<16xf32>
        %max3A_296 = arith.maximumf %add3A_293, %max3A_295 : vector<16xf32>
        %swap3A_297 = arith.index_cast %add3A_284 : i32 to index
        %swap3A_298 = arith.constant 0 : index
        %swap3A_299 = tpu.vector_load %arg11[%swap3A_297, %swap3A_298] {strides = array<i32>} : memref<80x128xf32, #tpu.memory_space<vmem>>, vector<1x16xf32>,
        %swap3A_300 = vector.shape_cast %swap3A_299 : vector<1x16xf32> to vector<16xf32>
        %swap3A_301 = vector.shape_cast %max3A_296 : vector<16xf32> to vector<1x16xf32>
        tpu.vector_store %arg11[%swap3A_297, %swap3A_298], %swap3A_301 {strides = array<i32>} : memref<80x128xf32, #tpu.memory_space<vmem>>, vector<1x16xf32>,
        %get3A_302 = arith.index_cast %add3A_284 : i32 to index
        %get3A_303 = arith.constant 16 : index
        %get3A_304 = tpu.vector_load %arg11[%get3A_302, %get3A_303] {strides = array<i32>} : memref<80x128xf32, #tpu.memory_space<vmem>>, vector<1x16xf32>,
        %get3A_305 = vector.shape_cast %get3A_304 : vector<1x16xf32> to vector<16xf32>
        %get3A_306 = arith.index_cast %add3A_284 : i32 to index
        %get3A_307 = arith.constant 16 : index
        %get3A_308 = tpu.vector_load %arg16[%get3A_306, %get3A_307] {strides = array<i32>} : memref<80x128xf32, #tpu.memory_space<vmem>>, vector<1x16xf32>,
        %get3A_309 = vector.shape_cast %get3A_308 : vector<1x16xf32> to vector<16xf32>
        %add3A_310 = arith.addf %get3A_305, %get3A_309 : vector<16xf32>
        %max3A_311 = arith.constant 0.000000e+00 : f32
        %max3A_312 = vector.broadcast %max3A_311 : f32 to vector<16xf32>
        %max3A_313 = arith.maximumf %add3A_310, %max3A_312 : vector<16xf32>
        %swap3A_314 = arith.index_cast %add3A_284 : i32 to index
        %swap3A_315 = arith.constant 16 : index
        %swap3A_316 = tpu.vector_load %arg11[%swap3A_314, %swap3A_315] {strides = array<i32>} : memref<80x128xf32, #tpu.memory_space<vmem>>, vector<1x16xf32>,
        %swap3A_317 = vector.shape_cast %swap3A_316 : vector<1x16xf32> to vector<16xf32>
        %swap3A_318 = vector.shape_cast %max3A_313 : vector<16xf32> to vector<1x16xf32>
        tpu.vector_store %arg11[%swap3A_314, %swap3A_315], %swap3A_318 {strides = array<i32>} : memref<80x128xf32, #tpu.memory_space<vmem>>, vector<1x16xf32>,
        %get3A_319 = arith.index_cast %add3A_284 : i32 to index
        %get3A_320 = arith.constant 32 : index
        %get3A_321 = tpu.vector_load %arg11[%get3A_319, %get3A_320] {strides = array<i32>} : memref<80x128xf32, #tpu.memory_space<vmem>>, vector<1x16xf32>,
        %get3A_322 = vector.shape_cast %get3A_321 : vector<1x16xf32> to vector<16xf32>
        %get3A_323 = arith.index_cast %add3A_284 : i32 to index
        %get3A_324 = arith.constant 32 : index
        %get3A_325 = tpu.vector_load %arg16[%get3A_323, %get3A_324] {strides = array<i32>} : memref<80x128xf32, #tpu.memory_space<vmem>>, vector<1x16xf32>,
        %get3A_326 = vector.shape_cast %get3A_325 : vector<1x16xf32> to vector<16xf32>
        %add3A_327 = arith.addf %get3A_322, %get3A_326 : vector<16xf32>
        %max3A_328 = arith.constant 0.000000e+00 : f32
        %max3A_329 = vector.broadcast %max3A_328 : f32 to vector<16xf32>
        %max3A_330 = arith.maximumf %add3A_327, %max3A_329 : vector<16xf32>
        %swap3A_331 = arith.index_cast %add3A_284 : i32 to index
        %swap3A_332 = arith.constant 32 : index
        %swap3A_333 = tpu.vector_load %arg11[%swap3A_331, %swap3A_332] {strides = array<i32>} : memref<80x128xf32, #tpu.memory_space<vmem>>, vector<1x16xf32>,
        %swap3A_334 = vector.shape_cast %swap3A_333 : vector<1x16xf32> to vector<16xf32>
        %swap3A_335 = vector.shape_cast %max3A_330 : vector<16xf32> to vector<1x16xf32>
        tpu.vector_store %arg11[%swap3A_331, %swap3A_332], %swap3A_335 {strides = array<i32>} : memref<80x128xf32, #tpu.memory_space<vmem>>, vector<1x16xf32>,
        %get3A_336 = arith.index_cast %add3A_284 : i32 to index
        %get3A_337 = arith.constant 48 : index
        %get3A_338 = tpu.vector_load %arg11[%get3A_336, %get3A_337] {strides = array<i32>} : memref<80x128xf32, #tpu.memory_space<vmem>>, vector<1x16xf32>,
        %get3A_339 = vector.shape_cast %get3A_338 : vector<1x16xf32> to vector<16xf32>
        %get3A_340 = arith.index_cast %add3A_284 : i32 to index
        %get3A_341 = arith.constant 48 : index
        %get3A_342 = tpu.vector_load %arg16[%get3A_340, %get3A_341] {strides = array<i32>} : memref<80x128xf32, #tpu.memory_space<vmem>>, vector<1x16xf32>,
        %get3A_343 = vector.shape_cast %get3A_342 : vector<1x16xf32> to vector<16xf32>
        %add3A_344 = arith.addf %get3A_339, %get3A_343 : vector<16xf32>
        %max3A_345 = arith.constant 0.000000e+00 : f32
        %max3A_346 = vector.broadcast %max3A_345 : f32 to vector<16xf32>
        %max3A_347 = arith.maximumf %add3A_344, %max3A_346 : vector<16xf32>
        %swap3A_348 = arith.index_cast %add3A_284 : i32 to index
        %swap3A_349 = arith.constant 48 : index
        %swap3A_350 = tpu.vector_load %arg11[%swap3A_348, %swap3A_349] {strides = array<i32>} : memref<80x128xf32, #tpu.memory_space<vmem>>, vector<1x16xf32>,
        %swap3A_351 = vector.shape_cast %swap3A_350 : vector<1x16xf32> to vector<16xf32>
        %swap3A_352 = vector.shape_cast %max3A_347 : vector<16xf32> to vector<1x16xf32>
        tpu.vector_store %arg11[%swap3A_348, %swap3A_349], %swap3A_352 {strides = array<i32>} : memref<80x128xf32, #tpu.memory_space<vmem>>, vector<1x16xf32>,
        %get3A_353 = arith.index_cast %add3A_284 : i32 to index
        %get3A_354 = arith.constant 64 : index
        %get3A_355 = tpu.vector_load %arg11[%get3A_353, %get3A_354] {strides = array<i32>} : memref<80x128xf32, #tpu.memory_space<vmem>>, vector<1x16xf32>,
        %get3A_356 = vector.shape_cast %get3A_355 : vector<1x16xf32> to vector<16xf32>
        %get3A_357 = arith.index_cast %add3A_284 : i32 to index
        %get3A_358 = arith.constant 64 : index
        %get3A_359 = tpu.vector_load %arg16[%get3A_357, %get3A_358] {strides = array<i32>} : memref<80x128xf32, #tpu.memory_space<vmem>>, vector<1x16xf32>,
        %get3A_360 = vector.shape_cast %get3A_359 : vector<1x16xf32> to vector<16xf32>
        %add3A_361 = arith.addf %get3A_356, %get3A_360 : vector<16xf32>
        %max3A_362 = arith.constant 0.000000e+00 : f32
        %max3A_363 = vector.broadcast %max3A_362 : f32 to vector<16xf32>
        %max3A_364 = arith.maximumf %add3A_361, %max3A_363 : vector<16xf32>
        %swap3A_365 = arith.index_cast %add3A_284 : i32 to index
        %swap3A_366 = arith.constant 64 : index
        %swap3A_367 = tpu.vector_load %arg11[%swap3A_365, %swap3A_366] {strides = array<i32>} : memref<80x128xf32, #tpu.memory_space<vmem>>, vector<1x16xf32>,
        %swap3A_368 = vector.shape_cast %swap3A_367 : vector<1x16xf32> to vector<16xf32>
        %swap3A_369 = vector.shape_cast %max3A_364 : vector<16xf32> to vector<1x16xf32>
        tpu.vector_store %arg11[%swap3A_365, %swap3A_366], %swap3A_369 {strides = array<i32>} : memref<80x128xf32, #tpu.memory_space<vmem>>, vector<1x16xf32>,
        %get3A_370 = arith.index_cast %add3A_284 : i32 to index
        %get3A_371 = arith.constant 80 : index
        %get3A_372 = tpu.vector_load %arg11[%get3A_370, %get3A_371] {strides = array<i32>} : memref<80x128xf32, #tpu.memory_space<vmem>>, vector<1x16xf32>,
        %get3A_373 = vector.shape_cast %get3A_372 : vector<1x16xf32> to vector<16xf32>
        %get3A_374 = arith.index_cast %add3A_284 : i32 to index
        %get3A_375 = arith.constant 80 : index
        %get3A_376 = tpu.vector_load %arg16[%get3A_374, %get3A_375] {strides = array<i32>} : memref<80x128xf32, #tpu.memory_space<vmem>>, vector<1x16xf32>,
        %get3A_377 = vector.shape_cast %get3A_376 : vector<1x16xf32> to vector<16xf32>
        %add3A_378 = arith.addf %get3A_373, %get3A_377 : vector<16xf32>
        %max3A_379 = arith.constant 0.000000e+00 : f32
        %max3A_380 = vector.broadcast %max3A_379 : f32 to vector<16xf32>
        %max3A_381 = arith.maximumf %add3A_378, %max3A_380 : vector<16xf32>
        %swap3A_382 = arith.index_cast %add3A_284 : i32 to index
        %swap3A_383 = arith.constant 80 : index
        %swap3A_384 = tpu.vector_load %arg11[%swap3A_382, %swap3A_383] {strides = array<i32>} : memref<80x128xf32, #tpu.memory_space<vmem>>, vector<1x16xf32>,
        %swap3A_385 = vector.shape_cast %swap3A_384 : vector<1x16xf32> to vector<16xf32>
        %swap3A_386 = vector.shape_cast %max3A_381 : vector<16xf32> to vector<1x16xf32>
        tpu.vector_store %arg11[%swap3A_382, %swap3A_383], %swap3A_386 {strides = array<i32>} : memref<80x128xf32, #tpu.memory_space<vmem>>, vector<1x16xf32>,
        %get3A_387 = arith.index_cast %add3A_284 : i32 to index
        %get3A_388 = arith.constant 96 : index
        %get3A_389 = tpu.vector_load %arg11[%get3A_387, %get3A_388] {strides = array<i32>} : memref<80x128xf32, #tpu.memory_space<vmem>>, vector<1x16xf32>,
        %get3A_390 = vector.shape_cast %get3A_389 : vector<1x16xf32> to vector<16xf32>
        %get3A_391 = arith.index_cast %add3A_284 : i32 to index
        %get3A_392 = arith.constant 96 : index
        %get3A_393 = tpu.vector_load %arg16[%get3A_391, %get3A_392] {strides = array<i32>} : memref<80x128xf32, #tpu.memory_space<vmem>>, vector<1x16xf32>,
        %get3A_394 = vector.shape_cast %get3A_393 : vector<1x16xf32> to vector<16xf32>
        %add3A_395 = arith.addf %get3A_390, %get3A_394 : vector<16xf32>
        %max3A_396 = arith.constant 0.000000e+00 : f32
        %max3A_397 = vector.broadcast %max3A_396 : f32 to vector<16xf32>
        %max3A_398 = arith.maximumf %add3A_395, %max3A_397 : vector<16xf32>
        %swap3A_399 = arith.index_cast %add3A_284 : i32 to index
        %swap3A_400 = arith.constant 96 : index
        %swap3A_401 = tpu.vector_load %arg11[%swap3A_399, %swap3A_400] {strides = array<i32>} : memref<80x128xf32, #tpu.memory_space<vmem>>, vector<1x16xf32>,
        %swap3A_402 = vector.shape_cast %swap3A_401 : vector<1x16xf32> to vector<16xf32>
        %swap3A_403 = vector.shape_cast %max3A_398 : vector<16xf32> to vector<1x16xf32>
        tpu.vector_store %arg11[%swap3A_399, %swap3A_400], %swap3A_403 {strides = array<i32>} : memref<80x128xf32, #tpu.memory_space<vmem>>, vector<1x16xf32>,
        %get3A_404 = arith.index_cast %add3A_284 : i32 to index
        %get3A_405 = arith.constant 112 : index
        %get3A_406 = tpu.vector_load %arg11[%get3A_404, %get3A_405] {strides = array<i32>} : memref<80x128xf32, #tpu.memory_space<vmem>>, vector<1x16xf32>,
        %get3A_407 = vector.shape_cast %get3A_406 : vector<1x16xf32> to vector<16xf32>
        %get3A_408 = arith.index_cast %add3A_284 : i32 to index
        %get3A_409 = arith.constant 112 : index
        %get3A_410 = tpu.vector_load %arg16[%get3A_408, %get3A_409] {strides = array<i32>} : memref<80x128xf32, #tpu.memory_space<vmem>>, vector<1x16xf32>,
        %get3A_411 = vector.shape_cast %get3A_410 : vector<1x16xf32> to vector<16xf32>
        %add3A_412 = arith.addf %get3A_407, %get3A_411 : vector<16xf32>
        %max3A_413 = arith.constant 0.000000e+00 : f32
        %max3A_414 = vector.broadcast %max3A_413 : f32 to vector<16xf32>
        %max3A_415 = arith.maximumf %add3A_412, %max3A_414 : vector<16xf32>
        %swap3A_416 = arith.index_cast %add3A_284 : i32 to index
        %swap3A_417 = arith.constant 112 : index
        %swap3A_418 = tpu.vector_load %arg11[%swap3A_416, %swap3A_417] {strides = array<i32>} : memref<80x128xf32, #tpu.memory_space<vmem>>, vector<1x16xf32>,
        %swap3A_419 = vector.shape_cast %swap3A_418 : vector<1x16xf32> to vector<16xf32>
        %swap3A_420 = vector.shape_cast %max3A_415 : vector<16xf32> to vector<1x16xf32>
        tpu.vector_store %arg11[%swap3A_416, %swap3A_417], %swap3A_420 {strides = array<i32>} : memref<80x128xf32, #tpu.memory_space<vmem>>, vector<1x16xf32>,
        %mul3A_421 = arith.constant 4 : i32
        %mul3A_422 = arith.muli %mul3A_421, %scan3A_143 : i32
        %add3A_423 = arith.constant 2 : i32
        %add3A_424 = arith.addi %mul3A_422, %add3A_423 : i32
        %get3A_425 = arith.index_cast %add3A_424 : i32 to index
        %get3A_426 = arith.constant 0 : index
        %get3A_427 = tpu.vector_load %arg11[%get3A_425, %get3A_426] {strides = array<i32>} : memref<80x128xf32, #tpu.memory_space<vmem>>, vector<1x16xf32>,
        %get3A_428 = vector.shape_cast %get3A_427 : vector<1x16xf32> to vector<16xf32>
        %get3A_429 = arith.index_cast %add3A_424 : i32 to index
        %get3A_430 = arith.constant 0 : index
        %get3A_431 = tpu.vector_load %arg16[%get3A_429, %get3A_430] {strides = array<i32>} : memref<80x128xf32, #tpu.memory_space<vmem>>, vector<1x16xf32>,
        %get3A_432 = vector.shape_cast %get3A_431 : vector<1x16xf32> to vector<16xf32>
        %add3A_433 = arith.addf %get3A_428, %get3A_432 : vector<16xf32>
        %max3A_434 = arith.constant 0.000000e+00 : f32
        %max3A_435 = vector.broadcast %max3A_434 : f32 to vector<16xf32>
        %max3A_436 = arith.maximumf %add3A_433, %max3A_435 : vector<16xf32>
        %swap3A_437 = arith.index_cast %add3A_424 : i32 to index
        %swap3A_438 = arith.constant 0 : index
        %swap3A_439 = tpu.vector_load %arg11[%swap3A_437, %swap3A_438] {strides = array<i32>} : memref<80x128xf32, #tpu.memory_space<vmem>>, vector<1x16xf32>,
        %swap3A_440 = vector.shape_cast %swap3A_439 : vector<1x16xf32> to vector<16xf32>
        %swap3A_441 = vector.shape_cast %max3A_436 : vector<16xf32> to vector<1x16xf32>
        tpu.vector_store %arg11[%swap3A_437, %swap3A_438], %swap3A_441 {strides = array<i32>} : memref<80x128xf32, #tpu.memory_space<vmem>>, vector<1x16xf32>,
        %get3A_442 = arith.index_cast %add3A_424 : i32 to index
        %get3A_443 = arith.constant 16 : index
        %get3A_444 = tpu.vector_load %arg11[%get3A_442, %get3A_443] {strides = array<i32>} : memref<80x128xf32, #tpu.memory_space<vmem>>, vector<1x16xf32>,
        %get3A_445 = vector.shape_cast %get3A_444 : vector<1x16xf32> to vector<16xf32>
        %get3A_446 = arith.index_cast %add3A_424 : i32 to index
        %get3A_447 = arith.constant 16 : index
        %get3A_448 = tpu.vector_load %arg16[%get3A_446, %get3A_447] {strides = array<i32>} : memref<80x128xf32, #tpu.memory_space<vmem>>, vector<1x16xf32>,
        %get3A_449 = vector.shape_cast %get3A_448 : vector<1x16xf32> to vector<16xf32>
        %add3A_450 = arith.addf %get3A_445, %get3A_449 : vector<16xf32>
        %max3A_451 = arith.constant 0.000000e+00 : f32
        %max3A_452 = vector.broadcast %max3A_451 : f32 to vector<16xf32>
        %max3A_453 = arith.maximumf %add3A_450, %max3A_452 : vector<16xf32>
        %swap3A_454 = arith.index_cast %add3A_424 : i32 to index
        %swap3A_455 = arith.constant 16 : index
        %swap3A_456 = tpu.vector_load %arg11[%swap3A_454, %swap3A_455] {strides = array<i32>} : memref<80x128xf32, #tpu.memory_space<vmem>>, vector<1x16xf32>,
        %swap3A_457 = vector.shape_cast %swap3A_456 : vector<1x16xf32> to vector<16xf32>
        %swap3A_458 = vector.shape_cast %max3A_453 : vector<16xf32> to vector<1x16xf32>
        tpu.vector_store %arg11[%swap3A_454, %swap3A_455], %swap3A_458 {strides = array<i32>} : memref<80x128xf32, #tpu.memory_space<vmem>>, vector<1x16xf32>,
        %get3A_459 = arith.index_cast %add3A_424 : i32 to index
        %get3A_460 = arith.constant 32 : index
        %get3A_461 = tpu.vector_load %arg11[%get3A_459, %get3A_460] {strides = array<i32>} : memref<80x128xf32, #tpu.memory_space<vmem>>, vector<1x16xf32>,
        %get3A_462 = vector.shape_cast %get3A_461 : vector<1x16xf32> to vector<16xf32>
        %get3A_463 = arith.index_cast %add3A_424 : i32 to index
        %get3A_464 = arith.constant 32 : index
        %get3A_465 = tpu.vector_load %arg16[%get3A_463, %get3A_464] {strides = array<i32>} : memref<80x128xf32, #tpu.memory_space<vmem>>, vector<1x16xf32>,
        %get3A_466 = vector.shape_cast %get3A_465 : vector<1x16xf32> to vector<16xf32>
        %add3A_467 = arith.addf %get3A_462, %get3A_466 : vector<16xf32>
        %max3A_468 = arith.constant 0.000000e+00 : f32
        %max3A_469 = vector.broadcast %max3A_468 : f32 to vector<16xf32>
        %max3A_470 = arith.maximumf %add3A_467, %max3A_469 : vector<16xf32>
        %swap3A_471 = arith.index_cast %add3A_424 : i32 to index
        %swap3A_472 = arith.constant 32 : index
        %swap3A_473 = tpu.vector_load %arg11[%swap3A_471, %swap3A_472] {strides = array<i32>} : memref<80x128xf32, #tpu.memory_space<vmem>>, vector<1x16xf32>,
        %swap3A_474 = vector.shape_cast %swap3A_473 : vector<1x16xf32> to vector<16xf32>
        %swap3A_475 = vector.shape_cast %max3A_470 : vector<16xf32> to vector<1x16xf32>
        tpu.vector_store %arg11[%swap3A_471, %swap3A_472], %swap3A_475 {strides = array<i32>} : memref<80x128xf32, #tpu.memory_space<vmem>>, vector<1x16xf32>,
        %get3A_476 = arith.index_cast %add3A_424 : i32 to index
        %get3A_477 = arith.constant 48 : index
        %get3A_478 = tpu.vector_load %arg11[%get3A_476, %get3A_477] {strides = array<i32>} : memref<80x128xf32, #tpu.memory_space<vmem>>, vector<1x16xf32>,
        %get3A_479 = vector.shape_cast %get3A_478 : vector<1x16xf32> to vector<16xf32>
        %get3A_480 = arith.index_cast %add3A_424 : i32 to index
        %get3A_481 = arith.constant 48 : index
        %get3A_482 = tpu.vector_load %arg16[%get3A_480, %get3A_481] {strides = array<i32>} : memref<80x128xf32, #tpu.memory_space<vmem>>, vector<1x16xf32>,
        %get3A_483 = vector.shape_cast %get3A_482 : vector<1x16xf32> to vector<16xf32>
        %add3A_484 = arith.addf %get3A_479, %get3A_483 : vector<16xf32>
        %max3A_485 = arith.constant 0.000000e+00 : f32
        %max3A_486 = vector.broadcast %max3A_485 : f32 to vector<16xf32>
        %max3A_487 = arith.maximumf %add3A_484, %max3A_486 : vector<16xf32>
        %swap3A_488 = arith.index_cast %add3A_424 : i32 to index
        %swap3A_489 = arith.constant 48 : index
        %swap3A_490 = tpu.vector_load %arg11[%swap3A_488, %swap3A_489] {strides = array<i32>} : memref<80x128xf32, #tpu.memory_space<vmem>>, vector<1x16xf32>,
        %swap3A_491 = vector.shape_cast %swap3A_490 : vector<1x16xf32> to vector<16xf32>
        %swap3A_492 = vector.shape_cast %max3A_487 : vector<16xf32> to vector<1x16xf32>
        tpu.vector_store %arg11[%swap3A_488, %swap3A_489], %swap3A_492 {strides = array<i32>} : memref<80x128xf32, #tpu.memory_space<vmem>>, vector<1x16xf32>,
        %get3A_493 = arith.index_cast %add3A_424 : i32 to index
        %get3A_494 = arith.constant 64 : index
        %get3A_495 = tpu.vector_load %arg11[%get3A_493, %get3A_494] {strides = array<i32>} : memref<80x128xf32, #tpu.memory_space<vmem>>, vector<1x16xf32>,
        %get3A_496 = vector.shape_cast %get3A_495 : vector<1x16xf32> to vector<16xf32>
        %get3A_497 = arith.index_cast %add3A_424 : i32 to index
        %get3A_498 = arith.constant 64 : index
        %get3A_499 = tpu.vector_load %arg16[%get3A_497, %get3A_498] {strides = array<i32>} : memref<80x128xf32, #tpu.memory_space<vmem>>, vector<1x16xf32>,
        %get3A_500 = vector.shape_cast %get3A_499 : vector<1x16xf32> to vector<16xf32>
        %add3A_501 = arith.addf %get3A_496, %get3A_500 : vector<16xf32>
        %max3A_502 = arith.constant 0.000000e+00 : f32
        %max3A_503 = vector.broadcast %max3A_502 : f32 to vector<16xf32>
        %max3A_504 = arith.maximumf %add3A_501, %max3A_503 : vector<16xf32>
        %swap3A_505 = arith.index_cast %add3A_424 : i32 to index
        %swap3A_506 = arith.constant 64 : index
        %swap3A_507 = tpu.vector_load %arg11[%swap3A_505, %swap3A_506] {strides = array<i32>} : memref<80x128xf32, #tpu.memory_space<vmem>>, vector<1x16xf32>,
        %swap3A_508 = vector.shape_cast %swap3A_507 : vector<1x16xf32> to vector<16xf32>
        %swap3A_509 = vector.shape_cast %max3A_504 : vector<16xf32> to vector<1x16xf32>
        tpu.vector_store %arg11[%swap3A_505, %swap3A_506], %swap3A_509 {strides = array<i32>} : memref<80x128xf32, #tpu.memory_space<vmem>>, vector<1x16xf32>,
        %get3A_510 = arith.index_cast %add3A_424 : i32 to index
        %get3A_511 = arith.constant 80 : index
        %get3A_512 = tpu.vector_load %arg11[%get3A_510, %get3A_511] {strides = array<i32>} : memref<80x128xf32, #tpu.memory_space<vmem>>, vector<1x16xf32>,
        %get3A_513 = vector.shape_cast %get3A_512 : vector<1x16xf32> to vector<16xf32>
        %get3A_514 = arith.index_cast %add3A_424 : i32 to index
        %get3A_515 = arith.constant 80 : index
        %get3A_516 = tpu.vector_load %arg16[%get3A_514, %get3A_515] {strides = array<i32>} : memref<80x128xf32, #tpu.memory_space<vmem>>, vector<1x16xf32>,
        %get3A_517 = vector.shape_cast %get3A_516 : vector<1x16xf32> to vector<16xf32>
        %add3A_518 = arith.addf %get3A_513, %get3A_517 : vector<16xf32>
        %max3A_519 = arith.constant 0.000000e+00 : f32
        %max3A_520 = vector.broadcast %max3A_519 : f32 to vector<16xf32>
        %max3A_521 = arith.maximumf %add3A_518, %max3A_520 : vector<16xf32>
        %swap3A_522 = arith.index_cast %add3A_424 : i32 to index
        %swap3A_523 = arith.constant 80 : index
        %swap3A_524 = tpu.vector_load %arg11[%swap3A_522, %swap3A_523] {strides = array<i32>} : memref<80x128xf32, #tpu.memory_space<vmem>>, vector<1x16xf32>,
        %swap3A_525 = vector.shape_cast %swap3A_524 : vector<1x16xf32> to vector<16xf32>
        %swap3A_526 = vector.shape_cast %max3A_521 : vector<16xf32> to vector<1x16xf32>
        tpu.vector_store %arg11[%swap3A_522, %swap3A_523], %swap3A_526 {strides = array<i32>} : memref<80x128xf32, #tpu.memory_space<vmem>>, vector<1x16xf32>,
        %get3A_527 = arith.index_cast %add3A_424 : i32 to index
        %get3A_528 = arith.constant 96 : index
        %get3A_529 = tpu.vector_load %arg11[%get3A_527, %get3A_528] {strides = array<i32>} : memref<80x128xf32, #tpu.memory_space<vmem>>, vector<1x16xf32>,
        %get3A_530 = vector.shape_cast %get3A_529 : vector<1x16xf32> to vector<16xf32>
        %get3A_531 = arith.index_cast %add3A_424 : i32 to index
        %get3A_532 = arith.constant 96 : index
        %get3A_533 = tpu.vector_load %arg16[%get3A_531, %get3A_532] {strides = array<i32>} : memref<80x128xf32, #tpu.memory_space<vmem>>, vector<1x16xf32>,
        %get3A_534 = vector.shape_cast %get3A_533 : vector<1x16xf32> to vector<16xf32>
        %add3A_535 = arith.addf %get3A_530, %get3A_534 : vector<16xf32>
        %max3A_536 = arith.constant 0.000000e+00 : f32
        %max3A_537 = vector.broadcast %max3A_536 : f32 to vector<16xf32>
        %max3A_538 = arith.maximumf %add3A_535, %max3A_537 : vector<16xf32>
        %swap3A_539 = arith.index_cast %add3A_424 : i32 to index
        %swap3A_540 = arith.constant 96 : index
        %swap3A_541 = tpu.vector_load %arg11[%swap3A_539, %swap3A_540] {strides = array<i32>} : memref<80x128xf32, #tpu.memory_space<vmem>>, vector<1x16xf32>,
        %swap3A_542 = vector.shape_cast %swap3A_541 : vector<1x16xf32> to vector<16xf32>
        %swap3A_543 = vector.shape_cast %max3A_538 : vector<16xf32> to vector<1x16xf32>
        tpu.vector_store %arg11[%swap3A_539, %swap3A_540], %swap3A_543 {strides = array<i32>} : memref<80x128xf32, #tpu.memory_space<vmem>>, vector<1x16xf32>,
        %get3A_544 = arith.index_cast %add3A_424 : i32 to index
        %get3A_545 = arith.constant 112 : index
        %get3A_546 = tpu.vector_load %arg11[%get3A_544, %get3A_545] {strides = array<i32>} : memref<80x128xf32, #tpu.memory_space<vmem>>, vector<1x16xf32>,
        %get3A_547 = vector.shape_cast %get3A_546 : vector<1x16xf32> to vector<16xf32>
        %get3A_548 = arith.index_cast %add3A_424 : i32 to index
        %get3A_549 = arith.constant 112 : index
        %get3A_550 = tpu.vector_load %arg16[%get3A_548, %get3A_549] {strides = array<i32>} : memref<80x128xf32, #tpu.memory_space<vmem>>, vector<1x16xf32>,
        %get3A_551 = vector.shape_cast %get3A_550 : vector<1x16xf32> to vector<16xf32>
        %add3A_552 = arith.addf %get3A_547, %get3A_551 : vector<16xf32>
        %max3A_553 = arith.constant 0.000000e+00 : f32
        %max3A_554 = vector.broadcast %max3A_553 : f32 to vector<16xf32>
        %max3A_555 = arith.maximumf %add3A_552, %max3A_554 : vector<16xf32>
        %swap3A_556 = arith.index_cast %add3A_424 : i32 to index
        %swap3A_557 = arith.constant 112 : index
        %swap3A_558 = tpu.vector_load %arg11[%swap3A_556, %swap3A_557] {strides = array<i32>} : memref<80x128xf32, #tpu.memory_space<vmem>>, vector<1x16xf32>,
        %swap3A_559 = vector.shape_cast %swap3A_558 : vector<1x16xf32> to vector<16xf32>
        %swap3A_560 = vector.shape_cast %max3A_555 : vector<16xf32> to vector<1x16xf32>
        tpu.vector_store %arg11[%swap3A_556, %swap3A_557], %swap3A_560 {strides = array<i32>} : memref<80x128xf32, #tpu.memory_space<vmem>>, vector<1x16xf32>,
        %mul3A_561 = arith.constant 4 : i32
        %mul3A_562 = arith.muli %mul3A_561, %scan3A_143 : i32
        %add3A_563 = arith.constant 3 : i32
        %add3A_564 = arith.addi %mul3A_562, %add3A_563 : i32
        %get3A_565 = arith.index_cast %add3A_564 : i32 to index
        %get3A_566 = arith.constant 0 : index
        %get3A_567 = tpu.vector_load %arg11[%get3A_565, %get3A_566] {strides = array<i32>} : memref<80x128xf32, #tpu.memory_space<vmem>>, vector<1x16xf32>,
        %get3A_568 = vector.shape_cast %get3A_567 : vector<1x16xf32> to vector<16xf32>
        %get3A_569 = arith.index_cast %add3A_564 : i32 to index
        %get3A_570 = arith.constant 0 : index
        %get3A_571 = tpu.vector_load %arg16[%get3A_569, %get3A_570] {strides = array<i32>} : memref<80x128xf32, #tpu.memory_space<vmem>>, vector<1x16xf32>,
        %get3A_572 = vector.shape_cast %get3A_571 : vector<1x16xf32> to vector<16xf32>
        %add3A_573 = arith.addf %get3A_568, %get3A_572 : vector<16xf32>
        %max3A_574 = arith.constant 0.000000e+00 : f32
        %max3A_575 = vector.broadcast %max3A_574 : f32 to vector<16xf32>
        %max3A_576 = arith.maximumf %add3A_573, %max3A_575 : vector<16xf32>
        %swap3A_577 = arith.index_cast %add3A_564 : i32 to index
        %swap3A_578 = arith.constant 0 : index
        %swap3A_579 = tpu.vector_load %arg11[%swap3A_577, %swap3A_578] {strides = array<i32>} : memref<80x128xf32, #tpu.memory_space<vmem>>, vector<1x16xf32>,
        %swap3A_580 = vector.shape_cast %swap3A_579 : vector<1x16xf32> to vector<16xf32>
        %swap3A_581 = vector.shape_cast %max3A_576 : vector<16xf32> to vector<1x16xf32>
        tpu.vector_store %arg11[%swap3A_577, %swap3A_578], %swap3A_581 {strides = array<i32>} : memref<80x128xf32, #tpu.memory_space<vmem>>, vector<1x16xf32>,
        %get3A_582 = arith.index_cast %add3A_564 : i32 to index
        %get3A_583 = arith.constant 16 : index
        %get3A_584 = tpu.vector_load %arg11[%get3A_582, %get3A_583] {strides = array<i32>} : memref<80x128xf32, #tpu.memory_space<vmem>>, vector<1x16xf32>,
        %get3A_585 = vector.shape_cast %get3A_584 : vector<1x16xf32> to vector<16xf32>
        %get3A_586 = arith.index_cast %add3A_564 : i32 to index
        %get3A_587 = arith.constant 16 : index
        %get3A_588 = tpu.vector_load %arg16[%get3A_586, %get3A_587] {strides = array<i32>} : memref<80x128xf32, #tpu.memory_space<vmem>>, vector<1x16xf32>,
        %get3A_589 = vector.shape_cast %get3A_588 : vector<1x16xf32> to vector<16xf32>
        %add3A_590 = arith.addf %get3A_585, %get3A_589 : vector<16xf32>
        %max3A_591 = arith.constant 0.000000e+00 : f32
        %max3A_592 = vector.broadcast %max3A_591 : f32 to vector<16xf32>
        %max3A_593 = arith.maximumf %add3A_590, %max3A_592 : vector<16xf32>
        %swap3A_594 = arith.index_cast %add3A_564 : i32 to index
        %swap3A_595 = arith.constant 16 : index
        %swap3A_596 = tpu.vector_load %arg11[%swap3A_594, %swap3A_595] {strides = array<i32>} : memref<80x128xf32, #tpu.memory_space<vmem>>, vector<1x16xf32>,
        %swap3A_597 = vector.shape_cast %swap3A_596 : vector<1x16xf32> to vector<16xf32>
        %swap3A_598 = vector.shape_cast %max3A_593 : vector<16xf32> to vector<1x16xf32>
        tpu.vector_store %arg11[%swap3A_594, %swap3A_595], %swap3A_598 {strides = array<i32>} : memref<80x128xf32, #tpu.memory_space<vmem>>, vector<1x16xf32>,
        %get3A_599 = arith.index_cast %add3A_564 : i32 to index
        %get3A_600 = arith.constant 32 : index
        %get3A_601 = tpu.vector_load %arg11[%get3A_599, %get3A_600] {strides = array<i32>} : memref<80x128xf32, #tpu.memory_space<vmem>>, vector<1x16xf32>,
        %get3A_602 = vector.shape_cast %get3A_601 : vector<1x16xf32> to vector<16xf32>
        %get3A_603 = arith.index_cast %add3A_564 : i32 to index
        %get3A_604 = arith.constant 32 : index
        %get3A_605 = tpu.vector_load %arg16[%get3A_603, %get3A_604] {strides = array<i32>} : memref<80x128xf32, #tpu.memory_space<vmem>>, vector<1x16xf32>,
        %get3A_606 = vector.shape_cast %get3A_605 : vector<1x16xf32> to vector<16xf32>
        %add3A_607 = arith.addf %get3A_602, %get3A_606 : vector<16xf32>
        %max3A_608 = arith.constant 0.000000e+00 : f32
        %max3A_609 = vector.broadcast %max3A_608 : f32 to vector<16xf32>
        %max3A_610 = arith.maximumf %add3A_607, %max3A_609 : vector<16xf32>
        %swap3A_611 = arith.index_cast %add3A_564 : i32 to index
        %swap3A_612 = arith.constant 32 : index
        %swap3A_613 = tpu.vector_load %arg11[%swap3A_611, %swap3A_612] {strides = array<i32>} : memref<80x128xf32, #tpu.memory_space<vmem>>, vector<1x16xf32>,
        %swap3A_614 = vector.shape_cast %swap3A_613 : vector<1x16xf32> to vector<16xf32>
        %swap3A_615 = vector.shape_cast %max3A_610 : vector<16xf32> to vector<1x16xf32>
        tpu.vector_store %arg11[%swap3A_611, %swap3A_612], %swap3A_615 {strides = array<i32>} : memref<80x128xf32, #tpu.memory_space<vmem>>, vector<1x16xf32>,
        %get3A_616 = arith.index_cast %add3A_564 : i32 to index
        %get3A_617 = arith.constant 48 : index
        %get3A_618 = tpu.vector_load %arg11[%get3A_616, %get3A_617] {strides = array<i32>} : memref<80x128xf32, #tpu.memory_space<vmem>>, vector<1x16xf32>,
        %get3A_619 = vector.shape_cast %get3A_618 : vector<1x16xf32> to vector<16xf32>
        %get3A_620 = arith.index_cast %add3A_564 : i32 to index
        %get3A_621 = arith.constant 48 : index
        %get3A_622 = tpu.vector_load %arg16[%get3A_620, %get3A_621] {strides = array<i32>} : memref<80x128xf32, #tpu.memory_space<vmem>>, vector<1x16xf32>,
        %get3A_623 = vector.shape_cast %get3A_622 : vector<1x16xf32> to vector<16xf32>
        %add3A_624 = arith.addf %get3A_619, %get3A_623 : vector<16xf32>
        %max3A_625 = arith.constant 0.000000e+00 : f32
        %max3A_626 = vector.broadcast %max3A_625 : f32 to vector<16xf32>
        %max3A_627 = arith.maximumf %add3A_624, %max3A_626 : vector<16xf32>
        %swap3A_628 = arith.index_cast %add3A_564 : i32 to index
        %swap3A_629 = arith.constant 48 : index
        %swap3A_630 = tpu.vector_load %arg11[%swap3A_628, %swap3A_629] {strides = array<i32>} : memref<80x128xf32, #tpu.memory_space<vmem>>, vector<1x16xf32>,
        %swap3A_631 = vector.shape_cast %swap3A_630 : vector<1x16xf32> to vector<16xf32>
        %swap3A_632 = vector.shape_cast %max3A_627 : vector<16xf32> to vector<1x16xf32>
        tpu.vector_store %arg11[%swap3A_628, %swap3A_629], %swap3A_632 {strides = array<i32>} : memref<80x128xf32, #tpu.memory_space<vmem>>, vector<1x16xf32>,
        %get3A_633 = arith.index_cast %add3A_564 : i32 to index
        %get3A_634 = arith.constant 64 : index
        %get3A_635 = tpu.vector_load %arg11[%get3A_633, %get3A_634] {strides = array<i32>} : memref<80x128xf32, #tpu.memory_space<vmem>>, vector<1x16xf32>,
        %get3A_636 = vector.shape_cast %get3A_635 : vector<1x16xf32> to vector<16xf32>
        %get3A_637 = arith.index_cast %add3A_564 : i32 to index
        %get3A_638 = arith.constant 64 : index
        %get3A_639 = tpu.vector_load %arg16[%get3A_637, %get3A_638] {strides = array<i32>} : memref<80x128xf32, #tpu.memory_space<vmem>>, vector<1x16xf32>,
        %get3A_640 = vector.shape_cast %get3A_639 : vector<1x16xf32> to vector<16xf32>
        %add3A_641 = arith.addf %get3A_636, %get3A_640 : vector<16xf32>
        %max3A_642 = arith.constant 0.000000e+00 : f32
        %max3A_643 = vector.broadcast %max3A_642 : f32 to vector<16xf32>
        %max3A_644 = arith.maximumf %add3A_641, %max3A_643 : vector<16xf32>
        %swap3A_645 = arith.index_cast %add3A_564 : i32 to index
        %swap3A_646 = arith.constant 64 : index
        %swap3A_647 = tpu.vector_load %arg11[%swap3A_645, %swap3A_646] {strides = array<i32>} : memref<80x128xf32, #tpu.memory_space<vmem>>, vector<1x16xf32>,
        %swap3A_648 = vector.shape_cast %swap3A_647 : vector<1x16xf32> to vector<16xf32>
        %swap3A_649 = vector.shape_cast %max3A_644 : vector<16xf32> to vector<1x16xf32>
        tpu.vector_store %arg11[%swap3A_645, %swap3A_646], %swap3A_649 {strides = array<i32>} : memref<80x128xf32, #tpu.memory_space<vmem>>, vector<1x16xf32>,
        %get3A_650 = arith.index_cast %add3A_564 : i32 to index
        %get3A_651 = arith.constant 80 : index
        %get3A_652 = tpu.vector_load %arg11[%get3A_650, %get3A_651] {strides = array<i32>} : memref<80x128xf32, #tpu.memory_space<vmem>>, vector<1x16xf32>,
        %get3A_653 = vector.shape_cast %get3A_652 : vector<1x16xf32> to vector<16xf32>
        %get3A_654 = arith.index_cast %add3A_564 : i32 to index
        %get3A_655 = arith.constant 80 : index
        %get3A_656 = tpu.vector_load %arg16[%get3A_654, %get3A_655] {strides = array<i32>} : memref<80x128xf32, #tpu.memory_space<vmem>>, vector<1x16xf32>,
        %get3A_657 = vector.shape_cast %get3A_656 : vector<1x16xf32> to vector<16xf32>
        %add3A_658 = arith.addf %get3A_653, %get3A_657 : vector<16xf32>
        %max3A_659 = arith.constant 0.000000e+00 : f32
        %max3A_660 = vector.broadcast %max3A_659 : f32 to vector<16xf32>
        %max3A_661 = arith.maximumf %add3A_658, %max3A_660 : vector<16xf32>
        %swap3A_662 = arith.index_cast %add3A_564 : i32 to index
        %swap3A_663 = arith.constant 80 : index
        %swap3A_664 = tpu.vector_load %arg11[%swap3A_662, %swap3A_663] {strides = array<i32>} : memref<80x128xf32, #tpu.memory_space<vmem>>, vector<1x16xf32>,
        %swap3A_665 = vector.shape_cast %swap3A_664 : vector<1x16xf32> to vector<16xf32>
        %swap3A_666 = vector.shape_cast %max3A_661 : vector<16xf32> to vector<1x16xf32>
        tpu.vector_store %arg11[%swap3A_662, %swap3A_663], %swap3A_666 {strides = array<i32>} : memref<80x128xf32, #tpu.memory_space<vmem>>, vector<1x16xf32>,
        %get3A_667 = arith.index_cast %add3A_564 : i32 to index
        %get3A_668 = arith.constant 96 : index
        %get3A_669 = tpu.vector_load %arg11[%get3A_667, %get3A_668] {strides = array<i32>} : memref<80x128xf32, #tpu.memory_space<vmem>>, vector<1x16xf32>,
        %get3A_670 = vector.shape_cast %get3A_669 : vector<1x16xf32> to vector<16xf32>
        %get3A_671 = arith.index_cast %add3A_564 : i32 to index
        %get3A_672 = arith.constant 96 : index
        %get3A_673 = tpu.vector_load %arg16[%get3A_671, %get3A_672] {strides = array<i32>} : memref<80x128xf32, #tpu.memory_space<vmem>>, vector<1x16xf32>,
        %get3A_674 = vector.shape_cast %get3A_673 : vector<1x16xf32> to vector<16xf32>
        %add3A_675 = arith.addf %get3A_670, %get3A_674 : vector<16xf32>
        %max3A_676 = arith.constant 0.000000e+00 : f32
        %max3A_677 = vector.broadcast %max3A_676 : f32 to vector<16xf32>
        %max3A_678 = arith.maximumf %add3A_675, %max3A_677 : vector<16xf32>
        %swap3A_679 = arith.index_cast %add3A_564 : i32 to index
        %swap3A_680 = arith.constant 96 : index
        %swap3A_681 = tpu.vector_load %arg11[%swap3A_679, %swap3A_680] {strides = array<i32>} : memref<80x128xf32, #tpu.memory_space<vmem>>, vector<1x16xf32>,
        %swap3A_682 = vector.shape_cast %swap3A_681 : vector<1x16xf32> to vector<16xf32>
        %swap3A_683 = vector.shape_cast %max3A_678 : vector<16xf32> to vector<1x16xf32>
        tpu.vector_store %arg11[%swap3A_679, %swap3A_680], %swap3A_683 {strides = array<i32>} : memref<80x128xf32, #tpu.memory_space<vmem>>, vector<1x16xf32>,
        %get3A_684 = arith.index_cast %add3A_564 : i32 to index
        %get3A_685 = arith.constant 112 : index
        %get3A_686 = tpu.vector_load %arg11[%get3A_684, %get3A_685] {strides = array<i32>} : memref<80x128xf32, #tpu.memory_space<vmem>>, vector<1x16xf32>,
        %get3A_687 = vector.shape_cast %get3A_686 : vector<1x16xf32> to vector<16xf32>
        %get3A_688 = arith.index_cast %add3A_564 : i32 to index
        %get3A_689 = arith.constant 112 : index
        %get3A_690 = tpu.vector_load %arg16[%get3A_688, %get3A_689] {strides = array<i32>} : memref<80x128xf32, #tpu.memory_space<vmem>>, vector<1x16xf32>,
        %get3A_691 = vector.shape_cast %get3A_690 : vector<1x16xf32> to vector<16xf32>
        %add3A_692 = arith.addf %get3A_687, %get3A_691 : vector<16xf32>
        %max3A_693 = arith.constant 0.000000e+00 : f32
        %max3A_694 = vector.broadcast %max3A_693 : f32 to vector<16xf32>
        %max3A_695 = arith.maximumf %add3A_692, %max3A_694 : vector<16xf32>
        %swap3A_696 = arith.index_cast %add3A_564 : i32 to index
        %swap3A_697 = arith.constant 112 : index
        %swap3A_698 = tpu.vector_load %arg11[%swap3A_696, %swap3A_697] {strides = array<i32>} : memref<80x128xf32, #tpu.memory_space<vmem>>, vector<1x16xf32>,
        %swap3A_699 = vector.shape_cast %swap3A_698 : vector<1x16xf32> to vector<16xf32>
        %swap3A_700 = vector.shape_cast %max3A_695 : vector<16xf32> to vector<1x16xf32>
        tpu.vector_store %arg11[%swap3A_696, %swap3A_697], %swap3A_700 {strides = array<i32>} : memref<80x128xf32, #tpu.memory_space<vmem>>, vector<1x16xf32>,
      }
      %scan3A_90 = arith.constant 20 : i32
      %dma_wait3A_91 = tpu.memref_slice %arg2[%add3A_70] : memref<327680xi32, #tpu.memory_space<hbm>> -> memref<80xi32, #tpu.memory_space<hbm>>
      %dma_wait3A_92 = tpu.memref_slice %arg2[%add3A_70] : memref<327680xi32, #tpu.memory_space<hbm>> -> memref<80xi32, #tpu.memory_space<hbm>>
      tpu.wait_dma2 semaphore(%arg21 : memref<!tpu.dma_semaphore, #tpu.memory_space<semaphore_mem>>) src(%dma_wait3A_92 : memref<80xi32, #tpu.memory_space<hbm>>) dst(%arg18 : memref<80xi32, #tpu.memory_space<vmem>>)
      %dma_wait3A_93 = tpu.memref_slice %arg3[%add3A_70] : memref<327680xi32, #tpu.memory_space<hbm>> -> memref<80xi32, #tpu.memory_space<hbm>>
      %dma_wait3A_94 = tpu.memref_slice %arg3[%add3A_70] : memref<327680xi32, #tpu.memory_space<hbm>> -> memref<80xi32, #tpu.memory_space<hbm>>
      tpu.wait_dma2 semaphore(%arg21 : memref<!tpu.dma_semaphore, #tpu.memory_space<semaphore_mem>>) src(%dma_wait3A_94 : memref<80xi32, #tpu.memory_space<hbm>>) dst(%arg19 : memref<80xi32, #tpu.memory_space<vmem>>)
      %dma_wait3A_95 = tpu.memref_slice %arg5[%add3A_70] : memref<327680xi32, #tpu.memory_space<hbm>> -> memref<80xi32, #tpu.memory_space<hbm>>
      %dma_wait3A_96 = tpu.memref_slice %arg5[%add3A_70] : memref<327680xi32, #tpu.memory_space<hbm>> -> memref<80xi32, #tpu.memory_space<hbm>>
      tpu.wait_dma2 semaphore(%arg21 : memref<!tpu.dma_semaphore, #tpu.memory_space<semaphore_mem>>) src(%dma_wait3A_96 : memref<80xi32, #tpu.memory_space<hbm>>) dst(%arg24 : memref<80xi32, #tpu.memory_space<vmem>>)
      %dma_start3A_97 = arith.constant 0 : i32
      %dma_start3A_98 = arith.constant 0 : i32
      %dma_start3A_99 = tpu.memref_slice %arg6[%dma_start3A_97, %dma_start3A_98] : memref<10240x128xf32, #tpu.memory_space<hbm>> -> memref<10240x128xf32, #tpu.memory_space<hbm>>
      tpu.enqueue_indirect_dma source(%dma_start3A_99 : memref<10240x128xf32, #tpu.memory_space<hbm>>) target(%arg25 : memref<80x128xf32, #tpu.memory_space<vmem>>) offsets(%arg24 : memref<80xi32, #tpu.memory_space<vmem>>) semaphore(%arg26 : memref<!tpu.dma_semaphore, #tpu.memory_space<semaphore_mem>>)
      %dma_start3A_100 = arith.constant 0 : i32
      %dma_start3A_101 = arith.constant 0 : i32
      %dma_start3A_102 = tpu.memref_slice %arg4[%dma_start3A_100, %dma_start3A_101] : memref<104x128xf32, #tpu.memory_space<hbm>> -> memref<104x128xf32, #tpu.memory_space<hbm>>
      tpu.enqueue_indirect_dma source(%dma_start3A_102 : memref<104x128xf32, #tpu.memory_space<hbm>>) target(%arg20 : memref<80x128xf32, #tpu.memory_space<vmem>>) offsets(%arg18 : memref<80xi32, #tpu.memory_space<vmem>>) semaphore(%arg22 : memref<!tpu.dma_semaphore, #tpu.memory_space<semaphore_mem>>)
      %dma_start3A_103 = arith.constant 0 : i32
      %dma_start3A_104 = arith.constant 0 : i32
      %dma_start3A_105 = tpu.memref_slice %arg8[%dma_start3A_103, %dma_start3A_104] : memref<10240x128xf32, #tpu.memory_space<vmem_shared>> -> memref<10240x128xf32, #tpu.memory_space<vmem_shared>>
      tpu.enqueue_indirect_dma source(%arg11 : memref<80x128xf32, #tpu.memory_space<vmem>>) target(%dma_start3A_105 : memref<10240x128xf32, #tpu.memory_space<vmem_shared>>) offsets(%arg10 : memref<80xi32, #tpu.memory_space<vmem>>) semaphore(%arg14 : memref<!tpu.dma_semaphore, #tpu.memory_space<semaphore_mem>>) {add = true}
      %mul3A_106 = arith.constant 2 : i32
      %mul3A_107 = arith.muli %mul3A_106, %while3A_61 : i32
      %add3A_108 = arith.constant 1 : i32
      %add3A_109 = arith.addi %mul3A_107, %add3A_108 : i32
      %add3A_110 = arith.constant 1 : i32
      %add3A_111 = arith.addi %add3A_109, %add3A_110 : i32
      %mul3A_112 = arith.constant 80 : i32
      %mul3A_113 = arith.muli %add3A_111, %mul3A_112 : i32
      %add3A_114 = arith.addi %select_n3A_8, %mul3A_113 : i32
      %dma_wait3A_115 = arith.constant 0 : i32
      %dma_wait3A_116 = arith.constant 0 : i32
      %dma_wait3A_117 = tpu.memref_slice %arg8[%dma_wait3A_115, %dma_wait3A_116] : memref<10240x128xf32, #tpu.memory_space<vmem_shared>> -> memref<10240x128xf32, #tpu.memory_space<vmem_shared>>
      tpu.wait_indirect_dma semaphore(%arg14 : memref<!tpu.dma_semaphore, #tpu.memory_space<semaphore_mem>>) src(%arg11 : memref<80x128xf32, #tpu.memory_space<vmem>>) dst(%dma_wait3A_117 : memref<10240x128xf32, #tpu.memory_space<vmem_shared>>)
      %sub3A = arith.constant 1 : i32
      %sub3A_118 = arith.subi %select_n3A, %sub3A : i32
      %lt3A = arith.cmpi slt, %while3A_61, %sub3A_118 : i32
      %convert_element_type3A_119 = arith.extui %lt3A : i1 to i32
      %cond3A_120 = arith.constant 0 : i32
      %cond3A_121 = arith.cmpi ne, %convert_element_type3A_119, %cond3A_120 : i32
      scf.if %cond3A_121 {
        %dma_start3A_143 = tpu.memref_slice %arg2[%add3A_114] : memref<327680xi32, #tpu.memory_space<hbm>> -> memref<80xi32, #tpu.memory_space<hbm>>
        %dma_start3A_144 = tpu.memref_slice %arg2[%add3A_114] : memref<327680xi32, #tpu.memory_space<hbm>> -> memref<80xi32, #tpu.memory_space<hbm>>
        tpu.enqueue_dma source(%dma_start3A_144 : memref<80xi32, #tpu.memory_space<hbm>>) target(%arg9 : memref<80xi32, #tpu.memory_space<vmem>>) target_semaphore(%arg12 : memref<!tpu.dma_semaphore, #tpu.memory_space<semaphore_mem>>)
        %dma_start3A_145 = tpu.memref_slice %arg3[%add3A_114] : memref<327680xi32, #tpu.memory_space<hbm>> -> memref<80xi32, #tpu.memory_space<hbm>>
        %dma_start3A_146 = tpu.memref_slice %arg3[%add3A_114] : memref<327680xi32, #tpu.memory_space<hbm>> -> memref<80xi32, #tpu.memory_space<hbm>>
        tpu.enqueue_dma source(%dma_start3A_146 : memref<80xi32, #tpu.memory_space<hbm>>) target(%arg10 : memref<80xi32, #tpu.memory_space<vmem>>) target_semaphore(%arg12 : memref<!tpu.dma_semaphore, #tpu.memory_space<semaphore_mem>>)
        %dma_start3A_147 = tpu.memref_slice %arg5[%add3A_114] : memref<327680xi32, #tpu.memory_space<hbm>> -> memref<80xi32, #tpu.memory_space<hbm>>
        %dma_start3A_148 = tpu.memref_slice %arg5[%add3A_114] : memref<327680xi32, #tpu.memory_space<hbm>> -> memref<80xi32, #tpu.memory_space<hbm>>
        tpu.enqueue_dma source(%dma_start3A_148 : memref<80xi32, #tpu.memory_space<hbm>>) target(%arg15 : memref<80xi32, #tpu.memory_space<vmem>>) target_semaphore(%arg12 : memref<!tpu.dma_semaphore, #tpu.memory_space<semaphore_mem>>)
      } else {
      }
      %dma_wait3A_122 = arith.constant 0 : i32
      %dma_wait3A_123 = arith.constant 0 : i32
      %dma_wait3A_124 = tpu.memref_slice %arg4[%dma_wait3A_122, %dma_wait3A_123] : memref<104x128xf32, #tpu.memory_space<hbm>> -> memref<104x128xf32, #tpu.memory_space<hbm>>
      tpu.wait_indirect_dma semaphore(%arg22 : memref<!tpu.dma_semaphore, #tpu.memory_space<semaphore_mem>>) src(%dma_wait3A_124 : memref<104x128xf32, #tpu.memory_space<hbm>>) dst(%arg20 : memref<80x128xf32, #tpu.memory_space<vmem>>)
      %dma_wait3A_125 = arith.constant 0 : i32
      %dma_wait3A_126 = arith.constant 0 : i32
      %dma_wait3A_127 = tpu.memref_slice %arg6[%dma_wait3A_125, %dma_wait3A_126] : memref<10240x128xf32, #tpu.memory_space<hbm>> -> memref<10240x128xf32, #tpu.memory_space<hbm>>
      tpu.wait_indirect_dma semaphore(%arg26 : memref<!tpu.dma_semaphore, #tpu.memory_space<semaphore_mem>>) src(%dma_wait3A_127 : memref<10240x128xf32, #tpu.memory_space<hbm>>) dst(%arg25 : memref<80x128xf32, #tpu.memory_space<vmem>>)
      %scan3A_128 = arith.constant 0 : i32
      %scan3A_129 = arith.constant 0 : i32
      %scan3A_130 = arith.constant 20 : i32
      %scan3A_131 = arith.addi %scan3A_129, %scan3A_130 : i32
      %scan3A_132 = arith.constant 1 : i32
      scf.for %scan3A_143 = %scan3A_129 to %scan3A_131 step %scan3A_132  : i32 {
        %mul3A_144 = arith.constant 4 : i32
        %mul3A_145 = arith.muli %mul3A_144, %scan3A_143 : i32
        %add3A_146 = arith.constant 0 : i32
        %add3A_147 = arith.addi %mul3A_145, %add3A_146 : i32
        %get3A = arith.index_cast %add3A_147 : i32 to index
        %get3A_148 = arith.constant 0 : index
        %get3A_149 = tpu.vector_load %arg20[%get3A, %get3A_148] {strides = array<i32>} : memref<80x128xf32, #tpu.memory_space<vmem>>, vector<1x16xf32>,
        %get3A_150 = vector.shape_cast %get3A_149 : vector<1x16xf32> to vector<16xf32>
        %get3A_151 = arith.index_cast %add3A_147 : i32 to index
        %get3A_152 = arith.constant 0 : index
        %get3A_153 = tpu.vector_load %arg25[%get3A_151, %get3A_152] {strides = array<i32>} : memref<80x128xf32, #tpu.memory_space<vmem>>, vector<1x16xf32>,
        %get3A_154 = vector.shape_cast %get3A_153 : vector<1x16xf32> to vector<16xf32>
        %add3A_155 = arith.addf %get3A_150, %get3A_154 : vector<16xf32>
        %max3A = arith.constant 0.000000e+00 : f32
        %max3A_156 = vector.broadcast %max3A : f32 to vector<16xf32>
        %max3A_157 = arith.maximumf %add3A_155, %max3A_156 : vector<16xf32>
        %swap3A = arith.index_cast %add3A_147 : i32 to index
        %swap3A_158 = arith.constant 0 : index
        %swap3A_159 = tpu.vector_load %arg20[%swap3A, %swap3A_158] {strides = array<i32>} : memref<80x128xf32, #tpu.memory_space<vmem>>, vector<1x16xf32>,
        %swap3A_160 = vector.shape_cast %swap3A_159 : vector<1x16xf32> to vector<16xf32>
        %swap3A_161 = vector.shape_cast %max3A_157 : vector<16xf32> to vector<1x16xf32>
        tpu.vector_store %arg20[%swap3A, %swap3A_158], %swap3A_161 {strides = array<i32>} : memref<80x128xf32, #tpu.memory_space<vmem>>, vector<1x16xf32>,
        %get3A_162 = arith.index_cast %add3A_147 : i32 to index
        %get3A_163 = arith.constant 16 : index
        %get3A_164 = tpu.vector_load %arg20[%get3A_162, %get3A_163] {strides = array<i32>} : memref<80x128xf32, #tpu.memory_space<vmem>>, vector<1x16xf32>,
        %get3A_165 = vector.shape_cast %get3A_164 : vector<1x16xf32> to vector<16xf32>
        %get3A_166 = arith.index_cast %add3A_147 : i32 to index
        %get3A_167 = arith.constant 16 : index
        %get3A_168 = tpu.vector_load %arg25[%get3A_166, %get3A_167] {strides = array<i32>} : memref<80x128xf32, #tpu.memory_space<vmem>>, vector<1x16xf32>,
        %get3A_169 = vector.shape_cast %get3A_168 : vector<1x16xf32> to vector<16xf32>
        %add3A_170 = arith.addf %get3A_165, %get3A_169 : vector<16xf32>
        %max3A_171 = arith.constant 0.000000e+00 : f32
        %max3A_172 = vector.broadcast %max3A_171 : f32 to vector<16xf32>
        %max3A_173 = arith.maximumf %add3A_170, %max3A_172 : vector<16xf32>
        %swap3A_174 = arith.index_cast %add3A_147 : i32 to index
        %swap3A_175 = arith.constant 16 : index
        %swap3A_176 = tpu.vector_load %arg20[%swap3A_174, %swap3A_175] {strides = array<i32>} : memref<80x128xf32, #tpu.memory_space<vmem>>, vector<1x16xf32>,
        %swap3A_177 = vector.shape_cast %swap3A_176 : vector<1x16xf32> to vector<16xf32>
        %swap3A_178 = vector.shape_cast %max3A_173 : vector<16xf32> to vector<1x16xf32>
        tpu.vector_store %arg20[%swap3A_174, %swap3A_175], %swap3A_178 {strides = array<i32>} : memref<80x128xf32, #tpu.memory_space<vmem>>, vector<1x16xf32>,
        %get3A_179 = arith.index_cast %add3A_147 : i32 to index
        %get3A_180 = arith.constant 32 : index
        %get3A_181 = tpu.vector_load %arg20[%get3A_179, %get3A_180] {strides = array<i32>} : memref<80x128xf32, #tpu.memory_space<vmem>>, vector<1x16xf32>,
        %get3A_182 = vector.shape_cast %get3A_181 : vector<1x16xf32> to vector<16xf32>
        %get3A_183 = arith.index_cast %add3A_147 : i32 to index
        %get3A_184 = arith.constant 32 : index
        %get3A_185 = tpu.vector_load %arg25[%get3A_183, %get3A_184] {strides = array<i32>} : memref<80x128xf32, #tpu.memory_space<vmem>>, vector<1x16xf32>,
        %get3A_186 = vector.shape_cast %get3A_185 : vector<1x16xf32> to vector<16xf32>
        %add3A_187 = arith.addf %get3A_182, %get3A_186 : vector<16xf32>
        %max3A_188 = arith.constant 0.000000e+00 : f32
        %max3A_189 = vector.broadcast %max3A_188 : f32 to vector<16xf32>
        %max3A_190 = arith.maximumf %add3A_187, %max3A_189 : vector<16xf32>
        %swap3A_191 = arith.index_cast %add3A_147 : i32 to index
        %swap3A_192 = arith.constant 32 : index
        %swap3A_193 = tpu.vector_load %arg20[%swap3A_191, %swap3A_192] {strides = array<i32>} : memref<80x128xf32, #tpu.memory_space<vmem>>, vector<1x16xf32>,
        %swap3A_194 = vector.shape_cast %swap3A_193 : vector<1x16xf32> to vector<16xf32>
        %swap3A_195 = vector.shape_cast %max3A_190 : vector<16xf32> to vector<1x16xf32>
        tpu.vector_store %arg20[%swap3A_191, %swap3A_192], %swap3A_195 {strides = array<i32>} : memref<80x128xf32, #tpu.memory_space<vmem>>, vector<1x16xf32>,
        %get3A_196 = arith.index_cast %add3A_147 : i32 to index
        %get3A_197 = arith.constant 48 : index
        %get3A_198 = tpu.vector_load %arg20[%get3A_196, %get3A_197] {strides = array<i32>} : memref<80x128xf32, #tpu.memory_space<vmem>>, vector<1x16xf32>,
        %get3A_199 = vector.shape_cast %get3A_198 : vector<1x16xf32> to vector<16xf32>
        %get3A_200 = arith.index_cast %add3A_147 : i32 to index
        %get3A_201 = arith.constant 48 : index
        %get3A_202 = tpu.vector_load %arg25[%get3A_200, %get3A_201] {strides = array<i32>} : memref<80x128xf32, #tpu.memory_space<vmem>>, vector<1x16xf32>,
        %get3A_203 = vector.shape_cast %get3A_202 : vector<1x16xf32> to vector<16xf32>
        %add3A_204 = arith.addf %get3A_199, %get3A_203 : vector<16xf32>
        %max3A_205 = arith.constant 0.000000e+00 : f32
        %max3A_206 = vector.broadcast %max3A_205 : f32 to vector<16xf32>
        %max3A_207 = arith.maximumf %add3A_204, %max3A_206 : vector<16xf32>
        %swap3A_208 = arith.index_cast %add3A_147 : i32 to index
        %swap3A_209 = arith.constant 48 : index
        %swap3A_210 = tpu.vector_load %arg20[%swap3A_208, %swap3A_209] {strides = array<i32>} : memref<80x128xf32, #tpu.memory_space<vmem>>, vector<1x16xf32>,
        %swap3A_211 = vector.shape_cast %swap3A_210 : vector<1x16xf32> to vector<16xf32>
        %swap3A_212 = vector.shape_cast %max3A_207 : vector<16xf32> to vector<1x16xf32>
        tpu.vector_store %arg20[%swap3A_208, %swap3A_209], %swap3A_212 {strides = array<i32>} : memref<80x128xf32, #tpu.memory_space<vmem>>, vector<1x16xf32>,
        %get3A_213 = arith.index_cast %add3A_147 : i32 to index
        %get3A_214 = arith.constant 64 : index
        %get3A_215 = tpu.vector_load %arg20[%get3A_213, %get3A_214] {strides = array<i32>} : memref<80x128xf32, #tpu.memory_space<vmem>>, vector<1x16xf32>,
        %get3A_216 = vector.shape_cast %get3A_215 : vector<1x16xf32> to vector<16xf32>
        %get3A_217 = arith.index_cast %add3A_147 : i32 to index
        %get3A_218 = arith.constant 64 : index
        %get3A_219 = tpu.vector_load %arg25[%get3A_217, %get3A_218] {strides = array<i32>} : memref<80x128xf32, #tpu.memory_space<vmem>>, vector<1x16xf32>,
        %get3A_220 = vector.shape_cast %get3A_219 : vector<1x16xf32> to vector<16xf32>
        %add3A_221 = arith.addf %get3A_216, %get3A_220 : vector<16xf32>
        %max3A_222 = arith.constant 0.000000e+00 : f32
        %max3A_223 = vector.broadcast %max3A_222 : f32 to vector<16xf32>
        %max3A_224 = arith.maximumf %add3A_221, %max3A_223 : vector<16xf32>
        %swap3A_225 = arith.index_cast %add3A_147 : i32 to index
        %swap3A_226 = arith.constant 64 : index
        %swap3A_227 = tpu.vector_load %arg20[%swap3A_225, %swap3A_226] {strides = array<i32>} : memref<80x128xf32, #tpu.memory_space<vmem>>, vector<1x16xf32>,
        %swap3A_228 = vector.shape_cast %swap3A_227 : vector<1x16xf32> to vector<16xf32>
        %swap3A_229 = vector.shape_cast %max3A_224 : vector<16xf32> to vector<1x16xf32>
        tpu.vector_store %arg20[%swap3A_225, %swap3A_226], %swap3A_229 {strides = array<i32>} : memref<80x128xf32, #tpu.memory_space<vmem>>, vector<1x16xf32>,
        %get3A_230 = arith.index_cast %add3A_147 : i32 to index
        %get3A_231 = arith.constant 80 : index
        %get3A_232 = tpu.vector_load %arg20[%get3A_230, %get3A_231] {strides = array<i32>} : memref<80x128xf32, #tpu.memory_space<vmem>>, vector<1x16xf32>,
        %get3A_233 = vector.shape_cast %get3A_232 : vector<1x16xf32> to vector<16xf32>
        %get3A_234 = arith.index_cast %add3A_147 : i32 to index
        %get3A_235 = arith.constant 80 : index
        %get3A_236 = tpu.vector_load %arg25[%get3A_234, %get3A_235] {strides = array<i32>} : memref<80x128xf32, #tpu.memory_space<vmem>>, vector<1x16xf32>,
        %get3A_237 = vector.shape_cast %get3A_236 : vector<1x16xf32> to vector<16xf32>
        %add3A_238 = arith.addf %get3A_233, %get3A_237 : vector<16xf32>
        %max3A_239 = arith.constant 0.000000e+00 : f32
        %max3A_240 = vector.broadcast %max3A_239 : f32 to vector<16xf32>
        %max3A_241 = arith.maximumf %add3A_238, %max3A_240 : vector<16xf32>
        %swap3A_242 = arith.index_cast %add3A_147 : i32 to index
        %swap3A_243 = arith.constant 80 : index
        %swap3A_244 = tpu.vector_load %arg20[%swap3A_242, %swap3A_243] {strides = array<i32>} : memref<80x128xf32, #tpu.memory_space<vmem>>, vector<1x16xf32>,
        %swap3A_245 = vector.shape_cast %swap3A_244 : vector<1x16xf32> to vector<16xf32>
        %swap3A_246 = vector.shape_cast %max3A_241 : vector<16xf32> to vector<1x16xf32>
        tpu.vector_store %arg20[%swap3A_242, %swap3A_243], %swap3A_246 {strides = array<i32>} : memref<80x128xf32, #tpu.memory_space<vmem>>, vector<1x16xf32>,
        %get3A_247 = arith.index_cast %add3A_147 : i32 to index
        %get3A_248 = arith.constant 96 : index
        %get3A_249 = tpu.vector_load %arg20[%get3A_247, %get3A_248] {strides = array<i32>} : memref<80x128xf32, #tpu.memory_space<vmem>>, vector<1x16xf32>,
        %get3A_250 = vector.shape_cast %get3A_249 : vector<1x16xf32> to vector<16xf32>
        %get3A_251 = arith.index_cast %add3A_147 : i32 to index
        %get3A_252 = arith.constant 96 : index
        %get3A_253 = tpu.vector_load %arg25[%get3A_251, %get3A_252] {strides = array<i32>} : memref<80x128xf32, #tpu.memory_space<vmem>>, vector<1x16xf32>,
        %get3A_254 = vector.shape_cast %get3A_253 : vector<1x16xf32> to vector<16xf32>
        %add3A_255 = arith.addf %get3A_250, %get3A_254 : vector<16xf32>
        %max3A_256 = arith.constant 0.000000e+00 : f32
        %max3A_257 = vector.broadcast %max3A_256 : f32 to vector<16xf32>
        %max3A_258 = arith.maximumf %add3A_255, %max3A_257 : vector<16xf32>
        %swap3A_259 = arith.index_cast %add3A_147 : i32 to index
        %swap3A_260 = arith.constant 96 : index
        %swap3A_261 = tpu.vector_load %arg20[%swap3A_259, %swap3A_260] {strides = array<i32>} : memref<80x128xf32, #tpu.memory_space<vmem>>, vector<1x16xf32>,
        %swap3A_262 = vector.shape_cast %swap3A_261 : vector<1x16xf32> to vector<16xf32>
        %swap3A_263 = vector.shape_cast %max3A_258 : vector<16xf32> to vector<1x16xf32>
        tpu.vector_store %arg20[%swap3A_259, %swap3A_260], %swap3A_263 {strides = array<i32>} : memref<80x128xf32, #tpu.memory_space<vmem>>, vector<1x16xf32>,
        %get3A_264 = arith.index_cast %add3A_147 : i32 to index
        %get3A_265 = arith.constant 112 : index
        %get3A_266 = tpu.vector_load %arg20[%get3A_264, %get3A_265] {strides = array<i32>} : memref<80x128xf32, #tpu.memory_space<vmem>>, vector<1x16xf32>,
        %get3A_267 = vector.shape_cast %get3A_266 : vector<1x16xf32> to vector<16xf32>
        %get3A_268 = arith.index_cast %add3A_147 : i32 to index
        %get3A_269 = arith.constant 112 : index
        %get3A_270 = tpu.vector_load %arg25[%get3A_268, %get3A_269] {strides = array<i32>} : memref<80x128xf32, #tpu.memory_space<vmem>>, vector<1x16xf32>,
        %get3A_271 = vector.shape_cast %get3A_270 : vector<1x16xf32> to vector<16xf32>
        %add3A_272 = arith.addf %get3A_267, %get3A_271 : vector<16xf32>
        %max3A_273 = arith.constant 0.000000e+00 : f32
        %max3A_274 = vector.broadcast %max3A_273 : f32 to vector<16xf32>
        %max3A_275 = arith.maximumf %add3A_272, %max3A_274 : vector<16xf32>
        %swap3A_276 = arith.index_cast %add3A_147 : i32 to index
        %swap3A_277 = arith.constant 112 : index
        %swap3A_278 = tpu.vector_load %arg20[%swap3A_276, %swap3A_277] {strides = array<i32>} : memref<80x128xf32, #tpu.memory_space<vmem>>, vector<1x16xf32>,
        %swap3A_279 = vector.shape_cast %swap3A_278 : vector<1x16xf32> to vector<16xf32>
        %swap3A_280 = vector.shape_cast %max3A_275 : vector<16xf32> to vector<1x16xf32>
        tpu.vector_store %arg20[%swap3A_276, %swap3A_277], %swap3A_280 {strides = array<i32>} : memref<80x128xf32, #tpu.memory_space<vmem>>, vector<1x16xf32>,
        %mul3A_281 = arith.constant 4 : i32
        %mul3A_282 = arith.muli %mul3A_281, %scan3A_143 : i32
        %add3A_283 = arith.constant 1 : i32
        %add3A_284 = arith.addi %mul3A_282, %add3A_283 : i32
        %get3A_285 = arith.index_cast %add3A_284 : i32 to index
        %get3A_286 = arith.constant 0 : index
        %get3A_287 = tpu.vector_load %arg20[%get3A_285, %get3A_286] {strides = array<i32>} : memref<80x128xf32, #tpu.memory_space<vmem>>, vector<1x16xf32>,
        %get3A_288 = vector.shape_cast %get3A_287 : vector<1x16xf32> to vector<16xf32>
        %get3A_289 = arith.index_cast %add3A_284 : i32 to index
        %get3A_290 = arith.constant 0 : index
        %get3A_291 = tpu.vector_load %arg25[%get3A_289, %get3A_290] {strides = array<i32>} : memref<80x128xf32, #tpu.memory_space<vmem>>, vector<1x16xf32>,
        %get3A_292 = vector.shape_cast %get3A_291 : vector<1x16xf32> to vector<16xf32>
        %add3A_293 = arith.addf %get3A_288, %get3A_292 : vector<16xf32>
        %max3A_294 = arith.constant 0.000000e+00 : f32
        %max3A_295 = vector.broadcast %max3A_294 : f32 to vector<16xf32>
        %max3A_296 = arith.maximumf %add3A_293, %max3A_295 : vector<16xf32>
        %swap3A_297 = arith.index_cast %add3A_284 : i32 to index
        %swap3A_298 = arith.constant 0 : index
        %swap3A_299 = tpu.vector_load %arg20[%swap3A_297, %swap3A_298] {strides = array<i32>} : memref<80x128xf32, #tpu.memory_space<vmem>>, vector<1x16xf32>,
        %swap3A_300 = vector.shape_cast %swap3A_299 : vector<1x16xf32> to vector<16xf32>
        %swap3A_301 = vector.shape_cast %max3A_296 : vector<16xf32> to vector<1x16xf32>
        tpu.vector_store %arg20[%swap3A_297, %swap3A_298], %swap3A_301 {strides = array<i32>} : memref<80x128xf32, #tpu.memory_space<vmem>>, vector<1x16xf32>,
        %get3A_302 = arith.index_cast %add3A_284 : i32 to index
        %get3A_303 = arith.constant 16 : index
        %get3A_304 = tpu.vector_load %arg20[%get3A_302, %get3A_303] {strides = array<i32>} : memref<80x128xf32, #tpu.memory_space<vmem>>, vector<1x16xf32>,
        %get3A_305 = vector.shape_cast %get3A_304 : vector<1x16xf32> to vector<16xf32>
        %get3A_306 = arith.index_cast %add3A_284 : i32 to index
        %get3A_307 = arith.constant 16 : index
        %get3A_308 = tpu.vector_load %arg25[%get3A_306, %get3A_307] {strides = array<i32>} : memref<80x128xf32, #tpu.memory_space<vmem>>, vector<1x16xf32>,
        %get3A_309 = vector.shape_cast %get3A_308 : vector<1x16xf32> to vector<16xf32>
        %add3A_310 = arith.addf %get3A_305, %get3A_309 : vector<16xf32>
        %max3A_311 = arith.constant 0.000000e+00 : f32
        %max3A_312 = vector.broadcast %max3A_311 : f32 to vector<16xf32>
        %max3A_313 = arith.maximumf %add3A_310, %max3A_312 : vector<16xf32>
        %swap3A_314 = arith.index_cast %add3A_284 : i32 to index
        %swap3A_315 = arith.constant 16 : index
        %swap3A_316 = tpu.vector_load %arg20[%swap3A_314, %swap3A_315] {strides = array<i32>} : memref<80x128xf32, #tpu.memory_space<vmem>>, vector<1x16xf32>,
        %swap3A_317 = vector.shape_cast %swap3A_316 : vector<1x16xf32> to vector<16xf32>
        %swap3A_318 = vector.shape_cast %max3A_313 : vector<16xf32> to vector<1x16xf32>
        tpu.vector_store %arg20[%swap3A_314, %swap3A_315], %swap3A_318 {strides = array<i32>} : memref<80x128xf32, #tpu.memory_space<vmem>>, vector<1x16xf32>,
        %get3A_319 = arith.index_cast %add3A_284 : i32 to index
        %get3A_320 = arith.constant 32 : index
        %get3A_321 = tpu.vector_load %arg20[%get3A_319, %get3A_320] {strides = array<i32>} : memref<80x128xf32, #tpu.memory_space<vmem>>, vector<1x16xf32>,
        %get3A_322 = vector.shape_cast %get3A_321 : vector<1x16xf32> to vector<16xf32>
        %get3A_323 = arith.index_cast %add3A_284 : i32 to index
        %get3A_324 = arith.constant 32 : index
        %get3A_325 = tpu.vector_load %arg25[%get3A_323, %get3A_324] {strides = array<i32>} : memref<80x128xf32, #tpu.memory_space<vmem>>, vector<1x16xf32>,
        %get3A_326 = vector.shape_cast %get3A_325 : vector<1x16xf32> to vector<16xf32>
        %add3A_327 = arith.addf %get3A_322, %get3A_326 : vector<16xf32>
        %max3A_328 = arith.constant 0.000000e+00 : f32
        %max3A_329 = vector.broadcast %max3A_328 : f32 to vector<16xf32>
        %max3A_330 = arith.maximumf %add3A_327, %max3A_329 : vector<16xf32>
        %swap3A_331 = arith.index_cast %add3A_284 : i32 to index
        %swap3A_332 = arith.constant 32 : index
        %swap3A_333 = tpu.vector_load %arg20[%swap3A_331, %swap3A_332] {strides = array<i32>} : memref<80x128xf32, #tpu.memory_space<vmem>>, vector<1x16xf32>,
        %swap3A_334 = vector.shape_cast %swap3A_333 : vector<1x16xf32> to vector<16xf32>
        %swap3A_335 = vector.shape_cast %max3A_330 : vector<16xf32> to vector<1x16xf32>
        tpu.vector_store %arg20[%swap3A_331, %swap3A_332], %swap3A_335 {strides = array<i32>} : memref<80x128xf32, #tpu.memory_space<vmem>>, vector<1x16xf32>,
        %get3A_336 = arith.index_cast %add3A_284 : i32 to index
        %get3A_337 = arith.constant 48 : index
        %get3A_338 = tpu.vector_load %arg20[%get3A_336, %get3A_337] {strides = array<i32>} : memref<80x128xf32, #tpu.memory_space<vmem>>, vector<1x16xf32>,
        %get3A_339 = vector.shape_cast %get3A_338 : vector<1x16xf32> to vector<16xf32>
        %get3A_340 = arith.index_cast %add3A_284 : i32 to index
        %get3A_341 = arith.constant 48 : index
        %get3A_342 = tpu.vector_load %arg25[%get3A_340, %get3A_341] {strides = array<i32>} : memref<80x128xf32, #tpu.memory_space<vmem>>, vector<1x16xf32>,
        %get3A_343 = vector.shape_cast %get3A_342 : vector<1x16xf32> to vector<16xf32>
        %add3A_344 = arith.addf %get3A_339, %get3A_343 : vector<16xf32>
        %max3A_345 = arith.constant 0.000000e+00 : f32
        %max3A_346 = vector.broadcast %max3A_345 : f32 to vector<16xf32>
        %max3A_347 = arith.maximumf %add3A_344, %max3A_346 : vector<16xf32>
        %swap3A_348 = arith.index_cast %add3A_284 : i32 to index
        %swap3A_349 = arith.constant 48 : index
        %swap3A_350 = tpu.vector_load %arg20[%swap3A_348, %swap3A_349] {strides = array<i32>} : memref<80x128xf32, #tpu.memory_space<vmem>>, vector<1x16xf32>,
        %swap3A_351 = vector.shape_cast %swap3A_350 : vector<1x16xf32> to vector<16xf32>
        %swap3A_352 = vector.shape_cast %max3A_347 : vector<16xf32> to vector<1x16xf32>
        tpu.vector_store %arg20[%swap3A_348, %swap3A_349], %swap3A_352 {strides = array<i32>} : memref<80x128xf32, #tpu.memory_space<vmem>>, vector<1x16xf32>,
        %get3A_353 = arith.index_cast %add3A_284 : i32 to index
        %get3A_354 = arith.constant 64 : index
        %get3A_355 = tpu.vector_load %arg20[%get3A_353, %get3A_354] {strides = array<i32>} : memref<80x128xf32, #tpu.memory_space<vmem>>, vector<1x16xf32>,
        %get3A_356 = vector.shape_cast %get3A_355 : vector<1x16xf32> to vector<16xf32>
        %get3A_357 = arith.index_cast %add3A_284 : i32 to index
        %get3A_358 = arith.constant 64 : index
        %get3A_359 = tpu.vector_load %arg25[%get3A_357, %get3A_358] {strides = array<i32>} : memref<80x128xf32, #tpu.memory_space<vmem>>, vector<1x16xf32>,
        %get3A_360 = vector.shape_cast %get3A_359 : vector<1x16xf32> to vector<16xf32>
        %add3A_361 = arith.addf %get3A_356, %get3A_360 : vector<16xf32>
        %max3A_362 = arith.constant 0.000000e+00 : f32
        %max3A_363 = vector.broadcast %max3A_362 : f32 to vector<16xf32>
        %max3A_364 = arith.maximumf %add3A_361, %max3A_363 : vector<16xf32>
        %swap3A_365 = arith.index_cast %add3A_284 : i32 to index
        %swap3A_366 = arith.constant 64 : index
        %swap3A_367 = tpu.vector_load %arg20[%swap3A_365, %swap3A_366] {strides = array<i32>} : memref<80x128xf32, #tpu.memory_space<vmem>>, vector<1x16xf32>,
        %swap3A_368 = vector.shape_cast %swap3A_367 : vector<1x16xf32> to vector<16xf32>
        %swap3A_369 = vector.shape_cast %max3A_364 : vector<16xf32> to vector<1x16xf32>
        tpu.vector_store %arg20[%swap3A_365, %swap3A_366], %swap3A_369 {strides = array<i32>} : memref<80x128xf32, #tpu.memory_space<vmem>>, vector<1x16xf32>,
        %get3A_370 = arith.index_cast %add3A_284 : i32 to index
        %get3A_371 = arith.constant 80 : index
        %get3A_372 = tpu.vector_load %arg20[%get3A_370, %get3A_371] {strides = array<i32>} : memref<80x128xf32, #tpu.memory_space<vmem>>, vector<1x16xf32>,
        %get3A_373 = vector.shape_cast %get3A_372 : vector<1x16xf32> to vector<16xf32>
        %get3A_374 = arith.index_cast %add3A_284 : i32 to index
        %get3A_375 = arith.constant 80 : index
        %get3A_376 = tpu.vector_load %arg25[%get3A_374, %get3A_375] {strides = array<i32>} : memref<80x128xf32, #tpu.memory_space<vmem>>, vector<1x16xf32>,
        %get3A_377 = vector.shape_cast %get3A_376 : vector<1x16xf32> to vector<16xf32>
        %add3A_378 = arith.addf %get3A_373, %get3A_377 : vector<16xf32>
        %max3A_379 = arith.constant 0.000000e+00 : f32
        %max3A_380 = vector.broadcast %max3A_379 : f32 to vector<16xf32>
        %max3A_381 = arith.maximumf %add3A_378, %max3A_380 : vector<16xf32>
        %swap3A_382 = arith.index_cast %add3A_284 : i32 to index
        %swap3A_383 = arith.constant 80 : index
        %swap3A_384 = tpu.vector_load %arg20[%swap3A_382, %swap3A_383] {strides = array<i32>} : memref<80x128xf32, #tpu.memory_space<vmem>>, vector<1x16xf32>,
        %swap3A_385 = vector.shape_cast %swap3A_384 : vector<1x16xf32> to vector<16xf32>
        %swap3A_386 = vector.shape_cast %max3A_381 : vector<16xf32> to vector<1x16xf32>
        tpu.vector_store %arg20[%swap3A_382, %swap3A_383], %swap3A_386 {strides = array<i32>} : memref<80x128xf32, #tpu.memory_space<vmem>>, vector<1x16xf32>,
        %get3A_387 = arith.index_cast %add3A_284 : i32 to index
        %get3A_388 = arith.constant 96 : index
        %get3A_389 = tpu.vector_load %arg20[%get3A_387, %get3A_388] {strides = array<i32>} : memref<80x128xf32, #tpu.memory_space<vmem>>, vector<1x16xf32>,
        %get3A_390 = vector.shape_cast %get3A_389 : vector<1x16xf32> to vector<16xf32>
        %get3A_391 = arith.index_cast %add3A_284 : i32 to index
        %get3A_392 = arith.constant 96 : index
        %get3A_393 = tpu.vector_load %arg25[%get3A_391, %get3A_392] {strides = array<i32>} : memref<80x128xf32, #tpu.memory_space<vmem>>, vector<1x16xf32>,
        %get3A_394 = vector.shape_cast %get3A_393 : vector<1x16xf32> to vector<16xf32>
        %add3A_395 = arith.addf %get3A_390, %get3A_394 : vector<16xf32>
        %max3A_396 = arith.constant 0.000000e+00 : f32
        %max3A_397 = vector.broadcast %max3A_396 : f32 to vector<16xf32>
        %max3A_398 = arith.maximumf %add3A_395, %max3A_397 : vector<16xf32>
        %swap3A_399 = arith.index_cast %add3A_284 : i32 to index
        %swap3A_400 = arith.constant 96 : index
        %swap3A_401 = tpu.vector_load %arg20[%swap3A_399, %swap3A_400] {strides = array<i32>} : memref<80x128xf32, #tpu.memory_space<vmem>>, vector<1x16xf32>,
        %swap3A_402 = vector.shape_cast %swap3A_401 : vector<1x16xf32> to vector<16xf32>
        %swap3A_403 = vector.shape_cast %max3A_398 : vector<16xf32> to vector<1x16xf32>
        tpu.vector_store %arg20[%swap3A_399, %swap3A_400], %swap3A_403 {strides = array<i32>} : memref<80x128xf32, #tpu.memory_space<vmem>>, vector<1x16xf32>,
        %get3A_404 = arith.index_cast %add3A_284 : i32 to index
        %get3A_405 = arith.constant 112 : index
        %get3A_406 = tpu.vector_load %arg20[%get3A_404, %get3A_405] {strides = array<i32>} : memref<80x128xf32, #tpu.memory_space<vmem>>, vector<1x16xf32>,
        %get3A_407 = vector.shape_cast %get3A_406 : vector<1x16xf32> to vector<16xf32>
        %get3A_408 = arith.index_cast %add3A_284 : i32 to index
        %get3A_409 = arith.constant 112 : index
        %get3A_410 = tpu.vector_load %arg25[%get3A_408, %get3A_409] {strides = array<i32>} : memref<80x128xf32, #tpu.memory_space<vmem>>, vector<1x16xf32>,
        %get3A_411 = vector.shape_cast %get3A_410 : vector<1x16xf32> to vector<16xf32>
        %add3A_412 = arith.addf %get3A_407, %get3A_411 : vector<16xf32>
        %max3A_413 = arith.constant 0.000000e+00 : f32
        %max3A_414 = vector.broadcast %max3A_413 : f32 to vector<16xf32>
        %max3A_415 = arith.maximumf %add3A_412, %max3A_414 : vector<16xf32>
        %swap3A_416 = arith.index_cast %add3A_284 : i32 to index
        %swap3A_417 = arith.constant 112 : index
        %swap3A_418 = tpu.vector_load %arg20[%swap3A_416, %swap3A_417] {strides = array<i32>} : memref<80x128xf32, #tpu.memory_space<vmem>>, vector<1x16xf32>,
        %swap3A_419 = vector.shape_cast %swap3A_418 : vector<1x16xf32> to vector<16xf32>
        %swap3A_420 = vector.shape_cast %max3A_415 : vector<16xf32> to vector<1x16xf32>
        tpu.vector_store %arg20[%swap3A_416, %swap3A_417], %swap3A_420 {strides = array<i32>} : memref<80x128xf32, #tpu.memory_space<vmem>>, vector<1x16xf32>,
        %mul3A_421 = arith.constant 4 : i32
        %mul3A_422 = arith.muli %mul3A_421, %scan3A_143 : i32
        %add3A_423 = arith.constant 2 : i32
        %add3A_424 = arith.addi %mul3A_422, %add3A_423 : i32
        %get3A_425 = arith.index_cast %add3A_424 : i32 to index
        %get3A_426 = arith.constant 0 : index
        %get3A_427 = tpu.vector_load %arg20[%get3A_425, %get3A_426] {strides = array<i32>} : memref<80x128xf32, #tpu.memory_space<vmem>>, vector<1x16xf32>,
        %get3A_428 = vector.shape_cast %get3A_427 : vector<1x16xf32> to vector<16xf32>
        %get3A_429 = arith.index_cast %add3A_424 : i32 to index
        %get3A_430 = arith.constant 0 : index
        %get3A_431 = tpu.vector_load %arg25[%get3A_429, %get3A_430] {strides = array<i32>} : memref<80x128xf32, #tpu.memory_space<vmem>>, vector<1x16xf32>,
        %get3A_432 = vector.shape_cast %get3A_431 : vector<1x16xf32> to vector<16xf32>
        %add3A_433 = arith.addf %get3A_428, %get3A_432 : vector<16xf32>
        %max3A_434 = arith.constant 0.000000e+00 : f32
        %max3A_435 = vector.broadcast %max3A_434 : f32 to vector<16xf32>
        %max3A_436 = arith.maximumf %add3A_433, %max3A_435 : vector<16xf32>
        %swap3A_437 = arith.index_cast %add3A_424 : i32 to index
        %swap3A_438 = arith.constant 0 : index
        %swap3A_439 = tpu.vector_load %arg20[%swap3A_437, %swap3A_438] {strides = array<i32>} : memref<80x128xf32, #tpu.memory_space<vmem>>, vector<1x16xf32>,
        %swap3A_440 = vector.shape_cast %swap3A_439 : vector<1x16xf32> to vector<16xf32>
        %swap3A_441 = vector.shape_cast %max3A_436 : vector<16xf32> to vector<1x16xf32>
        tpu.vector_store %arg20[%swap3A_437, %swap3A_438], %swap3A_441 {strides = array<i32>} : memref<80x128xf32, #tpu.memory_space<vmem>>, vector<1x16xf32>,
        %get3A_442 = arith.index_cast %add3A_424 : i32 to index
        %get3A_443 = arith.constant 16 : index
        %get3A_444 = tpu.vector_load %arg20[%get3A_442, %get3A_443] {strides = array<i32>} : memref<80x128xf32, #tpu.memory_space<vmem>>, vector<1x16xf32>,
        %get3A_445 = vector.shape_cast %get3A_444 : vector<1x16xf32> to vector<16xf32>
        %get3A_446 = arith.index_cast %add3A_424 : i32 to index
        %get3A_447 = arith.constant 16 : index
        %get3A_448 = tpu.vector_load %arg25[%get3A_446, %get3A_447] {strides = array<i32>} : memref<80x128xf32, #tpu.memory_space<vmem>>, vector<1x16xf32>,
        %get3A_449 = vector.shape_cast %get3A_448 : vector<1x16xf32> to vector<16xf32>
        %add3A_450 = arith.addf %get3A_445, %get3A_449 : vector<16xf32>
        %max3A_451 = arith.constant 0.000000e+00 : f32
        %max3A_452 = vector.broadcast %max3A_451 : f32 to vector<16xf32>
        %max3A_453 = arith.maximumf %add3A_450, %max3A_452 : vector<16xf32>
        %swap3A_454 = arith.index_cast %add3A_424 : i32 to index
        %swap3A_455 = arith.constant 16 : index
        %swap3A_456 = tpu.vector_load %arg20[%swap3A_454, %swap3A_455] {strides = array<i32>} : memref<80x128xf32, #tpu.memory_space<vmem>>, vector<1x16xf32>,
        %swap3A_457 = vector.shape_cast %swap3A_456 : vector<1x16xf32> to vector<16xf32>
        %swap3A_458 = vector.shape_cast %max3A_453 : vector<16xf32> to vector<1x16xf32>
        tpu.vector_store %arg20[%swap3A_454, %swap3A_455], %swap3A_458 {strides = array<i32>} : memref<80x128xf32, #tpu.memory_space<vmem>>, vector<1x16xf32>,
        %get3A_459 = arith.index_cast %add3A_424 : i32 to index
        %get3A_460 = arith.constant 32 : index
        %get3A_461 = tpu.vector_load %arg20[%get3A_459, %get3A_460] {strides = array<i32>} : memref<80x128xf32, #tpu.memory_space<vmem>>, vector<1x16xf32>,
        %get3A_462 = vector.shape_cast %get3A_461 : vector<1x16xf32> to vector<16xf32>
        %get3A_463 = arith.index_cast %add3A_424 : i32 to index
        %get3A_464 = arith.constant 32 : index
        %get3A_465 = tpu.vector_load %arg25[%get3A_463, %get3A_464] {strides = array<i32>} : memref<80x128xf32, #tpu.memory_space<vmem>>, vector<1x16xf32>,
        %get3A_466 = vector.shape_cast %get3A_465 : vector<1x16xf32> to vector<16xf32>
        %add3A_467 = arith.addf %get3A_462, %get3A_466 : vector<16xf32>
        %max3A_468 = arith.constant 0.000000e+00 : f32
        %max3A_469 = vector.broadcast %max3A_468 : f32 to vector<16xf32>
        %max3A_470 = arith.maximumf %add3A_467, %max3A_469 : vector<16xf32>
        %swap3A_471 = arith.index_cast %add3A_424 : i32 to index
        %swap3A_472 = arith.constant 32 : index
        %swap3A_473 = tpu.vector_load %arg20[%swap3A_471, %swap3A_472] {strides = array<i32>} : memref<80x128xf32, #tpu.memory_space<vmem>>, vector<1x16xf32>,
        %swap3A_474 = vector.shape_cast %swap3A_473 : vector<1x16xf32> to vector<16xf32>
        %swap3A_475 = vector.shape_cast %max3A_470 : vector<16xf32> to vector<1x16xf32>
        tpu.vector_store %arg20[%swap3A_471, %swap3A_472], %swap3A_475 {strides = array<i32>} : memref<80x128xf32, #tpu.memory_space<vmem>>, vector<1x16xf32>,
        %get3A_476 = arith.index_cast %add3A_424 : i32 to index
        %get3A_477 = arith.constant 48 : index
        %get3A_478 = tpu.vector_load %arg20[%get3A_476, %get3A_477] {strides = array<i32>} : memref<80x128xf32, #tpu.memory_space<vmem>>, vector<1x16xf32>,
        %get3A_479 = vector.shape_cast %get3A_478 : vector<1x16xf32> to vector<16xf32>
        %get3A_480 = arith.index_cast %add3A_424 : i32 to index
        %get3A_481 = arith.constant 48 : index
        %get3A_482 = tpu.vector_load %arg25[%get3A_480, %get3A_481] {strides = array<i32>} : memref<80x128xf32, #tpu.memory_space<vmem>>, vector<1x16xf32>,
        %get3A_483 = vector.shape_cast %get3A_482 : vector<1x16xf32> to vector<16xf32>
        %add3A_484 = arith.addf %get3A_479, %get3A_483 : vector<16xf32>
        %max3A_485 = arith.constant 0.000000e+00 : f32
        %max3A_486 = vector.broadcast %max3A_485 : f32 to vector<16xf32>
        %max3A_487 = arith.maximumf %add3A_484, %max3A_486 : vector<16xf32>
        %swap3A_488 = arith.index_cast %add3A_424 : i32 to index
        %swap3A_489 = arith.constant 48 : index
        %swap3A_490 = tpu.vector_load %arg20[%swap3A_488, %swap3A_489] {strides = array<i32>} : memref<80x128xf32, #tpu.memory_space<vmem>>, vector<1x16xf32>,
        %swap3A_491 = vector.shape_cast %swap3A_490 : vector<1x16xf32> to vector<16xf32>
        %swap3A_492 = vector.shape_cast %max3A_487 : vector<16xf32> to vector<1x16xf32>
        tpu.vector_store %arg20[%swap3A_488, %swap3A_489], %swap3A_492 {strides = array<i32>} : memref<80x128xf32, #tpu.memory_space<vmem>>, vector<1x16xf32>,
        %get3A_493 = arith.index_cast %add3A_424 : i32 to index
        %get3A_494 = arith.constant 64 : index
        %get3A_495 = tpu.vector_load %arg20[%get3A_493, %get3A_494] {strides = array<i32>} : memref<80x128xf32, #tpu.memory_space<vmem>>, vector<1x16xf32>,
        %get3A_496 = vector.shape_cast %get3A_495 : vector<1x16xf32> to vector<16xf32>
        %get3A_497 = arith.index_cast %add3A_424 : i32 to index
        %get3A_498 = arith.constant 64 : index
        %get3A_499 = tpu.vector_load %arg25[%get3A_497, %get3A_498] {strides = array<i32>} : memref<80x128xf32, #tpu.memory_space<vmem>>, vector<1x16xf32>,
        %get3A_500 = vector.shape_cast %get3A_499 : vector<1x16xf32> to vector<16xf32>
        %add3A_501 = arith.addf %get3A_496, %get3A_500 : vector<16xf32>
        %max3A_502 = arith.constant 0.000000e+00 : f32
        %max3A_503 = vector.broadcast %max3A_502 : f32 to vector<16xf32>
        %max3A_504 = arith.maximumf %add3A_501, %max3A_503 : vector<16xf32>
        %swap3A_505 = arith.index_cast %add3A_424 : i32 to index
        %swap3A_506 = arith.constant 64 : index
        %swap3A_507 = tpu.vector_load %arg20[%swap3A_505, %swap3A_506] {strides = array<i32>} : memref<80x128xf32, #tpu.memory_space<vmem>>, vector<1x16xf32>,
        %swap3A_508 = vector.shape_cast %swap3A_507 : vector<1x16xf32> to vector<16xf32>
        %swap3A_509 = vector.shape_cast %max3A_504 : vector<16xf32> to vector<1x16xf32>
        tpu.vector_store %arg20[%swap3A_505, %swap3A_506], %swap3A_509 {strides = array<i32>} : memref<80x128xf32, #tpu.memory_space<vmem>>, vector<1x16xf32>,
        %get3A_510 = arith.index_cast %add3A_424 : i32 to index
        %get3A_511 = arith.constant 80 : index
        %get3A_512 = tpu.vector_load %arg20[%get3A_510, %get3A_511] {strides = array<i32>} : memref<80x128xf32, #tpu.memory_space<vmem>>, vector<1x16xf32>,
        %get3A_513 = vector.shape_cast %get3A_512 : vector<1x16xf32> to vector<16xf32>
        %get3A_514 = arith.index_cast %add3A_424 : i32 to index
        %get3A_515 = arith.constant 80 : index
        %get3A_516 = tpu.vector_load %arg25[%get3A_514, %get3A_515] {strides = array<i32>} : memref<80x128xf32, #tpu.memory_space<vmem>>, vector<1x16xf32>,
        %get3A_517 = vector.shape_cast %get3A_516 : vector<1x16xf32> to vector<16xf32>
        %add3A_518 = arith.addf %get3A_513, %get3A_517 : vector<16xf32>
        %max3A_519 = arith.constant 0.000000e+00 : f32
        %max3A_520 = vector.broadcast %max3A_519 : f32 to vector<16xf32>
        %max3A_521 = arith.maximumf %add3A_518, %max3A_520 : vector<16xf32>
        %swap3A_522 = arith.index_cast %add3A_424 : i32 to index
        %swap3A_523 = arith.constant 80 : index
        %swap3A_524 = tpu.vector_load %arg20[%swap3A_522, %swap3A_523] {strides = array<i32>} : memref<80x128xf32, #tpu.memory_space<vmem>>, vector<1x16xf32>,
        %swap3A_525 = vector.shape_cast %swap3A_524 : vector<1x16xf32> to vector<16xf32>
        %swap3A_526 = vector.shape_cast %max3A_521 : vector<16xf32> to vector<1x16xf32>
        tpu.vector_store %arg20[%swap3A_522, %swap3A_523], %swap3A_526 {strides = array<i32>} : memref<80x128xf32, #tpu.memory_space<vmem>>, vector<1x16xf32>,
        %get3A_527 = arith.index_cast %add3A_424 : i32 to index
        %get3A_528 = arith.constant 96 : index
        %get3A_529 = tpu.vector_load %arg20[%get3A_527, %get3A_528] {strides = array<i32>} : memref<80x128xf32, #tpu.memory_space<vmem>>, vector<1x16xf32>,
        %get3A_530 = vector.shape_cast %get3A_529 : vector<1x16xf32> to vector<16xf32>
        %get3A_531 = arith.index_cast %add3A_424 : i32 to index
        %get3A_532 = arith.constant 96 : index
        %get3A_533 = tpu.vector_load %arg25[%get3A_531, %get3A_532] {strides = array<i32>} : memref<80x128xf32, #tpu.memory_space<vmem>>, vector<1x16xf32>,
        %get3A_534 = vector.shape_cast %get3A_533 : vector<1x16xf32> to vector<16xf32>
        %add3A_535 = arith.addf %get3A_530, %get3A_534 : vector<16xf32>
        %max3A_536 = arith.constant 0.000000e+00 : f32
        %max3A_537 = vector.broadcast %max3A_536 : f32 to vector<16xf32>
        %max3A_538 = arith.maximumf %add3A_535, %max3A_537 : vector<16xf32>
        %swap3A_539 = arith.index_cast %add3A_424 : i32 to index
        %swap3A_540 = arith.constant 96 : index
        %swap3A_541 = tpu.vector_load %arg20[%swap3A_539, %swap3A_540] {strides = array<i32>} : memref<80x128xf32, #tpu.memory_space<vmem>>, vector<1x16xf32>,
        %swap3A_542 = vector.shape_cast %swap3A_541 : vector<1x16xf32> to vector<16xf32>
        %swap3A_543 = vector.shape_cast %max3A_538 : vector<16xf32> to vector<1x16xf32>
        tpu.vector_store %arg20[%swap3A_539, %swap3A_540], %swap3A_543 {strides = array<i32>} : memref<80x128xf32, #tpu.memory_space<vmem>>, vector<1x16xf32>,
        %get3A_544 = arith.index_cast %add3A_424 : i32 to index
        %get3A_545 = arith.constant 112 : index
        %get3A_546 = tpu.vector_load %arg20[%get3A_544, %get3A_545] {strides = array<i32>} : memref<80x128xf32, #tpu.memory_space<vmem>>, vector<1x16xf32>,
        %get3A_547 = vector.shape_cast %get3A_546 : vector<1x16xf32> to vector<16xf32>
        %get3A_548 = arith.index_cast %add3A_424 : i32 to index
        %get3A_549 = arith.constant 112 : index
        %get3A_550 = tpu.vector_load %arg25[%get3A_548, %get3A_549] {strides = array<i32>} : memref<80x128xf32, #tpu.memory_space<vmem>>, vector<1x16xf32>,
        %get3A_551 = vector.shape_cast %get3A_550 : vector<1x16xf32> to vector<16xf32>
        %add3A_552 = arith.addf %get3A_547, %get3A_551 : vector<16xf32>
        %max3A_553 = arith.constant 0.000000e+00 : f32
        %max3A_554 = vector.broadcast %max3A_553 : f32 to vector<16xf32>
        %max3A_555 = arith.maximumf %add3A_552, %max3A_554 : vector<16xf32>
        %swap3A_556 = arith.index_cast %add3A_424 : i32 to index
        %swap3A_557 = arith.constant 112 : index
        %swap3A_558 = tpu.vector_load %arg20[%swap3A_556, %swap3A_557] {strides = array<i32>} : memref<80x128xf32, #tpu.memory_space<vmem>>, vector<1x16xf32>,
        %swap3A_559 = vector.shape_cast %swap3A_558 : vector<1x16xf32> to vector<16xf32>
        %swap3A_560 = vector.shape_cast %max3A_555 : vector<16xf32> to vector<1x16xf32>
        tpu.vector_store %arg20[%swap3A_556, %swap3A_557], %swap3A_560 {strides = array<i32>} : memref<80x128xf32, #tpu.memory_space<vmem>>, vector<1x16xf32>,
        %mul3A_561 = arith.constant 4 : i32
        %mul3A_562 = arith.muli %mul3A_561, %scan3A_143 : i32
        %add3A_563 = arith.constant 3 : i32
        %add3A_564 = arith.addi %mul3A_562, %add3A_563 : i32
        %get3A_565 = arith.index_cast %add3A_564 : i32 to index
        %get3A_566 = arith.constant 0 : index
        %get3A_567 = tpu.vector_load %arg20[%get3A_565, %get3A_566] {strides = array<i32>} : memref<80x128xf32, #tpu.memory_space<vmem>>, vector<1x16xf32>,
        %get3A_568 = vector.shape_cast %get3A_567 : vector<1x16xf32> to vector<16xf32>
        %get3A_569 = arith.index_cast %add3A_564 : i32 to index
        %get3A_570 = arith.constant 0 : index
        %get3A_571 = tpu.vector_load %arg25[%get3A_569, %get3A_570] {strides = array<i32>} : memref<80x128xf32, #tpu.memory_space<vmem>>, vector<1x16xf32>,
        %get3A_572 = vector.shape_cast %get3A_571 : vector<1x16xf32> to vector<16xf32>
        %add3A_573 = arith.addf %get3A_568, %get3A_572 : vector<16xf32>
        %max3A_574 = arith.constant 0.000000e+00 : f32
        %max3A_575 = vector.broadcast %max3A_574 : f32 to vector<16xf32>
        %max3A_576 = arith.maximumf %add3A_573, %max3A_575 : vector<16xf32>
        %swap3A_577 = arith.index_cast %add3A_564 : i32 to index
        %swap3A_578 = arith.constant 0 : index
        %swap3A_579 = tpu.vector_load %arg20[%swap3A_577, %swap3A_578] {strides = array<i32>} : memref<80x128xf32, #tpu.memory_space<vmem>>, vector<1x16xf32>,
        %swap3A_580 = vector.shape_cast %swap3A_579 : vector<1x16xf32> to vector<16xf32>
        %swap3A_581 = vector.shape_cast %max3A_576 : vector<16xf32> to vector<1x16xf32>
        tpu.vector_store %arg20[%swap3A_577, %swap3A_578], %swap3A_581 {strides = array<i32>} : memref<80x128xf32, #tpu.memory_space<vmem>>, vector<1x16xf32>,
        %get3A_582 = arith.index_cast %add3A_564 : i32 to index
        %get3A_583 = arith.constant 16 : index
        %get3A_584 = tpu.vector_load %arg20[%get3A_582, %get3A_583] {strides = array<i32>} : memref<80x128xf32, #tpu.memory_space<vmem>>, vector<1x16xf32>,
        %get3A_585 = vector.shape_cast %get3A_584 : vector<1x16xf32> to vector<16xf32>
        %get3A_586 = arith.index_cast %add3A_564 : i32 to index
        %get3A_587 = arith.constant 16 : index
        %get3A_588 = tpu.vector_load %arg25[%get3A_586, %get3A_587] {strides = array<i32>} : memref<80x128xf32, #tpu.memory_space<vmem>>, vector<1x16xf32>,
        %get3A_589 = vector.shape_cast %get3A_588 : vector<1x16xf32> to vector<16xf32>
        %add3A_590 = arith.addf %get3A_585, %get3A_589 : vector<16xf32>
        %max3A_591 = arith.constant 0.000000e+00 : f32
        %max3A_592 = vector.broadcast %max3A_591 : f32 to vector<16xf32>
        %max3A_593 = arith.maximumf %add3A_590, %max3A_592 : vector<16xf32>
        %swap3A_594 = arith.index_cast %add3A_564 : i32 to index
        %swap3A_595 = arith.constant 16 : index
        %swap3A_596 = tpu.vector_load %arg20[%swap3A_594, %swap3A_595] {strides = array<i32>} : memref<80x128xf32, #tpu.memory_space<vmem>>, vector<1x16xf32>,
        %swap3A_597 = vector.shape_cast %swap3A_596 : vector<1x16xf32> to vector<16xf32>
        %swap3A_598 = vector.shape_cast %max3A_593 : vector<16xf32> to vector<1x16xf32>
        tpu.vector_store %arg20[%swap3A_594, %swap3A_595], %swap3A_598 {strides = array<i32>} : memref<80x128xf32, #tpu.memory_space<vmem>>, vector<1x16xf32>,
        %get3A_599 = arith.index_cast %add3A_564 : i32 to index
        %get3A_600 = arith.constant 32 : index
        %get3A_601 = tpu.vector_load %arg20[%get3A_599, %get3A_600] {strides = array<i32>} : memref<80x128xf32, #tpu.memory_space<vmem>>, vector<1x16xf32>,
        %get3A_602 = vector.shape_cast %get3A_601 : vector<1x16xf32> to vector<16xf32>
        %get3A_603 = arith.index_cast %add3A_564 : i32 to index
        %get3A_604 = arith.constant 32 : index
        %get3A_605 = tpu.vector_load %arg25[%get3A_603, %get3A_604] {strides = array<i32>} : memref<80x128xf32, #tpu.memory_space<vmem>>, vector<1x16xf32>,
        %get3A_606 = vector.shape_cast %get3A_605 : vector<1x16xf32> to vector<16xf32>
        %add3A_607 = arith.addf %get3A_602, %get3A_606 : vector<16xf32>
        %max3A_608 = arith.constant 0.000000e+00 : f32
        %max3A_609 = vector.broadcast %max3A_608 : f32 to vector<16xf32>
        %max3A_610 = arith.maximumf %add3A_607, %max3A_609 : vector<16xf32>
        %swap3A_611 = arith.index_cast %add3A_564 : i32 to index
        %swap3A_612 = arith.constant 32 : index
        %swap3A_613 = tpu.vector_load %arg20[%swap3A_611, %swap3A_612] {strides = array<i32>} : memref<80x128xf32, #tpu.memory_space<vmem>>, vector<1x16xf32>,
        %swap3A_614 = vector.shape_cast %swap3A_613 : vector<1x16xf32> to vector<16xf32>
        %swap3A_615 = vector.shape_cast %max3A_610 : vector<16xf32> to vector<1x16xf32>
        tpu.vector_store %arg20[%swap3A_611, %swap3A_612], %swap3A_615 {strides = array<i32>} : memref<80x128xf32, #tpu.memory_space<vmem>>, vector<1x16xf32>,
        %get3A_616 = arith.index_cast %add3A_564 : i32 to index
        %get3A_617 = arith.constant 48 : index
        %get3A_618 = tpu.vector_load %arg20[%get3A_616, %get3A_617] {strides = array<i32>} : memref<80x128xf32, #tpu.memory_space<vmem>>, vector<1x16xf32>,
        %get3A_619 = vector.shape_cast %get3A_618 : vector<1x16xf32> to vector<16xf32>
        %get3A_620 = arith.index_cast %add3A_564 : i32 to index
        %get3A_621 = arith.constant 48 : index
        %get3A_622 = tpu.vector_load %arg25[%get3A_620, %get3A_621] {strides = array<i32>} : memref<80x128xf32, #tpu.memory_space<vmem>>, vector<1x16xf32>,
        %get3A_623 = vector.shape_cast %get3A_622 : vector<1x16xf32> to vector<16xf32>
        %add3A_624 = arith.addf %get3A_619, %get3A_623 : vector<16xf32>
        %max3A_625 = arith.constant 0.000000e+00 : f32
        %max3A_626 = vector.broadcast %max3A_625 : f32 to vector<16xf32>
        %max3A_627 = arith.maximumf %add3A_624, %max3A_626 : vector<16xf32>
        %swap3A_628 = arith.index_cast %add3A_564 : i32 to index
        %swap3A_629 = arith.constant 48 : index
        %swap3A_630 = tpu.vector_load %arg20[%swap3A_628, %swap3A_629] {strides = array<i32>} : memref<80x128xf32, #tpu.memory_space<vmem>>, vector<1x16xf32>,
        %swap3A_631 = vector.shape_cast %swap3A_630 : vector<1x16xf32> to vector<16xf32>
        %swap3A_632 = vector.shape_cast %max3A_627 : vector<16xf32> to vector<1x16xf32>
        tpu.vector_store %arg20[%swap3A_628, %swap3A_629], %swap3A_632 {strides = array<i32>} : memref<80x128xf32, #tpu.memory_space<vmem>>, vector<1x16xf32>,
        %get3A_633 = arith.index_cast %add3A_564 : i32 to index
        %get3A_634 = arith.constant 64 : index
        %get3A_635 = tpu.vector_load %arg20[%get3A_633, %get3A_634] {strides = array<i32>} : memref<80x128xf32, #tpu.memory_space<vmem>>, vector<1x16xf32>,
        %get3A_636 = vector.shape_cast %get3A_635 : vector<1x16xf32> to vector<16xf32>
        %get3A_637 = arith.index_cast %add3A_564 : i32 to index
        %get3A_638 = arith.constant 64 : index
        %get3A_639 = tpu.vector_load %arg25[%get3A_637, %get3A_638] {strides = array<i32>} : memref<80x128xf32, #tpu.memory_space<vmem>>, vector<1x16xf32>,
        %get3A_640 = vector.shape_cast %get3A_639 : vector<1x16xf32> to vector<16xf32>
        %add3A_641 = arith.addf %get3A_636, %get3A_640 : vector<16xf32>
        %max3A_642 = arith.constant 0.000000e+00 : f32
        %max3A_643 = vector.broadcast %max3A_642 : f32 to vector<16xf32>
        %max3A_644 = arith.maximumf %add3A_641, %max3A_643 : vector<16xf32>
        %swap3A_645 = arith.index_cast %add3A_564 : i32 to index
        %swap3A_646 = arith.constant 64 : index
        %swap3A_647 = tpu.vector_load %arg20[%swap3A_645, %swap3A_646] {strides = array<i32>} : memref<80x128xf32, #tpu.memory_space<vmem>>, vector<1x16xf32>,
        %swap3A_648 = vector.shape_cast %swap3A_647 : vector<1x16xf32> to vector<16xf32>
        %swap3A_649 = vector.shape_cast %max3A_644 : vector<16xf32> to vector<1x16xf32>
        tpu.vector_store %arg20[%swap3A_645, %swap3A_646], %swap3A_649 {strides = array<i32>} : memref<80x128xf32, #tpu.memory_space<vmem>>, vector<1x16xf32>,
        %get3A_650 = arith.index_cast %add3A_564 : i32 to index
        %get3A_651 = arith.constant 80 : index
        %get3A_652 = tpu.vector_load %arg20[%get3A_650, %get3A_651] {strides = array<i32>} : memref<80x128xf32, #tpu.memory_space<vmem>>, vector<1x16xf32>,
        %get3A_653 = vector.shape_cast %get3A_652 : vector<1x16xf32> to vector<16xf32>
        %get3A_654 = arith.index_cast %add3A_564 : i32 to index
        %get3A_655 = arith.constant 80 : index
        %get3A_656 = tpu.vector_load %arg25[%get3A_654, %get3A_655] {strides = array<i32>} : memref<80x128xf32, #tpu.memory_space<vmem>>, vector<1x16xf32>,
        %get3A_657 = vector.shape_cast %get3A_656 : vector<1x16xf32> to vector<16xf32>
        %add3A_658 = arith.addf %get3A_653, %get3A_657 : vector<16xf32>
        %max3A_659 = arith.constant 0.000000e+00 : f32
        %max3A_660 = vector.broadcast %max3A_659 : f32 to vector<16xf32>
        %max3A_661 = arith.maximumf %add3A_658, %max3A_660 : vector<16xf32>
        %swap3A_662 = arith.index_cast %add3A_564 : i32 to index
        %swap3A_663 = arith.constant 80 : index
        %swap3A_664 = tpu.vector_load %arg20[%swap3A_662, %swap3A_663] {strides = array<i32>} : memref<80x128xf32, #tpu.memory_space<vmem>>, vector<1x16xf32>,
        %swap3A_665 = vector.shape_cast %swap3A_664 : vector<1x16xf32> to vector<16xf32>
        %swap3A_666 = vector.shape_cast %max3A_661 : vector<16xf32> to vector<1x16xf32>
        tpu.vector_store %arg20[%swap3A_662, %swap3A_663], %swap3A_666 {strides = array<i32>} : memref<80x128xf32, #tpu.memory_space<vmem>>, vector<1x16xf32>,
        %get3A_667 = arith.index_cast %add3A_564 : i32 to index
        %get3A_668 = arith.constant 96 : index
        %get3A_669 = tpu.vector_load %arg20[%get3A_667, %get3A_668] {strides = array<i32>} : memref<80x128xf32, #tpu.memory_space<vmem>>, vector<1x16xf32>,
        %get3A_670 = vector.shape_cast %get3A_669 : vector<1x16xf32> to vector<16xf32>
        %get3A_671 = arith.index_cast %add3A_564 : i32 to index
        %get3A_672 = arith.constant 96 : index
        %get3A_673 = tpu.vector_load %arg25[%get3A_671, %get3A_672] {strides = array<i32>} : memref<80x128xf32, #tpu.memory_space<vmem>>, vector<1x16xf32>,
        %get3A_674 = vector.shape_cast %get3A_673 : vector<1x16xf32> to vector<16xf32>
        %add3A_675 = arith.addf %get3A_670, %get3A_674 : vector<16xf32>
        %max3A_676 = arith.constant 0.000000e+00 : f32
        %max3A_677 = vector.broadcast %max3A_676 : f32 to vector<16xf32>
        %max3A_678 = arith.maximumf %add3A_675, %max3A_677 : vector<16xf32>
        %swap3A_679 = arith.index_cast %add3A_564 : i32 to index
        %swap3A_680 = arith.constant 96 : index
        %swap3A_681 = tpu.vector_load %arg20[%swap3A_679, %swap3A_680] {strides = array<i32>} : memref<80x128xf32, #tpu.memory_space<vmem>>, vector<1x16xf32>,
        %swap3A_682 = vector.shape_cast %swap3A_681 : vector<1x16xf32> to vector<16xf32>
        %swap3A_683 = vector.shape_cast %max3A_678 : vector<16xf32> to vector<1x16xf32>
        tpu.vector_store %arg20[%swap3A_679, %swap3A_680], %swap3A_683 {strides = array<i32>} : memref<80x128xf32, #tpu.memory_space<vmem>>, vector<1x16xf32>,
        %get3A_684 = arith.index_cast %add3A_564 : i32 to index
        %get3A_685 = arith.constant 112 : index
        %get3A_686 = tpu.vector_load %arg20[%get3A_684, %get3A_685] {strides = array<i32>} : memref<80x128xf32, #tpu.memory_space<vmem>>, vector<1x16xf32>,
        %get3A_687 = vector.shape_cast %get3A_686 : vector<1x16xf32> to vector<16xf32>
        %get3A_688 = arith.index_cast %add3A_564 : i32 to index
        %get3A_689 = arith.constant 112 : index
        %get3A_690 = tpu.vector_load %arg25[%get3A_688, %get3A_689] {strides = array<i32>} : memref<80x128xf32, #tpu.memory_space<vmem>>, vector<1x16xf32>,
        %get3A_691 = vector.shape_cast %get3A_690 : vector<1x16xf32> to vector<16xf32>
        %add3A_692 = arith.addf %get3A_687, %get3A_691 : vector<16xf32>
        %max3A_693 = arith.constant 0.000000e+00 : f32
        %max3A_694 = vector.broadcast %max3A_693 : f32 to vector<16xf32>
        %max3A_695 = arith.maximumf %add3A_692, %max3A_694 : vector<16xf32>
        %swap3A_696 = arith.index_cast %add3A_564 : i32 to index
        %swap3A_697 = arith.constant 112 : index
        %swap3A_698 = tpu.vector_load %arg20[%swap3A_696, %swap3A_697] {strides = array<i32>} : memref<80x128xf32, #tpu.memory_space<vmem>>, vector<1x16xf32>,
        %swap3A_699 = vector.shape_cast %swap3A_698 : vector<1x16xf32> to vector<16xf32>
        %swap3A_700 = vector.shape_cast %max3A_695 : vector<16xf32> to vector<1x16xf32>
        tpu.vector_store %arg20[%swap3A_696, %swap3A_697], %swap3A_700 {strides = array<i32>} : memref<80x128xf32, #tpu.memory_space<vmem>>, vector<1x16xf32>,
      }
      %scan3A_133 = arith.constant 20 : i32
      %sub3A_134 = arith.constant 1 : i32
      %sub3A_135 = arith.subi %select_n3A, %sub3A_134 : i32
      %lt3A_136 = arith.cmpi slt, %while3A_61, %sub3A_135 : i32
      %convert_element_type3A_137 = arith.extui %lt3A_136 : i1 to i32
      %cond3A_138 = arith.constant 0 : i32
      %cond3A_139 = arith.cmpi ne, %convert_element_type3A_137, %cond3A_138 : i32
      scf.if %cond3A_139 {
        %dma_wait3A_143 = tpu.memref_slice %arg2[%add3A_114] : memref<327680xi32, #tpu.memory_space<hbm>> -> memref<80xi32, #tpu.memory_space<hbm>>
        %dma_wait3A_144 = tpu.memref_slice %arg2[%add3A_114] : memref<327680xi32, #tpu.memory_space<hbm>> -> memref<80xi32, #tpu.memory_space<hbm>>
        tpu.wait_dma2 semaphore(%arg12 : memref<!tpu.dma_semaphore, #tpu.memory_space<semaphore_mem>>) src(%dma_wait3A_144 : memref<80xi32, #tpu.memory_space<hbm>>) dst(%arg9 : memref<80xi32, #tpu.memory_space<vmem>>)
        %dma_wait3A_145 = tpu.memref_slice %arg3[%add3A_114] : memref<327680xi32, #tpu.memory_space<hbm>> -> memref<80xi32, #tpu.memory_space<hbm>>
        %dma_wait3A_146 = tpu.memref_slice %arg3[%add3A_114] : memref<327680xi32, #tpu.memory_space<hbm>> -> memref<80xi32, #tpu.memory_space<hbm>>
        tpu.wait_dma2 semaphore(%arg12 : memref<!tpu.dma_semaphore, #tpu.memory_space<semaphore_mem>>) src(%dma_wait3A_146 : memref<80xi32, #tpu.memory_space<hbm>>) dst(%arg10 : memref<80xi32, #tpu.memory_space<vmem>>)
        %dma_wait3A_147 = tpu.memref_slice %arg5[%add3A_114] : memref<327680xi32, #tpu.memory_space<hbm>> -> memref<80xi32, #tpu.memory_space<hbm>>
        %dma_wait3A_148 = tpu.memref_slice %arg5[%add3A_114] : memref<327680xi32, #tpu.memory_space<hbm>> -> memref<80xi32, #tpu.memory_space<hbm>>
        tpu.wait_dma2 semaphore(%arg12 : memref<!tpu.dma_semaphore, #tpu.memory_space<semaphore_mem>>) src(%dma_wait3A_148 : memref<80xi32, #tpu.memory_space<hbm>>) dst(%arg15 : memref<80xi32, #tpu.memory_space<vmem>>)
        %dma_start3A_149 = arith.constant 0 : i32
        %dma_start3A_150 = arith.constant 0 : i32
        %dma_start3A_151 = tpu.memref_slice %arg6[%dma_start3A_149, %dma_start3A_150] : memref<10240x128xf32, #tpu.memory_space<hbm>> -> memref<10240x128xf32, #tpu.memory_space<hbm>>
        tpu.enqueue_indirect_dma source(%dma_start3A_151 : memref<10240x128xf32, #tpu.memory_space<hbm>>) target(%arg16 : memref<80x128xf32, #tpu.memory_space<vmem>>) offsets(%arg15 : memref<80xi32, #tpu.memory_space<vmem>>) semaphore(%arg17 : memref<!tpu.dma_semaphore, #tpu.memory_space<semaphore_mem>>)
        %dma_start3A_152 = arith.constant 0 : i32
        %dma_start3A_153 = arith.constant 0 : i32
        %dma_start3A_154 = tpu.memref_slice %arg4[%dma_start3A_152, %dma_start3A_153] : memref<104x128xf32, #tpu.memory_space<hbm>> -> memref<104x128xf32, #tpu.memory_space<hbm>>
        tpu.enqueue_indirect_dma source(%dma_start3A_154 : memref<104x128xf32, #tpu.memory_space<hbm>>) target(%arg11 : memref<80x128xf32, #tpu.memory_space<vmem>>) offsets(%arg9 : memref<80xi32, #tpu.memory_space<vmem>>) semaphore(%arg13 : memref<!tpu.dma_semaphore, #tpu.memory_space<semaphore_mem>>)
      } else {
      }
      %dma_start3A_140 = arith.constant 0 : i32
      %dma_start3A_141 = arith.constant 0 : i32
      %dma_start3A_142 = tpu.memref_slice %arg8[%dma_start3A_140, %dma_start3A_141] : memref<10240x128xf32, #tpu.memory_space<vmem_shared>> -> memref<10240x128xf32, #tpu.memory_space<vmem_shared>>
      tpu.enqueue_indirect_dma source(%arg20 : memref<80x128xf32, #tpu.memory_space<vmem>>) target(%dma_start3A_142 : memref<10240x128xf32, #tpu.memory_space<vmem_shared>>) offsets(%arg19 : memref<80xi32, #tpu.memory_space<vmem>>) semaphore(%arg23 : memref<!tpu.dma_semaphore, #tpu.memory_space<semaphore_mem>>) {add = true}
    }
    %dma_wait3A_57 = arith.constant 0 : i32
    %dma_wait3A_58 = arith.constant 0 : i32
    %dma_wait3A_59 = tpu.memref_slice %arg8[%dma_wait3A_57, %dma_wait3A_58] : memref<10240x128xf32, #tpu.memory_space<vmem_shared>> -> memref<10240x128xf32, #tpu.memory_space<vmem_shared>>
    tpu.wait_indirect_dma semaphore(%arg23 : memref<!tpu.dma_semaphore, #tpu.memory_space<semaphore_mem>>) src(%arg20 : memref<80x128xf32, #tpu.memory_space<vmem>>) dst(%dma_wait3A_59 : memref<10240x128xf32, #tpu.memory_space<vmem_shared>>)
    %barrier3A_60 = arith.constant 0 : index
    tpu.barrier barrier_id(%barrier3A_60)
    "tpu.region"() ({
      %run_scoped3A = tpu.sem_alloc : memref<!tpu.dma_semaphore, #tpu.memory_space<semaphore_mem>>
      %dma_start3A_61 = arith.constant 0 : i32
      %dma_start3A_62 = tpu.memref_slice %arg7[%arg0, %mul3A_15, %dma_start3A_61] : memref<2x10240x128xf32, #tpu.memory_space<hbm>> -> memref<1x640x128xf32, #tpu.memory_space<hbm>>
      %dma_start3A_63 = tpu.memref_squeeze %dma_start3A_62 : memref<1x640x128xf32, #tpu.memory_space<hbm>> -> memref<640x128xf32, #tpu.memory_space<hbm>>
      %dma_start3A_64 = arith.constant 0 : i32
      %dma_start3A_65 = tpu.memref_slice %arg8[%mul3A_15, %dma_start3A_64] : memref<10240x128xf32, #tpu.memory_space<vmem_shared>> -> memref<640x128xf32, #tpu.memory_space<vmem_shared>>
      tpu.enqueue_dma source(%dma_start3A_65 : memref<640x128xf32, #tpu.memory_space<vmem_shared>>) target(%dma_start3A_63 : memref<640x128xf32, #tpu.memory_space<hbm>>) target_semaphore(%run_scoped3A : memref<!tpu.dma_semaphore, #tpu.memory_space<semaphore_mem>>)
      %dma_wait3A_66 = arith.constant 0 : i32
      %dma_wait3A_67 = tpu.memref_slice %arg7[%arg0, %mul3A_15, %dma_wait3A_66] : memref<2x10240x128xf32, #tpu.memory_space<hbm>> -> memref<1x640x128xf32, #tpu.memory_space<hbm>>
      %dma_wait3A_68 = tpu.memref_squeeze %dma_wait3A_67 : memref<1x640x128xf32, #tpu.memory_space<hbm>> -> memref<640x128xf32, #tpu.memory_space<hbm>>
      %dma_wait3A_69 = arith.constant 0 : i32
      %dma_wait3A_70 = tpu.memref_slice %arg8[%mul3A_15, %dma_wait3A_69] : memref<10240x128xf32, #tpu.memory_space<vmem_shared>> -> memref<640x128xf32, #tpu.memory_space<vmem_shared>>
      tpu.wait_dma2 semaphore(%run_scoped3A : memref<!tpu.dma_semaphore, #tpu.memory_space<semaphore_mem>>) src(%dma_wait3A_70 : memref<640x128xf32, #tpu.memory_space<vmem_shared>>) dst(%dma_wait3A_68 : memref<640x128xf32, #tpu.memory_space<hbm>>)
      tpu.yield
    }) : () -> ()
    return
  }
}

module attributes {stable_mosaic.version = 14 : i64} {
  func.func @body(%arg0: memref<104x128xf32, #tpu.memory_space<vmem>>, %arg1: memref<128x128xf32, #tpu.memory_space<vmem>>, %arg2: memref<1x128xf32, #tpu.memory_space<vmem>>, %arg3: memref<128x128xf32, #tpu.memory_space<vmem>>, %arg4: memref<1x128xf32, #tpu.memory_space<vmem>>, %arg5: memref<104x128xf32, #tpu.memory_space<vmem>>, %arg6: memref<104x128xf32, #tpu.memory_space<vmem>>) attributes {dimension_semantics = [], scalar_prefetch = 0 : i64, scratch_operands = 0 : i64, tpu.core_type = #tpu.core_type<tc>} {
    %get3A = arith.constant 0 : index
    %get3A_0 = arith.constant 0 : index
    %get3A_1 = vector.load %arg0[%get3A, %get3A_0] : memref<104x128xf32, #tpu.memory_space<vmem>>, vector<104x128xf32>
    %get3A_2 = arith.constant 0 : index
    %get3A_3 = arith.constant 0 : index
    %get3A_4 = vector.load %arg1[%get3A_2, %get3A_3] : memref<128x128xf32, #tpu.memory_space<vmem>>, vector<128x128xf32>
    %dot_general3A = arith.constant dense<0.000000e+00> : vector<104x128xf32>
    %dot_general3A_5 = tpu.matmul %get3A_1, %get3A_4, %dot_general3A {dimension_numbers = #tpu.dot_dimension_numbers<[1], [0], [0], [1], [0, 0, 1, 1], [], []>, transpose_lhs_hint = false} : vector<104x128xf32>, vector<128x128xf32>, vector<104x128xf32> -> vector<104x128xf32>
    %get3A_6 = arith.constant 0 : index
    %get3A_7 = arith.constant 0 : index
    %get3A_8 = vector.load %arg2[%get3A_6, %get3A_7] : memref<1x128xf32, #tpu.memory_space<vmem>>, vector<1x128xf32>
    %add3A = vector.broadcast %get3A_8 : vector<1x128xf32> to vector<104x128xf32>
    %add3A_9 = arith.addf %dot_general3A_5, %add3A : vector<104x128xf32>
    %max3A = arith.constant 0.000000e+00 : f32
    %max3A_10 = vector.broadcast %max3A : f32 to vector<104x128xf32>
    %max3A_11 = arith.maximumf %add3A_9, %max3A_10 : vector<104x128xf32>
    %swap3A = arith.constant 0 : index
    %swap3A_12 = arith.constant 0 : index
    %swap3A_13 = vector.load %arg5[%swap3A, %swap3A_12] : memref<104x128xf32, #tpu.memory_space<vmem>>, vector<104x128xf32>
    tpu.vector_store %arg5[%swap3A, %swap3A_12], %max3A_11 {strides = array<i32>} : memref<104x128xf32, #tpu.memory_space<vmem>>, vector<104x128xf32>,
    %get3A_14 = arith.constant 0 : index
    %get3A_15 = arith.constant 0 : index
    %get3A_16 = vector.load %arg3[%get3A_14, %get3A_15] : memref<128x128xf32, #tpu.memory_space<vmem>>, vector<128x128xf32>
    %dot_general3A_17 = arith.constant dense<0.000000e+00> : vector<104x128xf32>
    %dot_general3A_18 = tpu.matmul %get3A_1, %get3A_16, %dot_general3A_17 {dimension_numbers = #tpu.dot_dimension_numbers<[1], [0], [0], [1], [0, 0, 1, 1], [], []>, transpose_lhs_hint = false} : vector<104x128xf32>, vector<128x128xf32>, vector<104x128xf32> -> vector<104x128xf32>
    %get3A_19 = arith.constant 0 : index
    %get3A_20 = arith.constant 0 : index
    %get3A_21 = vector.load %arg4[%get3A_19, %get3A_20] : memref<1x128xf32, #tpu.memory_space<vmem>>, vector<1x128xf32>
    %add3A_22 = vector.broadcast %get3A_21 : vector<1x128xf32> to vector<104x128xf32>
    %add3A_23 = arith.addf %dot_general3A_18, %add3A_22 : vector<104x128xf32>
    %swap3A_24 = arith.constant 0 : index
    %swap3A_25 = arith.constant 0 : index
    %swap3A_26 = vector.load %arg6[%swap3A_24, %swap3A_25] : memref<104x128xf32, #tpu.memory_space<vmem>>, vector<104x128xf32>
    tpu.vector_store %arg6[%swap3A_24, %swap3A_25], %add3A_23 {strides = array<i32>} : memref<104x128xf32, #tpu.memory_space<vmem>>, vector<104x128xf32>,
    return
  }
}

module attributes {stable_mosaic.version = 14 : i64} {
  func.func @body(%arg0: i32, %arg1: memref<2x1024x128xf32, #tpu.memory_space<vmem>>, %arg2: memref<128x128xf32, #tpu.memory_space<vmem>>, %arg3: memref<1x128xf32, #tpu.memory_space<vmem>>, %arg4: memref<128x1xf32, #tpu.memory_space<vmem>>, %arg5: memref<1x1xf32, #tpu.memory_space<vmem>>, %arg6: memref<1024x1xi32, #tpu.memory_space<vmem>>, %arg7: memref<1024x128xf32, #tpu.memory_space<vmem>>, %arg8: memref<1024x1xf32, #tpu.memory_space<vmem>>, %arg9: memref<1x256xf32, #tpu.memory_space<vmem>>) attributes {dimension_semantics = [#tpu.dimension_semantics<arbitrary>], iteration_bounds = array<i64: 10>, scalar_prefetch = 0 : i64, scratch_operands = 0 : i64, tpu.core_type = #tpu.core_type<tc>, window_params = [{transform_indices = @transform_0, window_bounds = array<i64: 2, 1024, 128>}, {pipeline_mode = #tpu.pipeline_mode<synchronous>, transform_indices = @transform_1, window_bounds = array<i64: 128, 128>}, {pipeline_mode = #tpu.pipeline_mode<synchronous>, transform_indices = @transform_2, window_bounds = array<i64: 1, 128>}, {pipeline_mode = #tpu.pipeline_mode<synchronous>, transform_indices = @transform_3, window_bounds = array<i64: 128, 1>}, {pipeline_mode = #tpu.pipeline_mode<synchronous>, transform_indices = @transform_4, window_bounds = array<i64: 1, 1>}, {transform_indices = @transform_5, window_bounds = array<i64: 1024, 1>}, {transform_indices = @transform_6, window_bounds = array<i64: 1024, 128>}, {transform_indices = @transform_7, window_bounds = array<i64: 1024, 1>}, {pipeline_mode = #tpu.pipeline_mode<synchronous>, transform_indices = @transform_8, window_bounds = array<i64: 1, 256>}]} {
    %get3A = arith.constant 0 : index
    %get3A_0 = arith.constant 0 : index
    %get3A_1 = arith.constant 0 : index
    %get3A_2 = vector.load %arg1[%get3A, %get3A_0, %get3A_1] : memref<2x1024x128xf32, #tpu.memory_space<vmem>>, vector<1x1024x128xf32>
    %get3A_3 = vector.shape_cast %get3A_2 : vector<1x1024x128xf32> to vector<1024x128xf32>
    %get3A_4 = arith.constant 1 : index
    %get3A_5 = arith.constant 0 : index
    %get3A_6 = arith.constant 0 : index
    %get3A_7 = vector.load %arg1[%get3A_4, %get3A_5, %get3A_6] : memref<2x1024x128xf32, #tpu.memory_space<vmem>>, vector<1x1024x128xf32>
    %get3A_8 = vector.shape_cast %get3A_7 : vector<1x1024x128xf32> to vector<1024x128xf32>
    %add3A = arith.addf %get3A_3, %get3A_8 : vector<1024x128xf32>
    %get3A_9 = arith.constant 0 : index
    %get3A_10 = arith.constant 0 : index
    %get3A_11 = vector.load %arg2[%get3A_9, %get3A_10] : memref<128x128xf32, #tpu.memory_space<vmem>>, vector<128x128xf32>
    %dot_general3A = arith.constant dense<0.000000e+00> : vector<1024x128xf32>
    %dot_general3A_12 = tpu.matmul %add3A, %get3A_11, %dot_general3A {dimension_numbers = #tpu.dot_dimension_numbers<[1], [0], [0], [1], [0, 0, 1, 1], [], []>, transpose_lhs_hint = false} : vector<1024x128xf32>, vector<128x128xf32>, vector<1024x128xf32> -> vector<1024x128xf32>
    %get3A_13 = arith.constant 0 : index
    %get3A_14 = arith.constant 0 : index
    %get3A_15 = vector.load %arg3[%get3A_13, %get3A_14] : memref<1x128xf32, #tpu.memory_space<vmem>>, vector<1x128xf32>
    %add3A_16 = vector.broadcast %get3A_15 : vector<1x128xf32> to vector<1024x128xf32>
    %add3A_17 = arith.addf %dot_general3A_12, %add3A_16 : vector<1024x128xf32>
    %max3A = arith.constant 0.000000e+00 : f32
    %max3A_18 = vector.broadcast %max3A : f32 to vector<1024x128xf32>
    %max3A_19 = arith.maximumf %add3A_17, %max3A_18 : vector<1024x128xf32>
    %swap3A = arith.constant 0 : index
    %swap3A_20 = arith.constant 0 : index
    %swap3A_21 = vector.load %arg7[%swap3A, %swap3A_20] : memref<1024x128xf32, #tpu.memory_space<vmem>>, vector<1024x128xf32>
    tpu.vector_store %arg7[%swap3A, %swap3A_20], %max3A_19 {strides = array<i32>} : memref<1024x128xf32, #tpu.memory_space<vmem>>, vector<1024x128xf32>,
    %get3A_22 = arith.constant 0 : index
    %get3A_23 = arith.constant 0 : index
    %get3A_24 = vector.load %arg4[%get3A_22, %get3A_23] : memref<128x1xf32, #tpu.memory_space<vmem>>, vector<128x1xf32>
    %dot_general3A_25 = arith.constant dense<0.000000e+00> : vector<1024x1xf32>
    %dot_general3A_26 = tpu.matmul %max3A_19, %get3A_24, %dot_general3A_25 {dimension_numbers = #tpu.dot_dimension_numbers<[1], [0], [0], [1], [0, 0, 1, 1], [], []>, transpose_lhs_hint = false} : vector<1024x128xf32>, vector<128x1xf32>, vector<1024x1xf32> -> vector<1024x1xf32>
    %get3A_27 = arith.constant 0 : index
    %get3A_28 = arith.constant 0 : index
    %get3A_29 = vector.load %arg5[%get3A_27, %get3A_28] : memref<1x1xf32, #tpu.memory_space<vmem>>, vector<1x1xf32>
    %add3A_30 = vector.broadcast %get3A_29 : vector<1x1xf32> to vector<1024x1xf32>
    %add3A_31 = arith.addf %dot_general3A_26, %add3A_30 : vector<1024x1xf32>
    %swap3A_32 = arith.constant 0 : index
    %swap3A_33 = arith.constant 0 : index
    %swap3A_34 = vector.load %arg8[%swap3A_32, %swap3A_33] : memref<1024x1xf32, #tpu.memory_space<vmem>>, vector<1024x1xf32>
    tpu.vector_store %arg8[%swap3A_32, %swap3A_33], %add3A_31 {strides = array<i32>} : memref<1024x1xf32, #tpu.memory_space<vmem>>, vector<1024x1xf32>,
    %get3A_35 = arith.constant 0 : index
    %get3A_36 = arith.constant 0 : index
    %get3A_37 = vector.load %arg6[%get3A_35, %get3A_36] : memref<1024x1xi32, #tpu.memory_space<vmem>>, vector<1024x1xi32>
    %iota3A = tpu.iota {dimensions = array<i32: 1>} : vector<1024x256xi32>
    %eq3A = vector.broadcast %get3A_37 : vector<1024x1xi32> to vector<1024x256xi32>
    %eq3A_38 = arith.cmpi eq, %eq3A, %iota3A : vector<1024x256xi32>
    %jit3A = arith.constant 0xFF800000 : f32
    %broadcast_in_dim3A = vector.shape_cast %add3A_31 : vector<1024x1xf32> to vector<1024x1xf32>
    %broadcast_in_dim3A_39 = vector.broadcast %broadcast_in_dim3A : vector<1024x1xf32> to vector<1024x256xf32>
    %broadcast_in_dim3A_40 = vector.broadcast %jit3A : f32 to vector<1024x256xf32>
    %select_n3A = arith.select %eq3A_38, %broadcast_in_dim3A_39, %broadcast_in_dim3A_40 : vector<1024x256xi1>, vector<1024x256xf32>
    %reduce_max3A = arith.constant dense<0xFF800000> : vector<256xf32>
    %reduce_max3A_41 = vector.multi_reduction <maximumf>, %select_n3A, %reduce_max3A [0] : vector<1024x256xf32> to vector<256xf32>
    %broadcast_in_dim3A_42 = vector.shape_cast %reduce_max3A_41 : vector<256xf32> to vector<1x256xf32>
    %eq3A_43 = arith.constant 0 : i32
    %eq3A_44 = arith.cmpi eq, %arg0, %eq3A_43 : i32
    %convert_element_type3A = arith.extui %eq3A_44 : i1 to i32
    %cond3A = arith.constant 0 : i32
    %cond3A_45 = arith.cmpi ne, %convert_element_type3A, %cond3A : i32
    scf.if %cond3A_45 {
      %broadcast_in_dim3A_53 = arith.constant 0xFF800000 : f32
      %broadcast_in_dim3A_54 = vector.broadcast %broadcast_in_dim3A_53 : f32 to vector<1x256xf32>
      %swap3A_55 = arith.constant 0 : index
      %swap3A_56 = arith.constant 0 : index
      %swap3A_57 = vector.load %arg9[%swap3A_55, %swap3A_56] : memref<1x256xf32, #tpu.memory_space<vmem>>, vector<1x256xf32>
      tpu.vector_store %arg9[%swap3A_55, %swap3A_56], %broadcast_in_dim3A_54 {strides = array<i32>} : memref<1x256xf32, #tpu.memory_space<vmem>>, vector<1x256xf32>,
    } else {
    }
    %get3A_46 = arith.constant 0 : index
    %get3A_47 = arith.constant 0 : index
    %get3A_48 = vector.load %arg9[%get3A_46, %get3A_47] : memref<1x256xf32, #tpu.memory_space<vmem>>, vector<1x256xf32>
    %max3A_49 = arith.maximumf %get3A_48, %broadcast_in_dim3A_42 : vector<1x256xf32>
    %swap3A_50 = arith.constant 0 : index
    %swap3A_51 = arith.constant 0 : index
    %swap3A_52 = vector.load %arg9[%swap3A_50, %swap3A_51] : memref<1x256xf32, #tpu.memory_space<vmem>>, vector<1x256xf32>
    tpu.vector_store %arg9[%swap3A_50, %swap3A_51], %max3A_49 {strides = array<i32>} : memref<1x256xf32, #tpu.memory_space<vmem>>, vector<1x256xf32>,
    return
  }
  func.func @transform_0(%arg0: i32) -> (i32, i32, i32) {
    %c0_i32 = arith.constant 0 : i32
    %c0_i32_0 = arith.constant 0 : i32
    %c0_i32_1 = arith.constant 0 : i32
    return %c0_i32, %arg0, %c0_i32_0 : i32, i32, i32
  }
  func.func @transform_1(%arg0: i32) -> (i32, i32) {
    %c0_i32 = arith.constant 0 : i32
    %c0_i32_0 = arith.constant 0 : i32
    %c0_i32_1 = arith.constant 0 : i32
    return %c0_i32, %c0_i32_0 : i32, i32
  }
  func.func @transform_2(%arg0: i32) -> (i32, i32) {
    %c0_i32 = arith.constant 0 : i32
    %c0_i32_0 = arith.constant 0 : i32
    %c0_i32_1 = arith.constant 0 : i32
    return %c0_i32, %c0_i32_0 : i32, i32
  }
  func.func @transform_3(%arg0: i32) -> (i32, i32) {
    %c0_i32 = arith.constant 0 : i32
    %c0_i32_0 = arith.constant 0 : i32
    %c0_i32_1 = arith.constant 0 : i32
    return %c0_i32, %c0_i32_0 : i32, i32
  }
  func.func @transform_4(%arg0: i32) -> (i32, i32) {
    %c0_i32 = arith.constant 0 : i32
    %c0_i32_0 = arith.constant 0 : i32
    %c0_i32_1 = arith.constant 0 : i32
    return %c0_i32, %c0_i32_0 : i32, i32
  }
  func.func @transform_5(%arg0: i32) -> (i32, i32) {
    %c0_i32 = arith.constant 0 : i32
    %c0_i32_0 = arith.constant 0 : i32
    return %arg0, %c0_i32 : i32, i32
  }
  func.func @transform_6(%arg0: i32) -> (i32, i32) {
    %c0_i32 = arith.constant 0 : i32
    %c0_i32_0 = arith.constant 0 : i32
    return %arg0, %c0_i32 : i32, i32
  }
  func.func @transform_7(%arg0: i32) -> (i32, i32) {
    %c0_i32 = arith.constant 0 : i32
    %c0_i32_0 = arith.constant 0 : i32
    return %arg0, %c0_i32 : i32, i32
  }
  func.func @transform_8(%arg0: i32) -> (i32, i32) {
    %c0_i32 = arith.constant 0 : i32
    %c0_i32_0 = arith.constant 0 : i32
    %c0_i32_1 = arith.constant 0 : i32
    return %c0_i32, %c0_i32_0 : i32, i32
  }
}

module attributes {stable_mosaic.version = 14 : i64} {
  func.func @body(%arg0: i32, %arg1: memref<1024x128xf32, #tpu.memory_space<vmem>>, %arg2: memref<1024x1xf32, #tpu.memory_space<vmem>>, %arg3: memref<1x256xf32, #tpu.memory_space<vmem>>, %arg4: memref<1024x1xi32, #tpu.memory_space<vmem>>, %arg5: memref<128x128xf32, #tpu.memory_space<vmem>>, %arg6: memref<1x128xf32, #tpu.memory_space<vmem>>, %arg7: memref<128x128xf32, #tpu.memory_space<vmem>>, %arg8: memref<128x128xf32, #tpu.memory_space<vmem>>, %arg9: memref<128x128xf32, #tpu.memory_space<vmem>>, %arg10: memref<1x128xf32, #tpu.memory_space<vmem>>, %arg11: memref<256x128xf32, #tpu.memory_space<vmem>>, %arg12: memref<256x1xf32, #tpu.memory_space<vmem>>, %arg13: memref<256x128xf32, #tpu.memory_space<vmem>>, %arg14: memref<1024x128xf32, #tpu.memory_space<vmem>>) attributes {dimension_semantics = [#tpu.dimension_semantics<arbitrary>], iteration_bounds = array<i64: 10>, scalar_prefetch = 0 : i64, scratch_operands = 0 : i64, tpu.core_type = #tpu.core_type<tc>, window_params = [{transform_indices = @transform_0, window_bounds = array<i64: 1024, 128>}, {transform_indices = @transform_1, window_bounds = array<i64: 1024, 1>}, {pipeline_mode = #tpu.pipeline_mode<synchronous>, transform_indices = @transform_2, window_bounds = array<i64: 1, 256>}, {transform_indices = @transform_3, window_bounds = array<i64: 1024, 1>}, {pipeline_mode = #tpu.pipeline_mode<synchronous>, transform_indices = @transform_4, window_bounds = array<i64: 128, 128>}, {pipeline_mode = #tpu.pipeline_mode<synchronous>, transform_indices = @transform_5, window_bounds = array<i64: 1, 128>}, {pipeline_mode = #tpu.pipeline_mode<synchronous>, transform_indices = @transform_6, window_bounds = array<i64: 128, 128>}, {pipeline_mode = #tpu.pipeline_mode<synchronous>, transform_indices = @transform_7, window_bounds = array<i64: 128, 128>}, {pipeline_mode = #tpu.pipeline_mode<synchronous>, transform_indices = @transform_8, window_bounds = array<i64: 128, 128>}, {pipeline_mode = #tpu.pipeline_mode<synchronous>, transform_indices = @transform_9, window_bounds = array<i64: 1, 128>}, {pipeline_mode = #tpu.pipeline_mode<synchronous>, transform_indices = @transform_10, window_bounds = array<i64: 256, 128>}, {pipeline_mode = #tpu.pipeline_mode<synchronous>, transform_indices = @transform_11, window_bounds = array<i64: 256, 1>}, {pipeline_mode = #tpu.pipeline_mode<synchronous>, transform_indices = @transform_12, window_bounds = array<i64: 256, 128>}, {transform_indices = @transform_13, window_bounds = array<i64: 1024, 128>}]} {
    %get3A = arith.constant 0 : index
    %get3A_0 = arith.constant 0 : index
    %get3A_1 = vector.load %arg3[%get3A, %get3A_0] : memref<1x256xf32, #tpu.memory_space<vmem>>, vector<1x256xf32>
    %is_finite3A = tpu.weird %get3A_1 : vector<1x256xf32> -> vector<1x256xi1>
    %is_finite3A_2 = arith.constant dense<true> : vector<1x256xi1>
    %is_finite3A_3 = arith.xori %is_finite3A, %is_finite3A_2 : vector<1x256xi1>
    %jit3A = arith.constant 0.000000e+00 : f32
    %broadcast_in_dim3A = vector.broadcast %jit3A : f32 to vector<1x256xf32>
    %select_n3A = arith.select %is_finite3A_3, %get3A_1, %broadcast_in_dim3A : vector<1x256xi1>, vector<1x256xf32>
    %get3A_4 = arith.constant 0 : index
    %get3A_5 = arith.constant 0 : index
    %get3A_6 = vector.load %arg4[%get3A_4, %get3A_5] : memref<1024x1xi32, #tpu.memory_space<vmem>>, vector<1024x1xi32>
    %iota3A = tpu.iota {dimensions = array<i32: 1>} : vector<1024x256xi32>
    %eq3A = vector.broadcast %get3A_6 : vector<1024x1xi32> to vector<1024x256xi32>
    %eq3A_7 = arith.cmpi eq, %eq3A, %iota3A : vector<1024x256xi32>
    %convert_element_type3A = arith.extui %eq3A_7 : vector<1024x256xi1> to vector<1024x256xi32>
    %convert_element_type3A_8 = arith.sitofp %convert_element_type3A : vector<1024x256xi32> to vector<1024x256xf32>
    %jit3A_9 = arith.constant 0.000000e+00 : f32
    %broadcast_in_dim3A_10 = vector.shape_cast %select_n3A : vector<1x256xf32> to vector<1x256xf32>
    %broadcast_in_dim3A_11 = vector.broadcast %broadcast_in_dim3A_10 : vector<1x256xf32> to vector<1024x256xf32>
    %broadcast_in_dim3A_12 = vector.broadcast %jit3A_9 : f32 to vector<1024x256xf32>
    %select_n3A_13 = arith.select %eq3A_7, %broadcast_in_dim3A_11, %broadcast_in_dim3A_12 : vector<1024x256xi1>, vector<1024x256xf32>
    %reduce_sum3A = arith.constant dense<0.000000e+00> : vector<1024xf32>
    %reduce_sum3A_14 = vector.multi_reduction <add>, %select_n3A_13, %reduce_sum3A [1] : vector<1024x256xf32> to vector<1024xf32>
    %broadcast_in_dim3A_15 = vector.shape_cast %reduce_sum3A_14 : vector<1024xf32> to vector<1024x1xf32>
    %lt3A = arith.constant 256 : i32
    %lt3A_16 = vector.broadcast %lt3A : i32 to vector<1024x1xi32>
    %lt3A_17 = arith.cmpi slt, %get3A_6, %lt3A_16 : vector<1024x1xi32>
    %get3A_18 = arith.constant 0 : index
    %get3A_19 = arith.constant 0 : index
    %get3A_20 = vector.load %arg2[%get3A_18, %get3A_19] : memref<1024x1xf32, #tpu.memory_space<vmem>>, vector<1024x1xf32>
    %sub3A = arith.subf %get3A_20, %broadcast_in_dim3A_15 : vector<1024x1xf32>
    %exp3A = math.exp %sub3A : vector<1024x1xf32>
    %jit3A_21 = arith.constant 0.000000e+00 : f32
    %broadcast_in_dim3A_22 = vector.broadcast %jit3A_21 : f32 to vector<1024x1xf32>
    %select_n3A_23 = arith.select %lt3A_17, %exp3A, %broadcast_in_dim3A_22 : vector<1024x1xi1>, vector<1024x1xf32>
    %get3A_24 = arith.constant 0 : index
    %get3A_25 = arith.constant 0 : index
    %get3A_26 = vector.load %arg1[%get3A_24, %get3A_25] : memref<1024x128xf32, #tpu.memory_space<vmem>>, vector<1024x128xf32>
    %get3A_27 = arith.constant 0 : index
    %get3A_28 = arith.constant 0 : index
    %get3A_29 = vector.load %arg5[%get3A_27, %get3A_28] : memref<128x128xf32, #tpu.memory_space<vmem>>, vector<128x128xf32>
    %dot_general3A = arith.constant dense<0.000000e+00> : vector<1024x128xf32>
    %dot_general3A_30 = tpu.matmul %get3A_26, %get3A_29, %dot_general3A {dimension_numbers = #tpu.dot_dimension_numbers<[1], [0], [0], [1], [0, 0, 1, 1], [], []>, transpose_lhs_hint = false} : vector<1024x128xf32>, vector<128x128xf32>, vector<1024x128xf32> -> vector<1024x128xf32>
    %get3A_31 = arith.constant 0 : index
    %get3A_32 = arith.constant 0 : index
    %get3A_33 = vector.load %arg6[%get3A_31, %get3A_32] : memref<1x128xf32, #tpu.memory_space<vmem>>, vector<1x128xf32>
    %add3A = vector.broadcast %get3A_33 : vector<1x128xf32> to vector<1024x128xf32>
    %add3A_34 = arith.addf %dot_general3A_30, %add3A : vector<1024x128xf32>
    %mul3A = vector.broadcast %select_n3A_23 : vector<1024x1xf32> to vector<1024x128xf32>
    %mul3A_35 = arith.mulf %mul3A, %add3A_34 : vector<1024x128xf32>
    %dot_general3A_36 = arith.constant dense<0.000000e+00> : vector<256x128xf32>
    %dot_general3A_37 = tpu.matmul %convert_element_type3A_8, %mul3A_35, %dot_general3A_36 {dimension_numbers = #tpu.dot_dimension_numbers<[0], [0], [1], [1], [0, 1, 1, 1], [], []>, transpose_lhs_hint = false} : vector<1024x256xf32>, vector<1024x128xf32>, vector<256x128xf32> -> vector<256x128xf32>
    %dot_general3A_38 = arith.constant dense<0.000000e+00> : vector<256x1xf32>
    %dot_general3A_39 = tpu.matmul %convert_element_type3A_8, %select_n3A_23, %dot_general3A_38 {dimension_numbers = #tpu.dot_dimension_numbers<[0], [0], [1], [1], [0, 1, 1, 1], [], []>, transpose_lhs_hint = false} : vector<1024x256xf32>, vector<1024x1xf32>, vector<256x1xf32> -> vector<256x1xf32>
    %eq3A_40 = arith.constant 0 : i32
    %eq3A_41 = arith.cmpi eq, %arg0, %eq3A_40 : i32
    %convert_element_type3A_42 = arith.extui %eq3A_41 : i1 to i32
    %cond3A = arith.constant 0 : i32
    %cond3A_43 = arith.cmpi ne, %convert_element_type3A_42, %cond3A : i32
    scf.if %cond3A_43 {
      %broadcast_in_dim3A_70 = arith.constant 0.000000e+00 : f32
      %broadcast_in_dim3A_71 = vector.broadcast %broadcast_in_dim3A_70 : f32 to vector<256x128xf32>
      %swap3A_72 = arith.constant 0 : index
      %swap3A_73 = arith.constant 0 : index
      %swap3A_74 = vector.load %arg11[%swap3A_72, %swap3A_73] : memref<256x128xf32, #tpu.memory_space<vmem>>, vector<256x128xf32>
      tpu.vector_store %arg11[%swap3A_72, %swap3A_73], %broadcast_in_dim3A_71 {strides = array<i32>} : memref<256x128xf32, #tpu.memory_space<vmem>>, vector<256x128xf32>,
      %broadcast_in_dim3A_75 = arith.constant 0.000000e+00 : f32
      %broadcast_in_dim3A_76 = vector.broadcast %broadcast_in_dim3A_75 : f32 to vector<256x1xf32>
      %swap3A_77 = arith.constant 0 : index
      %swap3A_78 = arith.constant 0 : index
      %swap3A_79 = vector.load %arg12[%swap3A_77, %swap3A_78] : memref<256x1xf32, #tpu.memory_space<vmem>>, vector<256x1xf32>
      tpu.vector_store %arg12[%swap3A_77, %swap3A_78], %broadcast_in_dim3A_76 {strides = array<i32>} : memref<256x1xf32, #tpu.memory_space<vmem>>, vector<256x1xf32>,
    } else {
    }
    %get3A_44 = arith.constant 0 : index
    %get3A_45 = arith.constant 0 : index
    %get3A_46 = vector.load %arg11[%get3A_44, %get3A_45] : memref<256x128xf32, #tpu.memory_space<vmem>>, vector<256x128xf32>
    %add3A_47 = arith.addf %get3A_46, %dot_general3A_37 : vector<256x128xf32>
    %swap3A = arith.constant 0 : index
    %swap3A_48 = arith.constant 0 : index
    %swap3A_49 = vector.load %arg11[%swap3A, %swap3A_48] : memref<256x128xf32, #tpu.memory_space<vmem>>, vector<256x128xf32>
    tpu.vector_store %arg11[%swap3A, %swap3A_48], %add3A_47 {strides = array<i32>} : memref<256x128xf32, #tpu.memory_space<vmem>>, vector<256x128xf32>,
    %get3A_50 = arith.constant 0 : index
    %get3A_51 = arith.constant 0 : index
    %get3A_52 = vector.load %arg12[%get3A_50, %get3A_51] : memref<256x1xf32, #tpu.memory_space<vmem>>, vector<256x1xf32>
    %add3A_53 = arith.addf %get3A_52, %dot_general3A_39 : vector<256x1xf32>
    %swap3A_54 = arith.constant 0 : index
    %swap3A_55 = arith.constant 0 : index
    %swap3A_56 = vector.load %arg12[%swap3A_54, %swap3A_55] : memref<256x1xf32, #tpu.memory_space<vmem>>, vector<256x1xf32>
    tpu.vector_store %arg12[%swap3A_54, %swap3A_55], %add3A_53 {strides = array<i32>} : memref<256x1xf32, #tpu.memory_space<vmem>>, vector<256x1xf32>,
    %get3A_57 = arith.constant 0 : index
    %get3A_58 = arith.constant 0 : index
    %get3A_59 = vector.load %arg7[%get3A_57, %get3A_58] : memref<128x128xf32, #tpu.memory_space<vmem>>, vector<128x128xf32>
    %dot_general3A_60 = arith.constant dense<0.000000e+00> : vector<1024x128xf32>
    %dot_general3A_61 = tpu.matmul %get3A_26, %get3A_59, %dot_general3A_60 {dimension_numbers = #tpu.dot_dimension_numbers<[1], [0], [0], [1], [0, 0, 1, 1], [], []>, transpose_lhs_hint = false} : vector<1024x128xf32>, vector<128x128xf32>, vector<1024x128xf32> -> vector<1024x128xf32>
    %swap3A_62 = arith.constant 0 : index
    %swap3A_63 = arith.constant 0 : index
    %swap3A_64 = vector.load %arg14[%swap3A_62, %swap3A_63] : memref<1024x128xf32, #tpu.memory_space<vmem>>, vector<1024x128xf32>
    tpu.vector_store %arg14[%swap3A_62, %swap3A_63], %dot_general3A_61 {strides = array<i32>} : memref<1024x128xf32, #tpu.memory_space<vmem>>, vector<1024x128xf32>,
    %eq3A_65 = arith.constant 9 : i32
    %eq3A_66 = arith.cmpi eq, %arg0, %eq3A_65 : i32
    %convert_element_type3A_67 = arith.extui %eq3A_66 : i1 to i32
    %cond3A_68 = arith.constant 0 : i32
    %cond3A_69 = arith.cmpi ne, %convert_element_type3A_67, %cond3A_68 : i32
    scf.if %cond3A_69 {
      %get3A_70 = arith.constant 0 : index
      %get3A_71 = arith.constant 0 : index
      %get3A_72 = vector.load %arg11[%get3A_70, %get3A_71] : memref<256x128xf32, #tpu.memory_space<vmem>>, vector<256x128xf32>
      %get3A_73 = arith.constant 0 : index
      %get3A_74 = arith.constant 0 : index
      %get3A_75 = vector.load %arg12[%get3A_73, %get3A_74] : memref<256x1xf32, #tpu.memory_space<vmem>>, vector<256x1xf32>
      %add3A_76 = arith.constant 1.000000e-16 : f32
      %add3A_77 = vector.broadcast %add3A_76 : f32 to vector<256x1xf32>
      %add3A_78 = arith.addf %get3A_75, %add3A_77 : vector<256x1xf32>
      %div3A = vector.broadcast %add3A_78 : vector<256x1xf32> to vector<256x128xf32>
      %div3A_79 = arith.divf %get3A_72, %div3A : vector<256x128xf32>
      %get3A_80 = arith.constant 0 : index
      %get3A_81 = arith.constant 0 : index
      %get3A_82 = vector.load %arg8[%get3A_80, %get3A_81] : memref<128x128xf32, #tpu.memory_space<vmem>>, vector<128x128xf32>
      %dot_general3A_83 = arith.constant dense<0.000000e+00> : vector<256x128xf32>
      %dot_general3A_84 = tpu.matmul %div3A_79, %get3A_82, %dot_general3A_83 {dimension_numbers = #tpu.dot_dimension_numbers<[1], [0], [0], [1], [0, 0, 1, 1], [], []>, transpose_lhs_hint = false} : vector<256x128xf32>, vector<128x128xf32>, vector<256x128xf32> -> vector<256x128xf32>
      %get3A_85 = arith.constant 0 : index
      %get3A_86 = arith.constant 0 : index
      %get3A_87 = vector.load %arg10[%get3A_85, %get3A_86] : memref<1x128xf32, #tpu.memory_space<vmem>>, vector<1x128xf32>
      %add3A_88 = vector.broadcast %get3A_87 : vector<1x128xf32> to vector<256x128xf32>
      %add3A_89 = arith.addf %dot_general3A_84, %add3A_88 : vector<256x128xf32>
      %max3A = arith.constant 0.000000e+00 : f32
      %max3A_90 = vector.broadcast %max3A : f32 to vector<256x128xf32>
      %max3A_91 = arith.maximumf %add3A_89, %max3A_90 : vector<256x128xf32>
      %swap3A_92 = arith.constant 0 : index
      %swap3A_93 = arith.constant 0 : index
      %swap3A_94 = vector.load %arg13[%swap3A_92, %swap3A_93] : memref<256x128xf32, #tpu.memory_space<vmem>>, vector<256x128xf32>
      tpu.vector_store %arg13[%swap3A_92, %swap3A_93], %max3A_91 {strides = array<i32>} : memref<256x128xf32, #tpu.memory_space<vmem>>, vector<256x128xf32>,
    } else {
    }
    return
  }
  func.func @transform_0(%arg0: i32) -> (i32, i32) {
    %c0_i32 = arith.constant 0 : i32
    %c0_i32_0 = arith.constant 0 : i32
    return %arg0, %c0_i32 : i32, i32
  }
  func.func @transform_1(%arg0: i32) -> (i32, i32) {
    %c0_i32 = arith.constant 0 : i32
    %c0_i32_0 = arith.constant 0 : i32
    return %arg0, %c0_i32 : i32, i32
  }
  func.func @transform_2(%arg0: i32) -> (i32, i32) {
    %c0_i32 = arith.constant 0 : i32
    %c0_i32_0 = arith.constant 0 : i32
    %c0_i32_1 = arith.constant 0 : i32
    return %c0_i32, %c0_i32_0 : i32, i32
  }
  func.func @transform_3(%arg0: i32) -> (i32, i32) {
    %c0_i32 = arith.constant 0 : i32
    %c0_i32_0 = arith.constant 0 : i32
    return %arg0, %c0_i32 : i32, i32
  }
  func.func @transform_4(%arg0: i32) -> (i32, i32) {
    %c0_i32 = arith.constant 0 : i32
    %c0_i32_0 = arith.constant 0 : i32
    %c0_i32_1 = arith.constant 0 : i32
    return %c0_i32, %c0_i32_0 : i32, i32
  }
  func.func @transform_5(%arg0: i32) -> (i32, i32) {
    %c0_i32 = arith.constant 0 : i32
    %c0_i32_0 = arith.constant 0 : i32
    %c0_i32_1 = arith.constant 0 : i32
    return %c0_i32, %c0_i32_0 : i32, i32
  }
  func.func @transform_6(%arg0: i32) -> (i32, i32) {
    %c0_i32 = arith.constant 0 : i32
    %c0_i32_0 = arith.constant 0 : i32
    %c0_i32_1 = arith.constant 0 : i32
    return %c0_i32, %c0_i32_0 : i32, i32
  }
  func.func @transform_7(%arg0: i32) -> (i32, i32) {
    %c0_i32 = arith.constant 0 : i32
    %c0_i32_0 = arith.constant 0 : i32
    %c0_i32_1 = arith.constant 0 : i32
    return %c0_i32, %c0_i32_0 : i32, i32
  }
  func.func @transform_8(%arg0: i32) -> (i32, i32) {
    %c0_i32 = arith.constant 0 : i32
    %c0_i32_0 = arith.constant 0 : i32
    %c0_i32_1 = arith.constant 0 : i32
    return %c0_i32, %c0_i32_0 : i32, i32
  }
  func.func @transform_9(%arg0: i32) -> (i32, i32) {
    %c0_i32 = arith.constant 0 : i32
    %c0_i32_0 = arith.constant 0 : i32
    %c0_i32_1 = arith.constant 0 : i32
    return %c0_i32, %c0_i32_0 : i32, i32
  }
  func.func @transform_10(%arg0: i32) -> (i32, i32) {
    %c0_i32 = arith.constant 0 : i32
    %c0_i32_0 = arith.constant 0 : i32
    %c0_i32_1 = arith.constant 0 : i32
    return %c0_i32, %c0_i32_0 : i32, i32
  }
  func.func @transform_11(%arg0: i32) -> (i32, i32) {
    %c0_i32 = arith.constant 0 : i32
    %c0_i32_0 = arith.constant 0 : i32
    %c0_i32_1 = arith.constant 0 : i32
    return %c0_i32, %c0_i32_0 : i32, i32
  }
  func.func @transform_12(%arg0: i32) -> (i32, i32) {
    %c0_i32 = arith.constant 0 : i32
    %c0_i32_0 = arith.constant 0 : i32
    %c0_i32_1 = arith.constant 0 : i32
    return %c0_i32, %c0_i32_0 : i32, i32
  }
  func.func @transform_13(%arg0: i32) -> (i32, i32) {
    %c0_i32 = arith.constant 0 : i32
    %c0_i32_0 = arith.constant 0 : i32
    return %arg0, %c0_i32 : i32, i32
  }
}

module attributes {stable_mosaic.version = 14 : i64} {
  func.func @body(%arg0: i32, %arg1: memref<2x1024x128xf32, #tpu.memory_space<vmem>>, %arg2: memref<1024x128xf32, #tpu.memory_space<vmem>>, %arg3: memref<128x128xf32, #tpu.memory_space<vmem>>, %arg4: memref<128x128xf32, #tpu.memory_space<vmem>>, %arg5: memref<1x128xf32, #tpu.memory_space<vmem>>, %arg6: memref<128x1xf32, #tpu.memory_space<vmem>>, %arg7: memref<1x1xf32, #tpu.memory_space<vmem>>, %arg8: memref<1024x1xi32, #tpu.memory_space<vmem>>, %arg9: memref<1024x128xf32, #tpu.memory_space<vmem>>, %arg10: memref<1024x1xf32, #tpu.memory_space<vmem>>, %arg11: memref<1x256xf32, #tpu.memory_space<vmem>>) attributes {dimension_semantics = [#tpu.dimension_semantics<arbitrary>], iteration_bounds = array<i64: 10>, scalar_prefetch = 0 : i64, scratch_operands = 0 : i64, tpu.core_type = #tpu.core_type<tc>, window_params = [{transform_indices = @transform_0, window_bounds = array<i64: 2, 1024, 128>}, {transform_indices = @transform_1, window_bounds = array<i64: 1024, 128>}, {pipeline_mode = #tpu.pipeline_mode<synchronous>, transform_indices = @transform_2, window_bounds = array<i64: 128, 128>}, {pipeline_mode = #tpu.pipeline_mode<synchronous>, transform_indices = @transform_3, window_bounds = array<i64: 128, 128>}, {pipeline_mode = #tpu.pipeline_mode<synchronous>, transform_indices = @transform_4, window_bounds = array<i64: 1, 128>}, {pipeline_mode = #tpu.pipeline_mode<synchronous>, transform_indices = @transform_5, window_bounds = array<i64: 128, 1>}, {pipeline_mode = #tpu.pipeline_mode<synchronous>, transform_indices = @transform_6, window_bounds = array<i64: 1, 1>}, {transform_indices = @transform_7, window_bounds = array<i64: 1024, 1>}, {transform_indices = @transform_8, window_bounds = array<i64: 1024, 128>}, {transform_indices = @transform_9, window_bounds = array<i64: 1024, 1>}, {pipeline_mode = #tpu.pipeline_mode<synchronous>, transform_indices = @transform_10, window_bounds = array<i64: 1, 256>}]} {
    %get3A = arith.constant 0 : index
    %get3A_0 = arith.constant 0 : index
    %get3A_1 = arith.constant 0 : index
    %get3A_2 = vector.load %arg1[%get3A, %get3A_0, %get3A_1] : memref<2x1024x128xf32, #tpu.memory_space<vmem>>, vector<1x1024x128xf32>
    %get3A_3 = vector.shape_cast %get3A_2 : vector<1x1024x128xf32> to vector<1024x128xf32>
    %get3A_4 = arith.constant 1 : index
    %get3A_5 = arith.constant 0 : index
    %get3A_6 = arith.constant 0 : index
    %get3A_7 = vector.load %arg1[%get3A_4, %get3A_5, %get3A_6] : memref<2x1024x128xf32, #tpu.memory_space<vmem>>, vector<1x1024x128xf32>
    %get3A_8 = vector.shape_cast %get3A_7 : vector<1x1024x128xf32> to vector<1024x128xf32>
    %add3A = arith.addf %get3A_3, %get3A_8 : vector<1024x128xf32>
    %get3A_9 = arith.constant 0 : index
    %get3A_10 = arith.constant 0 : index
    %get3A_11 = vector.load %arg4[%get3A_9, %get3A_10] : memref<128x128xf32, #tpu.memory_space<vmem>>, vector<128x128xf32>
    %dot_general3A = arith.constant dense<0.000000e+00> : vector<1024x128xf32>
    %dot_general3A_12 = tpu.matmul %add3A, %get3A_11, %dot_general3A {dimension_numbers = #tpu.dot_dimension_numbers<[1], [0], [0], [1], [0, 0, 1, 1], [], []>, transpose_lhs_hint = false} : vector<1024x128xf32>, vector<128x128xf32>, vector<1024x128xf32> -> vector<1024x128xf32>
    %get3A_13 = arith.constant 0 : index
    %get3A_14 = arith.constant 0 : index
    %get3A_15 = vector.load %arg5[%get3A_13, %get3A_14] : memref<1x128xf32, #tpu.memory_space<vmem>>, vector<1x128xf32>
    %add3A_16 = vector.broadcast %get3A_15 : vector<1x128xf32> to vector<1024x128xf32>
    %add3A_17 = arith.addf %dot_general3A_12, %add3A_16 : vector<1024x128xf32>
    %get3A_18 = arith.constant 0 : index
    %get3A_19 = arith.constant 0 : index
    %get3A_20 = vector.load %arg2[%get3A_18, %get3A_19] : memref<1024x128xf32, #tpu.memory_space<vmem>>, vector<1024x128xf32>
    %get3A_21 = arith.constant 0 : index
    %get3A_22 = arith.constant 0 : index
    %get3A_23 = vector.load %arg3[%get3A_21, %get3A_22] : memref<128x128xf32, #tpu.memory_space<vmem>>, vector<128x128xf32>
    %dot_general3A_24 = arith.constant dense<0.000000e+00> : vector<1024x128xf32>
    %dot_general3A_25 = tpu.matmul %get3A_20, %get3A_23, %dot_general3A_24 {dimension_numbers = #tpu.dot_dimension_numbers<[1], [0], [0], [1], [0, 0, 1, 1], [], []>, transpose_lhs_hint = false} : vector<1024x128xf32>, vector<128x128xf32>, vector<1024x128xf32> -> vector<1024x128xf32>
    %add3A_26 = arith.addf %add3A_17, %dot_general3A_25 : vector<1024x128xf32>
    %max3A = arith.constant 0.000000e+00 : f32
    %max3A_27 = vector.broadcast %max3A : f32 to vector<1024x128xf32>
    %max3A_28 = arith.maximumf %add3A_26, %max3A_27 : vector<1024x128xf32>
    %add3A_29 = arith.addf %get3A_20, %max3A_28 : vector<1024x128xf32>
    %swap3A = arith.constant 0 : index
    %swap3A_30 = arith.constant 0 : index
    %swap3A_31 = vector.load %arg9[%swap3A, %swap3A_30] : memref<1024x128xf32, #tpu.memory_space<vmem>>, vector<1024x128xf32>
    tpu.vector_store %arg9[%swap3A, %swap3A_30], %add3A_29 {strides = array<i32>} : memref<1024x128xf32, #tpu.memory_space<vmem>>, vector<1024x128xf32>,
    %get3A_32 = arith.constant 0 : index
    %get3A_33 = arith.constant 0 : index
    %get3A_34 = vector.load %arg6[%get3A_32, %get3A_33] : memref<128x1xf32, #tpu.memory_space<vmem>>, vector<128x1xf32>
    %dot_general3A_35 = arith.constant dense<0.000000e+00> : vector<1024x1xf32>
    %dot_general3A_36 = tpu.matmul %add3A_29, %get3A_34, %dot_general3A_35 {dimension_numbers = #tpu.dot_dimension_numbers<[1], [0], [0], [1], [0, 0, 1, 1], [], []>, transpose_lhs_hint = false} : vector<1024x128xf32>, vector<128x1xf32>, vector<1024x1xf32> -> vector<1024x1xf32>
    %get3A_37 = arith.constant 0 : index
    %get3A_38 = arith.constant 0 : index
    %get3A_39 = vector.load %arg7[%get3A_37, %get3A_38] : memref<1x1xf32, #tpu.memory_space<vmem>>, vector<1x1xf32>
    %add3A_40 = vector.broadcast %get3A_39 : vector<1x1xf32> to vector<1024x1xf32>
    %add3A_41 = arith.addf %dot_general3A_36, %add3A_40 : vector<1024x1xf32>
    %swap3A_42 = arith.constant 0 : index
    %swap3A_43 = arith.constant 0 : index
    %swap3A_44 = vector.load %arg10[%swap3A_42, %swap3A_43] : memref<1024x1xf32, #tpu.memory_space<vmem>>, vector<1024x1xf32>
    tpu.vector_store %arg10[%swap3A_42, %swap3A_43], %add3A_41 {strides = array<i32>} : memref<1024x1xf32, #tpu.memory_space<vmem>>, vector<1024x1xf32>,
    %get3A_45 = arith.constant 0 : index
    %get3A_46 = arith.constant 0 : index
    %get3A_47 = vector.load %arg8[%get3A_45, %get3A_46] : memref<1024x1xi32, #tpu.memory_space<vmem>>, vector<1024x1xi32>
    %iota3A = tpu.iota {dimensions = array<i32: 1>} : vector<1024x256xi32>
    %eq3A = vector.broadcast %get3A_47 : vector<1024x1xi32> to vector<1024x256xi32>
    %eq3A_48 = arith.cmpi eq, %eq3A, %iota3A : vector<1024x256xi32>
    %jit3A = arith.constant 0xFF800000 : f32
    %broadcast_in_dim3A = vector.shape_cast %add3A_41 : vector<1024x1xf32> to vector<1024x1xf32>
    %broadcast_in_dim3A_49 = vector.broadcast %broadcast_in_dim3A : vector<1024x1xf32> to vector<1024x256xf32>
    %broadcast_in_dim3A_50 = vector.broadcast %jit3A : f32 to vector<1024x256xf32>
    %select_n3A = arith.select %eq3A_48, %broadcast_in_dim3A_49, %broadcast_in_dim3A_50 : vector<1024x256xi1>, vector<1024x256xf32>
    %reduce_max3A = arith.constant dense<0xFF800000> : vector<256xf32>
    %reduce_max3A_51 = vector.multi_reduction <maximumf>, %select_n3A, %reduce_max3A [0] : vector<1024x256xf32> to vector<256xf32>
    %broadcast_in_dim3A_52 = vector.shape_cast %reduce_max3A_51 : vector<256xf32> to vector<1x256xf32>
    %eq3A_53 = arith.constant 0 : i32
    %eq3A_54 = arith.cmpi eq, %arg0, %eq3A_53 : i32
    %convert_element_type3A = arith.extui %eq3A_54 : i1 to i32
    %cond3A = arith.constant 0 : i32
    %cond3A_55 = arith.cmpi ne, %convert_element_type3A, %cond3A : i32
    scf.if %cond3A_55 {
      %broadcast_in_dim3A_63 = arith.constant 0xFF800000 : f32
      %broadcast_in_dim3A_64 = vector.broadcast %broadcast_in_dim3A_63 : f32 to vector<1x256xf32>
      %swap3A_65 = arith.constant 0 : index
      %swap3A_66 = arith.constant 0 : index
      %swap3A_67 = vector.load %arg11[%swap3A_65, %swap3A_66] : memref<1x256xf32, #tpu.memory_space<vmem>>, vector<1x256xf32>
      tpu.vector_store %arg11[%swap3A_65, %swap3A_66], %broadcast_in_dim3A_64 {strides = array<i32>} : memref<1x256xf32, #tpu.memory_space<vmem>>, vector<1x256xf32>,
    } else {
    }
    %get3A_56 = arith.constant 0 : index
    %get3A_57 = arith.constant 0 : index
    %get3A_58 = vector.load %arg11[%get3A_56, %get3A_57] : memref<1x256xf32, #tpu.memory_space<vmem>>, vector<1x256xf32>
    %max3A_59 = arith.maximumf %get3A_58, %broadcast_in_dim3A_52 : vector<1x256xf32>
    %swap3A_60 = arith.constant 0 : index
    %swap3A_61 = arith.constant 0 : index
    %swap3A_62 = vector.load %arg11[%swap3A_60, %swap3A_61] : memref<1x256xf32, #tpu.memory_space<vmem>>, vector<1x256xf32>
    tpu.vector_store %arg11[%swap3A_60, %swap3A_61], %max3A_59 {strides = array<i32>} : memref<1x256xf32, #tpu.memory_space<vmem>>, vector<1x256xf32>,
    return
  }
  func.func @transform_0(%arg0: i32) -> (i32, i32, i32) {
    %c0_i32 = arith.constant 0 : i32
    %c0_i32_0 = arith.constant 0 : i32
    %c0_i32_1 = arith.constant 0 : i32
    return %c0_i32, %arg0, %c0_i32_0 : i32, i32, i32
  }
  func.func @transform_1(%arg0: i32) -> (i32, i32) {
    %c0_i32 = arith.constant 0 : i32
    %c0_i32_0 = arith.constant 0 : i32
    return %arg0, %c0_i32 : i32, i32
  }
  func.func @transform_2(%arg0: i32) -> (i32, i32) {
    %c0_i32 = arith.constant 0 : i32
    %c0_i32_0 = arith.constant 0 : i32
    %c0_i32_1 = arith.constant 0 : i32
    return %c0_i32, %c0_i32_0 : i32, i32
  }
  func.func @transform_3(%arg0: i32) -> (i32, i32) {
    %c0_i32 = arith.constant 0 : i32
    %c0_i32_0 = arith.constant 0 : i32
    %c0_i32_1 = arith.constant 0 : i32
    return %c0_i32, %c0_i32_0 : i32, i32
  }
  func.func @transform_4(%arg0: i32) -> (i32, i32) {
    %c0_i32 = arith.constant 0 : i32
    %c0_i32_0 = arith.constant 0 : i32
    %c0_i32_1 = arith.constant 0 : i32
    return %c0_i32, %c0_i32_0 : i32, i32
  }
  func.func @transform_5(%arg0: i32) -> (i32, i32) {
    %c0_i32 = arith.constant 0 : i32
    %c0_i32_0 = arith.constant 0 : i32
    %c0_i32_1 = arith.constant 0 : i32
    return %c0_i32, %c0_i32_0 : i32, i32
  }
  func.func @transform_6(%arg0: i32) -> (i32, i32) {
    %c0_i32 = arith.constant 0 : i32
    %c0_i32_0 = arith.constant 0 : i32
    %c0_i32_1 = arith.constant 0 : i32
    return %c0_i32, %c0_i32_0 : i32, i32
  }
  func.func @transform_7(%arg0: i32) -> (i32, i32) {
    %c0_i32 = arith.constant 0 : i32
    %c0_i32_0 = arith.constant 0 : i32
    return %arg0, %c0_i32 : i32, i32
  }
  func.func @transform_8(%arg0: i32) -> (i32, i32) {
    %c0_i32 = arith.constant 0 : i32
    %c0_i32_0 = arith.constant 0 : i32
    return %arg0, %c0_i32 : i32, i32
  }
  func.func @transform_9(%arg0: i32) -> (i32, i32) {
    %c0_i32 = arith.constant 0 : i32
    %c0_i32_0 = arith.constant 0 : i32
    return %arg0, %c0_i32 : i32, i32
  }
  func.func @transform_10(%arg0: i32) -> (i32, i32) {
    %c0_i32 = arith.constant 0 : i32
    %c0_i32_0 = arith.constant 0 : i32
    %c0_i32_1 = arith.constant 0 : i32
    return %c0_i32, %c0_i32_0 : i32, i32
  }
}

module attributes {stable_mosaic.version = 14 : i64} {
  func.func @body(%arg0: i32, %arg1: memref<1024x128xf32, #tpu.memory_space<vmem>>, %arg2: memref<1024x1xf32, #tpu.memory_space<vmem>>, %arg3: memref<1x256xf32, #tpu.memory_space<vmem>>, %arg4: memref<1024x1xi32, #tpu.memory_space<vmem>>, %arg5: memref<128x128xf32, #tpu.memory_space<vmem>>, %arg6: memref<1x128xf32, #tpu.memory_space<vmem>>, %arg7: memref<256x128xf32, #tpu.memory_space<vmem>>, %arg8: memref<128x128xf32, #tpu.memory_space<vmem>>, %arg9: memref<128x128xf32, #tpu.memory_space<vmem>>, %arg10: memref<1x128xf32, #tpu.memory_space<vmem>>, %arg11: memref<256x128xf32, #tpu.memory_space<vmem>>, %arg12: memref<256x1xf32, #tpu.memory_space<vmem>>, %arg13: memref<256x128xf32, #tpu.memory_space<vmem>>) attributes {dimension_semantics = [#tpu.dimension_semantics<arbitrary>], iteration_bounds = array<i64: 10>, scalar_prefetch = 0 : i64, scratch_operands = 0 : i64, tpu.core_type = #tpu.core_type<tc>, window_params = [{transform_indices = @transform_0, window_bounds = array<i64: 1024, 128>}, {transform_indices = @transform_1, window_bounds = array<i64: 1024, 1>}, {pipeline_mode = #tpu.pipeline_mode<synchronous>, transform_indices = @transform_2, window_bounds = array<i64: 1, 256>}, {transform_indices = @transform_3, window_bounds = array<i64: 1024, 1>}, {pipeline_mode = #tpu.pipeline_mode<synchronous>, transform_indices = @transform_4, window_bounds = array<i64: 128, 128>}, {pipeline_mode = #tpu.pipeline_mode<synchronous>, transform_indices = @transform_5, window_bounds = array<i64: 1, 128>}, {pipeline_mode = #tpu.pipeline_mode<synchronous>, transform_indices = @transform_6, window_bounds = array<i64: 256, 128>}, {pipeline_mode = #tpu.pipeline_mode<synchronous>, transform_indices = @transform_7, window_bounds = array<i64: 128, 128>}, {pipeline_mode = #tpu.pipeline_mode<synchronous>, transform_indices = @transform_8, window_bounds = array<i64: 128, 128>}, {pipeline_mode = #tpu.pipeline_mode<synchronous>, transform_indices = @transform_9, window_bounds = array<i64: 1, 128>}, {pipeline_mode = #tpu.pipeline_mode<synchronous>, transform_indices = @transform_10, window_bounds = array<i64: 256, 128>}, {pipeline_mode = #tpu.pipeline_mode<synchronous>, transform_indices = @transform_11, window_bounds = array<i64: 256, 1>}, {pipeline_mode = #tpu.pipeline_mode<synchronous>, transform_indices = @transform_12, window_bounds = array<i64: 256, 128>}]} {
    %get3A = arith.constant 0 : index
    %get3A_0 = arith.constant 0 : index
    %get3A_1 = vector.load %arg3[%get3A, %get3A_0] : memref<1x256xf32, #tpu.memory_space<vmem>>, vector<1x256xf32>
    %is_finite3A = tpu.weird %get3A_1 : vector<1x256xf32> -> vector<1x256xi1>
    %is_finite3A_2 = arith.constant dense<true> : vector<1x256xi1>
    %is_finite3A_3 = arith.xori %is_finite3A, %is_finite3A_2 : vector<1x256xi1>
    %jit3A = arith.constant 0.000000e+00 : f32
    %broadcast_in_dim3A = vector.broadcast %jit3A : f32 to vector<1x256xf32>
    %select_n3A = arith.select %is_finite3A_3, %get3A_1, %broadcast_in_dim3A : vector<1x256xi1>, vector<1x256xf32>
    %get3A_4 = arith.constant 0 : index
    %get3A_5 = arith.constant 0 : index
    %get3A_6 = vector.load %arg4[%get3A_4, %get3A_5] : memref<1024x1xi32, #tpu.memory_space<vmem>>, vector<1024x1xi32>
    %iota3A = tpu.iota {dimensions = array<i32: 1>} : vector<1024x256xi32>
    %eq3A = vector.broadcast %get3A_6 : vector<1024x1xi32> to vector<1024x256xi32>
    %eq3A_7 = arith.cmpi eq, %eq3A, %iota3A : vector<1024x256xi32>
    %convert_element_type3A = arith.extui %eq3A_7 : vector<1024x256xi1> to vector<1024x256xi32>
    %convert_element_type3A_8 = arith.sitofp %convert_element_type3A : vector<1024x256xi32> to vector<1024x256xf32>
    %jit3A_9 = arith.constant 0.000000e+00 : f32
    %broadcast_in_dim3A_10 = vector.shape_cast %select_n3A : vector<1x256xf32> to vector<1x256xf32>
    %broadcast_in_dim3A_11 = vector.broadcast %broadcast_in_dim3A_10 : vector<1x256xf32> to vector<1024x256xf32>
    %broadcast_in_dim3A_12 = vector.broadcast %jit3A_9 : f32 to vector<1024x256xf32>
    %select_n3A_13 = arith.select %eq3A_7, %broadcast_in_dim3A_11, %broadcast_in_dim3A_12 : vector<1024x256xi1>, vector<1024x256xf32>
    %reduce_sum3A = arith.constant dense<0.000000e+00> : vector<1024xf32>
    %reduce_sum3A_14 = vector.multi_reduction <add>, %select_n3A_13, %reduce_sum3A [1] : vector<1024x256xf32> to vector<1024xf32>
    %broadcast_in_dim3A_15 = vector.shape_cast %reduce_sum3A_14 : vector<1024xf32> to vector<1024x1xf32>
    %lt3A = arith.constant 256 : i32
    %lt3A_16 = vector.broadcast %lt3A : i32 to vector<1024x1xi32>
    %lt3A_17 = arith.cmpi slt, %get3A_6, %lt3A_16 : vector<1024x1xi32>
    %get3A_18 = arith.constant 0 : index
    %get3A_19 = arith.constant 0 : index
    %get3A_20 = vector.load %arg2[%get3A_18, %get3A_19] : memref<1024x1xf32, #tpu.memory_space<vmem>>, vector<1024x1xf32>
    %sub3A = arith.subf %get3A_20, %broadcast_in_dim3A_15 : vector<1024x1xf32>
    %exp3A = math.exp %sub3A : vector<1024x1xf32>
    %jit3A_21 = arith.constant 0.000000e+00 : f32
    %broadcast_in_dim3A_22 = vector.broadcast %jit3A_21 : f32 to vector<1024x1xf32>
    %select_n3A_23 = arith.select %lt3A_17, %exp3A, %broadcast_in_dim3A_22 : vector<1024x1xi1>, vector<1024x1xf32>
    %get3A_24 = arith.constant 0 : index
    %get3A_25 = arith.constant 0 : index
    %get3A_26 = vector.load %arg1[%get3A_24, %get3A_25] : memref<1024x128xf32, #tpu.memory_space<vmem>>, vector<1024x128xf32>
    %get3A_27 = arith.constant 0 : index
    %get3A_28 = arith.constant 0 : index
    %get3A_29 = vector.load %arg5[%get3A_27, %get3A_28] : memref<128x128xf32, #tpu.memory_space<vmem>>, vector<128x128xf32>
    %dot_general3A = arith.constant dense<0.000000e+00> : vector<1024x128xf32>
    %dot_general3A_30 = tpu.matmul %get3A_26, %get3A_29, %dot_general3A {dimension_numbers = #tpu.dot_dimension_numbers<[1], [0], [0], [1], [0, 0, 1, 1], [], []>, transpose_lhs_hint = false} : vector<1024x128xf32>, vector<128x128xf32>, vector<1024x128xf32> -> vector<1024x128xf32>
    %get3A_31 = arith.constant 0 : index
    %get3A_32 = arith.constant 0 : index
    %get3A_33 = vector.load %arg6[%get3A_31, %get3A_32] : memref<1x128xf32, #tpu.memory_space<vmem>>, vector<1x128xf32>
    %add3A = vector.broadcast %get3A_33 : vector<1x128xf32> to vector<1024x128xf32>
    %add3A_34 = arith.addf %dot_general3A_30, %add3A : vector<1024x128xf32>
    %mul3A = vector.broadcast %select_n3A_23 : vector<1024x1xf32> to vector<1024x128xf32>
    %mul3A_35 = arith.mulf %mul3A, %add3A_34 : vector<1024x128xf32>
    %dot_general3A_36 = arith.constant dense<0.000000e+00> : vector<256x128xf32>
    %dot_general3A_37 = tpu.matmul %convert_element_type3A_8, %mul3A_35, %dot_general3A_36 {dimension_numbers = #tpu.dot_dimension_numbers<[0], [0], [1], [1], [0, 1, 1, 1], [], []>, transpose_lhs_hint = false} : vector<1024x256xf32>, vector<1024x128xf32>, vector<256x128xf32> -> vector<256x128xf32>
    %dot_general3A_38 = arith.constant dense<0.000000e+00> : vector<256x1xf32>
    %dot_general3A_39 = tpu.matmul %convert_element_type3A_8, %select_n3A_23, %dot_general3A_38 {dimension_numbers = #tpu.dot_dimension_numbers<[0], [0], [1], [1], [0, 1, 1, 1], [], []>, transpose_lhs_hint = false} : vector<1024x256xf32>, vector<1024x1xf32>, vector<256x1xf32> -> vector<256x1xf32>
    %eq3A_40 = arith.constant 0 : i32
    %eq3A_41 = arith.cmpi eq, %arg0, %eq3A_40 : i32
    %convert_element_type3A_42 = arith.extui %eq3A_41 : i1 to i32
    %cond3A = arith.constant 0 : i32
    %cond3A_43 = arith.cmpi ne, %convert_element_type3A_42, %cond3A : i32
    scf.if %cond3A_43 {
      %broadcast_in_dim3A_62 = arith.constant 0.000000e+00 : f32
      %broadcast_in_dim3A_63 = vector.broadcast %broadcast_in_dim3A_62 : f32 to vector<256x128xf32>
      %swap3A_64 = arith.constant 0 : index
      %swap3A_65 = arith.constant 0 : index
      %swap3A_66 = vector.load %arg11[%swap3A_64, %swap3A_65] : memref<256x128xf32, #tpu.memory_space<vmem>>, vector<256x128xf32>
      tpu.vector_store %arg11[%swap3A_64, %swap3A_65], %broadcast_in_dim3A_63 {strides = array<i32>} : memref<256x128xf32, #tpu.memory_space<vmem>>, vector<256x128xf32>,
      %broadcast_in_dim3A_67 = arith.constant 0.000000e+00 : f32
      %broadcast_in_dim3A_68 = vector.broadcast %broadcast_in_dim3A_67 : f32 to vector<256x1xf32>
      %swap3A_69 = arith.constant 0 : index
      %swap3A_70 = arith.constant 0 : index
      %swap3A_71 = vector.load %arg12[%swap3A_69, %swap3A_70] : memref<256x1xf32, #tpu.memory_space<vmem>>, vector<256x1xf32>
      tpu.vector_store %arg12[%swap3A_69, %swap3A_70], %broadcast_in_dim3A_68 {strides = array<i32>} : memref<256x1xf32, #tpu.memory_space<vmem>>, vector<256x1xf32>,
    } else {
    }
    %get3A_44 = arith.constant 0 : index
    %get3A_45 = arith.constant 0 : index
    %get3A_46 = vector.load %arg11[%get3A_44, %get3A_45] : memref<256x128xf32, #tpu.memory_space<vmem>>, vector<256x128xf32>
    %add3A_47 = arith.addf %get3A_46, %dot_general3A_37 : vector<256x128xf32>
    %swap3A = arith.constant 0 : index
    %swap3A_48 = arith.constant 0 : index
    %swap3A_49 = vector.load %arg11[%swap3A, %swap3A_48] : memref<256x128xf32, #tpu.memory_space<vmem>>, vector<256x128xf32>
    tpu.vector_store %arg11[%swap3A, %swap3A_48], %add3A_47 {strides = array<i32>} : memref<256x128xf32, #tpu.memory_space<vmem>>, vector<256x128xf32>,
    %get3A_50 = arith.constant 0 : index
    %get3A_51 = arith.constant 0 : index
    %get3A_52 = vector.load %arg12[%get3A_50, %get3A_51] : memref<256x1xf32, #tpu.memory_space<vmem>>, vector<256x1xf32>
    %add3A_53 = arith.addf %get3A_52, %dot_general3A_39 : vector<256x1xf32>
    %swap3A_54 = arith.constant 0 : index
    %swap3A_55 = arith.constant 0 : index
    %swap3A_56 = vector.load %arg12[%swap3A_54, %swap3A_55] : memref<256x1xf32, #tpu.memory_space<vmem>>, vector<256x1xf32>
    tpu.vector_store %arg12[%swap3A_54, %swap3A_55], %add3A_53 {strides = array<i32>} : memref<256x1xf32, #tpu.memory_space<vmem>>, vector<256x1xf32>,
    %eq3A_57 = arith.constant 9 : i32
    %eq3A_58 = arith.cmpi eq, %arg0, %eq3A_57 : i32
    %convert_element_type3A_59 = arith.extui %eq3A_58 : i1 to i32
    %cond3A_60 = arith.constant 0 : i32
    %cond3A_61 = arith.cmpi ne, %convert_element_type3A_59, %cond3A_60 : i32
    scf.if %cond3A_61 {
      %get3A_62 = arith.constant 0 : index
      %get3A_63 = arith.constant 0 : index
      %get3A_64 = vector.load %arg11[%get3A_62, %get3A_63] : memref<256x128xf32, #tpu.memory_space<vmem>>, vector<256x128xf32>
      %get3A_65 = arith.constant 0 : index
      %get3A_66 = arith.constant 0 : index
      %get3A_67 = vector.load %arg12[%get3A_65, %get3A_66] : memref<256x1xf32, #tpu.memory_space<vmem>>, vector<256x1xf32>
      %add3A_68 = arith.constant 1.000000e-16 : f32
      %add3A_69 = vector.broadcast %add3A_68 : f32 to vector<256x1xf32>
      %add3A_70 = arith.addf %get3A_67, %add3A_69 : vector<256x1xf32>
      %div3A = vector.broadcast %add3A_70 : vector<256x1xf32> to vector<256x128xf32>
      %div3A_71 = arith.divf %get3A_64, %div3A : vector<256x128xf32>
      %get3A_72 = arith.constant 0 : index
      %get3A_73 = arith.constant 0 : index
      %get3A_74 = vector.load %arg8[%get3A_72, %get3A_73] : memref<128x128xf32, #tpu.memory_space<vmem>>, vector<128x128xf32>
      %dot_general3A_75 = arith.constant dense<0.000000e+00> : vector<256x128xf32>
      %dot_general3A_76 = tpu.matmul %div3A_71, %get3A_74, %dot_general3A_75 {dimension_numbers = #tpu.dot_dimension_numbers<[1], [0], [0], [1], [0, 0, 1, 1], [], []>, transpose_lhs_hint = false} : vector<256x128xf32>, vector<128x128xf32>, vector<256x128xf32> -> vector<256x128xf32>
      %get3A_77 = arith.constant 0 : index
      %get3A_78 = arith.constant 0 : index
      %get3A_79 = vector.load %arg10[%get3A_77, %get3A_78] : memref<1x128xf32, #tpu.memory_space<vmem>>, vector<1x128xf32>
      %add3A_80 = vector.broadcast %get3A_79 : vector<1x128xf32> to vector<256x128xf32>
      %add3A_81 = arith.addf %dot_general3A_76, %add3A_80 : vector<256x128xf32>
      %get3A_82 = arith.constant 0 : index
      %get3A_83 = arith.constant 0 : index
      %get3A_84 = vector.load %arg7[%get3A_82, %get3A_83] : memref<256x128xf32, #tpu.memory_space<vmem>>, vector<256x128xf32>
      %get3A_85 = arith.constant 0 : index
      %get3A_86 = arith.constant 0 : index
      %get3A_87 = vector.load %arg9[%get3A_85, %get3A_86] : memref<128x128xf32, #tpu.memory_space<vmem>>, vector<128x128xf32>
      %dot_general3A_88 = arith.constant dense<0.000000e+00> : vector<256x128xf32>
      %dot_general3A_89 = tpu.matmul %get3A_84, %get3A_87, %dot_general3A_88 {dimension_numbers = #tpu.dot_dimension_numbers<[1], [0], [0], [1], [0, 0, 1, 1], [], []>, transpose_lhs_hint = false} : vector<256x128xf32>, vector<128x128xf32>, vector<256x128xf32> -> vector<256x128xf32>
      %add3A_90 = arith.addf %add3A_81, %dot_general3A_89 : vector<256x128xf32>
      %max3A = arith.constant 0.000000e+00 : f32
      %max3A_91 = vector.broadcast %max3A : f32 to vector<256x128xf32>
      %max3A_92 = arith.maximumf %add3A_90, %max3A_91 : vector<256x128xf32>
      %add3A_93 = arith.addf %get3A_84, %max3A_92 : vector<256x128xf32>
      %swap3A_94 = arith.constant 0 : index
      %swap3A_95 = arith.constant 0 : index
      %swap3A_96 = vector.load %arg13[%swap3A_94, %swap3A_95] : memref<256x128xf32, #tpu.memory_space<vmem>>, vector<256x128xf32>
      tpu.vector_store %arg13[%swap3A_94, %swap3A_95], %add3A_93 {strides = array<i32>} : memref<256x128xf32, #tpu.memory_space<vmem>>, vector<256x128xf32>,
    } else {
    }
    return
  }
  func.func @transform_0(%arg0: i32) -> (i32, i32) {
    %c0_i32 = arith.constant 0 : i32
    %c0_i32_0 = arith.constant 0 : i32
    return %arg0, %c0_i32 : i32, i32
  }
  func.func @transform_1(%arg0: i32) -> (i32, i32) {
    %c0_i32 = arith.constant 0 : i32
    %c0_i32_0 = arith.constant 0 : i32
    return %arg0, %c0_i32 : i32, i32
  }
  func.func @transform_2(%arg0: i32) -> (i32, i32) {
    %c0_i32 = arith.constant 0 : i32
    %c0_i32_0 = arith.constant 0 : i32
    %c0_i32_1 = arith.constant 0 : i32
    return %c0_i32, %c0_i32_0 : i32, i32
  }
  func.func @transform_3(%arg0: i32) -> (i32, i32) {
    %c0_i32 = arith.constant 0 : i32
    %c0_i32_0 = arith.constant 0 : i32
    return %arg0, %c0_i32 : i32, i32
  }
  func.func @transform_4(%arg0: i32) -> (i32, i32) {
    %c0_i32 = arith.constant 0 : i32
    %c0_i32_0 = arith.constant 0 : i32
    %c0_i32_1 = arith.constant 0 : i32
    return %c0_i32, %c0_i32_0 : i32, i32
  }
  func.func @transform_5(%arg0: i32) -> (i32, i32) {
    %c0_i32 = arith.constant 0 : i32
    %c0_i32_0 = arith.constant 0 : i32
    %c0_i32_1 = arith.constant 0 : i32
    return %c0_i32, %c0_i32_0 : i32, i32
  }
  func.func @transform_6(%arg0: i32) -> (i32, i32) {
    %c0_i32 = arith.constant 0 : i32
    %c0_i32_0 = arith.constant 0 : i32
    %c0_i32_1 = arith.constant 0 : i32
    return %c0_i32, %c0_i32_0 : i32, i32
  }
  func.func @transform_7(%arg0: i32) -> (i32, i32) {
    %c0_i32 = arith.constant 0 : i32
    %c0_i32_0 = arith.constant 0 : i32
    %c0_i32_1 = arith.constant 0 : i32
    return %c0_i32, %c0_i32_0 : i32, i32
  }
  func.func @transform_8(%arg0: i32) -> (i32, i32) {
    %c0_i32 = arith.constant 0 : i32
    %c0_i32_0 = arith.constant 0 : i32
    %c0_i32_1 = arith.constant 0 : i32
    return %c0_i32, %c0_i32_0 : i32, i32
  }
  func.func @transform_9(%arg0: i32) -> (i32, i32) {
    %c0_i32 = arith.constant 0 : i32
    %c0_i32_0 = arith.constant 0 : i32
    %c0_i32_1 = arith.constant 0 : i32
    return %c0_i32, %c0_i32_0 : i32, i32
  }
  func.func @transform_10(%arg0: i32) -> (i32, i32) {
    %c0_i32 = arith.constant 0 : i32
    %c0_i32_0 = arith.constant 0 : i32
    %c0_i32_1 = arith.constant 0 : i32
    return %c0_i32, %c0_i32_0 : i32, i32
  }
  func.func @transform_11(%arg0: i32) -> (i32, i32) {
    %c0_i32 = arith.constant 0 : i32
    %c0_i32_0 = arith.constant 0 : i32
    %c0_i32_1 = arith.constant 0 : i32
    return %c0_i32, %c0_i32_0 : i32, i32
  }
  func.func @transform_12(%arg0: i32) -> (i32, i32) {
    %c0_i32 = arith.constant 0 : i32
    %c0_i32_0 = arith.constant 0 : i32
    %c0_i32_1 = arith.constant 0 : i32
    return %c0_i32, %c0_i32_0 : i32, i32
  }
}

</mosaic_0001>

<sc_bundles>
// kernel: kernel.12.cloned.1.call-start
scs
__scs_entry_jumppad:
0x0: {  	(pc) =	sbr.rel $0x88, $3  }
0x1: {  	(tag) =	ssettag $0x0;
	lr =	simm.s32 $0x1  }
0x2: {  	[smem:$0x3F89] =	sst lr;
	_ =	strace $0xD0000000  }
0x3: {  	_ = 	snop  }
0x4: {  	_ = 	snop  }
0x5: {  	_ = 	snop  }
0x6: {  	_ = 	snop  }
0x7: {  	_ = 	snop  }
__scs_overlays_trampoline_lowered:
0x8: {  	[smem:$0x3F98] =	sst s0  }
0x9: {  	[smem:$0x3F99] =	sst s1  }
0xa: {  	[smem:$0x3F9A] =	sst s2  }
0xb: {  	[smem:$0x3F9B] =	sst s3  }
0xc: {  	[smem:$0x3F9C] =	sst s4  }
0xd: {  	[smem:$0x3F9D] =	sst s5  }
0xe: {  	[smem:$0x3F9E] =	sst s6  }
0xf: {  	[smem:$0x3F9F] =	sst s7  }
0x10: {  	[smem:$0x3FA0] =	sst s8  }
0x11: {  	[smem:$0x3FA1] =	sst s9;
	s0 =	simm.s32 @!p0 $0x0  }
0x12: {  	s1 =	sld [smem:$0x3F87];
	s0 =	simm.s32 @p0 $0x1  }
0x13: {  	[smem:$0x3FA2] =	sst s0;
	s0 =	simm.s32 @!p1 $0x0  }
0x14: {  	s2 =	sld [smem:$0x3F86];
	s0 =	simm.s32 @p1 $0x1  }
0x15: {  	[smem:$0x3FA3] =	sst s0;
	s0 =	simm.s32 @!p2 $0x0  }
0x16: {  	s3 =	sld [smem:$0x3FDB];
	s0 =	simm.s32 @p2 $0x1  }
0x17: {  	s4 =	simm.s32 $0x1BF5;
	[smem:$0x3FA5] =	sst s0  }
0x18: {  	s0 =	sld [smem:$0x3F88];
	_ =	swait.ge [sflag:s4], $0x0  }
0x19: {  	s7 =	sld [smem:$0x3F89]  }
0x1a: {  	s8 =	sadd.s32 $0xFFFFE003, lr  }
0x1b: {  	s9 =	sadd.s32 $0xFFFFFEF7, lr;
	s5 =	simm.s32 $0xFFFFFFFF;
	p2 =	slt.u32 s8, $0xFFFFF086  }
0x1c: {  	p1 =	slt.u32 s9, $0xF7A;
	s5 =	simm.s32 @!p2 $0x0  }
0x1d: {  	s5 =	simm.s32 @p1 $0x1;
	p0 =	seq.s32 s7, s2  }
0x1e: {  	s7 =	smul.u32 @!p0 $0xF7A, s2;
	p2 =	seq.s32 @!p0 s5, $0x0  }
0x1f: {  	s9 =	smul.u32 $0xF7A, s1;
	s8 =	simm.s32 @!p0 $0x1BF5;
	p2 =	por !p2, p0  }
0x20: {  	[sflag:s8] =	ssyncset.s32 @!p0 $0xFFFFF086;
	s6 =	sadd.s32 @!p0 s3, s7;
	s7 =	simm.s32 @!p0 $0x108  }
0x21: {  	s3 =	sadd.s32 s3, s9;
	s6 =	sadd.s32 @!p0 $0x88, s6;
	s7 =	simm.s32 @p2 $0x1082  }
0x22: {  	[simem:s7], [sflag:s8] =	dma.local @!p0 [hbm:s6], $0xF7A  }
0x23: {  	s9 =	sor.u32 $0xD0000000, s2;
	s6 =	simm.s32 $0x108;
	_ =	swait.ge @!p0 [sflag:s8], $0x0  }
0x24: {  	s3 =	sadd.s32 $0x88, s3;
	s6 =	simm.s32 @!p1 $0x1082;
	[sflag:s4] =	ssyncset.s32 $0xFFFFF086  }
0x25: {  	[simem:s6], [sflag:s4] =	dma.local [hbm:s3], $0xF7A  }
0x26: {  	[smem:$0x3F89] =	sst s1;
	(tag) =	ssettag s2;
	_ =	strace s9  }
0x27: {  	s1 =	sld [smem:$0x3F99]  }
0x28: {  	s2 =	sld [smem:$0x3F9A]  }
0x29: {  	s4 =	sld [smem:$0x3F9C]  }
0x2a: {  	p0 =	seq.s32 s5, $0x0;
	s5 =	sld [smem:$0x3F9D]  }
0x2b: {  	s6 =	sld [smem:$0x3F9E]  }
0x2c: {  	s7 =	sld [smem:$0x3F9F]  }
0x2d: {  	s3 =	simm.s32 $0x108;
	s8 =	sld [smem:$0x3FA0]  }
0x2e: {  	s3 =	simm.s32 @!p0 $0x1082;
	s9 =	sld [smem:$0x3FA1]  }
0x2f: {  	lr =	sadd.s32 s0, s3;
	s0 =	sld [smem:$0x3F98]  }
0x30: {  	s3 =	sld [smem:$0x3F9B]  }
0x31: {  	[smem:$0x3FA4] =	sst s10  }
0x32: {  	s10 =	sld [smem:$0x3FA2];
	_ =	sdelay $0x3  }
0x33: {  	p0 =	seq.s32 s10, $0x1;
	s10 =	sld [smem:$0x3FA4];
	_ =	sdelay $0x3  }
0x34: {  	[smem:$0x3FA4] =	sst s10  }
0x35: {  	s10 =	sld [smem:$0x3FA3];
	_ =	sdelay $0x3  }
0x36: {  	p1 =	seq.s32 s10, $0x1;
	s10 =	sld [smem:$0x3FA4];
	_ =	sdelay $0x3  }
0x37: {  	[smem:$0x3FA4] =	sst s10  }
0x38: {  	s10 =	sld [smem:$0x3FA5]  }
0x39: {  	_ = 	snop;
	(pc) =	sbr.ind lr, $3  }
0x3a: {  	_ = 	snop  }
0x3b: {  	_ = 	snop  }
0x3c: {  	p2 =	seq.s32 s10, $0x1;
	s10 =	sld [smem:$0x3FA4]  }
0x3d: {  	_ =	shalt  }
0x3e: {  	_ =	shalt  }
0x3f: {  	_ =	shalt  }
0x40: {  	_ =	shalt  }
0x41: {  	_ =	shalt  }
0x42: {  	_ =	shalt  }
0x43: {  	_ =	shalt  }
0x44: {  	_ =	shalt  }
0x45: {  	_ =	shalt  }
0x46: {  	_ =	shalt  }
0x47: {  	_ =	shalt  }
0x48: {  	_ =	shalt  }
0x49: {  	_ =	shalt  }
0x4a: {  	_ =	shalt  }
0x4b: {  	_ =	shalt  }
0x4c: {  	_ =	shalt  }
0x4d: {  	_ =	shalt  }
0x4e: {  	_ =	shalt  }
0x4f: {  	_ =	shalt  }
0x50: {  	_ =	shalt  }
0x51: {  	_ =	shalt  }
0x52: {  	_ =	shalt  }
0x53: {  	_ =	shalt  }
0x54: {  	_ =	shalt  }
0x55: {  	_ =	shalt  }
0x56: {  	_ =	shalt  }
0x57: {  	_ =	shalt  }
0x58: {  	_ =	shalt  }
0x59: {  	_ =	shalt  }
0x5a: {  	_ =	shalt  }
0x5b: {  	_ =	shalt  }
0x5c: {  	_ =	shalt  }
0x5d: {  	_ =	shalt  }
0x5e: {  	_ =	shalt  }
0x5f: {  	_ =	shalt  }
0x60: {  	_ =	shalt  }
0x61: {  	_ =	shalt  }
0x62: {  	_ =	shalt  }
0x63: {  	_ =	shalt  }
0x64: {  	_ =	shalt  }
0x65: {  	_ =	shalt  }
0x66: {  	_ =	shalt  }
0x67: {  	_ =	shalt  }
0x68: {  	_ =	shalt  }
0x69: {  	_ =	shalt  }
0x6a: {  	_ =	shalt  }
0x6b: {  	_ =	shalt  }
0x6c: {  	_ =	shalt  }
0x6d: {  	_ =	shalt  }
0x6e: {  	_ =	shalt  }
0x6f: {  	_ =	shalt  }
0x70: {  	_ =	shalt  }
0x71: {  	_ =	shalt  }
0x72: {  	_ =	shalt  }
0x73: {  	_ =	shalt  }
0x74: {  	_ =	shalt  }
0x75: {  	_ =	shalt  }
0x76: {  	_ =	shalt  }
0x77: {  	_ =	shalt  }
0x78: {  	_ =	shalt  }
0x79: {  	_ =	shalt  }
0x7a: {  	_ =	shalt  }
0x7b: {  	_ =	shalt  }
0x7c: {  	_ =	shalt  }
0x7d: {  	_ =	shalt  }
0x7e: {  	_ =	shalt  }
0x7f: {  	_ =	shalt  }
0x80: {  	_ =	shalt  }
0x81: {  	_ =	shalt  }
0x82: {  	_ =	shalt  }
0x83: {  	_ =	shalt  }
0x84: {  	_ =	shalt  }
0x85: {  	_ =	shalt  }
0x86: {  	_ =	shalt  }
0x87: {  	_ =	shalt  }
.Lfunc_end0:
.L_simem_size_0:
called_computation.1_lowered:
.L_overlay_start_0:
0x88: {  	s2 =	sld [smem:$0x3FD9]  }
0x89: {  	s3 =	sld [smem:$0x3FFE];
	_ =	sdelay $0x1  }
0x8a: {  	s1 =	srdreg.scid  }
0x8b: {  	s0 =	sand.u32 $0x1, s1  }
0x8c: {  	s14 =	sshll.u32 s0, $0xA;
	s2 =	sadd.s32 s3, s2  }
0x8d: {  	s2 =	sadd.s32 s2, s14  }
0x8e: {  	[smem:$0x3FB0] =	sst s2  }
0x8f: {  	_ = 	snop  }
0x90: {  	s2 =	sld [smem:$0x3FD0];
	_ =	sdelay $0x2  }
0x91: {  	s15 =	simm.s32 $0xA;
	s4 =	simm.s32 $0x10  }
0x92: {  	[smem:s4], [sflag:s15] =	dma.local [hbm:s2], $0x1  }
0x93: {  	_ =	swait.eq [sflag:s15], $0x1  }
0x94: {  	[sflag:s15] =	ssyncset.done $0x0  }
0x95: {  	[sflag:s15] =	ssyncadd.s32 $0xFFFFFFFF  }
0x96: {  	s16 =	sld [smem:$0x10];
	(tm) =	ssettm $0x1  }
0x97: {  	s17 =	sld [smem:$0x3FFB];
	_ =	sdelay $0x3  }
0x98: {  	_ =	strace s17  }
0x99: {  	s3 =	sld [smem:$0x3FFC];
	_ =	sdelay $0x3  }
0x9a: {  	_ =	strace s3  }
0x9b: {  	s3 =	sld [smem:$0x3FFD];
	_ =	sdelay $0x3  }
0x9c: {  	_ =	strace s3  }
0x9d: {  	_ =	strace $0x8FFFFFFF  }
0x9e: {  	s18 =	sld [smem:$0x3FDB];
	_ =	sdelay $0x1  }
0x9f: {  	s19 =	simm.s32 $_scs_section_size  }
0xa0: {  	s5 =	simm.s32 $_size__tile_overlayer_lowered;
	s6 =	simm.s32 $_tile_overlayer_lowered  }
0xa1: {  	s22 =	simm.s32 $0x1BFF;
	s21 =	sshll.u32 s6, $0x1;
	s3 =	sadd.s32 s19, s18  }
0xa2: {  	s7 =	simm.s32 $0x0;
	s20 =	sshll.u32 s5, $0x1;
	s5 =	sadd.s32 s21, s3  }
0xa3: {  	[timem:s7], [sflag:s22] =	dma.local [hbm:s5], s20  }
0xa4: {  	_ =	swait.ge [sflag:s22], s20  }
0xa5: {  	s4 =	ssub.s32 $0x0, s20;
	[sflag:s22] =	ssyncset.done $0x0  }
0xa6: {  	[sflag:s22] =	ssyncadd.s32 s4;
	_ =	sdelay $0x1  }
0xa7: {  	s23 =	simm.s32 $0x1B8B  }
0xa8: {  	_ =	swait.ge [sflag:s23], $0x1  }
0xa9: {  	[sflag:s23] =	ssyncset.done $0x0  }
0xaa: {  	s25 =	simm.s32 $0x1B8E;
	s24 =	sld [smem:$0x3FFE];
	[sflag:s23] =	ssyncadd.s32 $0xFFFFFFFF  }
0xab: {  	s26 =	simm.s32 $execute0_lowered;
	[smem:$0x3FD2] =	sst s25  }
0xac: {  	s5 =	sshll.u32 s26, $0x1;
	_ =	strace $0x80000049;
	[dreg:$0x1] =	wrdreg $0xFFFFFFFF  }
0xad: {  	s28 =	simm.s32 $_size_execute0_lowered;
	s3 =	sadd.s32 s3, s5;
	[dreg:$0x0] =	wrdreg $0x0  }
0xae: {  	s5 =	sshll.u32 s28, $0x1;
	[dreg:$0x2] =	wrdreg s3  }
0xaf: {  	[dreg:$0x3] =	wrdreg s5  }
0xb0: {  	[dreg:$0x4] =	wrdreg $0xC0  }
0xb1: {  	_ =	task [dreg:s7], $0x5FFFF  }
0xb2: {  	[dreg:$0x1] =	wrdreg $0xFFFFFFFF  }
0xb3: {  	[dreg:$0x0] =	wrdreg $0x60  }
0xb4: {  	[dreg:$0x2] =	wrdreg s16  }
0xb5: {  	[dreg:$0x3] =	wrdreg s24  }
0xb6: {  	[dreg:$0x4] =	wrdreg $0x0  }
0xb7: {  	[dreg:$0x5] =	wrdreg $0x9  }
0xb8: {  	_ =	task.clear_ibuf [dreg:s7], $0x6FFFF;
	_ =	strace $0x90000049  }
0xb9: {  	s29 =	simm.s32 $0x9;
	_ =	strace $0x8000004B  }
0xba: {  	_ =	swait.ge [sflag:s29], $0x1  }
0xbb: {  	[sflag:s29] =	ssyncadd.s32 $0xFFFFFFFF  }
0xbc: {  	_ =	strace $0x9000004B  }
0xbd: {  	_ =	sfence  }
0xbe: {  	s30 =	sld [smem:$0x0];
	_ =	sdelay $0x2  }
0xbf: {  	s31 =	sshll.u32 s1, $0xD;
	s1 =	sshrl.u32 s1, $0x2  }
0xc0: {  	s3 =	sand.u32 $0x4000, s31;
	s1 =	sadd.s32 s1, s30  }
0xc1: {  	s0 =	sor.u32 s3, s0;
	s1 =	sshll.u32 s1, $0x11  }
0xc2: {  	s0 =	sor.u32 s1, s0  }
0xc3: {  	s0 =	sadd.s32 $0x8F2B, s0  }
0xc4: {  	[sflag:s0] =	ssyncadd.remote.s32 $0x1  }
0xc5: {  	_ =	sfence.sel $0xFFFF  }
0xc6: {  	[dreg:$0x0] =	wrdreg $0xFFFFFFFF;
	(pc) =	sbr.abs _section_cstart, $3  }
0xc7: {  	[dreg:$0x1] =	wrdreg $0xFFFFFFFF  }
0xc8: {  	_ =	task.clear_ibuf [dreg:s7], $0x2FFFF;
	_ =	strace $0x9FFFFFFF  }
0xc9: {  	(tm) =	ssettm $0x7FFFFFFF  }
tec
execute0_lowered:
.L_overlay_start_1:
0x0: {  	(tag) =	ssettag $0x1  }
0x1: {  	s1 =	rddreg [dreg:$0x0]  }
0x2: {  	s0 =	rddreg [dreg:$0x1]  }
0x3: {  	s2 =	rddreg [dreg:$0x2]  }
0x4: {  	s3 =	srdreg.scid;
	s20 =	simm.s32 $0x0;
	s4 =	stileid.u32  }
0x5: {  	s28 =	simm.s32 $0x9;
	s30 =	simm.s32 $0x14080;
	s29 =	simm.s32 $0x2  }
0x6: {  	s31 =	simm.s32 $0x1BB00;
	s3 =	sand.u32 $0x1, s3;
	s10 =	smul.u32 $0x14000, s4  }
0x7: {  	[smem:$0x7FF] =	sst s20;
	s5 =	sadd.s32 $0x4400, s0;
	s11 =	smul.u32 $0x1180, s4  }
0x8: {  	s6 =	sadd.s32 $0xE400, s0;
	s7 =	sadd.s32 $0x5EE00, s0;
	s12 =	smul.u32 $0x50000, s4  }
0x9: {  	s8 =	sadd.s32 $0xEC00, s0;
	s9 =	smul.u32 $0x140000, s3;
	_ =	strace $0x8000004A  }
0xa: {  	s26 =	ssub.s32 $0x2, s3;
	p0 =	seq.s32 s3, $0x0;
	s3 =	smul.u32 $0x3E80, s4  }
0xb: {  	s13 =	sshrl.u32 s26, $0x1;
	s11 =	sadd.s32 $0x3E800, s11;
	s12 =	sshrl.u32 s12, $0x2  }
0xc: {  	s9 =	sadd.s32 s10, s9;
	s10 =	ssub.s32 s26, s13;
	s24 =	sadd.s32 s12, s2  }
0xd: {  	s11 =	smov.u32 @p0 s3;
	s14 =	sadd.s32 $0x2800, s24;
	[dreg:$0x5] =	wrdreg s24  }
0xe: {  	s12 =	simm.s32 $0x19200;
	s15 =	sadd.s32 $0x5000, s24;
	[dreg:$0x6] =	wrdreg s14  }
0xf: {  	s13 =	simm.s32 $0x1BA80;
	s16 =	sadd.s32 $0x7800, s24;
	[dreg:$0x7] =	wrdreg s15  }
0x10: {  	s9 =	sshrl.u32 s9, $0x3;
	s17 =	sadd.s32 $0xA000, s24;
	[dreg:$0x8] =	wrdreg s16  }
0x11: {  	s18 =	sadd.s32 $0xC800, s24;
	s19 =	sshrl.u32 s11, $0x3;
	[dreg:$0x9] =	wrdreg s17  }
0x12: {  	s21 =	sadd.s32 $0xF000, s24;
	s22 =	sadd.s32 $0x11800, s24;
	[dreg:$0xa] =	wrdreg s18  }
0x13: {  	s26 =	smax.u32 s10, $0x1;
	s0 =	sadd.s32 s9, s0;
	[dreg:$0xb] =	wrdreg s21  }
0x14: {  	s9 =	simm.s32 $0x64;
	[dreg:$0xc] =	wrdreg s22;
	s23 =	sadd.s32 s1, s19  }
0x15: {  	s25 =	sadd.s32 s5, s19;
	s3 =	sadd.s32 s7, s19;
	s21 =	sor.u32 $0x50, s11  }
0x16: {  	[dreg:$0x11] =	wrdreg s26;
	s26 =	simm.s32 $0x14100;
	s14 =	simm.s32 $0x4  }
0x17: {  	s15 =	simm.s32 $0x5;
	s16 =	simm.s32 $0x19280;
	[dreg:$0xd] =	wrdreg s23  }
0x18: {  	s17 =	simm.s32 $0x3;
	s18 =	simm.s32 $0x6;
	[dreg:$0xe] =	wrdreg s25  }
0x19: {  	s19 =	simm.s32 $0x8;
	s9 =	simm.s32 @!p0 $0x1C;
	[dreg:$0xf] =	wrdreg s3  }
0x1a: {  	s23 =	sadd.s32 $0xA0, s11;
	s0 =	sadd.s32 $0x68E00, s0;
	s3 =	simm.s32 $0x50  }
0x1b: {  	v0 =	vimm.f32 $0.0e+00;
	s11 =	simm.s32 $0x19180;
	s22 =	sadd.s32 $0xFFFFFFFF, s9;
	[dreg:$0x10] =	wrdreg s0  }
.LBB2_1:
0x1c: {  	[dreg:$0x4] =	wrdreg s20;
	s0 =	simm.s32 $0x0;
	s10 =	simm.s32 $0x200  }
.LBB2_2:
0x1d: {  	p0 =	sne.s32 s10, $0x9E00;
	[tilespmem:s0+$0x14170] =	vst v0  }
0x1e: {  	[tilespmem:s0+$0x14100] =	vst v0  }
0x1f: {  	[tilespmem:s0+$0x14110] =	vst v0  }
.Ltmp0:
0x20: {  	[tilespmem:s0+$0x14120] =	vst v0;
	(pc) =	sbr.rel @p0 .LBB2_2-.Ltmp0, $4  }
0x21: {  	[tilespmem:s0+$0x14130] =	vst v0  }
0x22: {  	[tilespmem:s0+$0x14140] =	vst v0  }
0x23: {  	[tilespmem:s0+$0x14150] =	vst v0  }
0x24: {  	[tilespmem:s0+$0x14160] =	vst v0;
	s0 =	sshra.s32 s10, $0x2;
	s10 =	sadd.s32 $0x200, s10  }
0x25: {  	[tilespmem:s0+$0x14170] =	vst v0  }
0x26: {  	[tilespmem:s0+$0x14100] =	vst v0  }
0x27: {  	[tilespmem:s0+$0x14110] =	vst v0  }
0x28: {  	[tilespmem:s0+$0x14120] =	vst v0  }
0x29: {  	[tilespmem:s0+$0x14130] =	vst v0  }
0x2a: {  	[tilespmem:s0+$0x14140] =	vst v0  }
0x2b: {  	[tilespmem:s0+$0x14150] =	vst v0  }
0x2c: {  	[tilespmem:s0+$0x14160] =	vst v0  }
0x2d: {  	[spmem:s24] =	stream.linear.scatter [tilespmem:s26], [sflag:$0x9], $0x2800, $0x38;
	[tilespmem:$0x1E300] =	vst v63  }
0x2e: {  	_ =	swait.ge [sflag:s28], $0x2800  }
0x2f: {  	[sflag:s28] =	ssyncset.done $0x0  }
0x30: {  	s25 =	rddreg [dreg:$0x6];
	[sflag:s28] =	ssyncadd.s32 $0xFFFFD800  }
0x31: {  	[spmem:s25] =	stream.linear.scatter [tilespmem:s26], [sflag:$0x9], $0x2800, $0x38;
	[tilespmem:$0x1E300] =	vst v63  }
0x32: {  	_ =	swait.ge [sflag:s28], $0x2800  }
0x33: {  	[sflag:s28] =	ssyncset.done $0x0  }
0x34: {  	s4 =	rddreg [dreg:$0x7];
	[sflag:s28] =	ssyncadd.s32 $0xFFFFD800  }
0x35: {  	[spmem:s4] =	stream.linear.scatter [tilespmem:s26], [sflag:$0x9], $0x2800, $0x38;
	[tilespmem:$0x1E300] =	vst v63  }
0x36: {  	_ =	swait.ge [sflag:s28], $0x2800  }
0x37: {  	[sflag:s28] =	ssyncset.done $0x0  }
0x38: {  	s10 =	rddreg [dreg:$0x8];
	[sflag:s28] =	ssyncadd.s32 $0xFFFFD800  }
0x39: {  	[spmem:s10] =	stream.linear.scatter [tilespmem:s26], [sflag:$0x9], $0x2800, $0x38;
	[tilespmem:$0x1E300] =	vst v63  }
0x3a: {  	_ =	swait.ge [sflag:s28], $0x2800  }
0x3b: {  	[sflag:s28] =	ssyncset.done $0x0  }
0x3c: {  	s20 =	rddreg [dreg:$0x9];
	[sflag:s28] =	ssyncadd.s32 $0xFFFFD800  }
0x3d: {  	[spmem:s20] =	stream.linear.scatter [tilespmem:s26], [sflag:$0x9], $0x2800, $0x38;
	[tilespmem:$0x1E300] =	vst v63  }
0x3e: {  	_ =	swait.ge [sflag:s28], $0x2800  }
0x3f: {  	[sflag:s28] =	ssyncset.done $0x0  }
0x40: {  	s24 =	rddreg [dreg:$0xa];
	[sflag:s28] =	ssyncadd.s32 $0xFFFFD800  }
0x41: {  	[spmem:s24] =	stream.linear.scatter [tilespmem:s26], [sflag:$0x9], $0x2800, $0x38;
	[tilespmem:$0x1E300] =	vst v63  }
0x42: {  	_ =	swait.ge [sflag:s28], $0x2800  }
0x43: {  	[sflag:s28] =	ssyncset.done $0x0  }
0x44: {  	s25 =	rddreg [dreg:$0xb];
	[sflag:s28] =	ssyncadd.s32 $0xFFFFD800  }
0x45: {  	[spmem:s25] =	stream.linear.scatter [tilespmem:s26], [sflag:$0x9], $0x2800, $0x38;
	[tilespmem:$0x1E300] =	vst v63  }
0x46: {  	_ =	swait.ge [sflag:s28], $0x2800  }
0x47: {  	[sflag:s28] =	ssyncset.done $0x0  }
0x48: {  	s4 =	rddreg [dreg:$0xc];
	[sflag:s28] =	ssyncadd.s32 $0xFFFFD800  }
0x49: {  	[spmem:s4] =	stream.linear.scatter [tilespmem:s26], [sflag:$0x9], $0x2800, $0x38;
	[tilespmem:$0x1E300] =	vst v63  }
0x4a: {  	_ =	swait.ge [sflag:s28], $0x2800  }
0x4b: {  	[sflag:s28] =	ssyncset.done $0x0  }
0x4c: {  	[sflag:s28] =	ssyncadd.s32 $0xFFFFD800  }
0x4d: {  	[bflag:$0x0] =	sbarrier.arrive $0xFFFF  }
0x4e: {  	s24 =	simm.s32 $0x0;
	s4 =	simm.s32 $0x14000;
	s10 =	rddreg [dreg:$0xd]  }
0x4f: {  	[tilespmem:s4], [sflag:$0x1] =	stream.linear.gather [hbm4b:s10+s24], $0x50, $0x38;
	[tilespmem:$0x1E300] =	vst v63  }
0x50: {  	s20 =	rddreg [dreg:$0xe]  }
0x51: {  	[tilespmem:s30], [sflag:$0x1] =	stream.linear.gather [hbm4b:s20+s24], $0x50, $0x38;
	[tilespmem:$0x1E300] =	vst v63  }
0x52: {  	s25 =	rddreg [dreg:$0xf];
	s10 =	simm.s32 $0x16900;
	s20 =	simm.s32 $0x1  }
0x53: {  	[tilespmem:s10], [sflag:$0x1] =	stream.linear.gather [hbm4b:s25+s24], $0x50, $0x38;
	[tilespmem:$0x1E300] =	vst v63  }
0x54: {  	_ =	swait.ge [sflag:s20], $0x50  }
0x55: {  	[sflag:s20] =	ssyncset.done $0x0  }
0x56: {  	[sflag:s20] =	ssyncadd.s32 $0xFFFFFFB0  }
0x57: {  	_ =	swait.ge [sflag:s20], $0x50  }
0x58: {  	[sflag:s20] =	ssyncset.done $0x0  }
0x59: {  	[sflag:s20] =	ssyncadd.s32 $0xFFFFFFB0  }
0x5a: {  	_ =	swait.ge [sflag:s20], $0x50  }
0x5b: {  	[sflag:s20] =	ssyncset.done $0x0  }
0x5c: {  	s25 =	simm.s32 $0x16980;
	[sflag:s20] =	ssyncadd.s32 $0xFFFFFFB0  }
0x5d: {  	[tilespmem:s25], [sflag:$0x4] =	stream.indirect.gather [hbm4b:s8+s3], $0x80, s10, s3, $0xb8;
	[tilespmem:$0x1E300] =	vst v63  }
0x5e: {  	s25 =	simm.s32 $0x0  }
0x5f: {  	[tilespmem:s26], [sflag:$0x2] =	stream.indirect.gather [hbm4b:s6+s3], $0x80, s4, s3, $0xb8;
	[tilespmem:$0x1E300] =	vst v63  }
.LBB2_4:
0x60: {  	s20 =	smul.u32 $0xA0, s25;
	p0 =	seq.s32 s25, $0x0  }
0x61: {  	s0 =	simm.s32 @!p0 $0x7  }
0x62: {  	s10 =	sadd.s32 s20, s21;
	_ =	swait.ge @!p0 [sflag:s0], $0x2800  }
0x63: {  	[sflag:s0] =	ssyncset.done @!p0 $0x0;
	s10 =	sshrl.u32 s10, $0x3  }
0x64: {  	[sflag:s0] =	ssyncadd.s32 @!p0 $0xFFFFD800;
	s4 =	sadd.s32 s1, s10  }
0x65: {  	[tilespmem:s11], [sflag:$0x5] =	stream.linear.gather [hbm4b:s4+s24], $0x50, $0x38;
	[tilespmem:$0x1E300] =	vst v63  }
0x66: {  	s4 =	sadd.s32 s5, s10  }
0x67: {  	[tilespmem:s12], [sflag:$0x5] =	stream.linear.gather [hbm4b:s4+s24], $0x50, $0x38;
	[tilespmem:$0x1E300] =	vst v63  }
0x68: {  	s10 =	sadd.s32 s7, s10  }
0x69: {  	[tilespmem:s13], [sflag:$0x5] =	stream.linear.gather [hbm4b:s10+s24], $0x50, $0x38;
	[tilespmem:$0x1E300] =	vst v63  }
0x6a: {  	_ =	swait.ge [sflag:s29], $0x2800  }
0x6b: {  	[sflag:s29] =	ssyncset.done $0x0  }
0x6c: {  	[sflag:s29] =	ssyncadd.s32 $0xFFFFD800  }
0x6d: {  	_ =	swait.ge [sflag:s14], $0x2800  }
0x6e: {  	[sflag:s14] =	ssyncset.done $0x0  }
0x6f: {  	s10 =	simm.s32 $0x0;
	[sflag:s14] =	ssyncadd.s32 $0xFFFFD800  }
0x70: {  	v7 =	vld [tilespmem:s10+$0x16980]  }
0x71: {  	v8 =	vld [tilespmem:s10+$0x16990]  }
0x72: {  	v9 =	vld [tilespmem:s10+$0x169A0]  }
0x73: {  	v10 =	vld [tilespmem:s10+$0x169B0]  }
0x74: {  	v11 =	vld [tilespmem:s10+$0x169C0]  }
0x75: {  	v12 =	vld [tilespmem:s10+$0x169D0]  }
0x76: {  	v13 =	vld [tilespmem:s10+$0x169E0]  }
0x77: {  	v14 =	vld [tilespmem:s10+$0x169F0]  }
0x78: {  	v15 =	vld [tilespmem:s10+$0x16A00]  }
0x79: {  	v16 =	vld [tilespmem:s10+$0x16A10]  }
0x7a: {  	v17 =	vld [tilespmem:s10+$0x16A20]  }
0x7b: {  	v18 =	vld [tilespmem:s10+$0x16A30]  }
0x7c: {  	v19 =	vld [tilespmem:s10+$0x16A40]  }
0x7d: {  	v20 =	vld [tilespmem:s10+$0x16A50]  }
0x7e: {  	v21 =	vld [tilespmem:s10+$0x16A60]  }
0x7f: {  	v22 =	vld [tilespmem:s10+$0x16A70]  }
0x80: {  	v23 =	vld [tilespmem:s10+$0x16A80]  }
0x81: {  	v24 =	vld [tilespmem:s10+$0x16A90]  }
0x82: {  	v25 =	vld [tilespmem:s10+$0x16AA0]  }
0x83: {  	v26 =	vld [tilespmem:s10+$0x16AB0]  }
0x84: {  	v27 =	vld [tilespmem:s10+$0x16AC0]  }
0x85: {  	v33 =	vld [tilespmem:s10+$0x14100]  }
0x86: {  	v28 =	vld [tilespmem:s10+$0x16AD0]  }
0x87: {  	v34 =	vld [tilespmem:s10+$0x14110]  }
0x88: {  	v35 =	vld [tilespmem:s10+$0x14120]  }
0x89: {  	v29 =	vld [tilespmem:s10+$0x16AE0]  }
0x8a: {  	v36 =	vld [tilespmem:s10+$0x14130];
	v7 =	vadd.f32 v7, v33  }
0x8b: {  	v37 =	vld [tilespmem:s10+$0x14140]  }
0x8c: {  	v30 =	vld [tilespmem:s10+$0x16AF0];
	v8 =	vadd.f32 v8, v34;
	v7 =	vmax.f32 v7, $0.0e+00  }
0x8d: {  	v61 =	vld [tilespmem:s10+$0x14150];
	[tilespmem:s10+$0x14100] =	vst v7;
	v7 =	vadd.f32 v9, v35  }
0x8e: {  	v38 =	vld [tilespmem:s10+$0x14160];
	v8 =	vmax.f32 v8, $0.0e+00  }
0x8f: {  	v31 =	vld [tilespmem:s10+$0x16B00];
	[tilespmem:s10+$0x14110] =	vst v8;
	v8 =	vadd.f32 v10, v36;
	v7 =	vmax.f32 v7, $0.0e+00  }
0x90: {  	v62 =	vld [tilespmem:s10+$0x14170];
	[tilespmem:s10+$0x14120] =	vst v7;
	v7 =	vadd.f32 v11, v37  }
0x91: {  	v9 =	vld [tilespmem:s10+$0x14180];
	v8 =	vmax.f32 v8, $0.0e+00  }
0x92: {  	v32 =	vld [tilespmem:s10+$0x16B10];
	[tilespmem:s10+$0x14130] =	vst v8;
	v8 =	vadd.f32 v12, v61;
	v7 =	vmax.f32 v7, $0.0e+00  }
0x93: {  	v10 =	vld [tilespmem:s10+$0x14190];
	[tilespmem:s10+$0x14140] =	vst v7;
	v7 =	vadd.f32 v13, v38  }
0x94: {  	v11 =	vld [tilespmem:s10+$0x141A0];
	v8 =	vmax.f32 v8, $0.0e+00  }
0x95: {  	v6 =	vld [tilespmem:s10+$0x16B20];
	[tilespmem:s10+$0x14150] =	vst v8;
	v8 =	vadd.f32 v14, v62;
	v7 =	vmax.f32 v7, $0.0e+00  }
0x96: {  	v12 =	vld [tilespmem:s10+$0x141B0];
	[tilespmem:s10+$0x14160] =	vst v7;
	v7 =	vadd.f32 v15, v9  }
0x97: {  	v13 =	vld [tilespmem:s10+$0x141C0];
	v8 =	vmax.f32 v8, $0.0e+00  }
0x98: {  	v5 =	vld [tilespmem:s10+$0x16B30];
	[tilespmem:s10+$0x14170] =	vst v8;
	v8 =	vadd.f32 v16, v10;
	v7 =	vmax.f32 v7, $0.0e+00  }
0x99: {  	v14 =	vld [tilespmem:s10+$0x141D0];
	[tilespmem:s10+$0x14180] =	vst v7;
	v7 =	vadd.f32 v17, v11  }
0x9a: {  	v9 =	vld [tilespmem:s10+$0x141E0];
	v8 =	vmax.f32 v8, $0.0e+00  }
0x9b: {  	v4 =	vld [tilespmem:s10+$0x16B40];
	[tilespmem:s10+$0x14190] =	vst v8;
	v8 =	vadd.f32 v18, v12;
	v7 =	vmax.f32 v7, $0.0e+00  }
0x9c: {  	v10 =	vld [tilespmem:s10+$0x141F0];
	[tilespmem:s10+$0x141A0] =	vst v7;
	v7 =	vadd.f32 v19, v13  }
0x9d: {  	v11 =	vld [tilespmem:s10+$0x14200];
	v8 =	vmax.f32 v8, $0.0e+00  }
0x9e: {  	v3 =	vld [tilespmem:s10+$0x16B50];
	[tilespmem:s10+$0x141B0] =	vst v8;
	v8 =	vadd.f32 v20, v14;
	v7 =	vmax.f32 v7, $0.0e+00  }
0x9f: {  	v12 =	vld [tilespmem:s10+$0x14210];
	[tilespmem:s10+$0x141C0] =	vst v7;
	v7 =	vadd.f32 v21, v9  }
0xa0: {  	v13 =	vld [tilespmem:s10+$0x14220];
	v8 =	vmax.f32 v8, $0.0e+00  }
0xa1: {  	v2 =	vld [tilespmem:s10+$0x16B60];
	[tilespmem:s10+$0x141D0] =	vst v8;
	v8 =	vadd.f32 v22, v10;
	v7 =	vmax.f32 v7, $0.0e+00  }
0xa2: {  	v14 =	vld [tilespmem:s10+$0x14230];
	[tilespmem:s10+$0x141E0] =	vst v7;
	v7 =	vadd.f32 v23, v11  }
0xa3: {  	v9 =	vld [tilespmem:s10+$0x14240];
	v8 =	vmax.f32 v8, $0.0e+00  }
0xa4: {  	v1 =	vld [tilespmem:s10+$0x16B70];
	[tilespmem:s10+$0x141F0] =	vst v8;
	v8 =	vadd.f32 v24, v12;
	v7 =	vmax.f32 v7, $0.0e+00  }
0xa5: {  	v10 =	vld [tilespmem:s10+$0x14250];
	[tilespmem:s10+$0x14200] =	vst v7;
	v7 =	vadd.f32 v25, v13  }
0xa6: {  	v15 =	vld [tilespmem:s10+$0x14260];
	v8 =	vmax.f32 v8, $0.0e+00  }
0xa7: {  	v12 =	vld [tilespmem:s10+$0x14270];
	[tilespmem:s10+$0x14210] =	vst v8;
	v8 =	vadd.f32 v26, v14;
	v7 =	vmax.f32 v7, $0.0e+00  }
0xa8: {  	v13 =	vld [tilespmem:s10+$0x14280];
	[tilespmem:s10+$0x14220] =	vst v7;
	v7 =	vadd.f32 v27, v9  }
0xa9: {  	v63 =	vld [tilespmem:s10+$0x14290];
	v8 =	vmax.f32 v8, $0.0e+00  }
0xaa: {  	v11 =	vld [tilespmem:s10+$0x142A0];
	[tilespmem:s10+$0x14230] =	vst v8;
	v8 =	vadd.f32 v28, v10;
	v7 =	vmax.f32 v7, $0.0e+00  }
0xab: {  	v10 =	vld [tilespmem:s10+$0x142B0];
	[tilespmem:s10+$0x14240] =	vst v7;
	v7 =	vadd.f32 v29, v15  }
0xac: {  	v12 =	vadd.f32 v30, v12;
	v9 =	vld [tilespmem:s10+$0x142C0];
	v8 =	vmax.f32 v8, $0.0e+00  }
0xad: {  	v13 =	vadd.f32 v31, v13;
	[tilespmem:s10+$0x14250] =	vst v8;
	v8 =	vld [tilespmem:s10+$0x142D0];
	v7 =	vmax.f32 v7, $0.0e+00  }
0xae: {  	s0 =	simm.s32 $0x800;
	v14 =	vmax.f32 v12, $0.0e+00;
	v12 =	vadd.f32 v32, v63;
	[tilespmem:s10+$0x14260] =	vst v7;
	v7 =	vld [tilespmem:s10+$0x142E0]  }
.LBB2_5:
0xaf: {  	s4 =	sshra.s32 s0, $0x2;
	p0 =	sne.s32 s0, $0x9800;
	[tilespmem:s10+$0x14270] =	vst v14;
	v13 =	vmax.f32 v13, $0.0e+00;
	v6 =	vadd.f32 v6, v11;
	v11 =	vld [tilespmem:s10+$0x142F0]  }
0xb0: {  	v14 =	vld [tilespmem:s4+$0x16980];
	[tilespmem:s10+$0x14280] =	vst v13;
	v12 =	vmax.f32 v12, $0.0e+00;
	v5 =	vadd.f32 v5, v10  }
0xb1: {  	v13 =	vld [tilespmem:s4+$0x16990];
	[tilespmem:s10+$0x14290] =	vst v12;
	v6 =	vmax.f32 v6, $0.0e+00;
	v4 =	vadd.f32 v4, v9  }
0xb2: {  	v15 =	vld [tilespmem:s4+$0x169A0];
	[tilespmem:s10+$0x142A0] =	vst v6;
	v5 =	vmax.f32 v5, $0.0e+00;
	v3 =	vadd.f32 v3, v8  }
0xb3: {  	v16 =	vld [tilespmem:s4+$0x169B0];
	[tilespmem:s10+$0x142B0] =	vst v5;
	v4 =	vmax.f32 v4, $0.0e+00;
	v2 =	vadd.f32 v2, v7  }
0xb4: {  	v17 =	vld [tilespmem:s4+$0x169C0];
	[tilespmem:s10+$0x142C0] =	vst v4;
	v3 =	vmax.f32 v3, $0.0e+00;
	v1 =	vadd.f32 v1, v11  }
0xb5: {  	v18 =	vld [tilespmem:s4+$0x169D0];
	[tilespmem:s10+$0x142D0] =	vst v3;
	v2 =	vmax.f32 v2, $0.0e+00  }
0xb6: {  	v19 =	vld [tilespmem:s4+$0x169E0];
	[tilespmem:s10+$0x142E0] =	vst v2;
	v1 =	vmax.f32 v1, $0.0e+00  }
0xb7: {  	v20 =	vld [tilespmem:s4+$0x169F0];
	[tilespmem:s10+$0x142F0] =	vst v1;
	s10 =	smov.u32 s4  }
0xb8: {  	v21 =	vld [tilespmem:s10+$0x16A00]  }
0xb9: {  	v22 =	vld [tilespmem:s10+$0x16A10]  }
0xba: {  	v23 =	vld [tilespmem:s10+$0x16A20]  }
0xbb: {  	v24 =	vld [tilespmem:s10+$0x16A30]  }
0xbc: {  	v25 =	vld [tilespmem:s10+$0x16A40]  }
0xbd: {  	v26 =	vld [tilespmem:s10+$0x16A50]  }
0xbe: {  	v27 =	vld [tilespmem:s10+$0x16A60]  }
0xbf: {  	v28 =	vld [tilespmem:s10+$0x16A70]  }
0xc0: {  	v29 =	vld [tilespmem:s10+$0x16A80]  }
0xc1: {  	v30 =	vld [tilespmem:s10+$0x16A90]  }
0xc2: {  	v31 =	vld [tilespmem:s10+$0x16AA0]  }
0xc3: {  	v32 =	vld [tilespmem:s10+$0x16AB0]  }
0xc4: {  	v12 =	vld [tilespmem:s10+$0x16AC0]  }
0xc5: {  	v11 =	vld [tilespmem:s10+$0x16AD0]  }
0xc6: {  	v10 =	vld [tilespmem:s10+$0x16AE0]  }
0xc7: {  	v9 =	vld [tilespmem:s10+$0x16AF0]  }
0xc8: {  	v8 =	vld [tilespmem:s10+$0x16B00]  }
0xc9: {  	v7 =	vld [tilespmem:s10+$0x16B10]  }
0xca: {  	v6 =	vld [tilespmem:s10+$0x16B20]  }
0xcb: {  	v5 =	vld [tilespmem:s10+$0x16B30]  }
0xcc: {  	v4 =	vld [tilespmem:s10+$0x16B40]  }
0xcd: {  	v3 =	vld [tilespmem:s10+$0x16B50]  }
0xce: {  	v2 =	vld [tilespmem:s10+$0x16B60]  }
0xcf: {  	v1 =	vld [tilespmem:s10+$0x16B70]  }
0xd0: {  	v33 =	vld [tilespmem:s10+$0x14100]  }
0xd1: {  	v34 =	vld [tilespmem:s10+$0x14110]  }
0xd2: {  	v35 =	vld [tilespmem:s10+$0x14120]  }
0xd3: {  	v36 =	vld [tilespmem:s10+$0x14130]  }
0xd4: {  	v37 =	vld [tilespmem:s10+$0x14140]  }
0xd5: {  	v14 =	vadd.f32 v14, v33;
	v33 =	vld [tilespmem:s10+$0x14150]  }
0xd6: {  	v13 =	vadd.f32 v13, v34;
	v34 =	vld [tilespmem:s10+$0x14160]  }
0xd7: {  	v14 =	vmax.f32 v14, $0.0e+00;
	v15 =	vadd.f32 v15, v35;
	v35 =	vld [tilespmem:s10+$0x14170]  }
0xd8: {  	[tilespmem:s10+$0x14100] =	vst v14;
	v13 =	vmax.f32 v13, $0.0e+00;
	v14 =	vadd.f32 v16, v36;
	v16 =	vld [tilespmem:s10+$0x14180]  }
0xd9: {  	[tilespmem:s10+$0x14110] =	vst v13;
	v13 =	vmax.f32 v15, $0.0e+00;
	v15 =	vadd.f32 v17, v37;
	v17 =	vld [tilespmem:s10+$0x14190]  }
0xda: {  	[tilespmem:s10+$0x14120] =	vst v13;
	v13 =	vmax.f32 v14, $0.0e+00;
	v14 =	vadd.f32 v18, v33;
	v18 =	vld [tilespmem:s10+$0x141A0]  }
0xdb: {  	[tilespmem:s10+$0x14130] =	vst v13;
	v13 =	vmax.f32 v15, $0.0e+00;
	v15 =	vadd.f32 v19, v34;
	v19 =	vld [tilespmem:s10+$0x141B0]  }
0xdc: {  	[tilespmem:s10+$0x14140] =	vst v13;
	v13 =	vmax.f32 v14, $0.0e+00;
	v14 =	vadd.f32 v20, v35;
	v20 =	vld [tilespmem:s10+$0x141C0]  }
0xdd: {  	[tilespmem:s10+$0x14150] =	vst v13;
	v13 =	vmax.f32 v15, $0.0e+00;
	v15 =	vadd.f32 v21, v16;
	v16 =	vld [tilespmem:s10+$0x141D0]  }
0xde: {  	[tilespmem:s10+$0x14160] =	vst v13;
	v13 =	vmax.f32 v14, $0.0e+00;
	v14 =	vadd.f32 v22, v17;
	v17 =	vld [tilespmem:s10+$0x141E0]  }
0xdf: {  	[tilespmem:s10+$0x14170] =	vst v13;
	v13 =	vmax.f32 v15, $0.0e+00;
	v15 =	vadd.f32 v23, v18;
	v18 =	vld [tilespmem:s10+$0x141F0]  }
0xe0: {  	[tilespmem:s10+$0x14180] =	vst v13;
	v13 =	vmax.f32 v14, $0.0e+00;
	v14 =	vadd.f32 v24, v19;
	v19 =	vld [tilespmem:s10+$0x14200]  }
0xe1: {  	[tilespmem:s10+$0x14190] =	vst v13;
	v13 =	vmax.f32 v15, $0.0e+00;
	v15 =	vadd.f32 v25, v20;
	v20 =	vld [tilespmem:s10+$0x14210]  }
0xe2: {  	[tilespmem:s10+$0x141A0] =	vst v13;
	v13 =	vmax.f32 v14, $0.0e+00;
	v14 =	vadd.f32 v26, v16;
	v16 =	vld [tilespmem:s10+$0x14220]  }
0xe3: {  	[tilespmem:s10+$0x141B0] =	vst v13;
	v13 =	vmax.f32 v15, $0.0e+00;
	v15 =	vadd.f32 v27, v17;
	v17 =	vld [tilespmem:s10+$0x14230]  }
0xe4: {  	[tilespmem:s10+$0x141C0] =	vst v13;
	v13 =	vmax.f32 v14, $0.0e+00;
	v14 =	vadd.f32 v28, v18;
	v18 =	vld [tilespmem:s10+$0x14240]  }
0xe5: {  	[tilespmem:s10+$0x141D0] =	vst v13;
	v13 =	vmax.f32 v15, $0.0e+00;
	v15 =	vadd.f32 v29, v19;
	v19 =	vld [tilespmem:s10+$0x14250]  }
0xe6: {  	[tilespmem:s10+$0x141E0] =	vst v13;
	v13 =	vmax.f32 v14, $0.0e+00;
	v14 =	vadd.f32 v30, v20;
	v20 =	vld [tilespmem:s10+$0x14260]  }
0xe7: {  	[tilespmem:s10+$0x141F0] =	vst v13;
	v13 =	vmax.f32 v15, $0.0e+00;
	v15 =	vadd.f32 v31, v16;
	v16 =	vld [tilespmem:s10+$0x14270]  }
0xe8: {  	[tilespmem:s10+$0x14200] =	vst v13;
	v13 =	vmax.f32 v14, $0.0e+00;
	v14 =	vadd.f32 v32, v17;
	v17 =	vld [tilespmem:s10+$0x14280]  }
0xe9: {  	[tilespmem:s10+$0x14210] =	vst v13;
	v13 =	vmax.f32 v15, $0.0e+00;
	v12 =	vadd.f32 v12, v18;
	v15 =	vld [tilespmem:s10+$0x14290]  }
.Ltmp1:
0xea: {  	[tilespmem:s10+$0x14220] =	vst v13;
	v13 =	vmax.f32 v14, $0.0e+00;
	v14 =	vadd.f32 v11, v19;
	v11 =	vld [tilespmem:s10+$0x142A0];
	(pc) =	sbr.rel @p0 .LBB2_5-.Ltmp1, $4  }
0xeb: {  	[tilespmem:s10+$0x14230] =	vst v13;
	v12 =	vmax.f32 v12, $0.0e+00;
	v13 =	vadd.f32 v10, v20;
	v10 =	vld [tilespmem:s10+$0x142B0]  }
0xec: {  	[tilespmem:s10+$0x14240] =	vst v12;
	v12 =	vmax.f32 v14, $0.0e+00;
	v14 =	vadd.f32 v9, v16;
	v9 =	vld [tilespmem:s10+$0x142C0]  }
0xed: {  	[tilespmem:s10+$0x14250] =	vst v12;
	v12 =	vmax.f32 v13, $0.0e+00;
	v13 =	vadd.f32 v8, v17;
	v8 =	vld [tilespmem:s10+$0x142D0]  }
0xee: {  	s0 =	sadd.s32 $0x800, s0;
	[tilespmem:s10+$0x14260] =	vst v12;
	v14 =	vmax.f32 v14, $0.0e+00;
	v12 =	vadd.f32 v7, v15;
	v7 =	vld [tilespmem:s10+$0x142E0]  }
0xef: {  	[tilespmem:s10+$0x14270] =	vst v14;
	v13 =	vmax.f32 v13, $0.0e+00;
	v6 =	vadd.f32 v6, v11;
	v11 =	vld [tilespmem:s10+$0x142F0]  }
0xf0: {  	[tilespmem:s10+$0x14280] =	vst v13;
	v12 =	vmax.f32 v12, $0.0e+00;
	v5 =	vadd.f32 v5, v10  }
0xf1: {  	[tilespmem:s10+$0x14290] =	vst v12;
	v6 =	vmax.f32 v6, $0.0e+00;
	v4 =	vadd.f32 v4, v9  }
0xf2: {  	[tilespmem:s10+$0x142A0] =	vst v6;
	v5 =	vmax.f32 v5, $0.0e+00;
	v3 =	vadd.f32 v3, v8  }
0xf3: {  	[tilespmem:s10+$0x142B0] =	vst v5;
	v4 =	vmax.f32 v4, $0.0e+00;
	v2 =	vadd.f32 v2, v7  }
0xf4: {  	[tilespmem:s10+$0x142C0] =	vst v4;
	v3 =	vmax.f32 v3, $0.0e+00;
	v1 =	vadd.f32 v1, v11  }
0xf5: {  	[tilespmem:s10+$0x142D0] =	vst v3;
	v2 =	vmax.f32 v2, $0.0e+00  }
0xf6: {  	[tilespmem:s10+$0x142E0] =	vst v2;
	v1 =	vmax.f32 v1, $0.0e+00  }
0xf7: {  	[tilespmem:s10+$0x142F0] =	vst v1  }
0xf8: {  	_ =	swait.ge [sflag:s15], $0x50  }
0xf9: {  	[sflag:s15] =	ssyncset.done $0x0  }
0xfa: {  	[sflag:s15] =	ssyncadd.s32 $0xFFFFFFB0  }
0xfb: {  	_ =	swait.ge [sflag:s15], $0x50  }
0xfc: {  	[sflag:s15] =	ssyncset.done $0x0  }
0xfd: {  	[sflag:s15] =	ssyncadd.s32 $0xFFFFFFB0  }
0xfe: {  	_ =	swait.ge [sflag:s15], $0x50  }
0xff: {  	[sflag:s15] =	ssyncset.done $0x0  }
0x100: {  	[sflag:s15] =	ssyncadd.s32 $0xFFFFFFB0  }
0x101: {  	[tilespmem:s31], [sflag:$0x8] =	stream.indirect.gather [hbm4b:s8+s3], $0x80, s13, s3, $0xb8;
	[tilespmem:$0x1E300] =	vst v63  }
0x102: {  	_ = 	snop  }
0x103: {  	[tilespmem:s16], [sflag:$0x6] =	stream.indirect.gather [hbm4b:s6+s3], $0x80, s11, s3, $0xb8;
	[tilespmem:$0x1E300] =	vst v63  }
0x104: {  	p0 =	sge.u32 s25, s22  }
0x105: {  	[spmem:s2] =	stream.indirect.scatter.add.f32 [tilespmem:s26], [sflag:$0x3], $0x80, s30, s3, $0xb8;
	[tilespmem:$0x1E300] =	vst v63  }
0x106: {  	s0 =	sadd.s32 @!p0 s20, s23;
	_ =	swait.ge [sflag:s17], $0x2800  }
0x107: {  	s20 =	simm.s32 @!p0 $0x14000;
	s0 =	sshrl.u32 @!p0 s0, $0x3;
	[sflag:s17] =	ssyncset.done $0x0  }
0x108: {  	s4 =	sadd.s32 @!p0 s1, s0;
	s10 =	simm.s32 @!p0 $0x0;
	[sflag:s17] =	ssyncadd.s32 $0xFFFFD800  }
0x109: {  	[tilespmem:s20], [sflag:$0x1] =	stream.linear.gather @!p0 [hbm4b:s4+s10], $0x50, $0x38;
	[tilespmem:$0x1E300] =	vst v63  }
0x10a: {  	s4 =	sadd.s32 @!p0 s5, s0;
	s20 =	simm.s32 @!p0 $0x14080  }
0x10b: {  	[tilespmem:s20], [sflag:$0x1] =	stream.linear.gather @!p0 [hbm4b:s4+s10], $0x50, $0x38;
	[tilespmem:$0x1E300] =	vst v63  }
0x10c: {  	s0 =	sadd.s32 @!p0 s7, s0;
	s4 =	simm.s32 @!p0 $0x16900  }
0x10d: {  	[tilespmem:s4], [sflag:$0x1] =	stream.linear.gather @!p0 [hbm4b:s0+s10], $0x50, $0x38;
	[tilespmem:$0x1E300] =	vst v63  }
0x10e: {  	_ =	swait.ge [sflag:s18], $0x2800  }
0x10f: {  	[sflag:s18] =	ssyncset.done $0x0  }
0x110: {  	[sflag:s18] =	ssyncadd.s32 $0xFFFFD800  }
0x111: {  	_ =	swait.ge [sflag:s19], $0x2800  }
0x112: {  	[sflag:s19] =	ssyncset.done $0x0  }
0x113: {  	s10 =	simm.s32 $0x0;
	[sflag:s19] =	ssyncadd.s32 $0xFFFFD800  }
0x114: {  	v7 =	vld [tilespmem:s10+$0x1BB00]  }
0x115: {  	v8 =	vld [tilespmem:s10+$0x1BB10]  }
0x116: {  	v9 =	vld [tilespmem:s10+$0x1BB20]  }
0x117: {  	v10 =	vld [tilespmem:s10+$0x1BB30]  }
0x118: {  	v11 =	vld [tilespmem:s10+$0x1BB40]  }
0x119: {  	v12 =	vld [tilespmem:s10+$0x1BB50]  }
0x11a: {  	v13 =	vld [tilespmem:s10+$0x1BB60]  }
0x11b: {  	v14 =	vld [tilespmem:s10+$0x1BB70]  }
0x11c: {  	v15 =	vld [tilespmem:s10+$0x1BB80]  }
0x11d: {  	v16 =	vld [tilespmem:s10+$0x1BB90]  }
0x11e: {  	v17 =	vld [tilespmem:s10+$0x1BBA0]  }
0x11f: {  	v18 =	vld [tilespmem:s10+$0x1BBB0]  }
0x120: {  	v19 =	vld [tilespmem:s10+$0x1BBC0]  }
0x121: {  	v20 =	vld [tilespmem:s10+$0x1BBD0]  }
0x122: {  	v21 =	vld [tilespmem:s10+$0x1BBE0]  }
0x123: {  	v22 =	vld [tilespmem:s10+$0x1BBF0]  }
0x124: {  	v23 =	vld [tilespmem:s10+$0x1BC00]  }
0x125: {  	v24 =	vld [tilespmem:s10+$0x1BC10]  }
0x126: {  	v25 =	vld [tilespmem:s10+$0x1BC20]  }
0x127: {  	v26 =	vld [tilespmem:s10+$0x1BC30]  }
0x128: {  	v27 =	vld [tilespmem:s10+$0x1BC40]  }
0x129: {  	v33 =	vld [tilespmem:s10+$0x19280]  }
0x12a: {  	v28 =	vld [tilespmem:s10+$0x1BC50]  }
0x12b: {  	v34 =	vld [tilespmem:s10+$0x19290]  }
0x12c: {  	v35 =	vld [tilespmem:s10+$0x192A0]  }
0x12d: {  	v29 =	vld [tilespmem:s10+$0x1BC60]  }
0x12e: {  	v36 =	vld [tilespmem:s10+$0x192B0];
	v7 =	vadd.f32 v7, v33  }
0x12f: {  	v37 =	vld [tilespmem:s10+$0x192C0]  }
0x130: {  	v30 =	vld [tilespmem:s10+$0x1BC70];
	v8 =	vadd.f32 v8, v34;
	v7 =	vmax.f32 v7, $0.0e+00  }
0x131: {  	v61 =	vld [tilespmem:s10+$0x192D0];
	[tilespmem:s10+$0x19280] =	vst v7;
	v7 =	vadd.f32 v9, v35  }
0x132: {  	v38 =	vld [tilespmem:s10+$0x192E0];
	v8 =	vmax.f32 v8, $0.0e+00  }
0x133: {  	v31 =	vld [tilespmem:s10+$0x1BC80];
	[tilespmem:s10+$0x19290] =	vst v8;
	v8 =	vadd.f32 v10, v36;
	v7 =	vmax.f32 v7, $0.0e+00  }
0x134: {  	v62 =	vld [tilespmem:s10+$0x192F0];
	[tilespmem:s10+$0x192A0] =	vst v7;
	v7 =	vadd.f32 v11, v37  }
0x135: {  	v9 =	vld [tilespmem:s10+$0x19300];
	v8 =	vmax.f32 v8, $0.0e+00  }
0x136: {  	v32 =	vld [tilespmem:s10+$0x1BC90];
	[tilespmem:s10+$0x192B0] =	vst v8;
	v8 =	vadd.f32 v12, v61;
	v7 =	vmax.f32 v7, $0.0e+00  }
0x137: {  	v10 =	vld [tilespmem:s10+$0x19310];
	[tilespmem:s10+$0x192C0] =	vst v7;
	v7 =	vadd.f32 v13, v38  }
0x138: {  	v11 =	vld [tilespmem:s10+$0x19320];
	v8 =	vmax.f32 v8, $0.0e+00  }
0x139: {  	v6 =	vld [tilespmem:s10+$0x1BCA0];
	[tilespmem:s10+$0x192D0] =	vst v8;
	v8 =	vadd.f32 v14, v62;
	v7 =	vmax.f32 v7, $0.0e+00  }
0x13a: {  	v12 =	vld [tilespmem:s10+$0x19330];
	[tilespmem:s10+$0x192E0] =	vst v7;
	v7 =	vadd.f32 v15, v9  }
0x13b: {  	v13 =	vld [tilespmem:s10+$0x19340];
	v8 =	vmax.f32 v8, $0.0e+00  }
0x13c: {  	v5 =	vld [tilespmem:s10+$0x1BCB0];
	[tilespmem:s10+$0x192F0] =	vst v8;
	v8 =	vadd.f32 v16, v10;
	v7 =	vmax.f32 v7, $0.0e+00  }
0x13d: {  	v14 =	vld [tilespmem:s10+$0x19350];
	[tilespmem:s10+$0x19300] =	vst v7;
	v7 =	vadd.f32 v17, v11  }
0x13e: {  	v9 =	vld [tilespmem:s10+$0x19360];
	v8 =	vmax.f32 v8, $0.0e+00  }
0x13f: {  	v4 =	vld [tilespmem:s10+$0x1BCC0];
	[tilespmem:s10+$0x19310] =	vst v8;
	v8 =	vadd.f32 v18, v12;
	v7 =	vmax.f32 v7, $0.0e+00  }
0x140: {  	v10 =	vld [tilespmem:s10+$0x19370];
	[tilespmem:s10+$0x19320] =	vst v7;
	v7 =	vadd.f32 v19, v13  }
0x141: {  	v11 =	vld [tilespmem:s10+$0x19380];
	v8 =	vmax.f32 v8, $0.0e+00  }
0x142: {  	v3 =	vld [tilespmem:s10+$0x1BCD0];
	[tilespmem:s10+$0x19330] =	vst v8;
	v8 =	vadd.f32 v20, v14;
	v7 =	vmax.f32 v7, $0.0e+00  }
0x143: {  	v12 =	vld [tilespmem:s10+$0x19390];
	[tilespmem:s10+$0x19340] =	vst v7;
	v7 =	vadd.f32 v21, v9  }
0x144: {  	v13 =	vld [tilespmem:s10+$0x193A0];
	v8 =	vmax.f32 v8, $0.0e+00  }
0x145: {  	v2 =	vld [tilespmem:s10+$0x1BCE0];
	[tilespmem:s10+$0x19350] =	vst v8;
	v8 =	vadd.f32 v22, v10;
	v7 =	vmax.f32 v7, $0.0e+00  }
0x146: {  	v14 =	vld [tilespmem:s10+$0x193B0];
	[tilespmem:s10+$0x19360] =	vst v7;
	v7 =	vadd.f32 v23, v11  }
0x147: {  	v9 =	vld [tilespmem:s10+$0x193C0];
	v8 =	vmax.f32 v8, $0.0e+00  }
0x148: {  	v1 =	vld [tilespmem:s10+$0x1BCF0];
	[tilespmem:s10+$0x19370] =	vst v8;
	v8 =	vadd.f32 v24, v12;
	v7 =	vmax.f32 v7, $0.0e+00  }
0x149: {  	v10 =	vld [tilespmem:s10+$0x193D0];
	[tilespmem:s10+$0x19380] =	vst v7;
	v7 =	vadd.f32 v25, v13  }
0x14a: {  	v15 =	vld [tilespmem:s10+$0x193E0];
	v8 =	vmax.f32 v8, $0.0e+00  }
0x14b: {  	v12 =	vld [tilespmem:s10+$0x193F0];
	[tilespmem:s10+$0x19390] =	vst v8;
	v8 =	vadd.f32 v26, v14;
	v7 =	vmax.f32 v7, $0.0e+00  }
0x14c: {  	v13 =	vld [tilespmem:s10+$0x19400];
	[tilespmem:s10+$0x193A0] =	vst v7;
	v7 =	vadd.f32 v27, v9  }
0x14d: {  	v63 =	vld [tilespmem:s10+$0x19410];
	v8 =	vmax.f32 v8, $0.0e+00  }
0x14e: {  	v11 =	vld [tilespmem:s10+$0x19420];
	[tilespmem:s10+$0x193B0] =	vst v8;
	v8 =	vadd.f32 v28, v10;
	v7 =	vmax.f32 v7, $0.0e+00  }
0x14f: {  	v10 =	vld [tilespmem:s10+$0x19430];
	[tilespmem:s10+$0x193C0] =	vst v7;
	v7 =	vadd.f32 v29, v15  }
0x150: {  	v12 =	vadd.f32 v30, v12;
	v9 =	vld [tilespmem:s10+$0x19440];
	v8 =	vmax.f32 v8, $0.0e+00  }
0x151: {  	v13 =	vadd.f32 v31, v13;
	[tilespmem:s10+$0x193D0] =	vst v8;
	v8 =	vld [tilespmem:s10+$0x19450];
	v7 =	vmax.f32 v7, $0.0e+00  }
0x152: {  	s0 =	simm.s32 $0x800;
	v14 =	vmax.f32 v12, $0.0e+00;
	v12 =	vadd.f32 v32, v63;
	[tilespmem:s10+$0x193E0] =	vst v7;
	v7 =	vld [tilespmem:s10+$0x19460]  }
.LBB2_7:
0x153: {  	s4 =	sshra.s32 s0, $0x2;
	p1 =	sne.s32 s0, $0x9800;
	[tilespmem:s10+$0x193F0] =	vst v14;
	v13 =	vmax.f32 v13, $0.0e+00;
	v6 =	vadd.f32 v6, v11;
	v11 =	vld [tilespmem:s10+$0x19470]  }
0x154: {  	v14 =	vld [tilespmem:s4+$0x1BB00];
	[tilespmem:s10+$0x19400] =	vst v13;
	v12 =	vmax.f32 v12, $0.0e+00;
	v5 =	vadd.f32 v5, v10  }
0x155: {  	v13 =	vld [tilespmem:s4+$0x1BB10];
	[tilespmem:s10+$0x19410] =	vst v12;
	v6 =	vmax.f32 v6, $0.0e+00;
	v4 =	vadd.f32 v4, v9  }
0x156: {  	v15 =	vld [tilespmem:s4+$0x1BB20];
	[tilespmem:s10+$0x19420] =	vst v6;
	v5 =	vmax.f32 v5, $0.0e+00;
	v3 =	vadd.f32 v3, v8  }
0x157: {  	v16 =	vld [tilespmem:s4+$0x1BB30];
	[tilespmem:s10+$0x19430] =	vst v5;
	v4 =	vmax.f32 v4, $0.0e+00;
	v2 =	vadd.f32 v2, v7  }
0x158: {  	v17 =	vld [tilespmem:s4+$0x1BB40];
	[tilespmem:s10+$0x19440] =	vst v4;
	v3 =	vmax.f32 v3, $0.0e+00;
	v1 =	vadd.f32 v1, v11  }
0x159: {  	v18 =	vld [tilespmem:s4+$0x1BB50];
	[tilespmem:s10+$0x19450] =	vst v3;
	v2 =	vmax.f32 v2, $0.0e+00  }
0x15a: {  	v19 =	vld [tilespmem:s4+$0x1BB60];
	[tilespmem:s10+$0x19460] =	vst v2;
	v1 =	vmax.f32 v1, $0.0e+00  }
0x15b: {  	v20 =	vld [tilespmem:s4+$0x1BB70];
	[tilespmem:s10+$0x19470] =	vst v1;
	s10 =	smov.u32 s4  }
0x15c: {  	v21 =	vld [tilespmem:s10+$0x1BB80]  }
0x15d: {  	v22 =	vld [tilespmem:s10+$0x1BB90]  }
0x15e: {  	v23 =	vld [tilespmem:s10+$0x1BBA0]  }
0x15f: {  	v24 =	vld [tilespmem:s10+$0x1BBB0]  }
0x160: {  	v25 =	vld [tilespmem:s10+$0x1BBC0]  }
0x161: {  	v26 =	vld [tilespmem:s10+$0x1BBD0]  }
0x162: {  	v27 =	vld [tilespmem:s10+$0x1BBE0]  }
0x163: {  	v28 =	vld [tilespmem:s10+$0x1BBF0]  }
0x164: {  	v29 =	vld [tilespmem:s10+$0x1BC00]  }
0x165: {  	v30 =	vld [tilespmem:s10+$0x1BC10]  }
0x166: {  	v31 =	vld [tilespmem:s10+$0x1BC20]  }
0x167: {  	v32 =	vld [tilespmem:s10+$0x1BC30]  }
0x168: {  	v12 =	vld [tilespmem:s10+$0x1BC40]  }
0x169: {  	v11 =	vld [tilespmem:s10+$0x1BC50]  }
0x16a: {  	v10 =	vld [tilespmem:s10+$0x1BC60]  }
0x16b: {  	v9 =	vld [tilespmem:s10+$0x1BC70]  }
0x16c: {  	v8 =	vld [tilespmem:s10+$0x1BC80]  }
0x16d: {  	v7 =	vld [tilespmem:s10+$0x1BC90]  }
0x16e: {  	v6 =	vld [tilespmem:s10+$0x1BCA0]  }
0x16f: {  	v5 =	vld [tilespmem:s10+$0x1BCB0]  }
0x170: {  	v4 =	vld [tilespmem:s10+$0x1BCC0]  }
0x171: {  	v3 =	vld [tilespmem:s10+$0x1BCD0]  }
0x172: {  	v2 =	vld [tilespmem:s10+$0x1BCE0]  }
0x173: {  	v1 =	vld [tilespmem:s10+$0x1BCF0]  }
0x174: {  	v33 =	vld [tilespmem:s10+$0x19280]  }
0x175: {  	v34 =	vld [tilespmem:s10+$0x19290]  }
0x176: {  	v35 =	vld [tilespmem:s10+$0x192A0]  }
0x177: {  	v36 =	vld [tilespmem:s10+$0x192B0]  }
0x178: {  	v37 =	vld [tilespmem:s10+$0x192C0]  }
0x179: {  	v14 =	vadd.f32 v14, v33;
	v33 =	vld [tilespmem:s10+$0x192D0]  }
0x17a: {  	v13 =	vadd.f32 v13, v34;
	v34 =	vld [tilespmem:s10+$0x192E0]  }
0x17b: {  	v14 =	vmax.f32 v14, $0.0e+00;
	v15 =	vadd.f32 v15, v35;
	v35 =	vld [tilespmem:s10+$0x192F0]  }
0x17c: {  	[tilespmem:s10+$0x19280] =	vst v14;
	v13 =	vmax.f32 v13, $0.0e+00;
	v14 =	vadd.f32 v16, v36;
	v16 =	vld [tilespmem:s10+$0x19300]  }
0x17d: {  	[tilespmem:s10+$0x19290] =	vst v13;
	v13 =	vmax.f32 v15, $0.0e+00;
	v15 =	vadd.f32 v17, v37;
	v17 =	vld [tilespmem:s10+$0x19310]  }
0x17e: {  	[tilespmem:s10+$0x192A0] =	vst v13;
	v13 =	vmax.f32 v14, $0.0e+00;
	v14 =	vadd.f32 v18, v33;
	v18 =	vld [tilespmem:s10+$0x19320]  }
0x17f: {  	[tilespmem:s10+$0x192B0] =	vst v13;
	v13 =	vmax.f32 v15, $0.0e+00;
	v15 =	vadd.f32 v19, v34;
	v19 =	vld [tilespmem:s10+$0x19330]  }
0x180: {  	[tilespmem:s10+$0x192C0] =	vst v13;
	v13 =	vmax.f32 v14, $0.0e+00;
	v14 =	vadd.f32 v20, v35;
	v20 =	vld [tilespmem:s10+$0x19340]  }
0x181: {  	[tilespmem:s10+$0x192D0] =	vst v13;
	v13 =	vmax.f32 v15, $0.0e+00;
	v15 =	vadd.f32 v21, v16;
	v16 =	vld [tilespmem:s10+$0x19350]  }
0x182: {  	[tilespmem:s10+$0x192E0] =	vst v13;
	v13 =	vmax.f32 v14, $0.0e+00;
	v14 =	vadd.f32 v22, v17;
	v17 =	vld [tilespmem:s10+$0x19360]  }
0x183: {  	[tilespmem:s10+$0x192F0] =	vst v13;
	v13 =	vmax.f32 v15, $0.0e+00;
	v15 =	vadd.f32 v23, v18;
	v18 =	vld [tilespmem:s10+$0x19370]  }
0x184: {  	[tilespmem:s10+$0x19300] =	vst v13;
	v13 =	vmax.f32 v14, $0.0e+00;
	v14 =	vadd.f32 v24, v19;
	v19 =	vld [tilespmem:s10+$0x19380]  }
0x185: {  	[tilespmem:s10+$0x19310] =	vst v13;
	v13 =	vmax.f32 v15, $0.0e+00;
	v15 =	vadd.f32 v25, v20;
	v20 =	vld [tilespmem:s10+$0x19390]  }
0x186: {  	[tilespmem:s10+$0x19320] =	vst v13;
	v13 =	vmax.f32 v14, $0.0e+00;
	v14 =	vadd.f32 v26, v16;
	v16 =	vld [tilespmem:s10+$0x193A0]  }
0x187: {  	[tilespmem:s10+$0x19330] =	vst v13;
	v13 =	vmax.f32 v15, $0.0e+00;
	v15 =	vadd.f32 v27, v17;
	v17 =	vld [tilespmem:s10+$0x193B0]  }
0x188: {  	[tilespmem:s10+$0x19340] =	vst v13;
	v13 =	vmax.f32 v14, $0.0e+00;
	v14 =	vadd.f32 v28, v18;
	v18 =	vld [tilespmem:s10+$0x193C0]  }
0x189: {  	[tilespmem:s10+$0x19350] =	vst v13;
	v13 =	vmax.f32 v15, $0.0e+00;
	v15 =	vadd.f32 v29, v19;
	v19 =	vld [tilespmem:s10+$0x193D0]  }
0x18a: {  	[tilespmem:s10+$0x19360] =	vst v13;
	v13 =	vmax.f32 v14, $0.0e+00;
	v14 =	vadd.f32 v30, v20;
	v20 =	vld [tilespmem:s10+$0x193E0]  }
0x18b: {  	[tilespmem:s10+$0x19370] =	vst v13;
	v13 =	vmax.f32 v15, $0.0e+00;
	v15 =	vadd.f32 v31, v16;
	v16 =	vld [tilespmem:s10+$0x193F0]  }
0x18c: {  	[tilespmem:s10+$0x19380] =	vst v13;
	v13 =	vmax.f32 v14, $0.0e+00;
	v14 =	vadd.f32 v32, v17;
	v17 =	vld [tilespmem:s10+$0x19400]  }
0x18d: {  	[tilespmem:s10+$0x19390] =	vst v13;
	v13 =	vmax.f32 v15, $0.0e+00;
	v12 =	vadd.f32 v12, v18;
	v15 =	vld [tilespmem:s10+$0x19410]  }
.Ltmp2:
0x18e: {  	[tilespmem:s10+$0x193A0] =	vst v13;
	v13 =	vmax.f32 v14, $0.0e+00;
	v14 =	vadd.f32 v11, v19;
	v11 =	vld [tilespmem:s10+$0x19420];
	(pc) =	sbr.rel @p1 .LBB2_7-.Ltmp2, $4  }
0x18f: {  	[tilespmem:s10+$0x193B0] =	vst v13;
	v12 =	vmax.f32 v12, $0.0e+00;
	v13 =	vadd.f32 v10, v20;
	v10 =	vld [tilespmem:s10+$0x19430]  }
0x190: {  	[tilespmem:s10+$0x193C0] =	vst v12;
	v12 =	vmax.f32 v14, $0.0e+00;
	v14 =	vadd.f32 v9, v16;
	v9 =	vld [tilespmem:s10+$0x19440]  }
0x191: {  	[tilespmem:s10+$0x193D0] =	vst v12;
	v12 =	vmax.f32 v13, $0.0e+00;
	v13 =	vadd.f32 v8, v17;
	v8 =	vld [tilespmem:s10+$0x19450]  }
0x192: {  	s0 =	sadd.s32 $0x800, s0;
	[tilespmem:s10+$0x193E0] =	vst v12;
	v14 =	vmax.f32 v14, $0.0e+00;
	v12 =	vadd.f32 v7, v15;
	v7 =	vld [tilespmem:s10+$0x19460]  }
0x193: {  	[tilespmem:s10+$0x193F0] =	vst v14;
	v13 =	vmax.f32 v13, $0.0e+00;
	v6 =	vadd.f32 v6, v11;
	v63 =	vld [tilespmem:s10+$0x19470]  }
0x194: {  	[tilespmem:s10+$0x19400] =	vst v13;
	v12 =	vmax.f32 v12, $0.0e+00;
	v5 =	vadd.f32 v5, v10  }
0x195: {  	[tilespmem:s10+$0x19410] =	vst v12;
	v6 =	vmax.f32 v6, $0.0e+00;
	v4 =	vadd.f32 v4, v9  }
0x196: {  	[tilespmem:s10+$0x19420] =	vst v6;
	v5 =	vmax.f32 v5, $0.0e+00;
	v3 =	vadd.f32 v3, v8  }
0x197: {  	[tilespmem:s10+$0x19430] =	vst v5;
	v4 =	vmax.f32 v4, $0.0e+00;
	v2 =	vadd.f32 v2, v7  }
0x198: {  	[tilespmem:s10+$0x19440] =	vst v4;
	v3 =	vmax.f32 v3, $0.0e+00;
	v1 =	vadd.f32 v1, v63  }
0x199: {  	[tilespmem:s10+$0x19450] =	vst v3;
	v2 =	vmax.f32 v2, $0.0e+00  }
0x19a: {  	[tilespmem:s10+$0x19460] =	vst v2;
	v1 =	vmax.f32 v1, $0.0e+00  }
0x19b: {  	s0 =	simm.s32 @!p0 $0x1;
	[tilespmem:s10+$0x19470] =	vst v1  }
0x19c: {  	_ =	swait.ge @!p0 [sflag:s0], $0x50  }
0x19d: {  	[sflag:s0] =	ssyncset.done @!p0 $0x0  }
0x19e: {  	[sflag:s0] =	ssyncadd.s32 @!p0 $0xFFFFFFB0  }
0x19f: {  	_ =	swait.ge @!p0 [sflag:s0], $0x50  }
0x1a0: {  	[sflag:s0] =	ssyncset.done @!p0 $0x0  }
0x1a1: {  	[sflag:s0] =	ssyncadd.s32 @!p0 $0xFFFFFFB0  }
0x1a2: {  	_ =	swait.ge @!p0 [sflag:s0], $0x50  }
0x1a3: {  	s4 =	simm.s32 @!p0 $0x16900;
	[sflag:s0] =	ssyncset.done @!p0 $0x0  }
0x1a4: {  	s10 =	simm.s32 @!p0 $0x16980;
	[sflag:s0] =	ssyncadd.s32 @!p0 $0xFFFFFFB0;
	s0 =	simm.s32 @!p0 $0x50  }
0x1a5: {  	[tilespmem:s10], [sflag:$0x4] =	stream.indirect.gather @!p0 [hbm4b:s8+s0], $0x80, s4, s0, $0xb8;
	[tilespmem:$0x1E300] =	vst v63  }
0x1a6: {  	s25 =	sadd.s32 $0x1, s25;
	s4 =	simm.s32 @!p0 $0x14000;
	s10 =	simm.s32 @!p0 $0x14100  }
0x1a7: {  	[tilespmem:s10], [sflag:$0x2] =	stream.indirect.gather @!p0 [hbm4b:s6+s0], $0x80, s4, s0, $0xb8;
	[tilespmem:$0x1E300] =	vst v63  }
0x1a8: {  	p0 =	sne.s32 s25, s9  }
.Ltmp3:
0x1a9: {  	_ = 	snop;
	(pc) =	sbr.rel @p0 .LBB2_4-.Ltmp3, $2  }
0x1aa: {  	_ =	sdelay $0x2  }
0x1ab: {  	[spmem:s2] =	stream.indirect.scatter.add.f32 [tilespmem:s16], [sflag:$0x7], $0x80, s12, s3, $0xb8;
	[tilespmem:$0x1E300] =	vst v63  }
0x1ac: {  	s0 =	simm.s32 $0x7  }
0x1ad: {  	_ =	swait.ge [sflag:s0], $0x2800  }
0x1ae: {  	[sflag:s0] =	ssyncset.done $0x0  }
0x1af: {  	[sflag:s0] =	ssyncadd.s32 $0xFFFFD800  }
0x1b0: {  	s24 =	stileid.u32;
	[bflag:$0x0] =	sbarrier.arrive $0xFFFF  }
0x1b1: {  	s0 =	sshll.u32 s24, $0x6;
	s24 =	rddreg [dreg:$0x5]  }
0x1b2: {  	s0 =	sor.u32 $0x1C09, s0;
	s10 =	rddreg [dreg:$0x10];
	s4 =	sshrl.u32 s24, $0x3  }
0x1b3: {  	[hbm:s10], [sflag:s0] =	dma.local [spmem:s4], $0x2800  }
0x1b4: {  	_ =	swait.ge [sflag:s28], $0x2800  }
0x1b5: {  	s20 =	rddreg [dreg:$0x4]  }
0x1b6: {  	s25 =	rddreg [dreg:$0x11];
	s20 =	sadd.s32 $0x1, s20  }
0x1b7: {  	p0 =	sne.s32 s20, s25  }
.Ltmp4:
0x1b8: {  	_ = 	snop;
	(pc) =	sbr.rel @p0 .LBB2_1-.Ltmp4, $3  }
0x1b9: {  	_ =	sdelay $0x1  }
0x1ba: {  	[sflag:s28] =	ssyncset.done $0x0  }
0x1bb: {  	[sflag:s28] =	ssyncadd.s32 $0xFFFFD800  }
0x1bc: {  	_ =	sfence.sel $0x180000  }
0x1bd: {  	[bflag:$0x0] =	sbarrier.arrive $0xFFFF  }
0x1be: {  	_ =	strace $0x9000004A  }
0x1bf: {  	s0 =	stileid.u32;
	[bflag:$0x2] =	sbarrier.arrive $0xFFFF  }
0x1c0: {  	p0 =	sne.s32 s0, $0x0;
	s0 =	rddreg [dreg:$0x3]  }
0x1c1: {  	s0 =	sadd.s32 @!p0 $0x100000, s0  }
0x1c2: {  	[sflag:s0] =	ssyncadd.tile.s32 @!p0 $0x1;
	_ =	shalt  }
.Lfunc_end2:
_tile_overlayer_lowered:
.L_overlay_start_2:
0x1c3: {  	(tag) =	ssettag $0x2  }
0x1c4: {  	s0 =	rddreg [dreg:$0x0];
	s2 =	stileid.u32  }
0x1c5: {  	s1 =	rddreg [dreg:$0x1];
	p0 =	sne.s32 s2, $0x0  }
0x1c6: {  	s3 =	rddreg [dreg:$0x2];
	[bflag:$0x3] =	sbarrier.arrive $0xFFFF;
	s2 =	simm.s32 @!p0 $0x1C09  }
0x1c7: {  	[timem:s3], [sflag:s2] =	dma.local @!p0 [hbm:s0], s1  }
0x1c8: {  	s0 =	simm.s32 @!p0 $0x9  }
0x1c9: {  	_ =	swait.ge @!p0 [sflag:s0], s1  }
0x1ca: {  	s1 =	ssub.s32 @!p0 $0x0, s1;
	[sflag:s0] =	ssyncset.done @!p0 $0x0  }
0x1cb: {  	[sflag:s0] =	ssyncadd.s32 @!p0 s1  }
0x1cc: {  	[bflag:$0x3] =	sbarrier.arrive $0xFFFF  }
0x1cd: {  	_ =	shalt  }

// kernel: kernel.9.cloned.1.call-start
scs
__scs_entry_jumppad:
0x0: {  	(pc) =	sbr.rel $0x88, $3  }
0x1: {  	(tag) =	ssettag $0x0;
	lr =	simm.s32 $0x1  }
0x2: {  	[smem:$0x3F89] =	sst lr;
	_ =	strace $0xD0000000  }
0x3: {  	_ = 	snop  }
0x4: {  	_ = 	snop  }
0x5: {  	_ = 	snop  }
0x6: {  	_ = 	snop  }
0x7: {  	_ = 	snop  }
__scs_overlays_trampoline_lowered:
0x8: {  	[smem:$0x3F98] =	sst s0  }
0x9: {  	[smem:$0x3F99] =	sst s1  }
0xa: {  	[smem:$0x3F9A] =	sst s2  }
0xb: {  	[smem:$0x3F9B] =	sst s3  }
0xc: {  	[smem:$0x3F9C] =	sst s4  }
0xd: {  	[smem:$0x3F9D] =	sst s5  }
0xe: {  	[smem:$0x3F9E] =	sst s6  }
0xf: {  	[smem:$0x3F9F] =	sst s7  }
0x10: {  	[smem:$0x3FA0] =	sst s8  }
0x11: {  	[smem:$0x3FA1] =	sst s9;
	s0 =	simm.s32 @!p0 $0x0  }
0x12: {  	s1 =	sld [smem:$0x3F87];
	s0 =	simm.s32 @p0 $0x1  }
0x13: {  	[smem:$0x3FA2] =	sst s0;
	s0 =	simm.s32 @!p1 $0x0  }
0x14: {  	s2 =	sld [smem:$0x3F86];
	s0 =	simm.s32 @p1 $0x1  }
0x15: {  	[smem:$0x3FA3] =	sst s0;
	s0 =	simm.s32 @!p2 $0x0  }
0x16: {  	s3 =	sld [smem:$0x3FDB];
	s0 =	simm.s32 @p2 $0x1  }
0x17: {  	s4 =	simm.s32 $0x1BF5;
	[smem:$0x3FA5] =	sst s0  }
0x18: {  	s0 =	sld [smem:$0x3F88];
	_ =	swait.ge [sflag:s4], $0x0  }
0x19: {  	s7 =	sld [smem:$0x3F89]  }
0x1a: {  	s8 =	sadd.s32 $0xFFFFE003, lr  }
0x1b: {  	s9 =	sadd.s32 $0xFFFFFEF7, lr;
	s5 =	simm.s32 $0xFFFFFFFF;
	p2 =	slt.u32 s8, $0xFFFFF086  }
0x1c: {  	p1 =	slt.u32 s9, $0xF7A;
	s5 =	simm.s32 @!p2 $0x0  }
0x1d: {  	s5 =	simm.s32 @p1 $0x1;
	p0 =	seq.s32 s7, s2  }
0x1e: {  	s7 =	smul.u32 @!p0 $0xF7A, s2;
	p2 =	seq.s32 @!p0 s5, $0x0  }
0x1f: {  	s9 =	smul.u32 $0xF7A, s1;
	s8 =	simm.s32 @!p0 $0x1BF5;
	p2 =	por !p2, p0  }
0x20: {  	[sflag:s8] =	ssyncset.s32 @!p0 $0xFFFFF086;
	s6 =	sadd.s32 @!p0 s3, s7;
	s7 =	simm.s32 @!p0 $0x108  }
0x21: {  	s3 =	sadd.s32 s3, s9;
	s6 =	sadd.s32 @!p0 $0x88, s6;
	s7 =	simm.s32 @p2 $0x1082  }
0x22: {  	[simem:s7], [sflag:s8] =	dma.local @!p0 [hbm:s6], $0xF7A  }
0x23: {  	s9 =	sor.u32 $0xD0000000, s2;
	s6 =	simm.s32 $0x108;
	_ =	swait.ge @!p0 [sflag:s8], $0x0  }
0x24: {  	s3 =	sadd.s32 $0x88, s3;
	s6 =	simm.s32 @!p1 $0x1082;
	[sflag:s4] =	ssyncset.s32 $0xFFFFF086  }
0x25: {  	[simem:s6], [sflag:s4] =	dma.local [hbm:s3], $0xF7A  }
0x26: {  	[smem:$0x3F89] =	sst s1;
	(tag) =	ssettag s2;
	_ =	strace s9  }
0x27: {  	s1 =	sld [smem:$0x3F99]  }
0x28: {  	s2 =	sld [smem:$0x3F9A]  }
0x29: {  	s4 =	sld [smem:$0x3F9C]  }
0x2a: {  	p0 =	seq.s32 s5, $0x0;
	s5 =	sld [smem:$0x3F9D]  }
0x2b: {  	s6 =	sld [smem:$0x3F9E]  }
0x2c: {  	s7 =	sld [smem:$0x3F9F]  }
0x2d: {  	s3 =	simm.s32 $0x108;
	s8 =	sld [smem:$0x3FA0]  }
0x2e: {  	s3 =	simm.s32 @!p0 $0x1082;
	s9 =	sld [smem:$0x3FA1]  }
0x2f: {  	lr =	sadd.s32 s0, s3;
	s0 =	sld [smem:$0x3F98]  }
0x30: {  	s3 =	sld [smem:$0x3F9B]  }
0x31: {  	[smem:$0x3FA4] =	sst s10  }
0x32: {  	s10 =	sld [smem:$0x3FA2];
	_ =	sdelay $0x3  }
0x33: {  	p0 =	seq.s32 s10, $0x1;
	s10 =	sld [smem:$0x3FA4];
	_ =	sdelay $0x3  }
0x34: {  	[smem:$0x3FA4] =	sst s10  }
0x35: {  	s10 =	sld [smem:$0x3FA3];
	_ =	sdelay $0x3  }
0x36: {  	p1 =	seq.s32 s10, $0x1;
	s10 =	sld [smem:$0x3FA4];
	_ =	sdelay $0x3  }
0x37: {  	[smem:$0x3FA4] =	sst s10  }
0x38: {  	s10 =	sld [smem:$0x3FA5]  }
0x39: {  	_ = 	snop;
	(pc) =	sbr.ind lr, $3  }
0x3a: {  	_ = 	snop  }
0x3b: {  	_ = 	snop  }
0x3c: {  	p2 =	seq.s32 s10, $0x1;
	s10 =	sld [smem:$0x3FA4]  }
0x3d: {  	_ =	shalt  }
0x3e: {  	_ =	shalt  }
0x3f: {  	_ =	shalt  }
0x40: {  	_ =	shalt  }
0x41: {  	_ =	shalt  }
0x42: {  	_ =	shalt  }
0x43: {  	_ =	shalt  }
0x44: {  	_ =	shalt  }
0x45: {  	_ =	shalt  }
0x46: {  	_ =	shalt  }
0x47: {  	_ =	shalt  }
0x48: {  	_ =	shalt  }
0x49: {  	_ =	shalt  }
0x4a: {  	_ =	shalt  }
0x4b: {  	_ =	shalt  }
0x4c: {  	_ =	shalt  }
0x4d: {  	_ =	shalt  }
0x4e: {  	_ =	shalt  }
0x4f: {  	_ =	shalt  }
0x50: {  	_ =	shalt  }
0x51: {  	_ =	shalt  }
0x52: {  	_ =	shalt  }
0x53: {  	_ =	shalt  }
0x54: {  	_ =	shalt  }
0x55: {  	_ =	shalt  }
0x56: {  	_ =	shalt  }
0x57: {  	_ =	shalt  }
0x58: {  	_ =	shalt  }
0x59: {  	_ =	shalt  }
0x5a: {  	_ =	shalt  }
0x5b: {  	_ =	shalt  }
0x5c: {  	_ =	shalt  }
0x5d: {  	_ =	shalt  }
0x5e: {  	_ =	shalt  }
0x5f: {  	_ =	shalt  }
0x60: {  	_ =	shalt  }
0x61: {  	_ =	shalt  }
0x62: {  	_ =	shalt  }
0x63: {  	_ =	shalt  }
0x64: {  	_ =	shalt  }
0x65: {  	_ =	shalt  }
0x66: {  	_ =	shalt  }
0x67: {  	_ =	shalt  }
0x68: {  	_ =	shalt  }
0x69: {  	_ =	shalt  }
0x6a: {  	_ =	shalt  }
0x6b: {  	_ =	shalt  }
0x6c: {  	_ =	shalt  }
0x6d: {  	_ =	shalt  }
0x6e: {  	_ =	shalt  }
0x6f: {  	_ =	shalt  }
0x70: {  	_ =	shalt  }
0x71: {  	_ =	shalt  }
0x72: {  	_ =	shalt  }
0x73: {  	_ =	shalt  }
0x74: {  	_ =	shalt  }
0x75: {  	_ =	shalt  }
0x76: {  	_ =	shalt  }
0x77: {  	_ =	shalt  }
0x78: {  	_ =	shalt  }
0x79: {  	_ =	shalt  }
0x7a: {  	_ =	shalt  }
0x7b: {  	_ =	shalt  }
0x7c: {  	_ =	shalt  }
0x7d: {  	_ =	shalt  }
0x7e: {  	_ =	shalt  }
0x7f: {  	_ =	shalt  }
0x80: {  	_ =	shalt  }
0x81: {  	_ =	shalt  }
0x82: {  	_ =	shalt  }
0x83: {  	_ =	shalt  }
0x84: {  	_ =	shalt  }
0x85: {  	_ =	shalt  }
0x86: {  	_ =	shalt  }
0x87: {  	_ =	shalt  }
.Lfunc_end0:
.L_simem_size_0:
called_computation_lowered:
.L_overlay_start_0:
0x88: {  	s2 =	sld [smem:$0x3FD9]  }
0x89: {  	s3 =	sld [smem:$0x3FFE];
	_ =	sdelay $0x1  }
0x8a: {  	s1 =	srdreg.scid  }
0x8b: {  	s0 =	sand.u32 $0x1, s1  }
0x8c: {  	s14 =	sshll.u32 s0, $0xA;
	s2 =	sadd.s32 s3, s2  }
0x8d: {  	s2 =	sadd.s32 s2, s14  }
0x8e: {  	[smem:$0x3FB0] =	sst s2  }
0x8f: {  	_ = 	snop  }
0x90: {  	s2 =	sld [smem:$0x3FD0];
	_ =	sdelay $0x2  }
0x91: {  	s15 =	simm.s32 $0xA;
	s4 =	simm.s32 $0x10  }
0x92: {  	[smem:s4], [sflag:s15] =	dma.local [hbm:s2], $0x1  }
0x93: {  	_ =	swait.eq [sflag:s15], $0x1  }
0x94: {  	[sflag:s15] =	ssyncset.done $0x0  }
0x95: {  	s16 =	sld [smem:$0x10];
	[sflag:s15] =	ssyncadd.s32 $0xFFFFFFFF  }
0x96: {  	s17 =	sld [smem:$0x11];
	(tm) =	ssettm $0x1  }
0x97: {  	s18 =	sld [smem:$0x3FFB];
	_ =	sdelay $0x3  }
0x98: {  	_ =	strace s18  }
0x99: {  	s4 =	sld [smem:$0x3FFC];
	_ =	sdelay $0x3  }
0x9a: {  	_ =	strace s4  }
0x9b: {  	s4 =	sld [smem:$0x3FFD];
	_ =	sdelay $0x3  }
0x9c: {  	_ =	strace s4  }
0x9d: {  	_ =	strace $0x8FFFFFFF  }
0x9e: {  	s19 =	sld [smem:$0x3FDB];
	_ =	sdelay $0x1  }
0x9f: {  	s5 =	simm.s32 $_scs_section_size  }
0xa0: {  	s6 =	simm.s32 $_size__tile_overlayer_lowered;
	s7 =	simm.s32 $_tile_overlayer_lowered  }
0xa1: {  	s22 =	simm.s32 $0x1BFF;
	s21 =	sshll.u32 s7, $0x1;
	s4 =	sadd.s32 s5, s19  }
0xa2: {  	s8 =	simm.s32 $0x0;
	s20 =	sshll.u32 s6, $0x1;
	s6 =	sadd.s32 s21, s4  }
0xa3: {  	[timem:s8], [sflag:s22] =	dma.local [hbm:s6], s20  }
0xa4: {  	_ =	swait.ge [sflag:s22], s20  }
0xa5: {  	s5 =	ssub.s32 $0x0, s20;
	[sflag:s22] =	ssyncset.done $0x0  }
0xa6: {  	[sflag:s22] =	ssyncadd.s32 s5;
	_ =	sdelay $0x1  }
0xa7: {  	s23 =	simm.s32 $0x1B8B  }
0xa8: {  	_ =	swait.ge [sflag:s23], $0x1  }
0xa9: {  	[sflag:s23] =	ssyncset.done $0x0  }
0xaa: {  	s25 =	simm.s32 $0x1B8E;
	s24 =	sld [smem:$0x3FFE];
	[sflag:s23] =	ssyncadd.s32 $0xFFFFFFFF  }
0xab: {  	s26 =	simm.s32 $execute0_lowered;
	[smem:$0x3FD2] =	sst s25  }
0xac: {  	s6 =	sshll.u32 s26, $0x1;
	_ =	strace $0x80000046;
	[dreg:$0x1] =	wrdreg $0xFFFFFFFF  }
0xad: {  	s28 =	simm.s32 $_size_execute0_lowered;
	s4 =	sadd.s32 s4, s6;
	[dreg:$0x0] =	wrdreg $0x0  }
0xae: {  	s6 =	sshll.u32 s28, $0x1;
	[dreg:$0x2] =	wrdreg s4  }
0xaf: {  	[dreg:$0x3] =	wrdreg s6  }
0xb0: {  	[dreg:$0x4] =	wrdreg $0xC0  }
0xb1: {  	_ =	task [dreg:s8], $0x5FFFF  }
0xb2: {  	[dreg:$0x1] =	wrdreg $0xFFFFFFFF  }
0xb3: {  	[dreg:$0x0] =	wrdreg $0x60  }
0xb4: {  	[dreg:$0x2] =	wrdreg s16  }
0xb5: {  	[dreg:$0x3] =	wrdreg s24  }
0xb6: {  	[dreg:$0x4] =	wrdreg s17  }
0xb7: {  	[dreg:$0x5] =	wrdreg $0x0  }
0xb8: {  	[dreg:$0x6] =	wrdreg $0x9  }
0xb9: {  	_ =	task.clear_ibuf [dreg:s8], $0x7FFFF;
	_ =	strace $0x90000046  }
0xba: {  	s29 =	simm.s32 $0x9;
	_ =	strace $0x80000048  }
0xbb: {  	_ =	swait.ge [sflag:s29], $0x1  }
0xbc: {  	[sflag:s29] =	ssyncadd.s32 $0xFFFFFFFF  }
0xbd: {  	_ =	strace $0x90000048  }
0xbe: {  	_ =	sfence  }
0xbf: {  	s30 =	sld [smem:$0x0];
	_ =	sdelay $0x2  }
0xc0: {  	s31 =	sshll.u32 s1, $0xD;
	s1 =	sshrl.u32 s1, $0x2  }
0xc1: {  	s3 =	sand.u32 $0x4000, s31;
	s1 =	sadd.s32 s1, s30  }
0xc2: {  	s0 =	sor.u32 s3, s0;
	s1 =	sshll.u32 s1, $0x11  }
0xc3: {  	s0 =	sor.u32 s1, s0  }
0xc4: {  	s0 =	sadd.s32 $0x8F2B, s0  }
0xc5: {  	[sflag:s0] =	ssyncadd.remote.s32 $0x1  }
0xc6: {  	_ =	sfence.sel $0xFFFF  }
0xc7: {  	[dreg:$0x0] =	wrdreg $0xFFFFFFFF;
	(pc) =	sbr.abs _section_cstart, $3  }
0xc8: {  	[dreg:$0x1] =	wrdreg $0xFFFFFFFF  }
0xc9: {  	_ =	task.clear_ibuf [dreg:s8], $0x2FFFF;
	_ =	strace $0x9FFFFFFF  }
0xca: {  	(tm) =	ssettm $0x7FFFFFFF  }
0xcb: {  	_ =	shalt  }
tec
execute0_lowered:
.L_overlay_start_1:
0x0: {  	(tag) =	ssettag $0x1  }
0x1: {  	s0 =	rddreg [dreg:$0x0]  }
0x2: {  	s3 =	rddreg [dreg:$0x1]  }
0x3: {  	s1 =	rddreg [dreg:$0x2]  }
0x4: {  	s2 =	rddreg [dreg:$0x3];
	s4 =	srdreg.scid  }
0x5: {  	s11 =	stileid.u32;
	s29 =	simm.s32 $0x14100;
	s30 =	simm.s32 $0x7  }
0x6: {  	s31 =	simm.s32 $0x14000;
	s5 =	sand.u32 $0x1, s4;
	s7 =	smul.u32 $0x14000, s11  }
0x7: {  	s4 =	simm.s32 $0x0;
	s8 =	sadd.s32 $0x4400, s3;
	s6 =	smul.u32 $0x140000, s5  }
0x8: {  	s10 =	smul.u32 $0xC00, s11;
	[smem:$0x7FF] =	sst s4;
	s9 =	ssub.s32 $0x2, s5  }
0x9: {  	p0 =	seq.s32 s5, $0x0;
	s6 =	sadd.s32 s7, s6;
	s7 =	smul.u32 $0x4400, s11  }
0xa: {  	s24 =	sshrl.u32 s9, $0x1;
	s11 =	smul.u32 $0x50000, s11;
	s6 =	sshrl.u32 s6, $0x3  }
0xb: {  	_ =	strace $0x80000047;
	s3 =	sadd.s32 s6, s3;
	s6 =	ssub.s32 s9, s24  }
0xc: {  	s9 =	sadd.s32 $0x44000, s10;
	s10 =	simm.s32 $0x44;
	s25 =	sshrl.u32 s11, $0x2  }
0xd: {  	s9 =	smov.u32 @p0 s7;
	s10 =	simm.s32 @!p0 $0xC;
	s5 =	sadd.s32 s25, s2  }
0xe: {  	s3 =	sadd.s32 $0xEC00, s3;
	s23 =	smax.u32 s6, $0x1;
	s6 =	simm.s32 $0x18100  }
0xf: {  	s7 =	sshrl.u32 s9, $0x3;
	s26 =	sadd.s32 $0x4000, s5;
	[dreg:$0xe] =	wrdreg s3  }
0x10: {  	s11 =	sadd.s32 $0x8000, s5;
	s21 =	sadd.s32 $0xFFFFFFFF, s10;
	[dreg:$0xf] =	wrdreg s23  }
0x11: {  	s22 =	sshll.u32 s10, $0x5;
	s28 =	sadd.s32 $0x10000, s5;
	[dreg:$0x5] =	wrdreg s26  }
0x12: {  	s3 =	simm.s32 $0x80;
	s10 =	simm.s32 $0x18200;
	[dreg:$0x6] =	wrdreg s11  }
0x13: {  	s12 =	sadd.s32 s0, s7;
	s13 =	sadd.s32 s8, s7;
	s14 =	sor.u32 $0x10, s7  }
0x14: {  	s15 =	sor.u32 $0x20, s7;
	s18 =	sor.u32 $0x60, s7;
	[dreg:$0xd] =	wrdreg s21  }
0x15: {  	s19 =	sor.u32 $0x50, s7;
	s21 =	sadd.s32 $0xFFFFFFC0, s22;
	[dreg:$0x7] =	wrdreg s12  }
0x16: {  	[dreg:$0x8] =	wrdreg s13;
	s12 =	sadd.s32 s0, s14;
	s9 =	sadd.s32 s8, s14  }
0x17: {  	s16 =	sadd.s32 s0, s15;
	s17 =	sadd.s32 s8, s15;
	[dreg:$0x9] =	wrdreg s12  }
0x18: {  	s20 =	sadd.s32 s18, s8;
	s13 =	sadd.s32 s19, s8;
	[dreg:$0xa] =	wrdreg s9  }
0x19: {  	s11 =	sadd.s32 s19, s0;
	s15 =	sor.u32 $0x40, s7;
	[dreg:$0xb] =	wrdreg s16  }
0x1a: {  	s7 =	sor.u32 $0x30, s7;
	s19 =	simm.s32 $0x0;
	[dreg:$0xc] =	wrdreg s17  }
0x1b: {  	s9 =	sadd.s32 s18, s0;
	s14 =	sadd.s32 s15, s8;
	s15 =	sadd.s32 s15, s0  }
0x1c: {  	s16 =	sadd.s32 s7, s8;
	s17 =	sadd.s32 s7, s0;
	s24 =	sadd.s32 $0xFFFFFFE0, s20  }
0x1d: {  	s26 =	sadd.s32 $0xFFFFFFE0, s13;
	s0 =	simm.s32 $0x14080;
	s7 =	simm.s32 $0x18180  }
0x1e: {  	s8 =	simm.s32 $0x2;
	s12 =	simm.s32 $0x5;
	s13 =	simm.s32 $0x6  }
0x1f: {  	s18 =	simm.s32 $0x1;
	[dreg:$0x10] =	wrdreg s24;
	s25 =	sadd.s32 $0xFFFFFFE0, s9  }
0x20: {  	[dreg:$0x12] =	wrdreg s26;
	s26 =	sadd.s32 $0xC000, s5;
	s9 =	simm.s32 $0x4  }
0x21: {  	v0 =	vimm.f32 $0.0e+00;
	[dreg:$0x11] =	wrdreg s25;
	s25 =	sadd.s32 $0xFFFFFFE0, s11;
	s11 =	simm.s32 $0x3  }
.LBB2_1:
0x22: {  	s20 =	simm.s32 $0x0;
	s22 =	simm.s32 $0x200  }
.LBB2_2:
0x23: {  	p0 =	sne.s32 s22, $0xFE00;
	[tilespmem:s20+$0x14170] =	vst v0  }
0x24: {  	[tilespmem:s20+$0x14100] =	vst v0  }
0x25: {  	[tilespmem:s20+$0x14110] =	vst v0  }
.Ltmp0:
0x26: {  	[tilespmem:s20+$0x14120] =	vst v0;
	(pc) =	sbr.rel @p0 .LBB2_2-.Ltmp0, $4  }
0x27: {  	[tilespmem:s20+$0x14130] =	vst v0  }
0x28: {  	[tilespmem:s20+$0x14140] =	vst v0  }
0x29: {  	[tilespmem:s20+$0x14150] =	vst v0  }
0x2a: {  	[tilespmem:s20+$0x14160] =	vst v0;
	s20 =	sshra.s32 s22, $0x2;
	s22 =	sadd.s32 $0x200, s22  }
0x2b: {  	[tilespmem:s20+$0x14170] =	vst v0  }
0x2c: {  	[tilespmem:s20+$0x14100] =	vst v0  }
0x2d: {  	[tilespmem:s20+$0x14110] =	vst v0  }
0x2e: {  	[tilespmem:s20+$0x14120] =	vst v0  }
0x2f: {  	[tilespmem:s20+$0x14130] =	vst v0  }
0x30: {  	[tilespmem:s20+$0x14140] =	vst v0  }
0x31: {  	[tilespmem:s20+$0x14150] =	vst v0  }
0x32: {  	[tilespmem:s20+$0x14160] =	vst v0  }
0x33: {  	[spmem:s5] =	stream.linear.scatter [tilespmem:s29], [sflag:$0x7], $0x4000, $0x38;
	[tilespmem:$0x1C200] =	vst v63  }
0x34: {  	_ =	swait.ge [sflag:s30], $0x4000  }
0x35: {  	[sflag:s30] =	ssyncset.done $0x0  }
0x36: {  	s24 =	rddreg [dreg:$0x5];
	[sflag:s30] =	ssyncadd.s32 $0xFFFFC000  }
0x37: {  	[spmem:s24] =	stream.linear.scatter [tilespmem:s29], [sflag:$0x7], $0x4000, $0x38;
	[tilespmem:$0x1C200] =	vst v63  }
0x38: {  	_ =	swait.ge [sflag:s30], $0x4000  }
0x39: {  	[sflag:s30] =	ssyncset.done $0x0  }
0x3a: {  	s22 =	rddreg [dreg:$0x6];
	[sflag:s30] =	ssyncadd.s32 $0xFFFFC000  }
0x3b: {  	[spmem:s22] =	stream.linear.scatter [tilespmem:s29], [sflag:$0x7], $0x4000, $0x38;
	[tilespmem:$0x1C200] =	vst v63  }
0x3c: {  	_ =	swait.ge [sflag:s30], $0x4000  }
0x3d: {  	[sflag:s30] =	ssyncset.done $0x0  }
0x3e: {  	[sflag:s30] =	ssyncadd.s32 $0xFFFFC000  }
0x3f: {  	[spmem:s26] =	stream.linear.scatter [tilespmem:s29], [sflag:$0x7], $0x4000, $0x38;
	[tilespmem:$0x1C200] =	vst v63  }
0x40: {  	_ =	swait.ge [sflag:s30], $0x4000  }
0x41: {  	[sflag:s30] =	ssyncset.done $0x0  }
0x42: {  	[sflag:s30] =	ssyncadd.s32 $0xFFFFC000  }
0x43: {  	[spmem:s28] =	stream.linear.scatter [tilespmem:s29], [sflag:$0x7], $0x4000, $0x38;
	[tilespmem:$0x1C200] =	vst v63  }
0x44: {  	_ =	swait.ge [sflag:s30], $0x4000  }
0x45: {  	[sflag:s30] =	ssyncset.done $0x0  }
0x46: {  	[sflag:s30] =	ssyncadd.s32 $0xFFFFC000  }
0x47: {  	[bflag:$0x0] =	sbarrier.arrive $0xFFFF  }
0x48: {  	s20 =	simm.s32 $0x0;
	s22 =	rddreg [dreg:$0x7]  }
0x49: {  	[tilespmem:s31], [sflag:$0x1] =	stream.linear.gather [hbm4b:s22+s20], $0x80, $0x38;
	[tilespmem:$0x1C200] =	vst v63  }
0x4a: {  	s23 =	rddreg [dreg:$0x8];
	s22 =	simm.s32 $0x1  }
0x4b: {  	[tilespmem:s0], [sflag:$0x1] =	stream.linear.gather [hbm4b:s23+s20], $0x80, $0x38;
	[tilespmem:$0x1C200] =	vst v63  }
0x4c: {  	_ =	swait.ge [sflag:s22], $0x80  }
0x4d: {  	[sflag:s22] =	ssyncset.done $0x0  }
0x4e: {  	[sflag:s22] =	ssyncadd.s32 $0xFFFFFF80  }
0x4f: {  	_ =	swait.ge [sflag:s22], $0x80  }
0x50: {  	[sflag:s22] =	ssyncset.done $0x0  }
0x51: {  	[sflag:s22] =	ssyncadd.s32 $0xFFFFFF80  }
0x52: {  	[tilespmem:s29], [sflag:$0x2] =	stream.indirect.gather [hbm4b:s1+s3], $0x80, s31, s3, $0xb8;
	[tilespmem:$0x1C200] =	vst v63  }
0x53: {  	s23 =	rddreg [dreg:$0x9]  }
0x54: {  	[tilespmem:s6], [sflag:$0x4] =	stream.linear.gather [hbm4b:s23+s20], $0x80, $0x38;
	[tilespmem:$0x1C200] =	vst v63  }
0x55: {  	s24 =	rddreg [dreg:$0xa]  }
0x56: {  	[tilespmem:s7], [sflag:$0x4] =	stream.linear.gather [hbm4b:s24+s20], $0x80, $0x38;
	[tilespmem:$0x1C200] =	vst v63  }
0x57: {  	_ =	swait.ge [sflag:s8], $0x4000  }
0x58: {  	[sflag:s8] =	ssyncset.done $0x0  }
0x59: {  	[sflag:s8] =	ssyncadd.s32 $0xFFFFC000  }
0x5a: {  	_ =	swait.ge [sflag:s9], $0x80  }
0x5b: {  	[sflag:s9] =	ssyncset.done $0x0  }
0x5c: {  	[sflag:s9] =	ssyncadd.s32 $0xFFFFFF80  }
0x5d: {  	_ =	swait.ge [sflag:s9], $0x80  }
0x5e: {  	[sflag:s9] =	ssyncset.done $0x0  }
0x5f: {  	[sflag:s9] =	ssyncadd.s32 $0xFFFFFF80  }
0x60: {  	[tilespmem:s10], [sflag:$0x5] =	stream.indirect.gather [hbm4b:s1+s3], $0x80, s6, s3, $0xb8;
	[tilespmem:$0x1C200] =	vst v63  }
0x61: {  	_ = 	snop  }
0x62: {  	[spmem:s2] =	stream.indirect.scatter.add.f32 [tilespmem:s29], [sflag:$0x3], $0x80, s0, s3, $0xb8;
	[tilespmem:$0x1C200] =	vst v63  }
0x63: {  	_ =	swait.ge [sflag:s11], $0x4000  }
0x64: {  	[sflag:s11] =	ssyncset.done $0x0  }
0x65: {  	s24 =	rddreg [dreg:$0xb];
	[sflag:s11] =	ssyncadd.s32 $0xFFFFC000  }
0x66: {  	[tilespmem:s31], [sflag:$0x1] =	stream.linear.gather [hbm4b:s24+s20], $0x80, $0x38;
	[tilespmem:$0x1C200] =	vst v63  }
0x67: {  	s24 =	rddreg [dreg:$0xc]  }
0x68: {  	[tilespmem:s0], [sflag:$0x1] =	stream.linear.gather [hbm4b:s24+s20], $0x80, $0x38;
	[tilespmem:$0x1C200] =	vst v63  }
0x69: {  	_ =	swait.ge [sflag:s12], $0x4000  }
0x6a: {  	[sflag:s12] =	ssyncset.done $0x0  }
0x6b: {  	[sflag:s12] =	ssyncadd.s32 $0xFFFFC000  }
0x6c: {  	_ =	swait.ge [sflag:s22], $0x80  }
0x6d: {  	[sflag:s22] =	ssyncset.done $0x0  }
0x6e: {  	[sflag:s22] =	ssyncadd.s32 $0xFFFFFF80  }
0x6f: {  	_ =	swait.ge [sflag:s22], $0x80  }
0x70: {  	[sflag:s22] =	ssyncset.done $0x0  }
0x71: {  	[sflag:s22] =	ssyncadd.s32 $0xFFFFFF80  }
0x72: {  	[tilespmem:s29], [sflag:$0x2] =	stream.indirect.gather [hbm4b:s1+s3], $0x80, s31, s3, $0xb8;
	[tilespmem:$0x1C200] =	vst v63  }
0x73: {  	_ = 	snop  }
0x74: {  	[spmem:s2] =	stream.indirect.scatter.add.f32 [tilespmem:s10], [sflag:$0x6], $0x80, s7, s3, $0xb8;
	[tilespmem:$0x1C200] =	vst v63  }
0x75: {  	_ =	swait.ge [sflag:s13], $0x4000  }
0x76: {  	[sflag:s13] =	ssyncset.done $0x0  }
0x77: {  	s24 =	sadd.s32 $0x0, s17;
	[sflag:s13] =	ssyncadd.s32 $0xFFFFC000  }
0x78: {  	[tilespmem:s6], [sflag:$0x4] =	stream.linear.gather [hbm4b:s24+s4], $0x80, $0x38;
	[tilespmem:$0x1C200] =	vst v63  }
0x79: {  	s22 =	sadd.s32 $0x0, s16  }
0x7a: {  	[tilespmem:s7], [sflag:$0x4] =	stream.linear.gather [hbm4b:s22+s4], $0x80, $0x38;
	[tilespmem:$0x1C200] =	vst v63  }
0x7b: {  	_ =	swait.ge [sflag:s8], $0x4000  }
0x7c: {  	[sflag:s8] =	ssyncset.done $0x0  }
0x7d: {  	[sflag:s8] =	ssyncadd.s32 $0xFFFFC000  }
0x7e: {  	_ =	swait.ge [sflag:s9], $0x80  }
0x7f: {  	[sflag:s9] =	ssyncset.done $0x0  }
0x80: {  	[sflag:s9] =	ssyncadd.s32 $0xFFFFFF80  }
0x81: {  	_ =	swait.ge [sflag:s9], $0x80  }
0x82: {  	[sflag:s9] =	ssyncset.done $0x0  }
0x83: {  	[sflag:s9] =	ssyncadd.s32 $0xFFFFFF80  }
0x84: {  	[tilespmem:s10], [sflag:$0x5] =	stream.indirect.gather [hbm4b:s1+s3], $0x80, s6, s3, $0xb8;
	[tilespmem:$0x1C200] =	vst v63  }
0x85: {  	_ = 	snop  }
0x86: {  	[spmem:s2] =	stream.indirect.scatter.add.f32 [tilespmem:s29], [sflag:$0x3], $0x80, s0, s3, $0xb8;
	[tilespmem:$0x1C200] =	vst v63  }
0x87: {  	_ =	swait.ge [sflag:s11], $0x4000  }
0x88: {  	[sflag:s11] =	ssyncset.done $0x0  }
0x89: {  	s23 =	sadd.s32 $0x0, s15;
	[sflag:s11] =	ssyncadd.s32 $0xFFFFC000  }
0x8a: {  	[tilespmem:s31], [sflag:$0x1] =	stream.linear.gather [hbm4b:s23+s4], $0x80, $0x38;
	[tilespmem:$0x1C200] =	vst v63  }
0x8b: {  	s24 =	sadd.s32 $0x0, s14  }
0x8c: {  	[tilespmem:s0], [sflag:$0x1] =	stream.linear.gather [hbm4b:s24+s4], $0x80, $0x38;
	[tilespmem:$0x1C200] =	vst v63  }
0x8d: {  	_ =	swait.ge [sflag:s12], $0x4000  }
0x8e: {  	[sflag:s12] =	ssyncset.done $0x0  }
0x8f: {  	[sflag:s12] =	ssyncadd.s32 $0xFFFFC000  }
0x90: {  	_ =	swait.ge [sflag:s18], $0x80  }
0x91: {  	p0 =	sne.s32 s21, $0x20;
	[sflag:s18] =	ssyncset.done $0x0  }
.Ltmp1:
0x92: {  	[sflag:s18] =	ssyncadd.s32 $0xFFFFFF80;
	(pc) =	sbr.rel @!p0 .LBB2_5-.Ltmp1, $4  }
0x93: {  	_ =	swait.ge [sflag:s18], $0x80  }
0x94: {  	[sflag:s18] =	ssyncset.done $0x0  }
0x95: {  	s20 =	simm.s32 $0x20;
	s22 =	simm.s32 $0x2;
	[sflag:s18] =	ssyncadd.s32 $0xFFFFFF80  }
0x96: {  	[tilespmem:s29], [sflag:$0x2] =	stream.indirect.gather [hbm4b:s1+s3], $0x80, s31, s3, $0xb8;
	[tilespmem:$0x1C200] =	vst v63  }
.LBB2_4:
0x97: {  	[spmem:s2] =	stream.indirect.scatter.add.f32 [tilespmem:s10], [sflag:$0x6], $0x80, s7, s3, $0xb8;
	[tilespmem:$0x1C200] =	vst v63  }
0x98: {  	s23 =	smov.u32 s20;
	s20 =	sadd.s32 $0x20, s20;
	_ =	swait.ge [sflag:s13], $0x4000  }
0x99: {  	p0 =	sne.s32 s21, s20;
	[sflag:s13] =	ssyncset.done $0x0  }
0x9a: {  	s24 =	sadd.s32 s23, s17;
	[sflag:s13] =	ssyncadd.s32 $0xFFFFC000  }
0x9b: {  	[tilespmem:s6], [sflag:$0x4] =	stream.linear.gather [hbm4b:s24+s4], $0x80, $0x38;
	[tilespmem:$0x1C200] =	vst v63  }
0x9c: {  	s24 =	sadd.s32 s23, s16  }
0x9d: {  	[tilespmem:s7], [sflag:$0x4] =	stream.linear.gather [hbm4b:s24+s4], $0x80, $0x38;
	[tilespmem:$0x1C200] =	vst v63  }
0x9e: {  	_ =	swait.ge [sflag:s8], $0x4000  }
0x9f: {  	[sflag:s8] =	ssyncset.done $0x0  }
0xa0: {  	[sflag:s8] =	ssyncadd.s32 $0xFFFFC000  }
0xa1: {  	_ =	swait.ge [sflag:s9], $0x80  }
0xa2: {  	[sflag:s9] =	ssyncset.done $0x0  }
0xa3: {  	[sflag:s9] =	ssyncadd.s32 $0xFFFFFF80  }
0xa4: {  	_ =	swait.ge [sflag:s9], $0x80  }
0xa5: {  	[sflag:s9] =	ssyncset.done $0x0  }
0xa6: {  	[sflag:s9] =	ssyncadd.s32 $0xFFFFFF80  }
0xa7: {  	[tilespmem:s10], [sflag:$0x5] =	stream.indirect.gather [hbm4b:s1+s3], $0x80, s6, s3, $0xb8;
	[tilespmem:$0x1C200] =	vst v63  }
0xa8: {  	_ = 	snop  }
0xa9: {  	[spmem:s2] =	stream.indirect.scatter.add.f32 [tilespmem:s29], [sflag:$0x3], $0x80, s0, s3, $0xb8;
	[tilespmem:$0x1C200] =	vst v63  }
0xaa: {  	_ =	swait.ge [sflag:s11], $0x4000  }
0xab: {  	[sflag:s11] =	ssyncset.done $0x0  }
0xac: {  	s24 =	sadd.s32 s23, s15;
	[sflag:s11] =	ssyncadd.s32 $0xFFFFC000  }
0xad: {  	[tilespmem:s31], [sflag:$0x1] =	stream.linear.gather [hbm4b:s24+s4], $0x80, $0x38;
	[tilespmem:$0x1C200] =	vst v63  }
0xae: {  	s23 =	sadd.s32 s23, s14  }
0xaf: {  	[tilespmem:s0], [sflag:$0x1] =	stream.linear.gather [hbm4b:s23+s4], $0x80, $0x38;
	[tilespmem:$0x1C200] =	vst v63  }
0xb0: {  	_ =	swait.ge [sflag:s12], $0x4000  }
0xb1: {  	[sflag:s12] =	ssyncset.done $0x0  }
0xb2: {  	[sflag:s12] =	ssyncadd.s32 $0xFFFFC000  }
0xb3: {  	_ =	swait.ge [sflag:s18], $0x80  }
0xb4: {  	[sflag:s18] =	ssyncset.done $0x0  }
0xb5: {  	[sflag:s18] =	ssyncadd.s32 $0xFFFFFF80  }
.Ltmp2:
0xb6: {  	_ =	swait.ge [sflag:s18], $0x80;
	(pc) =	sbr.rel @p0 .LBB2_4-.Ltmp2, $4  }
0xb7: {  	[sflag:s18] =	ssyncset.done $0x0  }
0xb8: {  	[sflag:s18] =	ssyncadd.s32 $0xFFFFFF80  }
0xb9: {  	[tilespmem:s29], [sflag:$0x2] =	stream.indirect.gather [hbm4b:s1+s3], $0x80, s31, s3, $0xb8;
	[tilespmem:$0x1C200] =	vst v63  }
0xba: {  	s22 =	sadd.s32 $0x1, s22  }
.LBB2_5:
0xbb: {  	[spmem:s2] =	stream.indirect.scatter.add.f32 [tilespmem:s10], [sflag:$0x6], $0x80, s7, s3, $0xb8;
	[tilespmem:$0x1C200] =	vst v63  }
0xbc: {  	_ =	swait.ge [sflag:s13], $0x4000  }
0xbd: {  	[sflag:s13] =	ssyncset.done $0x0  }
0xbe: {  	s23 =	sadd.s32 s20, s25;
	s24 =	rddreg [dreg:$0x12];
	[sflag:s13] =	ssyncadd.s32 $0xFFFFC000  }
0xbf: {  	[tilespmem:s6], [sflag:$0x4] =	stream.linear.gather [hbm4b:s23+s4], $0x80, $0x38;
	[tilespmem:$0x1C200] =	vst v63  }
0xc0: {  	s23 =	sadd.s32 s20, s24  }
0xc1: {  	[tilespmem:s7], [sflag:$0x4] =	stream.linear.gather [hbm4b:s23+s4], $0x80, $0x38;
	[tilespmem:$0x1C200] =	vst v63  }
0xc2: {  	_ =	swait.ge [sflag:s8], $0x4000  }
0xc3: {  	[sflag:s8] =	ssyncset.done $0x0  }
0xc4: {  	[sflag:s8] =	ssyncadd.s32 $0xFFFFC000  }
0xc5: {  	_ =	swait.ge [sflag:s9], $0x80  }
0xc6: {  	[sflag:s9] =	ssyncset.done $0x0  }
0xc7: {  	[sflag:s9] =	ssyncadd.s32 $0xFFFFFF80  }
0xc8: {  	_ =	swait.ge [sflag:s9], $0x80  }
0xc9: {  	[sflag:s9] =	ssyncset.done $0x0  }
0xca: {  	[sflag:s9] =	ssyncadd.s32 $0xFFFFFF80  }
0xcb: {  	[tilespmem:s10], [sflag:$0x5] =	stream.indirect.gather [hbm4b:s1+s3], $0x80, s6, s3, $0xb8;
	[tilespmem:$0x1C200] =	vst v63  }
0xcc: {  	_ = 	snop  }
0xcd: {  	[spmem:s2] =	stream.indirect.scatter.add.f32 [tilespmem:s29], [sflag:$0x3], $0x80, s0, s3, $0xb8;
	[tilespmem:$0x1C200] =	vst v63  }
0xce: {  	_ =	swait.ge [sflag:s11], $0x4000  }
0xcf: {  	[sflag:s11] =	ssyncset.done $0x0;
	s24 =	rddreg [dreg:$0xd]  }
0xd0: {  	[sflag:s11] =	ssyncadd.s32 $0xFFFFC000;
	p0 =	slt.u32 s22, s24;
	s22 =	rddreg [dreg:$0x11]  }
0xd1: {  	s22 =	sadd.s32 @p0 s20, s22;
	s23 =	simm.s32 @p0 $0x0;
	s24 =	simm.s32 @p0 $0x14000  }
0xd2: {  	[tilespmem:s24], [sflag:$0x1] =	stream.linear.gather @p0 [hbm4b:s22+s23], $0x80, $0x38;
	[tilespmem:$0x1C200] =	vst v63  }
0xd3: {  	s22 =	rddreg [dreg:$0x10]  }
0xd4: {  	s20 =	sadd.s32 @p0 s20, s22;
	s22 =	simm.s32 @p0 $0x14080  }
0xd5: {  	[tilespmem:s22], [sflag:$0x1] =	stream.linear.gather @p0 [hbm4b:s20+s23], $0x80, $0x38;
	[tilespmem:$0x1C200] =	vst v63  }
0xd6: {  	s20 =	simm.s32 @p0 $0x5  }
0xd7: {  	_ =	swait.ge @p0 [sflag:s20], $0x4000  }
0xd8: {  	[sflag:s20] =	ssyncset.done @p0 $0x0  }
0xd9: {  	[sflag:s20] =	ssyncadd.s32 @p0 $0xFFFFC000;
	s20 =	simm.s32 @p0 $0x1  }
0xda: {  	_ =	swait.ge @p0 [sflag:s20], $0x80  }
0xdb: {  	[sflag:s20] =	ssyncset.done @p0 $0x0  }
0xdc: {  	[sflag:s20] =	ssyncadd.s32 @p0 $0xFFFFFF80  }
0xdd: {  	_ =	swait.ge @p0 [sflag:s20], $0x80  }
0xde: {  	[sflag:s20] =	ssyncset.done @p0 $0x0  }
0xdf: {  	s22 =	simm.s32 @p0 $0x14100;
	[sflag:s20] =	ssyncadd.s32 @p0 $0xFFFFFF80;
	s20 =	simm.s32 @p0 $0x80  }
0xe0: {  	[tilespmem:s22], [sflag:$0x2] =	stream.indirect.gather @p0 [hbm4b:s1+s20], $0x80, s24, s20, $0xb8;
	[tilespmem:$0x1C200] =	vst v63  }
0xe1: {  	s20 =	simm.s32 @!p0 $0x5  }
0xe2: {  	_ =	swait.ge @!p0 [sflag:s20], $0x4000  }
0xe3: {  	[sflag:s20] =	ssyncset.done @!p0 $0x0  }
0xe4: {  	[sflag:s20] =	ssyncadd.s32 @!p0 $0xFFFFC000  }
0xe5: {  	[spmem:s2] =	stream.indirect.scatter.add.f32 [tilespmem:s10], [sflag:$0x6], $0x80, s7, s3, $0xb8;
	[tilespmem:$0x1C200] =	vst v63  }
0xe6: {  	_ =	swait.ge [sflag:s13], $0x4000  }
0xe7: {  	[sflag:s13] =	ssyncset.done $0x0  }
0xe8: {  	s22 =	stileid.u32;
	[sflag:s13] =	ssyncadd.s32 $0xFFFFC000  }
0xe9: {  	s20 =	sshll.u32 s22, $0x6;
	[bflag:$0x0] =	sbarrier.arrive $0xFFFF  }
0xea: {  	s23 =	sshrl.u32 s5, $0x3;
	s20 =	sor.u32 $0x1C07, s20;
	s24 =	rddreg [dreg:$0xe]  }
0xeb: {  	[hbm:s24], [sflag:s20] =	dma.local [spmem:s23], $0x2800  }
0xec: {  	_ =	swait.ge [sflag:s30], $0x2800  }
0xed: {  	s19 =	sadd.s32 $0x1, s19;
	s24 =	rddreg [dreg:$0xf]  }
0xee: {  	p0 =	sne.s32 s19, s24  }
.Ltmp3:
0xef: {  	_ = 	snop;
	(pc) =	sbr.rel @p0 .LBB2_1-.Ltmp3, $3  }
0xf0: {  	_ =	sdelay $0x1  }
0xf1: {  	[sflag:s30] =	ssyncset.done $0x0  }
0xf2: {  	[sflag:s30] =	ssyncadd.s32 $0xFFFFD800  }
0xf3: {  	_ =	sfence.sel $0x180000  }
0xf4: {  	[bflag:$0x0] =	sbarrier.arrive $0xFFFF  }
0xf5: {  	_ =	strace $0x90000047  }
0xf6: {  	s0 =	stileid.u32;
	[bflag:$0x2] =	sbarrier.arrive $0xFFFF  }
0xf7: {  	p0 =	sne.s32 s0, $0x0;
	s0 =	rddreg [dreg:$0x4]  }
0xf8: {  	s0 =	sadd.s32 @!p0 $0x100000, s0  }
0xf9: {  	[sflag:s0] =	ssyncadd.tile.s32 @!p0 $0x1;
	_ =	shalt  }
.Lfunc_end2:
_tile_overlayer_lowered:
.L_overlay_start_2:
0xfa: {  	(tag) =	ssettag $0x2  }
0xfb: {  	s0 =	rddreg [dreg:$0x0];
	s2 =	stileid.u32  }
0xfc: {  	s1 =	rddreg [dreg:$0x1];
	p0 =	sne.s32 s2, $0x0  }
0xfd: {  	s3 =	rddreg [dreg:$0x2];
	[bflag:$0x3] =	sbarrier.arrive $0xFFFF;
	s2 =	simm.s32 @!p0 $0x1C07  }
0xfe: {  	[timem:s3], [sflag:s2] =	dma.local @!p0 [hbm:s0], s1  }
0xff: {  	s0 =	simm.s32 @!p0 $0x7  }
0x100: {  	_ =	swait.ge @!p0 [sflag:s0], s1  }
0x101: {  	s1 =	ssub.s32 @!p0 $0x0, s1;
	[sflag:s0] =	ssyncset.done @!p0 $0x0  }
0x102: {  	[sflag:s0] =	ssyncadd.s32 @!p0 s1  }
0x103: {  	[bflag:$0x3] =	sbarrier.arrive $0xFFFF  }
0x104: {  	_ =	shalt  }

</sc_bundles>
